<compile_context>
chip_gen: v7x
topology: tpu7x:2x2x1
jax: 0.10.2.dev20260603
libtpu: 0.0.44.dev20260713+nightly
codegen_flags: <defaults>
</compile_context>

<pallas_src>
import functools

import jax
import jax.numpy as jnp
from jax import lax
from jax.experimental import pallas as pl
from jax.experimental.pallas import tpu as pltpu
from jax.experimental.pallas import tpu_sc as plsc

N = 9
EM = 36
NFD = 11
LAT = 128
HH = N * NFD
ODIM = N * (N + 1) // 2
NEG = -1e30
F32 = jnp.float32


def _body1(adj_ref, ef_ref, nf_ref, Wmu_ref, bmu_ref, Wls_ref, bls_ref,
           Wd1_ref, bd1_ref, Wd2_ref, bd2_ref, Wnd_ref, bnd_ref,
           Wed_ref, bed_ref, eps_ref,
           x_ref, adj_ref16, logp_ref, log1mp_ref, part_ref):
    adj = adj_ref[...]
    ef_all = ef_ref[...]
    gh = nf_ref[...]
    eps = eps_ref[...]

    dot = functools.partial(jnp.dot, preferred_element_type=jnp.float32)
    z_mu = dot(gh, Wmu_ref[...]) + bmu_ref[...]
    z_ls = dot(gh, Wls_ref[...]) + bls_ref[...]
    z = z_mu + eps * jnp.exp(0.5 * z_ls)
    y = jnp.maximum(dot(z, Wd1_ref[...]) + bd1_ref[...], 0.0)
    hdec = dot(y, Wd2_ref[...]) + bd2_ref[...]
    out = jax.nn.sigmoid(hdec)
    node_recon = dot(y, Wnd_ref[...]) + bnd_ref[...]
    ed144 = dot(y, Wed_ref[...]) + bed_ref[...]
    e_r = lax.broadcasted_iota(jnp.int32, (EM, 4 * EM), 0)
    e_c = lax.broadcasted_iota(jnp.int32, (EM, 4 * EM), 1)
    Asel = ((e_c // 4) == e_r).astype(F32)
    b_r = lax.broadcasted_iota(jnp.int32, (4 * EM, 4), 0)
    b_c = lax.broadcasted_iota(jnp.int32, (4 * EM, 4), 1)
    Bsel = ((b_r % 4) == b_c).astype(F32)
    ed_logits = dot(Asel * ed144, Bsel)

    edm = jnp.max(ed_logits, axis=1, keepdims=True)
    ede = jnp.exp(ed_logits - edm)
    er = ede / jnp.sum(ede, axis=1, keepdims=True)

    rows = []
    base = 0
    for r in range(N):
        seg = out[:, base:base + (N - r)]
        if r > 0:
            seg = jnp.concatenate([jnp.zeros((1, r), F32), seg], axis=1)
        rows.append(seg)
        base += N - r
    low = jnp.concatenate(rows, axis=0)

    r9 = lax.broadcasted_iota(jnp.int32, (N, N), 0)
    c9 = lax.broadcasted_iota(jnp.int32, (N, N), 1)
    eyeM = (r9 == c9).astype(F32)

    def _tr(m):
        return lax.dot_general(eyeM, m, (((1,), (1,)), ((), ())),
                               preferred_element_type=jnp.float32)

    lowT = _tr(low)
    adjr = low + lowT - low * eyeM

    adjT = _tr(adj)
    aw_col = jnp.concatenate(
        [adjT[r + 1:N, r:r + 1] for r in range(N - 1)], axis=0)
    edges_total = er * aw_col

    ef9 = ef_all[:N, :]
    efr9 = er[:N, :]
    outer = functools.partial(
        lax.dot_general, dimension_numbers=(((1,), (1,)), ((), ())),
        preferred_element_type=jnp.float32)
    dots = outer(ef9, efr9)
    n1 = jnp.sqrt(jnp.sum(ef9 * ef9, axis=1, keepdims=True))
    n2 = jnp.sqrt(jnp.sum(efr9 * efr9, axis=1, keepdims=True))
    denom = jnp.maximum(outer(n1, n2), 1e-8)
    cosm = dots / denom

    dadj = jnp.sum(adj * eyeM, axis=1, keepdims=True)
    dadjr = jnp.sum(adjr * eyeM, axis=1, keepdims=True)
    diag_term = outer(dadj, dadjr) * cosm

    f_r = lax.broadcasted_iota(jnp.int32, (N * N, N), 0)
    f_c = lax.broadcasted_iota(jnp.int32, (N * N, N), 1)
    RowSel = ((f_r // N) == f_c).astype(F32)
    ModMsk = ((f_r % N) == f_c).astype(F32)
    adj_col = jnp.sum(dot(RowSel, adj) * ModMsk,
                      axis=1, keepdims=True)

    g_r = lax.broadcasted_iota(jnp.int32, (N, N * N), 0)
    g_c = lax.broadcasted_iota(jnp.int32, (N, N * N), 1)
    ColSel = (g_r == (g_c % N)).astype(F32)
    DivMsk = (g_r == (g_c // N)).astype(F32)
    adjr_row = jnp.sum(dot(adjr, ColSel) * DivMsk,
                       axis=0, keepdims=True)
    base_S = jnp.abs(adj_col - adjr_row)

    vR = lax.broadcasted_iota(jnp.int32, (N * N, 1), 0)
    vC = lax.broadcasted_iota(jnp.int32, (1, N * N), 1)
    eyeR = (vR // N) == (vR % N)
    eyeC = (vC // N) == (vC % N)
    offmask = ((~eyeR) & (~eyeC)).astype(F32)

    dt_c = jnp.concatenate([diag_term] * N, axis=1)
    dt_tile = jnp.concatenate([dt_c] * N, axis=0)
    S = jnp.where(eyeR & eyeC, dt_tile, base_S * offmask)

    rm_r = lax.broadcasted_iota(jnp.int32, (N, N * N), 0)
    rm_c = lax.broadcasted_iota(jnp.int32, (N, N * N), 1)
    Rm = (((rm_c // N) == rm_r) & ((rm_c % N) != rm_r)).astype(F32)

    def mpm_core(x):
        xcols = jnp.concatenate([x] * N, axis=0)
        pmax = jnp.concatenate(
            [jnp.max(S[:, a * N:(a + 1) * N] * xcols, axis=1, keepdims=True)
             for a in range(N)], axis=1)
        neigh = dot(Rm, pmax)
        return x * diag_term + neigh

    def mpm_outer(_, x):
        x = lax.fori_loop(0, 9, lambda __, v: mpm_core(v), x)
        x = mpm_core(x)
        return x / jnp.sqrt(jnp.sum(x * x))

    x0 = jnp.full((N, N), 1.0 / N, F32)
    x = lax.fori_loop(0, 5, mpm_outer, x0)

    loss_kl = -0.5 * jnp.sum(1.0 + z_ls - z_mu * z_mu - jnp.exp(z_ls)) / (N * N)
    diff_e = edges_total - ef_all
    loss_edge = jnp.sum(diff_e * diff_e) / (EM * 4)
    diff_n = node_recon - gh
    loss_node = jnp.sum(diff_n * diff_n) / HH

    pclip = jnp.clip(low, 1e-7, 1.0 - 1e-7)
    logp = jnp.log(pclip)
    log1mp = jnp.log(1.0 - pclip)

    pad7 = jnp.zeros((N, 16 - N), F32)
    x_ref[...] = jnp.concatenate([x, pad7], axis=1)
    adj_ref16[...] = jnp.concatenate([adj, pad7], axis=1)
    logp_ref[...] = jnp.concatenate([logp, pad7], axis=1)
    log1mp_ref[...] = jnp.concatenate([log1mp, pad7], axis=1)
    part_ref[...] = jnp.broadcast_to(loss_kl + loss_edge + loss_node, (1, 16))


_SC_MESH = plsc.VectorSubcoreMesh(core_axis_name="c", subcore_axis_name="s")


@functools.partial(
    pl.kernel, mesh=_SC_MESH,
    compiler_params=pltpu.CompilerParams(use_tc_tiling_on_sc=False,
                                         needs_layout_passes=False),
    out_type=jax.ShapeDtypeStruct((1, 16), jnp.float32),
    scratch_types=[
        pltpu.VMEM((N, 16), jnp.float32),
        pltpu.VMEM((N * 16,), jnp.float32),
        pltpu.VMEM((N, 16), jnp.float32),
        pltpu.VMEM((N, 16), jnp.float32),
        pltpu.VMEM((1, 16), jnp.float32),
        pltpu.VMEM((512,), jnp.float32),
        pltpu.VMEM((512,), jnp.float32),
        pltpu.VMEM((9 * 512,), jnp.int32),
        pltpu.VMEM((1, 16), jnp.float32),
    ])
def _sc_assign(x_hbm, adj_hbm, logp_hbm, log1mp_hbm, part_hbm, out_hbm,
               x_v, adj_v, logp_v, log1mp_v, part_v, g_a, g_b, am_v,
               res_v):
    @pl.when((lax.axis_index("c") == 0) & (lax.axis_index("s") == 0))
    def _():
        pltpu.sync_copy(x_hbm, x_v)
        pltpu.sync_copy(adj_hbm, adj_v)
        pltpu.sync_copy(logp_hbm, logp_v)
        pltpu.sync_copy(log1mp_hbm, log1mp_v)
        pltpu.sync_copy(part_hbm, part_v)
        iota16 = lax.iota(jnp.int32, 16)
        neg = jnp.full((16,), NEG, jnp.float32)
        zero16 = jnp.zeros((16,), jnp.float32)

        def zinit(k, c):
            g_a[pl.ds(k * 16, 16)] = zero16
            return c
        lax.fori_loop(0, 32, zinit, 0)

        bufs = [g_a, g_b]
        for i in range(N - 1, -1, -1):
            gp = bufs[(8 - i) % 2]
            gn = bufs[(9 - i) % 2]

            xrow = x_v[i, :]

            def round_body(k, i=i, gp=gp, gn=gn, xrow=xrow):
                base = k * 16
                svec = base + iota16
                m = neg
                am = jnp.zeros((16,), jnp.int32)
                for j in range(N):
                    bit = ((svec >> j) & 1) == 1
                    gat = plsc.load_gather(gp, [svec - (1 << j)], mask=bit)
                    cand = jnp.where(bit, gat + xrow[j], neg)
                    am = jnp.where(cand > m, j, am)
                    m = jnp.maximum(m, cand)
                gn[pl.ds(base, 16)] = m
                am_v[pl.ds(i * 512 + base, 16)] = am
            plsc.parallel_loop(0, 32, unroll=4)(round_body)

        scur = jnp.full((16,), 511, jnp.int32)
        ind = jnp.zeros((16,), jnp.int32)
        jp_list = []
        for i in range(N):
            jp = plsc.load_gather(am_v, [i * 512 + scur])
            jp_list.append(jp)
            ind = ind + jnp.where(iota16 == jp, i, 0)
            scur = scur - (jnp.int32(1) << jp)

        acc = jnp.zeros((16,), jnp.float32)
        for r in range(N):
            ind_r = jnp.zeros((16,), jnp.int32)
            for i in range(N):
                ind_r = ind_r + jnp.where(jp_list[i] == r, i, 0)
            a_row = plsc.load_gather(adj_v, [ind_r * 16 + ind])
            lp = logp_v[r, :]
            l1 = log1mp_v[r, :]
            term = a_row * lp + (1.0 - a_row) * l1
            mask = (iota16 >= r) & (iota16 < N)
            acc = acc + jnp.where(mask, term, 0.0)
        s16 = jnp.broadcast_to(jnp.sum(acc), (16,))
        total = part_v[0, :] - s16 / jnp.full((16,), float(ODIM), jnp.float32)
        res_v[0, :] = total
        pltpu.sync_copy(res_v, out_hbm)


def kernel(adj, edges_features, nodes_features, W_mu, b_mu, W_ls, b_ls,
           W_d1, b_d1, W_d2, b_d2, W_nd, b_nd, W_ed, b_ed, eps):
    adj0 = adj[0]
    ef = edges_features[0]
    gh = nodes_features.reshape(1, HH)
    x16, adj16, logp16, log1mp16, part = pl.pallas_call(
        _body1,
        out_shape=[jax.ShapeDtypeStruct((N, 16), jnp.float32),
                   jax.ShapeDtypeStruct((N, 16), jnp.float32),
                   jax.ShapeDtypeStruct((N, 16), jnp.float32),
                   jax.ShapeDtypeStruct((N, 16), jnp.float32),
                   jax.ShapeDtypeStruct((1, 16), jnp.float32)],
    )(adj0, ef, gh,
      W_mu, b_mu.reshape(1, -1), W_ls, b_ls.reshape(1, -1),
      W_d1, b_d1.reshape(1, -1), W_d2, b_d2.reshape(1, -1),
      W_nd, b_nd.reshape(1, -1), W_ed, b_ed.reshape(1, -1),
      eps.reshape(1, -1))

    res = _sc_assign(x16, adj16.reshape(N * 16), logp16, log1mp16, part)
    return res[0, 0]

# --- scband reference (transcript-rebuilt; emitter-appended) ---
"""Pipeline reference for scband-graph-vae-25718264168799 (READ-ONLY COPY).

The authoritative reference and input builder live on the scoring server;
editing this copy changes nothing except your own understanding.
"""

import jax, jax.numpy as jnp
import numpy as np
import itertools

N = 9
E_MAX = N * (N - 1) // 2
NF = 11
EFD = 4
LATENT = 128
H = N * NF
OUT_DIM = N * (N + 1) // 2
E_SIZE = E_MAX * EFD
B = 1
PERMS = np.array(list(itertools.permutations(range(N))), dtype=np.int32)


def _lin(k, fi, fo):
    s = 1.0 / np.sqrt(fi)
    kw, kb = jax.random.split(k)
    W = jax.random.uniform(kw, (fi, fo), jnp.float32, -s, s)
    b = jax.random.uniform(kb, (fo,), jnp.float32, -s, s)
    return W, b


def setup_inputs(seed: int = 0):
    key = jax.random.key(seed)
    ks = jax.random.split(key, 12)
    A = (jax.random.uniform(ks[0], (B, N, N)) > 0.5).astype(jnp.float32)
    adj = jnp.triu(A) + jnp.swapaxes(jnp.triu(A, 1), -1, -2)
    edges_features = jax.random.normal(ks[1], (B, E_MAX, EFD), jnp.float32)
    nodes_features = jax.random.normal(ks[2], (B, N, NF), jnp.float32)
    W_mu, b_mu = _lin(ks[3], H, LATENT)
    W_ls, b_ls = _lin(ks[4], H, LATENT)
    W_d1, b_d1 = _lin(ks[5], LATENT, LATENT)
    W_d2, b_d2 = _lin(ks[6], LATENT, OUT_DIM)
    W_nd, b_nd = _lin(ks[7], LATENT, H)
    W_ed, b_ed = _lin(ks[8], LATENT, E_SIZE)
    eps = jax.random.normal(ks[9], (B, LATENT), jnp.float32)
    return {"adj": adj, "edges_features": edges_features, "nodes_features": nodes_features,
            "W_mu": W_mu, "b_mu": b_mu, "W_ls": W_ls, "b_ls": b_ls,
            "W_d1": W_d1, "b_d1": b_d1, "W_d2": W_d2, "b_d2": b_d2,
            "W_nd": W_nd, "b_nd": b_nd, "W_ed": W_ed, "b_ed": b_ed, "eps": eps}


def _forward(adj, edges_features, nodes_features, W_mu, b_mu, W_ls, b_ls, W_d1, b_d1, W_d2, b_d2, W_nd, b_nd, W_ed, b_ed, eps):
    graph_h = nodes_features.reshape(-1, H)
    z_mu = graph_h @ W_mu + b_mu
    z_lsgms = graph_h @ W_ls + b_ls
    z = z_mu + eps * jnp.exp(0.5 * z_lsgms)
    y = jax.nn.relu(z @ W_d1 + b_d1)
    h_decode = y @ W_d2 + b_d2
    node_recon = (y @ W_nd + b_nd).reshape(-1, N, NF)
    edges_recon = jax.nn.softmax((y @ W_ed + b_ed).reshape(-1, E_MAX, EFD), axis=2)
    out = jax.nn.sigmoid(h_decode)
    tri = jnp.triu_indices(N)
    tri1 = jnp.triu_indices(N, k=1)
    ii, aa = jnp.meshgrid(jnp.arange(N), jnp.arange(N), indexing='ij')
    eye = jnp.eye(N, dtype=bool)
    perms = jnp.asarray(PERMS)
    adj_perm_list = []
    edges_total = []
    for i in range(B):
        l = out[i]
        low = jnp.zeros((N, N), jnp.float32).at[tri].set(l)
        adj_recon = low + low.T - jnp.diag(jnp.diag(low))
        aw = adj[i][tri1]
        edges_total.append(edges_recon[i] * aw[:, None])
        base = jnp.abs(adj[i][:, :, None, None] - adj_recon[None, None, :, :])
        offmask = ((~eye)[:, :, None, None] & (~eye)[None, None, :, :]).astype(jnp.float32)
        S = base * offmask
        ef = edges_features[i][:N]
        efr = edges_recon[i][:N]
        dots = ef @ efr.T
        denom = jnp.maximum(jnp.linalg.norm(ef, axis=1)[:, None] * jnp.linalg.norm(efr, axis=1)[None, :], 1e-8)
        cosm = dots / denom
        diag_term = jnp.diag(adj[i])[:, None] * jnp.diag(adj_recon)[None, :] * cosm
        S = S.at[ii, ii, aa, aa].set(diag_term)
        diagS = S[ii, ii, aa, aa]
        notI = (~eye).astype(jnp.float32)
        x = jnp.ones((N, N), jnp.float32) / N
        for _ in range(50):
            pmax = (S * x[None, :, None, :]).max(axis=3)
            neigh = jnp.sum(pmax * notI[:, :, None], axis=1)
            x_new = x * diagS + neigh
            x = x_new / jnp.linalg.norm(x_new)
        assignment = jax.lax.stop_gradient(x)
        scores = assignment[jnp.arange(N)[None, :], perms].sum(axis=1)
        col = perms[jnp.argmax(scores)]
        ind = jnp.zeros((N,), jnp.int32).at[col].set(jnp.arange(N, dtype=jnp.int32))
        adj_perm_list.append(adj[i][ind, :][:, ind])
    adj_permuted_total = jnp.stack(adj_perm_list)
    edges_recon_total = jnp.stack(edges_total)
    adj_vec = adj_permuted_total[0][tri]
    p = jnp.clip(out[0], 1e-7, 1.0 - 1e-7)
    adj_recon_loss = -jnp.mean(adj_vec * jnp.log(p) + (1.0 - adj_vec) * jnp.log(1.0 - p))
    loss_kl = -0.5 * jnp.sum(1.0 + z_lsgms - z_mu ** 2 - jnp.exp(z_lsgms)) / (N * N)
    loss_edge = jnp.mean((edges_recon_total - edges_features) ** 2)
    loss_node = jnp.mean((node_recon - nodes_features) ** 2)
    return adj_recon_loss + loss_kl + loss_edge + loss_node


def reference(adj, edges_features, nodes_features, W_mu, b_mu, W_ls, b_ls, W_d1, b_d1, W_d2, b_d2, W_nd, b_nd, W_ed, b_ed, eps):
    return _forward(adj, edges_features, nodes_features, W_mu, b_mu, W_ls, b_ls, W_d1, b_d1, W_d2, b_d2, W_nd, b_nd, W_ed, b_ed, eps)

if __name__ == "__main__":
    import jax
    _d = setup_inputs()
    print(jax.jit(kernel)(*tuple(_d.values())))

</pallas_src>

<mosaic_0001>
#map = affine_map<(d0, d1) -> (0, 0)>
#map1 = affine_map<(d0, d1) -> (0)>
module attributes {stable_mosaic.version = 14 : i64} {
  func.func @_sc_assign(%arg0: i32, %arg1: i32, %arg2: memref<9x16xf32, #tpu.memory_space<hbm>>, %arg3: memref<144xf32, #tpu.memory_space<hbm>>, %arg4: memref<9x16xf32, #tpu.memory_space<hbm>>, %arg5: memref<9x16xf32, #tpu.memory_space<hbm>>, %arg6: memref<1x16xf32, #tpu.memory_space<hbm>>, %arg7: memref<1x16xf32, #tpu.memory_space<hbm>>, %arg8: memref<9x16xf32, #tpu.memory_space<vmem>>, %arg9: memref<144xf32, #tpu.memory_space<vmem>>, %arg10: memref<9x16xf32, #tpu.memory_space<vmem>>, %arg11: memref<9x16xf32, #tpu.memory_space<vmem>>, %arg12: memref<1x16xf32, #tpu.memory_space<vmem>>, %arg13: memref<512xf32, #tpu.memory_space<vmem>>, %arg14: memref<512xf32, #tpu.memory_space<vmem>>, %arg15: memref<4608xi32, #tpu.memory_space<vmem>>, %arg16: memref<1x16xf32, #tpu.memory_space<vmem>>) attributes {dimension_semantics = [#tpu.dimension_semantics<core_parallel>, #tpu.dimension_semantics<subcore_parallel>], iteration_bounds = array<i64: 2, 16>, scalar_prefetch = 0 : i64, scratch_operands = 9 : i64, tpu.core_type = #tpu.core_type<sc_vector_subcore>, window_params = [{transform_indices = #map}, {transform_indices = #map1}, {transform_indices = #map}, {transform_indices = #map}, {transform_indices = #map}, {transform_indices = #map}]} {
    %eq3A = arith.constant 0 : i32
    %eq3A_0 = arith.cmpi eq, %arg0, %eq3A : i32
    %eq3A_1 = arith.constant 0 : i32
    %eq3A_2 = arith.cmpi eq, %arg1, %eq3A_1 : i32
    %and3A = arith.andi %eq3A_0, %eq3A_2 : i1
    %convert_element_type3A = arith.extui %and3A : i1 to i32
    %cond3A = arith.constant 0 : i32
    %cond3A_3 = arith.cmpi ne, %convert_element_type3A, %cond3A : i32
    scf.if %cond3A_3 {
      "tpu.region"() ({
        %run_scoped3A = tpu.sem_alloc : memref<!tpu.dma_semaphore, #tpu.memory_space<semaphore_mem>>
        tpu.enqueue_dma source(%arg2 : memref<9x16xf32, #tpu.memory_space<hbm>>) target(%arg8 : memref<9x16xf32, #tpu.memory_space<vmem>>) target_semaphore(%run_scoped3A : memref<!tpu.dma_semaphore, #tpu.memory_space<semaphore_mem>>)
        tpu.wait_dma2 semaphore(%run_scoped3A : memref<!tpu.dma_semaphore, #tpu.memory_space<semaphore_mem>>) src(%arg2 : memref<9x16xf32, #tpu.memory_space<hbm>>) dst(%arg8 : memref<9x16xf32, #tpu.memory_space<vmem>>)
        tpu.yield
      }) : () -> ()
      "tpu.region"() ({
        %run_scoped3A = tpu.sem_alloc : memref<!tpu.dma_semaphore, #tpu.memory_space<semaphore_mem>>
        tpu.enqueue_dma source(%arg3 : memref<144xf32, #tpu.memory_space<hbm>>) target(%arg9 : memref<144xf32, #tpu.memory_space<vmem>>) target_semaphore(%run_scoped3A : memref<!tpu.dma_semaphore, #tpu.memory_space<semaphore_mem>>)
        tpu.wait_dma2 semaphore(%run_scoped3A : memref<!tpu.dma_semaphore, #tpu.memory_space<semaphore_mem>>) src(%arg3 : memref<144xf32, #tpu.memory_space<hbm>>) dst(%arg9 : memref<144xf32, #tpu.memory_space<vmem>>)
        tpu.yield
      }) : () -> ()
      "tpu.region"() ({
        %run_scoped3A = tpu.sem_alloc : memref<!tpu.dma_semaphore, #tpu.memory_space<semaphore_mem>>
        tpu.enqueue_dma source(%arg4 : memref<9x16xf32, #tpu.memory_space<hbm>>) target(%arg10 : memref<9x16xf32, #tpu.memory_space<vmem>>) target_semaphore(%run_scoped3A : memref<!tpu.dma_semaphore, #tpu.memory_space<semaphore_mem>>)
        tpu.wait_dma2 semaphore(%run_scoped3A : memref<!tpu.dma_semaphore, #tpu.memory_space<semaphore_mem>>) src(%arg4 : memref<9x16xf32, #tpu.memory_space<hbm>>) dst(%arg10 : memref<9x16xf32, #tpu.memory_space<vmem>>)
        tpu.yield
      }) : () -> ()
      "tpu.region"() ({
        %run_scoped3A = tpu.sem_alloc : memref<!tpu.dma_semaphore, #tpu.memory_space<semaphore_mem>>
        tpu.enqueue_dma source(%arg5 : memref<9x16xf32, #tpu.memory_space<hbm>>) target(%arg11 : memref<9x16xf32, #tpu.memory_space<vmem>>) target_semaphore(%run_scoped3A : memref<!tpu.dma_semaphore, #tpu.memory_space<semaphore_mem>>)
        tpu.wait_dma2 semaphore(%run_scoped3A : memref<!tpu.dma_semaphore, #tpu.memory_space<semaphore_mem>>) src(%arg5 : memref<9x16xf32, #tpu.memory_space<hbm>>) dst(%arg11 : memref<9x16xf32, #tpu.memory_space<vmem>>)
        tpu.yield
      }) : () -> ()
      "tpu.region"() ({
        %run_scoped3A = tpu.sem_alloc : memref<!tpu.dma_semaphore, #tpu.memory_space<semaphore_mem>>
        tpu.enqueue_dma source(%arg6 : memref<1x16xf32, #tpu.memory_space<hbm>>) target(%arg12 : memref<1x16xf32, #tpu.memory_space<vmem>>) target_semaphore(%run_scoped3A : memref<!tpu.dma_semaphore, #tpu.memory_space<semaphore_mem>>)
        tpu.wait_dma2 semaphore(%run_scoped3A : memref<!tpu.dma_semaphore, #tpu.memory_space<semaphore_mem>>) src(%arg6 : memref<1x16xf32, #tpu.memory_space<hbm>>) dst(%arg12 : memref<1x16xf32, #tpu.memory_space<vmem>>)
        tpu.yield
      }) : () -> ()
      %iota3A = tpu.iota {dimensions = array<i32: 0>} : vector<16xi32>
      %broadcast_in_dim3A = arith.constant -1.000000e+30 : f32
      %broadcast_in_dim3A_4 = vector.broadcast %broadcast_in_dim3A : f32 to vector<16xf32>
      %broadcast_in_dim3A_5 = arith.constant 0.000000e+00 : f32
      %broadcast_in_dim3A_6 = vector.broadcast %broadcast_in_dim3A_5 : f32 to vector<16xf32>
      %scan3A = arith.constant 0 : i32
      %scan3A_7 = arith.constant 0 : i32
      %scan3A_8 = arith.constant 32 : i32
      %scan3A_9 = arith.addi %scan3A_7, %scan3A_8 : i32
      %scan3A_10 = arith.constant 1 : i32
      scf.for %scan3A_1236 = %scan3A_7 to %scan3A_9 step %scan3A_10  : i32 {
        %mul3A_1237 = arith.constant 16 : i32
        %mul3A_1238 = arith.muli %scan3A_1236, %mul3A_1237 : i32
        %swap3A_1239 = arith.index_cast %mul3A_1238 : i32 to index
        %swap3A_1240 = tpu.vector_load %arg13[%swap3A_1239] {strides = array<i32>} : memref<512xf32, #tpu.memory_space<vmem>>, vector<16xf32>,
        tpu.vector_store %arg13[%swap3A_1239], %broadcast_in_dim3A_6 {strides = array<i32>} : memref<512xf32, #tpu.memory_space<vmem>>, vector<16xf32>,
      }
      %scan3A_11 = arith.constant 32 : i32
      %get3A = arith.constant 8 : i32
      %get3A_12 = arith.index_cast %get3A : i32 to index
      %get3A_13 = arith.constant 0 : index
      %get3A_14 = tpu.vector_load %arg8[%get3A_12, %get3A_13] {strides = array<i32>} : memref<9x16xf32, #tpu.memory_space<vmem>>, vector<16xf32>,
      %parallel_loop3A = arith.constant 0 : i32
      %parallel_loop3A_15 = arith.constant 32 : i32
      %parallel_loop3A_16 = arith.constant 1 : i32
      scf.for %parallel_loop3A_1236 = %parallel_loop3A to %parallel_loop3A_15 step %parallel_loop3A_16  : i32 {
        %parallel_loop3A_1237 = arith.constant 16 : i32
        %parallel_loop3A_1238 = arith.muli %parallel_loop3A_1236, %parallel_loop3A_1237 : i32
        %parallel_loop3A_1239 = vector.broadcast %parallel_loop3A_1238 : i32 to vector<16xi32>
        %parallel_loop3A_1240 = arith.addi %parallel_loop3A_1239, %iota3A : vector<16xi32>
        %parallel_loop3A_1241 = arith.constant 0 : i32
        %parallel_loop3A_1242 = vector.broadcast %parallel_loop3A_1241 : i32 to vector<16xi32>
        %parallel_loop3A_1243 = arith.constant 0 : i32
        %parallel_loop3A_1244 = vector.broadcast %parallel_loop3A_1243 : i32 to vector<16xi32>
        %parallel_loop3A_1245 = arith.shrsi %parallel_loop3A_1240, %parallel_loop3A_1244 : vector<16xi32>
        %parallel_loop3A_1246 = arith.constant 1 : i32
        %parallel_loop3A_1247 = vector.broadcast %parallel_loop3A_1246 : i32 to vector<16xi32>
        %parallel_loop3A_1248 = arith.andi %parallel_loop3A_1245, %parallel_loop3A_1247 : vector<16xi32>
        %parallel_loop3A_1249 = arith.constant 1 : i32
        %parallel_loop3A_1250 = vector.broadcast %parallel_loop3A_1249 : i32 to vector<16xi32>
        %parallel_loop3A_1251 = arith.cmpi eq, %parallel_loop3A_1248, %parallel_loop3A_1250 : vector<16xi32>
        %parallel_loop3A_1252 = arith.constant 1 : i32
        %parallel_loop3A_1253 = vector.broadcast %parallel_loop3A_1252 : i32 to vector<16xi32>
        %parallel_loop3A_1254 = arith.subi %parallel_loop3A_1240, %parallel_loop3A_1253 : vector<16xi32>
        %parallel_loop3A_1255 = tpu.vector_load_idx %arg13[%parallel_loop3A_1254] masked %parallel_loop3A_1251 : memref<512xf32, #tpu.memory_space<vmem>>[vector<16xi32>], vector<16xf32>, vector<16xi1>
        %parallel_loop3A_1256 = vector.extract_strided_slice %get3A_14 {offsets = [0], sizes = [1], strides = [1]} : vector<16xf32> to vector<1xf32>
        %parallel_loop3A_1257 = vector.extract %parallel_loop3A_1256[0] : f32 from vector<1xf32>
        %parallel_loop3A_1258 = vector.broadcast %parallel_loop3A_1257 : f32 to vector<16xf32>
        %parallel_loop3A_1259 = arith.addf %parallel_loop3A_1255, %parallel_loop3A_1258 : vector<16xf32>
        %parallel_loop3A_1260 = arith.select %parallel_loop3A_1251, %parallel_loop3A_1259, %broadcast_in_dim3A_4 : vector<16xi1>, vector<16xf32>
        %parallel_loop3A_1261 = arith.cmpf ogt, %parallel_loop3A_1260, %broadcast_in_dim3A_4 : vector<16xf32>
        %parallel_loop3A_1262 = arith.constant 0 : i32
        %parallel_loop3A_1263 = vector.broadcast %parallel_loop3A_1262 : i32 to vector<16xi32>
        %parallel_loop3A_1264 = arith.select %parallel_loop3A_1261, %parallel_loop3A_1263, %parallel_loop3A_1242 : vector<16xi1>, vector<16xi32>
        %parallel_loop3A_1265 = arith.maximumf %broadcast_in_dim3A_4, %parallel_loop3A_1260 : vector<16xf32>
        %parallel_loop3A_1266 = arith.constant 1 : i32
        %parallel_loop3A_1267 = vector.broadcast %parallel_loop3A_1266 : i32 to vector<16xi32>
        %parallel_loop3A_1268 = arith.shrsi %parallel_loop3A_1240, %parallel_loop3A_1267 : vector<16xi32>
        %parallel_loop3A_1269 = arith.constant 1 : i32
        %parallel_loop3A_1270 = vector.broadcast %parallel_loop3A_1269 : i32 to vector<16xi32>
        %parallel_loop3A_1271 = arith.andi %parallel_loop3A_1268, %parallel_loop3A_1270 : vector<16xi32>
        %parallel_loop3A_1272 = arith.constant 1 : i32
        %parallel_loop3A_1273 = vector.broadcast %parallel_loop3A_1272 : i32 to vector<16xi32>
        %parallel_loop3A_1274 = arith.cmpi eq, %parallel_loop3A_1271, %parallel_loop3A_1273 : vector<16xi32>
        %parallel_loop3A_1275 = arith.constant 2 : i32
        %parallel_loop3A_1276 = vector.broadcast %parallel_loop3A_1275 : i32 to vector<16xi32>
        %parallel_loop3A_1277 = arith.subi %parallel_loop3A_1240, %parallel_loop3A_1276 : vector<16xi32>
        %parallel_loop3A_1278 = tpu.vector_load_idx %arg13[%parallel_loop3A_1277] masked %parallel_loop3A_1274 : memref<512xf32, #tpu.memory_space<vmem>>[vector<16xi32>], vector<16xf32>, vector<16xi1>
        %parallel_loop3A_1279 = vector.extract_strided_slice %get3A_14 {offsets = [1], sizes = [1], strides = [1]} : vector<16xf32> to vector<1xf32>
        %parallel_loop3A_1280 = vector.extract %parallel_loop3A_1279[0] : f32 from vector<1xf32>
        %parallel_loop3A_1281 = vector.broadcast %parallel_loop3A_1280 : f32 to vector<16xf32>
        %parallel_loop3A_1282 = arith.addf %parallel_loop3A_1278, %parallel_loop3A_1281 : vector<16xf32>
        %parallel_loop3A_1283 = arith.select %parallel_loop3A_1274, %parallel_loop3A_1282, %broadcast_in_dim3A_4 : vector<16xi1>, vector<16xf32>
        %parallel_loop3A_1284 = arith.cmpf ogt, %parallel_loop3A_1283, %parallel_loop3A_1265 : vector<16xf32>
        %parallel_loop3A_1285 = arith.constant 1 : i32
        %parallel_loop3A_1286 = vector.broadcast %parallel_loop3A_1285 : i32 to vector<16xi32>
        %parallel_loop3A_1287 = arith.select %parallel_loop3A_1284, %parallel_loop3A_1286, %parallel_loop3A_1264 : vector<16xi1>, vector<16xi32>
        %parallel_loop3A_1288 = arith.maximumf %parallel_loop3A_1265, %parallel_loop3A_1283 : vector<16xf32>
        %parallel_loop3A_1289 = arith.constant 2 : i32
        %parallel_loop3A_1290 = vector.broadcast %parallel_loop3A_1289 : i32 to vector<16xi32>
        %parallel_loop3A_1291 = arith.shrsi %parallel_loop3A_1240, %parallel_loop3A_1290 : vector<16xi32>
        %parallel_loop3A_1292 = arith.constant 1 : i32
        %parallel_loop3A_1293 = vector.broadcast %parallel_loop3A_1292 : i32 to vector<16xi32>
        %parallel_loop3A_1294 = arith.andi %parallel_loop3A_1291, %parallel_loop3A_1293 : vector<16xi32>
        %parallel_loop3A_1295 = arith.constant 1 : i32
        %parallel_loop3A_1296 = vector.broadcast %parallel_loop3A_1295 : i32 to vector<16xi32>
        %parallel_loop3A_1297 = arith.cmpi eq, %parallel_loop3A_1294, %parallel_loop3A_1296 : vector<16xi32>
        %parallel_loop3A_1298 = arith.constant 4 : i32
        %parallel_loop3A_1299 = vector.broadcast %parallel_loop3A_1298 : i32 to vector<16xi32>
        %parallel_loop3A_1300 = arith.subi %parallel_loop3A_1240, %parallel_loop3A_1299 : vector<16xi32>
        %parallel_loop3A_1301 = tpu.vector_load_idx %arg13[%parallel_loop3A_1300] masked %parallel_loop3A_1297 : memref<512xf32, #tpu.memory_space<vmem>>[vector<16xi32>], vector<16xf32>, vector<16xi1>
        %parallel_loop3A_1302 = vector.extract_strided_slice %get3A_14 {offsets = [2], sizes = [1], strides = [1]} : vector<16xf32> to vector<1xf32>
        %parallel_loop3A_1303 = vector.extract %parallel_loop3A_1302[0] : f32 from vector<1xf32>
        %parallel_loop3A_1304 = vector.broadcast %parallel_loop3A_1303 : f32 to vector<16xf32>
        %parallel_loop3A_1305 = arith.addf %parallel_loop3A_1301, %parallel_loop3A_1304 : vector<16xf32>
        %parallel_loop3A_1306 = arith.select %parallel_loop3A_1297, %parallel_loop3A_1305, %broadcast_in_dim3A_4 : vector<16xi1>, vector<16xf32>
        %parallel_loop3A_1307 = arith.cmpf ogt, %parallel_loop3A_1306, %parallel_loop3A_1288 : vector<16xf32>
        %parallel_loop3A_1308 = arith.constant 2 : i32
        %parallel_loop3A_1309 = vector.broadcast %parallel_loop3A_1308 : i32 to vector<16xi32>
        %parallel_loop3A_1310 = arith.select %parallel_loop3A_1307, %parallel_loop3A_1309, %parallel_loop3A_1287 : vector<16xi1>, vector<16xi32>
        %parallel_loop3A_1311 = arith.maximumf %parallel_loop3A_1288, %parallel_loop3A_1306 : vector<16xf32>
        %parallel_loop3A_1312 = arith.constant 3 : i32
        %parallel_loop3A_1313 = vector.broadcast %parallel_loop3A_1312 : i32 to vector<16xi32>
        %parallel_loop3A_1314 = arith.shrsi %parallel_loop3A_1240, %parallel_loop3A_1313 : vector<16xi32>
        %parallel_loop3A_1315 = arith.constant 1 : i32
        %parallel_loop3A_1316 = vector.broadcast %parallel_loop3A_1315 : i32 to vector<16xi32>
        %parallel_loop3A_1317 = arith.andi %parallel_loop3A_1314, %parallel_loop3A_1316 : vector<16xi32>
        %parallel_loop3A_1318 = arith.constant 1 : i32
        %parallel_loop3A_1319 = vector.broadcast %parallel_loop3A_1318 : i32 to vector<16xi32>
        %parallel_loop3A_1320 = arith.cmpi eq, %parallel_loop3A_1317, %parallel_loop3A_1319 : vector<16xi32>
        %parallel_loop3A_1321 = arith.constant 8 : i32
        %parallel_loop3A_1322 = vector.broadcast %parallel_loop3A_1321 : i32 to vector<16xi32>
        %parallel_loop3A_1323 = arith.subi %parallel_loop3A_1240, %parallel_loop3A_1322 : vector<16xi32>
        %parallel_loop3A_1324 = tpu.vector_load_idx %arg13[%parallel_loop3A_1323] masked %parallel_loop3A_1320 : memref<512xf32, #tpu.memory_space<vmem>>[vector<16xi32>], vector<16xf32>, vector<16xi1>
        %parallel_loop3A_1325 = vector.extract_strided_slice %get3A_14 {offsets = [3], sizes = [1], strides = [1]} : vector<16xf32> to vector<1xf32>
        %parallel_loop3A_1326 = vector.extract %parallel_loop3A_1325[0] : f32 from vector<1xf32>
        %parallel_loop3A_1327 = vector.broadcast %parallel_loop3A_1326 : f32 to vector<16xf32>
        %parallel_loop3A_1328 = arith.addf %parallel_loop3A_1324, %parallel_loop3A_1327 : vector<16xf32>
        %parallel_loop3A_1329 = arith.select %parallel_loop3A_1320, %parallel_loop3A_1328, %broadcast_in_dim3A_4 : vector<16xi1>, vector<16xf32>
        %parallel_loop3A_1330 = arith.cmpf ogt, %parallel_loop3A_1329, %parallel_loop3A_1311 : vector<16xf32>
        %parallel_loop3A_1331 = arith.constant 3 : i32
        %parallel_loop3A_1332 = vector.broadcast %parallel_loop3A_1331 : i32 to vector<16xi32>
        %parallel_loop3A_1333 = arith.select %parallel_loop3A_1330, %parallel_loop3A_1332, %parallel_loop3A_1310 : vector<16xi1>, vector<16xi32>
        %parallel_loop3A_1334 = arith.maximumf %parallel_loop3A_1311, %parallel_loop3A_1329 : vector<16xf32>
        %parallel_loop3A_1335 = arith.constant 4 : i32
        %parallel_loop3A_1336 = vector.broadcast %parallel_loop3A_1335 : i32 to vector<16xi32>
        %parallel_loop3A_1337 = arith.shrsi %parallel_loop3A_1240, %parallel_loop3A_1336 : vector<16xi32>
        %parallel_loop3A_1338 = arith.constant 1 : i32
        %parallel_loop3A_1339 = vector.broadcast %parallel_loop3A_1338 : i32 to vector<16xi32>
        %parallel_loop3A_1340 = arith.andi %parallel_loop3A_1337, %parallel_loop3A_1339 : vector<16xi32>
        %parallel_loop3A_1341 = arith.constant 1 : i32
        %parallel_loop3A_1342 = vector.broadcast %parallel_loop3A_1341 : i32 to vector<16xi32>
        %parallel_loop3A_1343 = arith.cmpi eq, %parallel_loop3A_1340, %parallel_loop3A_1342 : vector<16xi32>
        %parallel_loop3A_1344 = arith.constant 16 : i32
        %parallel_loop3A_1345 = vector.broadcast %parallel_loop3A_1344 : i32 to vector<16xi32>
        %parallel_loop3A_1346 = arith.subi %parallel_loop3A_1240, %parallel_loop3A_1345 : vector<16xi32>
        %parallel_loop3A_1347 = tpu.vector_load_idx %arg13[%parallel_loop3A_1346] masked %parallel_loop3A_1343 : memref<512xf32, #tpu.memory_space<vmem>>[vector<16xi32>], vector<16xf32>, vector<16xi1>
        %parallel_loop3A_1348 = vector.extract_strided_slice %get3A_14 {offsets = [4], sizes = [1], strides = [1]} : vector<16xf32> to vector<1xf32>
        %parallel_loop3A_1349 = vector.extract %parallel_loop3A_1348[0] : f32 from vector<1xf32>
        %parallel_loop3A_1350 = vector.broadcast %parallel_loop3A_1349 : f32 to vector<16xf32>
        %parallel_loop3A_1351 = arith.addf %parallel_loop3A_1347, %parallel_loop3A_1350 : vector<16xf32>
        %parallel_loop3A_1352 = arith.select %parallel_loop3A_1343, %parallel_loop3A_1351, %broadcast_in_dim3A_4 : vector<16xi1>, vector<16xf32>
        %parallel_loop3A_1353 = arith.cmpf ogt, %parallel_loop3A_1352, %parallel_loop3A_1334 : vector<16xf32>
        %parallel_loop3A_1354 = arith.constant 4 : i32
        %parallel_loop3A_1355 = vector.broadcast %parallel_loop3A_1354 : i32 to vector<16xi32>
        %parallel_loop3A_1356 = arith.select %parallel_loop3A_1353, %parallel_loop3A_1355, %parallel_loop3A_1333 : vector<16xi1>, vector<16xi32>
        %parallel_loop3A_1357 = arith.maximumf %parallel_loop3A_1334, %parallel_loop3A_1352 : vector<16xf32>
        %parallel_loop3A_1358 = arith.constant 5 : i32
        %parallel_loop3A_1359 = vector.broadcast %parallel_loop3A_1358 : i32 to vector<16xi32>
        %parallel_loop3A_1360 = arith.shrsi %parallel_loop3A_1240, %parallel_loop3A_1359 : vector<16xi32>
        %parallel_loop3A_1361 = arith.constant 1 : i32
        %parallel_loop3A_1362 = vector.broadcast %parallel_loop3A_1361 : i32 to vector<16xi32>
        %parallel_loop3A_1363 = arith.andi %parallel_loop3A_1360, %parallel_loop3A_1362 : vector<16xi32>
        %parallel_loop3A_1364 = arith.constant 1 : i32
        %parallel_loop3A_1365 = vector.broadcast %parallel_loop3A_1364 : i32 to vector<16xi32>
        %parallel_loop3A_1366 = arith.cmpi eq, %parallel_loop3A_1363, %parallel_loop3A_1365 : vector<16xi32>
        %parallel_loop3A_1367 = arith.constant 32 : i32
        %parallel_loop3A_1368 = vector.broadcast %parallel_loop3A_1367 : i32 to vector<16xi32>
        %parallel_loop3A_1369 = arith.subi %parallel_loop3A_1240, %parallel_loop3A_1368 : vector<16xi32>
        %parallel_loop3A_1370 = tpu.vector_load_idx %arg13[%parallel_loop3A_1369] masked %parallel_loop3A_1366 : memref<512xf32, #tpu.memory_space<vmem>>[vector<16xi32>], vector<16xf32>, vector<16xi1>
        %parallel_loop3A_1371 = vector.extract_strided_slice %get3A_14 {offsets = [5], sizes = [1], strides = [1]} : vector<16xf32> to vector<1xf32>
        %parallel_loop3A_1372 = vector.extract %parallel_loop3A_1371[0] : f32 from vector<1xf32>
        %parallel_loop3A_1373 = vector.broadcast %parallel_loop3A_1372 : f32 to vector<16xf32>
        %parallel_loop3A_1374 = arith.addf %parallel_loop3A_1370, %parallel_loop3A_1373 : vector<16xf32>
        %parallel_loop3A_1375 = arith.select %parallel_loop3A_1366, %parallel_loop3A_1374, %broadcast_in_dim3A_4 : vector<16xi1>, vector<16xf32>
        %parallel_loop3A_1376 = arith.cmpf ogt, %parallel_loop3A_1375, %parallel_loop3A_1357 : vector<16xf32>
        %parallel_loop3A_1377 = arith.constant 5 : i32
        %parallel_loop3A_1378 = vector.broadcast %parallel_loop3A_1377 : i32 to vector<16xi32>
        %parallel_loop3A_1379 = arith.select %parallel_loop3A_1376, %parallel_loop3A_1378, %parallel_loop3A_1356 : vector<16xi1>, vector<16xi32>
        %parallel_loop3A_1380 = arith.maximumf %parallel_loop3A_1357, %parallel_loop3A_1375 : vector<16xf32>
        %parallel_loop3A_1381 = arith.constant 6 : i32
        %parallel_loop3A_1382 = vector.broadcast %parallel_loop3A_1381 : i32 to vector<16xi32>
        %parallel_loop3A_1383 = arith.shrsi %parallel_loop3A_1240, %parallel_loop3A_1382 : vector<16xi32>
        %parallel_loop3A_1384 = arith.constant 1 : i32
        %parallel_loop3A_1385 = vector.broadcast %parallel_loop3A_1384 : i32 to vector<16xi32>
        %parallel_loop3A_1386 = arith.andi %parallel_loop3A_1383, %parallel_loop3A_1385 : vector<16xi32>
        %parallel_loop3A_1387 = arith.constant 1 : i32
        %parallel_loop3A_1388 = vector.broadcast %parallel_loop3A_1387 : i32 to vector<16xi32>
        %parallel_loop3A_1389 = arith.cmpi eq, %parallel_loop3A_1386, %parallel_loop3A_1388 : vector<16xi32>
        %parallel_loop3A_1390 = arith.constant 64 : i32
        %parallel_loop3A_1391 = vector.broadcast %parallel_loop3A_1390 : i32 to vector<16xi32>
        %parallel_loop3A_1392 = arith.subi %parallel_loop3A_1240, %parallel_loop3A_1391 : vector<16xi32>
        %parallel_loop3A_1393 = tpu.vector_load_idx %arg13[%parallel_loop3A_1392] masked %parallel_loop3A_1389 : memref<512xf32, #tpu.memory_space<vmem>>[vector<16xi32>], vector<16xf32>, vector<16xi1>
        %parallel_loop3A_1394 = vector.extract_strided_slice %get3A_14 {offsets = [6], sizes = [1], strides = [1]} : vector<16xf32> to vector<1xf32>
        %parallel_loop3A_1395 = vector.extract %parallel_loop3A_1394[0] : f32 from vector<1xf32>
        %parallel_loop3A_1396 = vector.broadcast %parallel_loop3A_1395 : f32 to vector<16xf32>
        %parallel_loop3A_1397 = arith.addf %parallel_loop3A_1393, %parallel_loop3A_1396 : vector<16xf32>
        %parallel_loop3A_1398 = arith.select %parallel_loop3A_1389, %parallel_loop3A_1397, %broadcast_in_dim3A_4 : vector<16xi1>, vector<16xf32>
        %parallel_loop3A_1399 = arith.cmpf ogt, %parallel_loop3A_1398, %parallel_loop3A_1380 : vector<16xf32>
        %parallel_loop3A_1400 = arith.constant 6 : i32
        %parallel_loop3A_1401 = vector.broadcast %parallel_loop3A_1400 : i32 to vector<16xi32>
        %parallel_loop3A_1402 = arith.select %parallel_loop3A_1399, %parallel_loop3A_1401, %parallel_loop3A_1379 : vector<16xi1>, vector<16xi32>
        %parallel_loop3A_1403 = arith.maximumf %parallel_loop3A_1380, %parallel_loop3A_1398 : vector<16xf32>
        %parallel_loop3A_1404 = arith.constant 7 : i32
        %parallel_loop3A_1405 = vector.broadcast %parallel_loop3A_1404 : i32 to vector<16xi32>
        %parallel_loop3A_1406 = arith.shrsi %parallel_loop3A_1240, %parallel_loop3A_1405 : vector<16xi32>
        %parallel_loop3A_1407 = arith.constant 1 : i32
        %parallel_loop3A_1408 = vector.broadcast %parallel_loop3A_1407 : i32 to vector<16xi32>
        %parallel_loop3A_1409 = arith.andi %parallel_loop3A_1406, %parallel_loop3A_1408 : vector<16xi32>
        %parallel_loop3A_1410 = arith.constant 1 : i32
        %parallel_loop3A_1411 = vector.broadcast %parallel_loop3A_1410 : i32 to vector<16xi32>
        %parallel_loop3A_1412 = arith.cmpi eq, %parallel_loop3A_1409, %parallel_loop3A_1411 : vector<16xi32>
        %parallel_loop3A_1413 = arith.constant 128 : i32
        %parallel_loop3A_1414 = vector.broadcast %parallel_loop3A_1413 : i32 to vector<16xi32>
        %parallel_loop3A_1415 = arith.subi %parallel_loop3A_1240, %parallel_loop3A_1414 : vector<16xi32>
        %parallel_loop3A_1416 = tpu.vector_load_idx %arg13[%parallel_loop3A_1415] masked %parallel_loop3A_1412 : memref<512xf32, #tpu.memory_space<vmem>>[vector<16xi32>], vector<16xf32>, vector<16xi1>
        %parallel_loop3A_1417 = vector.extract_strided_slice %get3A_14 {offsets = [7], sizes = [1], strides = [1]} : vector<16xf32> to vector<1xf32>
        %parallel_loop3A_1418 = vector.extract %parallel_loop3A_1417[0] : f32 from vector<1xf32>
        %parallel_loop3A_1419 = vector.broadcast %parallel_loop3A_1418 : f32 to vector<16xf32>
        %parallel_loop3A_1420 = arith.addf %parallel_loop3A_1416, %parallel_loop3A_1419 : vector<16xf32>
        %parallel_loop3A_1421 = arith.select %parallel_loop3A_1412, %parallel_loop3A_1420, %broadcast_in_dim3A_4 : vector<16xi1>, vector<16xf32>
        %parallel_loop3A_1422 = arith.cmpf ogt, %parallel_loop3A_1421, %parallel_loop3A_1403 : vector<16xf32>
        %parallel_loop3A_1423 = arith.constant 7 : i32
        %parallel_loop3A_1424 = vector.broadcast %parallel_loop3A_1423 : i32 to vector<16xi32>
        %parallel_loop3A_1425 = arith.select %parallel_loop3A_1422, %parallel_loop3A_1424, %parallel_loop3A_1402 : vector<16xi1>, vector<16xi32>
        %parallel_loop3A_1426 = arith.maximumf %parallel_loop3A_1403, %parallel_loop3A_1421 : vector<16xf32>
        %parallel_loop3A_1427 = arith.constant 8 : i32
        %parallel_loop3A_1428 = vector.broadcast %parallel_loop3A_1427 : i32 to vector<16xi32>
        %parallel_loop3A_1429 = arith.shrsi %parallel_loop3A_1240, %parallel_loop3A_1428 : vector<16xi32>
        %parallel_loop3A_1430 = arith.constant 1 : i32
        %parallel_loop3A_1431 = vector.broadcast %parallel_loop3A_1430 : i32 to vector<16xi32>
        %parallel_loop3A_1432 = arith.andi %parallel_loop3A_1429, %parallel_loop3A_1431 : vector<16xi32>
        %parallel_loop3A_1433 = arith.constant 1 : i32
        %parallel_loop3A_1434 = vector.broadcast %parallel_loop3A_1433 : i32 to vector<16xi32>
        %parallel_loop3A_1435 = arith.cmpi eq, %parallel_loop3A_1432, %parallel_loop3A_1434 : vector<16xi32>
        %parallel_loop3A_1436 = arith.constant 256 : i32
        %parallel_loop3A_1437 = vector.broadcast %parallel_loop3A_1436 : i32 to vector<16xi32>
        %parallel_loop3A_1438 = arith.subi %parallel_loop3A_1240, %parallel_loop3A_1437 : vector<16xi32>
        %parallel_loop3A_1439 = tpu.vector_load_idx %arg13[%parallel_loop3A_1438] masked %parallel_loop3A_1435 : memref<512xf32, #tpu.memory_space<vmem>>[vector<16xi32>], vector<16xf32>, vector<16xi1>
        %parallel_loop3A_1440 = vector.extract_strided_slice %get3A_14 {offsets = [8], sizes = [1], strides = [1]} : vector<16xf32> to vector<1xf32>
        %parallel_loop3A_1441 = vector.extract %parallel_loop3A_1440[0] : f32 from vector<1xf32>
        %parallel_loop3A_1442 = vector.broadcast %parallel_loop3A_1441 : f32 to vector<16xf32>
        %parallel_loop3A_1443 = arith.addf %parallel_loop3A_1439, %parallel_loop3A_1442 : vector<16xf32>
        %parallel_loop3A_1444 = arith.select %parallel_loop3A_1435, %parallel_loop3A_1443, %broadcast_in_dim3A_4 : vector<16xi1>, vector<16xf32>
        %parallel_loop3A_1445 = arith.cmpf ogt, %parallel_loop3A_1444, %parallel_loop3A_1426 : vector<16xf32>
        %parallel_loop3A_1446 = arith.constant 8 : i32
        %parallel_loop3A_1447 = vector.broadcast %parallel_loop3A_1446 : i32 to vector<16xi32>
        %parallel_loop3A_1448 = arith.select %parallel_loop3A_1445, %parallel_loop3A_1447, %parallel_loop3A_1425 : vector<16xi1>, vector<16xi32>
        %parallel_loop3A_1449 = arith.maximumf %parallel_loop3A_1426, %parallel_loop3A_1444 : vector<16xf32>
        %parallel_loop3A_1450 = arith.index_cast %parallel_loop3A_1238 : i32 to index
        %parallel_loop3A_1451 = tpu.vector_load %arg14[%parallel_loop3A_1450] {strides = array<i32>} : memref<512xf32, #tpu.memory_space<vmem>>, vector<16xf32>,
        tpu.vector_store %arg14[%parallel_loop3A_1450], %parallel_loop3A_1449 {strides = array<i32>} : memref<512xf32, #tpu.memory_space<vmem>>, vector<16xf32>,
        %parallel_loop3A_1452 = arith.constant 4096 : i32
        %parallel_loop3A_1453 = arith.addi %parallel_loop3A_1452, %parallel_loop3A_1238 : i32
        %parallel_loop3A_1454 = arith.index_cast %parallel_loop3A_1453 : i32 to index
        %parallel_loop3A_1455 = tpu.vector_load %arg15[%parallel_loop3A_1454] {strides = array<i32>} : memref<4608xi32, #tpu.memory_space<vmem>>, vector<16xi32>,
        tpu.vector_store %arg15[%parallel_loop3A_1454], %parallel_loop3A_1448 {strides = array<i32>} : memref<4608xi32, #tpu.memory_space<vmem>>, vector<16xi32>,
      } {sc.loop_unroll_factor = 4 : i64, sc.parallel_access}
      %get3A_17 = arith.constant 7 : i32
      %get3A_18 = arith.index_cast %get3A_17 : i32 to index
      %get3A_19 = arith.constant 0 : index
      %get3A_20 = tpu.vector_load %arg8[%get3A_18, %get3A_19] {strides = array<i32>} : memref<9x16xf32, #tpu.memory_space<vmem>>, vector<16xf32>,
      %parallel_loop3A_21 = arith.constant 0 : i32
      %parallel_loop3A_22 = arith.constant 32 : i32
      %parallel_loop3A_23 = arith.constant 1 : i32
      scf.for %parallel_loop3A_1236 = %parallel_loop3A_21 to %parallel_loop3A_22 step %parallel_loop3A_23  : i32 {
        %parallel_loop3A_1237 = arith.constant 16 : i32
        %parallel_loop3A_1238 = arith.muli %parallel_loop3A_1236, %parallel_loop3A_1237 : i32
        %parallel_loop3A_1239 = vector.broadcast %parallel_loop3A_1238 : i32 to vector<16xi32>
        %parallel_loop3A_1240 = arith.addi %parallel_loop3A_1239, %iota3A : vector<16xi32>
        %parallel_loop3A_1241 = arith.constant 0 : i32
        %parallel_loop3A_1242 = vector.broadcast %parallel_loop3A_1241 : i32 to vector<16xi32>
        %parallel_loop3A_1243 = arith.constant 0 : i32
        %parallel_loop3A_1244 = vector.broadcast %parallel_loop3A_1243 : i32 to vector<16xi32>
        %parallel_loop3A_1245 = arith.shrsi %parallel_loop3A_1240, %parallel_loop3A_1244 : vector<16xi32>
        %parallel_loop3A_1246 = arith.constant 1 : i32
        %parallel_loop3A_1247 = vector.broadcast %parallel_loop3A_1246 : i32 to vector<16xi32>
        %parallel_loop3A_1248 = arith.andi %parallel_loop3A_1245, %parallel_loop3A_1247 : vector<16xi32>
        %parallel_loop3A_1249 = arith.constant 1 : i32
        %parallel_loop3A_1250 = vector.broadcast %parallel_loop3A_1249 : i32 to vector<16xi32>
        %parallel_loop3A_1251 = arith.cmpi eq, %parallel_loop3A_1248, %parallel_loop3A_1250 : vector<16xi32>
        %parallel_loop3A_1252 = arith.constant 1 : i32
        %parallel_loop3A_1253 = vector.broadcast %parallel_loop3A_1252 : i32 to vector<16xi32>
        %parallel_loop3A_1254 = arith.subi %parallel_loop3A_1240, %parallel_loop3A_1253 : vector<16xi32>
        %parallel_loop3A_1255 = tpu.vector_load_idx %arg14[%parallel_loop3A_1254] masked %parallel_loop3A_1251 : memref<512xf32, #tpu.memory_space<vmem>>[vector<16xi32>], vector<16xf32>, vector<16xi1>
        %parallel_loop3A_1256 = vector.extract_strided_slice %get3A_20 {offsets = [0], sizes = [1], strides = [1]} : vector<16xf32> to vector<1xf32>
        %parallel_loop3A_1257 = vector.extract %parallel_loop3A_1256[0] : f32 from vector<1xf32>
        %parallel_loop3A_1258 = vector.broadcast %parallel_loop3A_1257 : f32 to vector<16xf32>
        %parallel_loop3A_1259 = arith.addf %parallel_loop3A_1255, %parallel_loop3A_1258 : vector<16xf32>
        %parallel_loop3A_1260 = arith.select %parallel_loop3A_1251, %parallel_loop3A_1259, %broadcast_in_dim3A_4 : vector<16xi1>, vector<16xf32>
        %parallel_loop3A_1261 = arith.cmpf ogt, %parallel_loop3A_1260, %broadcast_in_dim3A_4 : vector<16xf32>
        %parallel_loop3A_1262 = arith.constant 0 : i32
        %parallel_loop3A_1263 = vector.broadcast %parallel_loop3A_1262 : i32 to vector<16xi32>
        %parallel_loop3A_1264 = arith.select %parallel_loop3A_1261, %parallel_loop3A_1263, %parallel_loop3A_1242 : vector<16xi1>, vector<16xi32>
        %parallel_loop3A_1265 = arith.maximumf %broadcast_in_dim3A_4, %parallel_loop3A_1260 : vector<16xf32>
        %parallel_loop3A_1266 = arith.constant 1 : i32
        %parallel_loop3A_1267 = vector.broadcast %parallel_loop3A_1266 : i32 to vector<16xi32>
        %parallel_loop3A_1268 = arith.shrsi %parallel_loop3A_1240, %parallel_loop3A_1267 : vector<16xi32>
        %parallel_loop3A_1269 = arith.constant 1 : i32
        %parallel_loop3A_1270 = vector.broadcast %parallel_loop3A_1269 : i32 to vector<16xi32>
        %parallel_loop3A_1271 = arith.andi %parallel_loop3A_1268, %parallel_loop3A_1270 : vector<16xi32>
        %parallel_loop3A_1272 = arith.constant 1 : i32
        %parallel_loop3A_1273 = vector.broadcast %parallel_loop3A_1272 : i32 to vector<16xi32>
        %parallel_loop3A_1274 = arith.cmpi eq, %parallel_loop3A_1271, %parallel_loop3A_1273 : vector<16xi32>
        %parallel_loop3A_1275 = arith.constant 2 : i32
        %parallel_loop3A_1276 = vector.broadcast %parallel_loop3A_1275 : i32 to vector<16xi32>
        %parallel_loop3A_1277 = arith.subi %parallel_loop3A_1240, %parallel_loop3A_1276 : vector<16xi32>
        %parallel_loop3A_1278 = tpu.vector_load_idx %arg14[%parallel_loop3A_1277] masked %parallel_loop3A_1274 : memref<512xf32, #tpu.memory_space<vmem>>[vector<16xi32>], vector<16xf32>, vector<16xi1>
        %parallel_loop3A_1279 = vector.extract_strided_slice %get3A_20 {offsets = [1], sizes = [1], strides = [1]} : vector<16xf32> to vector<1xf32>
        %parallel_loop3A_1280 = vector.extract %parallel_loop3A_1279[0] : f32 from vector<1xf32>
        %parallel_loop3A_1281 = vector.broadcast %parallel_loop3A_1280 : f32 to vector<16xf32>
        %parallel_loop3A_1282 = arith.addf %parallel_loop3A_1278, %parallel_loop3A_1281 : vector<16xf32>
        %parallel_loop3A_1283 = arith.select %parallel_loop3A_1274, %parallel_loop3A_1282, %broadcast_in_dim3A_4 : vector<16xi1>, vector<16xf32>
        %parallel_loop3A_1284 = arith.cmpf ogt, %parallel_loop3A_1283, %parallel_loop3A_1265 : vector<16xf32>
        %parallel_loop3A_1285 = arith.constant 1 : i32
        %parallel_loop3A_1286 = vector.broadcast %parallel_loop3A_1285 : i32 to vector<16xi32>
        %parallel_loop3A_1287 = arith.select %parallel_loop3A_1284, %parallel_loop3A_1286, %parallel_loop3A_1264 : vector<16xi1>, vector<16xi32>
        %parallel_loop3A_1288 = arith.maximumf %parallel_loop3A_1265, %parallel_loop3A_1283 : vector<16xf32>
        %parallel_loop3A_1289 = arith.constant 2 : i32
        %parallel_loop3A_1290 = vector.broadcast %parallel_loop3A_1289 : i32 to vector<16xi32>
        %parallel_loop3A_1291 = arith.shrsi %parallel_loop3A_1240, %parallel_loop3A_1290 : vector<16xi32>
        %parallel_loop3A_1292 = arith.constant 1 : i32
        %parallel_loop3A_1293 = vector.broadcast %parallel_loop3A_1292 : i32 to vector<16xi32>
        %parallel_loop3A_1294 = arith.andi %parallel_loop3A_1291, %parallel_loop3A_1293 : vector<16xi32>
        %parallel_loop3A_1295 = arith.constant 1 : i32
        %parallel_loop3A_1296 = vector.broadcast %parallel_loop3A_1295 : i32 to vector<16xi32>
        %parallel_loop3A_1297 = arith.cmpi eq, %parallel_loop3A_1294, %parallel_loop3A_1296 : vector<16xi32>
        %parallel_loop3A_1298 = arith.constant 4 : i32
        %parallel_loop3A_1299 = vector.broadcast %parallel_loop3A_1298 : i32 to vector<16xi32>
        %parallel_loop3A_1300 = arith.subi %parallel_loop3A_1240, %parallel_loop3A_1299 : vector<16xi32>
        %parallel_loop3A_1301 = tpu.vector_load_idx %arg14[%parallel_loop3A_1300] masked %parallel_loop3A_1297 : memref<512xf32, #tpu.memory_space<vmem>>[vector<16xi32>], vector<16xf32>, vector<16xi1>
        %parallel_loop3A_1302 = vector.extract_strided_slice %get3A_20 {offsets = [2], sizes = [1], strides = [1]} : vector<16xf32> to vector<1xf32>
        %parallel_loop3A_1303 = vector.extract %parallel_loop3A_1302[0] : f32 from vector<1xf32>
        %parallel_loop3A_1304 = vector.broadcast %parallel_loop3A_1303 : f32 to vector<16xf32>
        %parallel_loop3A_1305 = arith.addf %parallel_loop3A_1301, %parallel_loop3A_1304 : vector<16xf32>
        %parallel_loop3A_1306 = arith.select %parallel_loop3A_1297, %parallel_loop3A_1305, %broadcast_in_dim3A_4 : vector<16xi1>, vector<16xf32>
        %parallel_loop3A_1307 = arith.cmpf ogt, %parallel_loop3A_1306, %parallel_loop3A_1288 : vector<16xf32>
        %parallel_loop3A_1308 = arith.constant 2 : i32
        %parallel_loop3A_1309 = vector.broadcast %parallel_loop3A_1308 : i32 to vector<16xi32>
        %parallel_loop3A_1310 = arith.select %parallel_loop3A_1307, %parallel_loop3A_1309, %parallel_loop3A_1287 : vector<16xi1>, vector<16xi32>
        %parallel_loop3A_1311 = arith.maximumf %parallel_loop3A_1288, %parallel_loop3A_1306 : vector<16xf32>
        %parallel_loop3A_1312 = arith.constant 3 : i32
        %parallel_loop3A_1313 = vector.broadcast %parallel_loop3A_1312 : i32 to vector<16xi32>
        %parallel_loop3A_1314 = arith.shrsi %parallel_loop3A_1240, %parallel_loop3A_1313 : vector<16xi32>
        %parallel_loop3A_1315 = arith.constant 1 : i32
        %parallel_loop3A_1316 = vector.broadcast %parallel_loop3A_1315 : i32 to vector<16xi32>
        %parallel_loop3A_1317 = arith.andi %parallel_loop3A_1314, %parallel_loop3A_1316 : vector<16xi32>
        %parallel_loop3A_1318 = arith.constant 1 : i32
        %parallel_loop3A_1319 = vector.broadcast %parallel_loop3A_1318 : i32 to vector<16xi32>
        %parallel_loop3A_1320 = arith.cmpi eq, %parallel_loop3A_1317, %parallel_loop3A_1319 : vector<16xi32>
        %parallel_loop3A_1321 = arith.constant 8 : i32
        %parallel_loop3A_1322 = vector.broadcast %parallel_loop3A_1321 : i32 to vector<16xi32>
        %parallel_loop3A_1323 = arith.subi %parallel_loop3A_1240, %parallel_loop3A_1322 : vector<16xi32>
        %parallel_loop3A_1324 = tpu.vector_load_idx %arg14[%parallel_loop3A_1323] masked %parallel_loop3A_1320 : memref<512xf32, #tpu.memory_space<vmem>>[vector<16xi32>], vector<16xf32>, vector<16xi1>
        %parallel_loop3A_1325 = vector.extract_strided_slice %get3A_20 {offsets = [3], sizes = [1], strides = [1]} : vector<16xf32> to vector<1xf32>
        %parallel_loop3A_1326 = vector.extract %parallel_loop3A_1325[0] : f32 from vector<1xf32>
        %parallel_loop3A_1327 = vector.broadcast %parallel_loop3A_1326 : f32 to vector<16xf32>
        %parallel_loop3A_1328 = arith.addf %parallel_loop3A_1324, %parallel_loop3A_1327 : vector<16xf32>
        %parallel_loop3A_1329 = arith.select %parallel_loop3A_1320, %parallel_loop3A_1328, %broadcast_in_dim3A_4 : vector<16xi1>, vector<16xf32>
        %parallel_loop3A_1330 = arith.cmpf ogt, %parallel_loop3A_1329, %parallel_loop3A_1311 : vector<16xf32>
        %parallel_loop3A_1331 = arith.constant 3 : i32
        %parallel_loop3A_1332 = vector.broadcast %parallel_loop3A_1331 : i32 to vector<16xi32>
        %parallel_loop3A_1333 = arith.select %parallel_loop3A_1330, %parallel_loop3A_1332, %parallel_loop3A_1310 : vector<16xi1>, vector<16xi32>
        %parallel_loop3A_1334 = arith.maximumf %parallel_loop3A_1311, %parallel_loop3A_1329 : vector<16xf32>
        %parallel_loop3A_1335 = arith.constant 4 : i32
        %parallel_loop3A_1336 = vector.broadcast %parallel_loop3A_1335 : i32 to vector<16xi32>
        %parallel_loop3A_1337 = arith.shrsi %parallel_loop3A_1240, %parallel_loop3A_1336 : vector<16xi32>
        %parallel_loop3A_1338 = arith.constant 1 : i32
        %parallel_loop3A_1339 = vector.broadcast %parallel_loop3A_1338 : i32 to vector<16xi32>
        %parallel_loop3A_1340 = arith.andi %parallel_loop3A_1337, %parallel_loop3A_1339 : vector<16xi32>
        %parallel_loop3A_1341 = arith.constant 1 : i32
        %parallel_loop3A_1342 = vector.broadcast %parallel_loop3A_1341 : i32 to vector<16xi32>
        %parallel_loop3A_1343 = arith.cmpi eq, %parallel_loop3A_1340, %parallel_loop3A_1342 : vector<16xi32>
        %parallel_loop3A_1344 = arith.constant 16 : i32
        %parallel_loop3A_1345 = vector.broadcast %parallel_loop3A_1344 : i32 to vector<16xi32>
        %parallel_loop3A_1346 = arith.subi %parallel_loop3A_1240, %parallel_loop3A_1345 : vector<16xi32>
        %parallel_loop3A_1347 = tpu.vector_load_idx %arg14[%parallel_loop3A_1346] masked %parallel_loop3A_1343 : memref<512xf32, #tpu.memory_space<vmem>>[vector<16xi32>], vector<16xf32>, vector<16xi1>
        %parallel_loop3A_1348 = vector.extract_strided_slice %get3A_20 {offsets = [4], sizes = [1], strides = [1]} : vector<16xf32> to vector<1xf32>
        %parallel_loop3A_1349 = vector.extract %parallel_loop3A_1348[0] : f32 from vector<1xf32>
        %parallel_loop3A_1350 = vector.broadcast %parallel_loop3A_1349 : f32 to vector<16xf32>
        %parallel_loop3A_1351 = arith.addf %parallel_loop3A_1347, %parallel_loop3A_1350 : vector<16xf32>
        %parallel_loop3A_1352 = arith.select %parallel_loop3A_1343, %parallel_loop3A_1351, %broadcast_in_dim3A_4 : vector<16xi1>, vector<16xf32>
        %parallel_loop3A_1353 = arith.cmpf ogt, %parallel_loop3A_1352, %parallel_loop3A_1334 : vector<16xf32>
        %parallel_loop3A_1354 = arith.constant 4 : i32
        %parallel_loop3A_1355 = vector.broadcast %parallel_loop3A_1354 : i32 to vector<16xi32>
        %parallel_loop3A_1356 = arith.select %parallel_loop3A_1353, %parallel_loop3A_1355, %parallel_loop3A_1333 : vector<16xi1>, vector<16xi32>
        %parallel_loop3A_1357 = arith.maximumf %parallel_loop3A_1334, %parallel_loop3A_1352 : vector<16xf32>
        %parallel_loop3A_1358 = arith.constant 5 : i32
        %parallel_loop3A_1359 = vector.broadcast %parallel_loop3A_1358 : i32 to vector<16xi32>
        %parallel_loop3A_1360 = arith.shrsi %parallel_loop3A_1240, %parallel_loop3A_1359 : vector<16xi32>
        %parallel_loop3A_1361 = arith.constant 1 : i32
        %parallel_loop3A_1362 = vector.broadcast %parallel_loop3A_1361 : i32 to vector<16xi32>
        %parallel_loop3A_1363 = arith.andi %parallel_loop3A_1360, %parallel_loop3A_1362 : vector<16xi32>
        %parallel_loop3A_1364 = arith.constant 1 : i32
        %parallel_loop3A_1365 = vector.broadcast %parallel_loop3A_1364 : i32 to vector<16xi32>
        %parallel_loop3A_1366 = arith.cmpi eq, %parallel_loop3A_1363, %parallel_loop3A_1365 : vector<16xi32>
        %parallel_loop3A_1367 = arith.constant 32 : i32
        %parallel_loop3A_1368 = vector.broadcast %parallel_loop3A_1367 : i32 to vector<16xi32>
        %parallel_loop3A_1369 = arith.subi %parallel_loop3A_1240, %parallel_loop3A_1368 : vector<16xi32>
        %parallel_loop3A_1370 = tpu.vector_load_idx %arg14[%parallel_loop3A_1369] masked %parallel_loop3A_1366 : memref<512xf32, #tpu.memory_space<vmem>>[vector<16xi32>], vector<16xf32>, vector<16xi1>
        %parallel_loop3A_1371 = vector.extract_strided_slice %get3A_20 {offsets = [5], sizes = [1], strides = [1]} : vector<16xf32> to vector<1xf32>
        %parallel_loop3A_1372 = vector.extract %parallel_loop3A_1371[0] : f32 from vector<1xf32>
        %parallel_loop3A_1373 = vector.broadcast %parallel_loop3A_1372 : f32 to vector<16xf32>
        %parallel_loop3A_1374 = arith.addf %parallel_loop3A_1370, %parallel_loop3A_1373 : vector<16xf32>
        %parallel_loop3A_1375 = arith.select %parallel_loop3A_1366, %parallel_loop3A_1374, %broadcast_in_dim3A_4 : vector<16xi1>, vector<16xf32>
        %parallel_loop3A_1376 = arith.cmpf ogt, %parallel_loop3A_1375, %parallel_loop3A_1357 : vector<16xf32>
        %parallel_loop3A_1377 = arith.constant 5 : i32
        %parallel_loop3A_1378 = vector.broadcast %parallel_loop3A_1377 : i32 to vector<16xi32>
        %parallel_loop3A_1379 = arith.select %parallel_loop3A_1376, %parallel_loop3A_1378, %parallel_loop3A_1356 : vector<16xi1>, vector<16xi32>
        %parallel_loop3A_1380 = arith.maximumf %parallel_loop3A_1357, %parallel_loop3A_1375 : vector<16xf32>
        %parallel_loop3A_1381 = arith.constant 6 : i32
        %parallel_loop3A_1382 = vector.broadcast %parallel_loop3A_1381 : i32 to vector<16xi32>
        %parallel_loop3A_1383 = arith.shrsi %parallel_loop3A_1240, %parallel_loop3A_1382 : vector<16xi32>
        %parallel_loop3A_1384 = arith.constant 1 : i32
        %parallel_loop3A_1385 = vector.broadcast %parallel_loop3A_1384 : i32 to vector<16xi32>
        %parallel_loop3A_1386 = arith.andi %parallel_loop3A_1383, %parallel_loop3A_1385 : vector<16xi32>
        %parallel_loop3A_1387 = arith.constant 1 : i32
        %parallel_loop3A_1388 = vector.broadcast %parallel_loop3A_1387 : i32 to vector<16xi32>
        %parallel_loop3A_1389 = arith.cmpi eq, %parallel_loop3A_1386, %parallel_loop3A_1388 : vector<16xi32>
        %parallel_loop3A_1390 = arith.constant 64 : i32
        %parallel_loop3A_1391 = vector.broadcast %parallel_loop3A_1390 : i32 to vector<16xi32>
        %parallel_loop3A_1392 = arith.subi %parallel_loop3A_1240, %parallel_loop3A_1391 : vector<16xi32>
        %parallel_loop3A_1393 = tpu.vector_load_idx %arg14[%parallel_loop3A_1392] masked %parallel_loop3A_1389 : memref<512xf32, #tpu.memory_space<vmem>>[vector<16xi32>], vector<16xf32>, vector<16xi1>
        %parallel_loop3A_1394 = vector.extract_strided_slice %get3A_20 {offsets = [6], sizes = [1], strides = [1]} : vector<16xf32> to vector<1xf32>
        %parallel_loop3A_1395 = vector.extract %parallel_loop3A_1394[0] : f32 from vector<1xf32>
        %parallel_loop3A_1396 = vector.broadcast %parallel_loop3A_1395 : f32 to vector<16xf32>
        %parallel_loop3A_1397 = arith.addf %parallel_loop3A_1393, %parallel_loop3A_1396 : vector<16xf32>
        %parallel_loop3A_1398 = arith.select %parallel_loop3A_1389, %parallel_loop3A_1397, %broadcast_in_dim3A_4 : vector<16xi1>, vector<16xf32>
        %parallel_loop3A_1399 = arith.cmpf ogt, %parallel_loop3A_1398, %parallel_loop3A_1380 : vector<16xf32>
        %parallel_loop3A_1400 = arith.constant 6 : i32
        %parallel_loop3A_1401 = vector.broadcast %parallel_loop3A_1400 : i32 to vector<16xi32>
        %parallel_loop3A_1402 = arith.select %parallel_loop3A_1399, %parallel_loop3A_1401, %parallel_loop3A_1379 : vector<16xi1>, vector<16xi32>
        %parallel_loop3A_1403 = arith.maximumf %parallel_loop3A_1380, %parallel_loop3A_1398 : vector<16xf32>
        %parallel_loop3A_1404 = arith.constant 7 : i32
        %parallel_loop3A_1405 = vector.broadcast %parallel_loop3A_1404 : i32 to vector<16xi32>
        %parallel_loop3A_1406 = arith.shrsi %parallel_loop3A_1240, %parallel_loop3A_1405 : vector<16xi32>
        %parallel_loop3A_1407 = arith.constant 1 : i32
        %parallel_loop3A_1408 = vector.broadcast %parallel_loop3A_1407 : i32 to vector<16xi32>
        %parallel_loop3A_1409 = arith.andi %parallel_loop3A_1406, %parallel_loop3A_1408 : vector<16xi32>
        %parallel_loop3A_1410 = arith.constant 1 : i32
        %parallel_loop3A_1411 = vector.broadcast %parallel_loop3A_1410 : i32 to vector<16xi32>
        %parallel_loop3A_1412 = arith.cmpi eq, %parallel_loop3A_1409, %parallel_loop3A_1411 : vector<16xi32>
        %parallel_loop3A_1413 = arith.constant 128 : i32
        %parallel_loop3A_1414 = vector.broadcast %parallel_loop3A_1413 : i32 to vector<16xi32>
        %parallel_loop3A_1415 = arith.subi %parallel_loop3A_1240, %parallel_loop3A_1414 : vector<16xi32>
        %parallel_loop3A_1416 = tpu.vector_load_idx %arg14[%parallel_loop3A_1415] masked %parallel_loop3A_1412 : memref<512xf32, #tpu.memory_space<vmem>>[vector<16xi32>], vector<16xf32>, vector<16xi1>
        %parallel_loop3A_1417 = vector.extract_strided_slice %get3A_20 {offsets = [7], sizes = [1], strides = [1]} : vector<16xf32> to vector<1xf32>
        %parallel_loop3A_1418 = vector.extract %parallel_loop3A_1417[0] : f32 from vector<1xf32>
        %parallel_loop3A_1419 = vector.broadcast %parallel_loop3A_1418 : f32 to vector<16xf32>
        %parallel_loop3A_1420 = arith.addf %parallel_loop3A_1416, %parallel_loop3A_1419 : vector<16xf32>
        %parallel_loop3A_1421 = arith.select %parallel_loop3A_1412, %parallel_loop3A_1420, %broadcast_in_dim3A_4 : vector<16xi1>, vector<16xf32>
        %parallel_loop3A_1422 = arith.cmpf ogt, %parallel_loop3A_1421, %parallel_loop3A_1403 : vector<16xf32>
        %parallel_loop3A_1423 = arith.constant 7 : i32
        %parallel_loop3A_1424 = vector.broadcast %parallel_loop3A_1423 : i32 to vector<16xi32>
        %parallel_loop3A_1425 = arith.select %parallel_loop3A_1422, %parallel_loop3A_1424, %parallel_loop3A_1402 : vector<16xi1>, vector<16xi32>
        %parallel_loop3A_1426 = arith.maximumf %parallel_loop3A_1403, %parallel_loop3A_1421 : vector<16xf32>
        %parallel_loop3A_1427 = arith.constant 8 : i32
        %parallel_loop3A_1428 = vector.broadcast %parallel_loop3A_1427 : i32 to vector<16xi32>
        %parallel_loop3A_1429 = arith.shrsi %parallel_loop3A_1240, %parallel_loop3A_1428 : vector<16xi32>
        %parallel_loop3A_1430 = arith.constant 1 : i32
        %parallel_loop3A_1431 = vector.broadcast %parallel_loop3A_1430 : i32 to vector<16xi32>
        %parallel_loop3A_1432 = arith.andi %parallel_loop3A_1429, %parallel_loop3A_1431 : vector<16xi32>
        %parallel_loop3A_1433 = arith.constant 1 : i32
        %parallel_loop3A_1434 = vector.broadcast %parallel_loop3A_1433 : i32 to vector<16xi32>
        %parallel_loop3A_1435 = arith.cmpi eq, %parallel_loop3A_1432, %parallel_loop3A_1434 : vector<16xi32>
        %parallel_loop3A_1436 = arith.constant 256 : i32
        %parallel_loop3A_1437 = vector.broadcast %parallel_loop3A_1436 : i32 to vector<16xi32>
        %parallel_loop3A_1438 = arith.subi %parallel_loop3A_1240, %parallel_loop3A_1437 : vector<16xi32>
        %parallel_loop3A_1439 = tpu.vector_load_idx %arg14[%parallel_loop3A_1438] masked %parallel_loop3A_1435 : memref<512xf32, #tpu.memory_space<vmem>>[vector<16xi32>], vector<16xf32>, vector<16xi1>
        %parallel_loop3A_1440 = vector.extract_strided_slice %get3A_20 {offsets = [8], sizes = [1], strides = [1]} : vector<16xf32> to vector<1xf32>
        %parallel_loop3A_1441 = vector.extract %parallel_loop3A_1440[0] : f32 from vector<1xf32>
        %parallel_loop3A_1442 = vector.broadcast %parallel_loop3A_1441 : f32 to vector<16xf32>
        %parallel_loop3A_1443 = arith.addf %parallel_loop3A_1439, %parallel_loop3A_1442 : vector<16xf32>
        %parallel_loop3A_1444 = arith.select %parallel_loop3A_1435, %parallel_loop3A_1443, %broadcast_in_dim3A_4 : vector<16xi1>, vector<16xf32>
        %parallel_loop3A_1445 = arith.cmpf ogt, %parallel_loop3A_1444, %parallel_loop3A_1426 : vector<16xf32>
        %parallel_loop3A_1446 = arith.constant 8 : i32
        %parallel_loop3A_1447 = vector.broadcast %parallel_loop3A_1446 : i32 to vector<16xi32>
        %parallel_loop3A_1448 = arith.select %parallel_loop3A_1445, %parallel_loop3A_1447, %parallel_loop3A_1425 : vector<16xi1>, vector<16xi32>
        %parallel_loop3A_1449 = arith.maximumf %parallel_loop3A_1426, %parallel_loop3A_1444 : vector<16xf32>
        %parallel_loop3A_1450 = arith.index_cast %parallel_loop3A_1238 : i32 to index
        %parallel_loop3A_1451 = tpu.vector_load %arg13[%parallel_loop3A_1450] {strides = array<i32>} : memref<512xf32, #tpu.memory_space<vmem>>, vector<16xf32>,
        tpu.vector_store %arg13[%parallel_loop3A_1450], %parallel_loop3A_1449 {strides = array<i32>} : memref<512xf32, #tpu.memory_space<vmem>>, vector<16xf32>,
        %parallel_loop3A_1452 = arith.constant 3584 : i32
        %parallel_loop3A_1453 = arith.addi %parallel_loop3A_1452, %parallel_loop3A_1238 : i32
        %parallel_loop3A_1454 = arith.index_cast %parallel_loop3A_1453 : i32 to index
        %parallel_loop3A_1455 = tpu.vector_load %arg15[%parallel_loop3A_1454] {strides = array<i32>} : memref<4608xi32, #tpu.memory_space<vmem>>, vector<16xi32>,
        tpu.vector_store %arg15[%parallel_loop3A_1454], %parallel_loop3A_1448 {strides = array<i32>} : memref<4608xi32, #tpu.memory_space<vmem>>, vector<16xi32>,
      } {sc.loop_unroll_factor = 4 : i64, sc.parallel_access}
      %get3A_24 = arith.constant 6 : i32
      %get3A_25 = arith.index_cast %get3A_24 : i32 to index
      %get3A_26 = arith.constant 0 : index
      %get3A_27 = tpu.vector_load %arg8[%get3A_25, %get3A_26] {strides = array<i32>} : memref<9x16xf32, #tpu.memory_space<vmem>>, vector<16xf32>,
      %parallel_loop3A_28 = arith.constant 0 : i32
      %parallel_loop3A_29 = arith.constant 32 : i32
      %parallel_loop3A_30 = arith.constant 1 : i32
      scf.for %parallel_loop3A_1236 = %parallel_loop3A_28 to %parallel_loop3A_29 step %parallel_loop3A_30  : i32 {
        %parallel_loop3A_1237 = arith.constant 16 : i32
        %parallel_loop3A_1238 = arith.muli %parallel_loop3A_1236, %parallel_loop3A_1237 : i32
        %parallel_loop3A_1239 = vector.broadcast %parallel_loop3A_1238 : i32 to vector<16xi32>
        %parallel_loop3A_1240 = arith.addi %parallel_loop3A_1239, %iota3A : vector<16xi32>
        %parallel_loop3A_1241 = arith.constant 0 : i32
        %parallel_loop3A_1242 = vector.broadcast %parallel_loop3A_1241 : i32 to vector<16xi32>
        %parallel_loop3A_1243 = arith.constant 0 : i32
        %parallel_loop3A_1244 = vector.broadcast %parallel_loop3A_1243 : i32 to vector<16xi32>
        %parallel_loop3A_1245 = arith.shrsi %parallel_loop3A_1240, %parallel_loop3A_1244 : vector<16xi32>
        %parallel_loop3A_1246 = arith.constant 1 : i32
        %parallel_loop3A_1247 = vector.broadcast %parallel_loop3A_1246 : i32 to vector<16xi32>
        %parallel_loop3A_1248 = arith.andi %parallel_loop3A_1245, %parallel_loop3A_1247 : vector<16xi32>
        %parallel_loop3A_1249 = arith.constant 1 : i32
        %parallel_loop3A_1250 = vector.broadcast %parallel_loop3A_1249 : i32 to vector<16xi32>
        %parallel_loop3A_1251 = arith.cmpi eq, %parallel_loop3A_1248, %parallel_loop3A_1250 : vector<16xi32>
        %parallel_loop3A_1252 = arith.constant 1 : i32
        %parallel_loop3A_1253 = vector.broadcast %parallel_loop3A_1252 : i32 to vector<16xi32>
        %parallel_loop3A_1254 = arith.subi %parallel_loop3A_1240, %parallel_loop3A_1253 : vector<16xi32>
        %parallel_loop3A_1255 = tpu.vector_load_idx %arg13[%parallel_loop3A_1254] masked %parallel_loop3A_1251 : memref<512xf32, #tpu.memory_space<vmem>>[vector<16xi32>], vector<16xf32>, vector<16xi1>
        %parallel_loop3A_1256 = vector.extract_strided_slice %get3A_27 {offsets = [0], sizes = [1], strides = [1]} : vector<16xf32> to vector<1xf32>
        %parallel_loop3A_1257 = vector.extract %parallel_loop3A_1256[0] : f32 from vector<1xf32>
        %parallel_loop3A_1258 = vector.broadcast %parallel_loop3A_1257 : f32 to vector<16xf32>
        %parallel_loop3A_1259 = arith.addf %parallel_loop3A_1255, %parallel_loop3A_1258 : vector<16xf32>
        %parallel_loop3A_1260 = arith.select %parallel_loop3A_1251, %parallel_loop3A_1259, %broadcast_in_dim3A_4 : vector<16xi1>, vector<16xf32>
        %parallel_loop3A_1261 = arith.cmpf ogt, %parallel_loop3A_1260, %broadcast_in_dim3A_4 : vector<16xf32>
        %parallel_loop3A_1262 = arith.constant 0 : i32
        %parallel_loop3A_1263 = vector.broadcast %parallel_loop3A_1262 : i32 to vector<16xi32>
        %parallel_loop3A_1264 = arith.select %parallel_loop3A_1261, %parallel_loop3A_1263, %parallel_loop3A_1242 : vector<16xi1>, vector<16xi32>
        %parallel_loop3A_1265 = arith.maximumf %broadcast_in_dim3A_4, %parallel_loop3A_1260 : vector<16xf32>
        %parallel_loop3A_1266 = arith.constant 1 : i32
        %parallel_loop3A_1267 = vector.broadcast %parallel_loop3A_1266 : i32 to vector<16xi32>
        %parallel_loop3A_1268 = arith.shrsi %parallel_loop3A_1240, %parallel_loop3A_1267 : vector<16xi32>
        %parallel_loop3A_1269 = arith.constant 1 : i32
        %parallel_loop3A_1270 = vector.broadcast %parallel_loop3A_1269 : i32 to vector<16xi32>
        %parallel_loop3A_1271 = arith.andi %parallel_loop3A_1268, %parallel_loop3A_1270 : vector<16xi32>
        %parallel_loop3A_1272 = arith.constant 1 : i32
        %parallel_loop3A_1273 = vector.broadcast %parallel_loop3A_1272 : i32 to vector<16xi32>
        %parallel_loop3A_1274 = arith.cmpi eq, %parallel_loop3A_1271, %parallel_loop3A_1273 : vector<16xi32>
        %parallel_loop3A_1275 = arith.constant 2 : i32
        %parallel_loop3A_1276 = vector.broadcast %parallel_loop3A_1275 : i32 to vector<16xi32>
        %parallel_loop3A_1277 = arith.subi %parallel_loop3A_1240, %parallel_loop3A_1276 : vector<16xi32>
        %parallel_loop3A_1278 = tpu.vector_load_idx %arg13[%parallel_loop3A_1277] masked %parallel_loop3A_1274 : memref<512xf32, #tpu.memory_space<vmem>>[vector<16xi32>], vector<16xf32>, vector<16xi1>
        %parallel_loop3A_1279 = vector.extract_strided_slice %get3A_27 {offsets = [1], sizes = [1], strides = [1]} : vector<16xf32> to vector<1xf32>
        %parallel_loop3A_1280 = vector.extract %parallel_loop3A_1279[0] : f32 from vector<1xf32>
        %parallel_loop3A_1281 = vector.broadcast %parallel_loop3A_1280 : f32 to vector<16xf32>
        %parallel_loop3A_1282 = arith.addf %parallel_loop3A_1278, %parallel_loop3A_1281 : vector<16xf32>
        %parallel_loop3A_1283 = arith.select %parallel_loop3A_1274, %parallel_loop3A_1282, %broadcast_in_dim3A_4 : vector<16xi1>, vector<16xf32>
        %parallel_loop3A_1284 = arith.cmpf ogt, %parallel_loop3A_1283, %parallel_loop3A_1265 : vector<16xf32>
        %parallel_loop3A_1285 = arith.constant 1 : i32
        %parallel_loop3A_1286 = vector.broadcast %parallel_loop3A_1285 : i32 to vector<16xi32>
        %parallel_loop3A_1287 = arith.select %parallel_loop3A_1284, %parallel_loop3A_1286, %parallel_loop3A_1264 : vector<16xi1>, vector<16xi32>
        %parallel_loop3A_1288 = arith.maximumf %parallel_loop3A_1265, %parallel_loop3A_1283 : vector<16xf32>
        %parallel_loop3A_1289 = arith.constant 2 : i32
        %parallel_loop3A_1290 = vector.broadcast %parallel_loop3A_1289 : i32 to vector<16xi32>
        %parallel_loop3A_1291 = arith.shrsi %parallel_loop3A_1240, %parallel_loop3A_1290 : vector<16xi32>
        %parallel_loop3A_1292 = arith.constant 1 : i32
        %parallel_loop3A_1293 = vector.broadcast %parallel_loop3A_1292 : i32 to vector<16xi32>
        %parallel_loop3A_1294 = arith.andi %parallel_loop3A_1291, %parallel_loop3A_1293 : vector<16xi32>
        %parallel_loop3A_1295 = arith.constant 1 : i32
        %parallel_loop3A_1296 = vector.broadcast %parallel_loop3A_1295 : i32 to vector<16xi32>
        %parallel_loop3A_1297 = arith.cmpi eq, %parallel_loop3A_1294, %parallel_loop3A_1296 : vector<16xi32>
        %parallel_loop3A_1298 = arith.constant 4 : i32
        %parallel_loop3A_1299 = vector.broadcast %parallel_loop3A_1298 : i32 to vector<16xi32>
        %parallel_loop3A_1300 = arith.subi %parallel_loop3A_1240, %parallel_loop3A_1299 : vector<16xi32>
        %parallel_loop3A_1301 = tpu.vector_load_idx %arg13[%parallel_loop3A_1300] masked %parallel_loop3A_1297 : memref<512xf32, #tpu.memory_space<vmem>>[vector<16xi32>], vector<16xf32>, vector<16xi1>
        %parallel_loop3A_1302 = vector.extract_strided_slice %get3A_27 {offsets = [2], sizes = [1], strides = [1]} : vector<16xf32> to vector<1xf32>
        %parallel_loop3A_1303 = vector.extract %parallel_loop3A_1302[0] : f32 from vector<1xf32>
        %parallel_loop3A_1304 = vector.broadcast %parallel_loop3A_1303 : f32 to vector<16xf32>
        %parallel_loop3A_1305 = arith.addf %parallel_loop3A_1301, %parallel_loop3A_1304 : vector<16xf32>
        %parallel_loop3A_1306 = arith.select %parallel_loop3A_1297, %parallel_loop3A_1305, %broadcast_in_dim3A_4 : vector<16xi1>, vector<16xf32>
        %parallel_loop3A_1307 = arith.cmpf ogt, %parallel_loop3A_1306, %parallel_loop3A_1288 : vector<16xf32>
        %parallel_loop3A_1308 = arith.constant 2 : i32
        %parallel_loop3A_1309 = vector.broadcast %parallel_loop3A_1308 : i32 to vector<16xi32>
        %parallel_loop3A_1310 = arith.select %parallel_loop3A_1307, %parallel_loop3A_1309, %parallel_loop3A_1287 : vector<16xi1>, vector<16xi32>
        %parallel_loop3A_1311 = arith.maximumf %parallel_loop3A_1288, %parallel_loop3A_1306 : vector<16xf32>
        %parallel_loop3A_1312 = arith.constant 3 : i32
        %parallel_loop3A_1313 = vector.broadcast %parallel_loop3A_1312 : i32 to vector<16xi32>
        %parallel_loop3A_1314 = arith.shrsi %parallel_loop3A_1240, %parallel_loop3A_1313 : vector<16xi32>
        %parallel_loop3A_1315 = arith.constant 1 : i32
        %parallel_loop3A_1316 = vector.broadcast %parallel_loop3A_1315 : i32 to vector<16xi32>
        %parallel_loop3A_1317 = arith.andi %parallel_loop3A_1314, %parallel_loop3A_1316 : vector<16xi32>
        %parallel_loop3A_1318 = arith.constant 1 : i32
        %parallel_loop3A_1319 = vector.broadcast %parallel_loop3A_1318 : i32 to vector<16xi32>
        %parallel_loop3A_1320 = arith.cmpi eq, %parallel_loop3A_1317, %parallel_loop3A_1319 : vector<16xi32>
        %parallel_loop3A_1321 = arith.constant 8 : i32
        %parallel_loop3A_1322 = vector.broadcast %parallel_loop3A_1321 : i32 to vector<16xi32>
        %parallel_loop3A_1323 = arith.subi %parallel_loop3A_1240, %parallel_loop3A_1322 : vector<16xi32>
        %parallel_loop3A_1324 = tpu.vector_load_idx %arg13[%parallel_loop3A_1323] masked %parallel_loop3A_1320 : memref<512xf32, #tpu.memory_space<vmem>>[vector<16xi32>], vector<16xf32>, vector<16xi1>
        %parallel_loop3A_1325 = vector.extract_strided_slice %get3A_27 {offsets = [3], sizes = [1], strides = [1]} : vector<16xf32> to vector<1xf32>
        %parallel_loop3A_1326 = vector.extract %parallel_loop3A_1325[0] : f32 from vector<1xf32>
        %parallel_loop3A_1327 = vector.broadcast %parallel_loop3A_1326 : f32 to vector<16xf32>
        %parallel_loop3A_1328 = arith.addf %parallel_loop3A_1324, %parallel_loop3A_1327 : vector<16xf32>
        %parallel_loop3A_1329 = arith.select %parallel_loop3A_1320, %parallel_loop3A_1328, %broadcast_in_dim3A_4 : vector<16xi1>, vector<16xf32>
        %parallel_loop3A_1330 = arith.cmpf ogt, %parallel_loop3A_1329, %parallel_loop3A_1311 : vector<16xf32>
        %parallel_loop3A_1331 = arith.constant 3 : i32
        %parallel_loop3A_1332 = vector.broadcast %parallel_loop3A_1331 : i32 to vector<16xi32>
        %parallel_loop3A_1333 = arith.select %parallel_loop3A_1330, %parallel_loop3A_1332, %parallel_loop3A_1310 : vector<16xi1>, vector<16xi32>
        %parallel_loop3A_1334 = arith.maximumf %parallel_loop3A_1311, %parallel_loop3A_1329 : vector<16xf32>
        %parallel_loop3A_1335 = arith.constant 4 : i32
        %parallel_loop3A_1336 = vector.broadcast %parallel_loop3A_1335 : i32 to vector<16xi32>
        %parallel_loop3A_1337 = arith.shrsi %parallel_loop3A_1240, %parallel_loop3A_1336 : vector<16xi32>
        %parallel_loop3A_1338 = arith.constant 1 : i32
        %parallel_loop3A_1339 = vector.broadcast %parallel_loop3A_1338 : i32 to vector<16xi32>
        %parallel_loop3A_1340 = arith.andi %parallel_loop3A_1337, %parallel_loop3A_1339 : vector<16xi32>
        %parallel_loop3A_1341 = arith.constant 1 : i32
        %parallel_loop3A_1342 = vector.broadcast %parallel_loop3A_1341 : i32 to vector<16xi32>
        %parallel_loop3A_1343 = arith.cmpi eq, %parallel_loop3A_1340, %parallel_loop3A_1342 : vector<16xi32>
        %parallel_loop3A_1344 = arith.constant 16 : i32
        %parallel_loop3A_1345 = vector.broadcast %parallel_loop3A_1344 : i32 to vector<16xi32>
        %parallel_loop3A_1346 = arith.subi %parallel_loop3A_1240, %parallel_loop3A_1345 : vector<16xi32>
        %parallel_loop3A_1347 = tpu.vector_load_idx %arg13[%parallel_loop3A_1346] masked %parallel_loop3A_1343 : memref<512xf32, #tpu.memory_space<vmem>>[vector<16xi32>], vector<16xf32>, vector<16xi1>
        %parallel_loop3A_1348 = vector.extract_strided_slice %get3A_27 {offsets = [4], sizes = [1], strides = [1]} : vector<16xf32> to vector<1xf32>
        %parallel_loop3A_1349 = vector.extract %parallel_loop3A_1348[0] : f32 from vector<1xf32>
        %parallel_loop3A_1350 = vector.broadcast %parallel_loop3A_1349 : f32 to vector<16xf32>
        %parallel_loop3A_1351 = arith.addf %parallel_loop3A_1347, %parallel_loop3A_1350 : vector<16xf32>
        %parallel_loop3A_1352 = arith.select %parallel_loop3A_1343, %parallel_loop3A_1351, %broadcast_in_dim3A_4 : vector<16xi1>, vector<16xf32>
        %parallel_loop3A_1353 = arith.cmpf ogt, %parallel_loop3A_1352, %parallel_loop3A_1334 : vector<16xf32>
        %parallel_loop3A_1354 = arith.constant 4 : i32
        %parallel_loop3A_1355 = vector.broadcast %parallel_loop3A_1354 : i32 to vector<16xi32>
        %parallel_loop3A_1356 = arith.select %parallel_loop3A_1353, %parallel_loop3A_1355, %parallel_loop3A_1333 : vector<16xi1>, vector<16xi32>
        %parallel_loop3A_1357 = arith.maximumf %parallel_loop3A_1334, %parallel_loop3A_1352 : vector<16xf32>
        %parallel_loop3A_1358 = arith.constant 5 : i32
        %parallel_loop3A_1359 = vector.broadcast %parallel_loop3A_1358 : i32 to vector<16xi32>
        %parallel_loop3A_1360 = arith.shrsi %parallel_loop3A_1240, %parallel_loop3A_1359 : vector<16xi32>
        %parallel_loop3A_1361 = arith.constant 1 : i32
        %parallel_loop3A_1362 = vector.broadcast %parallel_loop3A_1361 : i32 to vector<16xi32>
        %parallel_loop3A_1363 = arith.andi %parallel_loop3A_1360, %parallel_loop3A_1362 : vector<16xi32>
        %parallel_loop3A_1364 = arith.constant 1 : i32
        %parallel_loop3A_1365 = vector.broadcast %parallel_loop3A_1364 : i32 to vector<16xi32>
        %parallel_loop3A_1366 = arith.cmpi eq, %parallel_loop3A_1363, %parallel_loop3A_1365 : vector<16xi32>
        %parallel_loop3A_1367 = arith.constant 32 : i32
        %parallel_loop3A_1368 = vector.broadcast %parallel_loop3A_1367 : i32 to vector<16xi32>
        %parallel_loop3A_1369 = arith.subi %parallel_loop3A_1240, %parallel_loop3A_1368 : vector<16xi32>
        %parallel_loop3A_1370 = tpu.vector_load_idx %arg13[%parallel_loop3A_1369] masked %parallel_loop3A_1366 : memref<512xf32, #tpu.memory_space<vmem>>[vector<16xi32>], vector<16xf32>, vector<16xi1>
        %parallel_loop3A_1371 = vector.extract_strided_slice %get3A_27 {offsets = [5], sizes = [1], strides = [1]} : vector<16xf32> to vector<1xf32>
        %parallel_loop3A_1372 = vector.extract %parallel_loop3A_1371[0] : f32 from vector<1xf32>
        %parallel_loop3A_1373 = vector.broadcast %parallel_loop3A_1372 : f32 to vector<16xf32>
        %parallel_loop3A_1374 = arith.addf %parallel_loop3A_1370, %parallel_loop3A_1373 : vector<16xf32>
        %parallel_loop3A_1375 = arith.select %parallel_loop3A_1366, %parallel_loop3A_1374, %broadcast_in_dim3A_4 : vector<16xi1>, vector<16xf32>
        %parallel_loop3A_1376 = arith.cmpf ogt, %parallel_loop3A_1375, %parallel_loop3A_1357 : vector<16xf32>
        %parallel_loop3A_1377 = arith.constant 5 : i32
        %parallel_loop3A_1378 = vector.broadcast %parallel_loop3A_1377 : i32 to vector<16xi32>
        %parallel_loop3A_1379 = arith.select %parallel_loop3A_1376, %parallel_loop3A_1378, %parallel_loop3A_1356 : vector<16xi1>, vector<16xi32>
        %parallel_loop3A_1380 = arith.maximumf %parallel_loop3A_1357, %parallel_loop3A_1375 : vector<16xf32>
        %parallel_loop3A_1381 = arith.constant 6 : i32
        %parallel_loop3A_1382 = vector.broadcast %parallel_loop3A_1381 : i32 to vector<16xi32>
        %parallel_loop3A_1383 = arith.shrsi %parallel_loop3A_1240, %parallel_loop3A_1382 : vector<16xi32>
        %parallel_loop3A_1384 = arith.constant 1 : i32
        %parallel_loop3A_1385 = vector.broadcast %parallel_loop3A_1384 : i32 to vector<16xi32>
        %parallel_loop3A_1386 = arith.andi %parallel_loop3A_1383, %parallel_loop3A_1385 : vector<16xi32>
        %parallel_loop3A_1387 = arith.constant 1 : i32
        %parallel_loop3A_1388 = vector.broadcast %parallel_loop3A_1387 : i32 to vector<16xi32>
        %parallel_loop3A_1389 = arith.cmpi eq, %parallel_loop3A_1386, %parallel_loop3A_1388 : vector<16xi32>
        %parallel_loop3A_1390 = arith.constant 64 : i32
        %parallel_loop3A_1391 = vector.broadcast %parallel_loop3A_1390 : i32 to vector<16xi32>
        %parallel_loop3A_1392 = arith.subi %parallel_loop3A_1240, %parallel_loop3A_1391 : vector<16xi32>
        %parallel_loop3A_1393 = tpu.vector_load_idx %arg13[%parallel_loop3A_1392] masked %parallel_loop3A_1389 : memref<512xf32, #tpu.memory_space<vmem>>[vector<16xi32>], vector<16xf32>, vector<16xi1>
        %parallel_loop3A_1394 = vector.extract_strided_slice %get3A_27 {offsets = [6], sizes = [1], strides = [1]} : vector<16xf32> to vector<1xf32>
        %parallel_loop3A_1395 = vector.extract %parallel_loop3A_1394[0] : f32 from vector<1xf32>
        %parallel_loop3A_1396 = vector.broadcast %parallel_loop3A_1395 : f32 to vector<16xf32>
        %parallel_loop3A_1397 = arith.addf %parallel_loop3A_1393, %parallel_loop3A_1396 : vector<16xf32>
        %parallel_loop3A_1398 = arith.select %parallel_loop3A_1389, %parallel_loop3A_1397, %broadcast_in_dim3A_4 : vector<16xi1>, vector<16xf32>
        %parallel_loop3A_1399 = arith.cmpf ogt, %parallel_loop3A_1398, %parallel_loop3A_1380 : vector<16xf32>
        %parallel_loop3A_1400 = arith.constant 6 : i32
        %parallel_loop3A_1401 = vector.broadcast %parallel_loop3A_1400 : i32 to vector<16xi32>
        %parallel_loop3A_1402 = arith.select %parallel_loop3A_1399, %parallel_loop3A_1401, %parallel_loop3A_1379 : vector<16xi1>, vector<16xi32>
        %parallel_loop3A_1403 = arith.maximumf %parallel_loop3A_1380, %parallel_loop3A_1398 : vector<16xf32>
        %parallel_loop3A_1404 = arith.constant 7 : i32
        %parallel_loop3A_1405 = vector.broadcast %parallel_loop3A_1404 : i32 to vector<16xi32>
        %parallel_loop3A_1406 = arith.shrsi %parallel_loop3A_1240, %parallel_loop3A_1405 : vector<16xi32>
        %parallel_loop3A_1407 = arith.constant 1 : i32
        %parallel_loop3A_1408 = vector.broadcast %parallel_loop3A_1407 : i32 to vector<16xi32>
        %parallel_loop3A_1409 = arith.andi %parallel_loop3A_1406, %parallel_loop3A_1408 : vector<16xi32>
        %parallel_loop3A_1410 = arith.constant 1 : i32
        %parallel_loop3A_1411 = vector.broadcast %parallel_loop3A_1410 : i32 to vector<16xi32>
        %parallel_loop3A_1412 = arith.cmpi eq, %parallel_loop3A_1409, %parallel_loop3A_1411 : vector<16xi32>
        %parallel_loop3A_1413 = arith.constant 128 : i32
        %parallel_loop3A_1414 = vector.broadcast %parallel_loop3A_1413 : i32 to vector<16xi32>
        %parallel_loop3A_1415 = arith.subi %parallel_loop3A_1240, %parallel_loop3A_1414 : vector<16xi32>
        %parallel_loop3A_1416 = tpu.vector_load_idx %arg13[%parallel_loop3A_1415] masked %parallel_loop3A_1412 : memref<512xf32, #tpu.memory_space<vmem>>[vector<16xi32>], vector<16xf32>, vector<16xi1>
        %parallel_loop3A_1417 = vector.extract_strided_slice %get3A_27 {offsets = [7], sizes = [1], strides = [1]} : vector<16xf32> to vector<1xf32>
        %parallel_loop3A_1418 = vector.extract %parallel_loop3A_1417[0] : f32 from vector<1xf32>
        %parallel_loop3A_1419 = vector.broadcast %parallel_loop3A_1418 : f32 to vector<16xf32>
        %parallel_loop3A_1420 = arith.addf %parallel_loop3A_1416, %parallel_loop3A_1419 : vector<16xf32>
        %parallel_loop3A_1421 = arith.select %parallel_loop3A_1412, %parallel_loop3A_1420, %broadcast_in_dim3A_4 : vector<16xi1>, vector<16xf32>
        %parallel_loop3A_1422 = arith.cmpf ogt, %parallel_loop3A_1421, %parallel_loop3A_1403 : vector<16xf32>
        %parallel_loop3A_1423 = arith.constant 7 : i32
        %parallel_loop3A_1424 = vector.broadcast %parallel_loop3A_1423 : i32 to vector<16xi32>
        %parallel_loop3A_1425 = arith.select %parallel_loop3A_1422, %parallel_loop3A_1424, %parallel_loop3A_1402 : vector<16xi1>, vector<16xi32>
        %parallel_loop3A_1426 = arith.maximumf %parallel_loop3A_1403, %parallel_loop3A_1421 : vector<16xf32>
        %parallel_loop3A_1427 = arith.constant 8 : i32
        %parallel_loop3A_1428 = vector.broadcast %parallel_loop3A_1427 : i32 to vector<16xi32>
        %parallel_loop3A_1429 = arith.shrsi %parallel_loop3A_1240, %parallel_loop3A_1428 : vector<16xi32>
        %parallel_loop3A_1430 = arith.constant 1 : i32
        %parallel_loop3A_1431 = vector.broadcast %parallel_loop3A_1430 : i32 to vector<16xi32>
        %parallel_loop3A_1432 = arith.andi %parallel_loop3A_1429, %parallel_loop3A_1431 : vector<16xi32>
        %parallel_loop3A_1433 = arith.constant 1 : i32
        %parallel_loop3A_1434 = vector.broadcast %parallel_loop3A_1433 : i32 to vector<16xi32>
        %parallel_loop3A_1435 = arith.cmpi eq, %parallel_loop3A_1432, %parallel_loop3A_1434 : vector<16xi32>
        %parallel_loop3A_1436 = arith.constant 256 : i32
        %parallel_loop3A_1437 = vector.broadcast %parallel_loop3A_1436 : i32 to vector<16xi32>
        %parallel_loop3A_1438 = arith.subi %parallel_loop3A_1240, %parallel_loop3A_1437 : vector<16xi32>
        %parallel_loop3A_1439 = tpu.vector_load_idx %arg13[%parallel_loop3A_1438] masked %parallel_loop3A_1435 : memref<512xf32, #tpu.memory_space<vmem>>[vector<16xi32>], vector<16xf32>, vector<16xi1>
        %parallel_loop3A_1440 = vector.extract_strided_slice %get3A_27 {offsets = [8], sizes = [1], strides = [1]} : vector<16xf32> to vector<1xf32>
        %parallel_loop3A_1441 = vector.extract %parallel_loop3A_1440[0] : f32 from vector<1xf32>
        %parallel_loop3A_1442 = vector.broadcast %parallel_loop3A_1441 : f32 to vector<16xf32>
        %parallel_loop3A_1443 = arith.addf %parallel_loop3A_1439, %parallel_loop3A_1442 : vector<16xf32>
        %parallel_loop3A_1444 = arith.select %parallel_loop3A_1435, %parallel_loop3A_1443, %broadcast_in_dim3A_4 : vector<16xi1>, vector<16xf32>
        %parallel_loop3A_1445 = arith.cmpf ogt, %parallel_loop3A_1444, %parallel_loop3A_1426 : vector<16xf32>
        %parallel_loop3A_1446 = arith.constant 8 : i32
        %parallel_loop3A_1447 = vector.broadcast %parallel_loop3A_1446 : i32 to vector<16xi32>
        %parallel_loop3A_1448 = arith.select %parallel_loop3A_1445, %parallel_loop3A_1447, %parallel_loop3A_1425 : vector<16xi1>, vector<16xi32>
        %parallel_loop3A_1449 = arith.maximumf %parallel_loop3A_1426, %parallel_loop3A_1444 : vector<16xf32>
        %parallel_loop3A_1450 = arith.index_cast %parallel_loop3A_1238 : i32 to index
        %parallel_loop3A_1451 = tpu.vector_load %arg14[%parallel_loop3A_1450] {strides = array<i32>} : memref<512xf32, #tpu.memory_space<vmem>>, vector<16xf32>,
        tpu.vector_store %arg14[%parallel_loop3A_1450], %parallel_loop3A_1449 {strides = array<i32>} : memref<512xf32, #tpu.memory_space<vmem>>, vector<16xf32>,
        %parallel_loop3A_1452 = arith.constant 3072 : i32
        %parallel_loop3A_1453 = arith.addi %parallel_loop3A_1452, %parallel_loop3A_1238 : i32
        %parallel_loop3A_1454 = arith.index_cast %parallel_loop3A_1453 : i32 to index
        %parallel_loop3A_1455 = tpu.vector_load %arg15[%parallel_loop3A_1454] {strides = array<i32>} : memref<4608xi32, #tpu.memory_space<vmem>>, vector<16xi32>,
        tpu.vector_store %arg15[%parallel_loop3A_1454], %parallel_loop3A_1448 {strides = array<i32>} : memref<4608xi32, #tpu.memory_space<vmem>>, vector<16xi32>,
      } {sc.loop_unroll_factor = 4 : i64, sc.parallel_access}
      %get3A_31 = arith.constant 5 : i32
      %get3A_32 = arith.index_cast %get3A_31 : i32 to index
      %get3A_33 = arith.constant 0 : index
      %get3A_34 = tpu.vector_load %arg8[%get3A_32, %get3A_33] {strides = array<i32>} : memref<9x16xf32, #tpu.memory_space<vmem>>, vector<16xf32>,
      %parallel_loop3A_35 = arith.constant 0 : i32
      %parallel_loop3A_36 = arith.constant 32 : i32
      %parallel_loop3A_37 = arith.constant 1 : i32
      scf.for %parallel_loop3A_1236 = %parallel_loop3A_35 to %parallel_loop3A_36 step %parallel_loop3A_37  : i32 {
        %parallel_loop3A_1237 = arith.constant 16 : i32
        %parallel_loop3A_1238 = arith.muli %parallel_loop3A_1236, %parallel_loop3A_1237 : i32
        %parallel_loop3A_1239 = vector.broadcast %parallel_loop3A_1238 : i32 to vector<16xi32>
        %parallel_loop3A_1240 = arith.addi %parallel_loop3A_1239, %iota3A : vector<16xi32>
        %parallel_loop3A_1241 = arith.constant 0 : i32
        %parallel_loop3A_1242 = vector.broadcast %parallel_loop3A_1241 : i32 to vector<16xi32>
        %parallel_loop3A_1243 = arith.constant 0 : i32
        %parallel_loop3A_1244 = vector.broadcast %parallel_loop3A_1243 : i32 to vector<16xi32>
        %parallel_loop3A_1245 = arith.shrsi %parallel_loop3A_1240, %parallel_loop3A_1244 : vector<16xi32>
        %parallel_loop3A_1246 = arith.constant 1 : i32
        %parallel_loop3A_1247 = vector.broadcast %parallel_loop3A_1246 : i32 to vector<16xi32>
        %parallel_loop3A_1248 = arith.andi %parallel_loop3A_1245, %parallel_loop3A_1247 : vector<16xi32>
        %parallel_loop3A_1249 = arith.constant 1 : i32
        %parallel_loop3A_1250 = vector.broadcast %parallel_loop3A_1249 : i32 to vector<16xi32>
        %parallel_loop3A_1251 = arith.cmpi eq, %parallel_loop3A_1248, %parallel_loop3A_1250 : vector<16xi32>
        %parallel_loop3A_1252 = arith.constant 1 : i32
        %parallel_loop3A_1253 = vector.broadcast %parallel_loop3A_1252 : i32 to vector<16xi32>
        %parallel_loop3A_1254 = arith.subi %parallel_loop3A_1240, %parallel_loop3A_1253 : vector<16xi32>
        %parallel_loop3A_1255 = tpu.vector_load_idx %arg14[%parallel_loop3A_1254] masked %parallel_loop3A_1251 : memref<512xf32, #tpu.memory_space<vmem>>[vector<16xi32>], vector<16xf32>, vector<16xi1>
        %parallel_loop3A_1256 = vector.extract_strided_slice %get3A_34 {offsets = [0], sizes = [1], strides = [1]} : vector<16xf32> to vector<1xf32>
        %parallel_loop3A_1257 = vector.extract %parallel_loop3A_1256[0] : f32 from vector<1xf32>
        %parallel_loop3A_1258 = vector.broadcast %parallel_loop3A_1257 : f32 to vector<16xf32>
        %parallel_loop3A_1259 = arith.addf %parallel_loop3A_1255, %parallel_loop3A_1258 : vector<16xf32>
        %parallel_loop3A_1260 = arith.select %parallel_loop3A_1251, %parallel_loop3A_1259, %broadcast_in_dim3A_4 : vector<16xi1>, vector<16xf32>
        %parallel_loop3A_1261 = arith.cmpf ogt, %parallel_loop3A_1260, %broadcast_in_dim3A_4 : vector<16xf32>
        %parallel_loop3A_1262 = arith.constant 0 : i32
        %parallel_loop3A_1263 = vector.broadcast %parallel_loop3A_1262 : i32 to vector<16xi32>
        %parallel_loop3A_1264 = arith.select %parallel_loop3A_1261, %parallel_loop3A_1263, %parallel_loop3A_1242 : vector<16xi1>, vector<16xi32>
        %parallel_loop3A_1265 = arith.maximumf %broadcast_in_dim3A_4, %parallel_loop3A_1260 : vector<16xf32>
        %parallel_loop3A_1266 = arith.constant 1 : i32
        %parallel_loop3A_1267 = vector.broadcast %parallel_loop3A_1266 : i32 to vector<16xi32>
        %parallel_loop3A_1268 = arith.shrsi %parallel_loop3A_1240, %parallel_loop3A_1267 : vector<16xi32>
        %parallel_loop3A_1269 = arith.constant 1 : i32
        %parallel_loop3A_1270 = vector.broadcast %parallel_loop3A_1269 : i32 to vector<16xi32>
        %parallel_loop3A_1271 = arith.andi %parallel_loop3A_1268, %parallel_loop3A_1270 : vector<16xi32>
        %parallel_loop3A_1272 = arith.constant 1 : i32
        %parallel_loop3A_1273 = vector.broadcast %parallel_loop3A_1272 : i32 to vector<16xi32>
        %parallel_loop3A_1274 = arith.cmpi eq, %parallel_loop3A_1271, %parallel_loop3A_1273 : vector<16xi32>
        %parallel_loop3A_1275 = arith.constant 2 : i32
        %parallel_loop3A_1276 = vector.broadcast %parallel_loop3A_1275 : i32 to vector<16xi32>
        %parallel_loop3A_1277 = arith.subi %parallel_loop3A_1240, %parallel_loop3A_1276 : vector<16xi32>
        %parallel_loop3A_1278 = tpu.vector_load_idx %arg14[%parallel_loop3A_1277] masked %parallel_loop3A_1274 : memref<512xf32, #tpu.memory_space<vmem>>[vector<16xi32>], vector<16xf32>, vector<16xi1>
        %parallel_loop3A_1279 = vector.extract_strided_slice %get3A_34 {offsets = [1], sizes = [1], strides = [1]} : vector<16xf32> to vector<1xf32>
        %parallel_loop3A_1280 = vector.extract %parallel_loop3A_1279[0] : f32 from vector<1xf32>
        %parallel_loop3A_1281 = vector.broadcast %parallel_loop3A_1280 : f32 to vector<16xf32>
        %parallel_loop3A_1282 = arith.addf %parallel_loop3A_1278, %parallel_loop3A_1281 : vector<16xf32>
        %parallel_loop3A_1283 = arith.select %parallel_loop3A_1274, %parallel_loop3A_1282, %broadcast_in_dim3A_4 : vector<16xi1>, vector<16xf32>
        %parallel_loop3A_1284 = arith.cmpf ogt, %parallel_loop3A_1283, %parallel_loop3A_1265 : vector<16xf32>
        %parallel_loop3A_1285 = arith.constant 1 : i32
        %parallel_loop3A_1286 = vector.broadcast %parallel_loop3A_1285 : i32 to vector<16xi32>
        %parallel_loop3A_1287 = arith.select %parallel_loop3A_1284, %parallel_loop3A_1286, %parallel_loop3A_1264 : vector<16xi1>, vector<16xi32>
        %parallel_loop3A_1288 = arith.maximumf %parallel_loop3A_1265, %parallel_loop3A_1283 : vector<16xf32>
        %parallel_loop3A_1289 = arith.constant 2 : i32
        %parallel_loop3A_1290 = vector.broadcast %parallel_loop3A_1289 : i32 to vector<16xi32>
        %parallel_loop3A_1291 = arith.shrsi %parallel_loop3A_1240, %parallel_loop3A_1290 : vector<16xi32>
        %parallel_loop3A_1292 = arith.constant 1 : i32
        %parallel_loop3A_1293 = vector.broadcast %parallel_loop3A_1292 : i32 to vector<16xi32>
        %parallel_loop3A_1294 = arith.andi %parallel_loop3A_1291, %parallel_loop3A_1293 : vector<16xi32>
        %parallel_loop3A_1295 = arith.constant 1 : i32
        %parallel_loop3A_1296 = vector.broadcast %parallel_loop3A_1295 : i32 to vector<16xi32>
        %parallel_loop3A_1297 = arith.cmpi eq, %parallel_loop3A_1294, %parallel_loop3A_1296 : vector<16xi32>
        %parallel_loop3A_1298 = arith.constant 4 : i32
        %parallel_loop3A_1299 = vector.broadcast %parallel_loop3A_1298 : i32 to vector<16xi32>
        %parallel_loop3A_1300 = arith.subi %parallel_loop3A_1240, %parallel_loop3A_1299 : vector<16xi32>
        %parallel_loop3A_1301 = tpu.vector_load_idx %arg14[%parallel_loop3A_1300] masked %parallel_loop3A_1297 : memref<512xf32, #tpu.memory_space<vmem>>[vector<16xi32>], vector<16xf32>, vector<16xi1>
        %parallel_loop3A_1302 = vector.extract_strided_slice %get3A_34 {offsets = [2], sizes = [1], strides = [1]} : vector<16xf32> to vector<1xf32>
        %parallel_loop3A_1303 = vector.extract %parallel_loop3A_1302[0] : f32 from vector<1xf32>
        %parallel_loop3A_1304 = vector.broadcast %parallel_loop3A_1303 : f32 to vector<16xf32>
        %parallel_loop3A_1305 = arith.addf %parallel_loop3A_1301, %parallel_loop3A_1304 : vector<16xf32>
        %parallel_loop3A_1306 = arith.select %parallel_loop3A_1297, %parallel_loop3A_1305, %broadcast_in_dim3A_4 : vector<16xi1>, vector<16xf32>
        %parallel_loop3A_1307 = arith.cmpf ogt, %parallel_loop3A_1306, %parallel_loop3A_1288 : vector<16xf32>
        %parallel_loop3A_1308 = arith.constant 2 : i32
        %parallel_loop3A_1309 = vector.broadcast %parallel_loop3A_1308 : i32 to vector<16xi32>
        %parallel_loop3A_1310 = arith.select %parallel_loop3A_1307, %parallel_loop3A_1309, %parallel_loop3A_1287 : vector<16xi1>, vector<16xi32>
        %parallel_loop3A_1311 = arith.maximumf %parallel_loop3A_1288, %parallel_loop3A_1306 : vector<16xf32>
        %parallel_loop3A_1312 = arith.constant 3 : i32
        %parallel_loop3A_1313 = vector.broadcast %parallel_loop3A_1312 : i32 to vector<16xi32>
        %parallel_loop3A_1314 = arith.shrsi %parallel_loop3A_1240, %parallel_loop3A_1313 : vector<16xi32>
        %parallel_loop3A_1315 = arith.constant 1 : i32
        %parallel_loop3A_1316 = vector.broadcast %parallel_loop3A_1315 : i32 to vector<16xi32>
        %parallel_loop3A_1317 = arith.andi %parallel_loop3A_1314, %parallel_loop3A_1316 : vector<16xi32>
        %parallel_loop3A_1318 = arith.constant 1 : i32
        %parallel_loop3A_1319 = vector.broadcast %parallel_loop3A_1318 : i32 to vector<16xi32>
        %parallel_loop3A_1320 = arith.cmpi eq, %parallel_loop3A_1317, %parallel_loop3A_1319 : vector<16xi32>
        %parallel_loop3A_1321 = arith.constant 8 : i32
        %parallel_loop3A_1322 = vector.broadcast %parallel_loop3A_1321 : i32 to vector<16xi32>
        %parallel_loop3A_1323 = arith.subi %parallel_loop3A_1240, %parallel_loop3A_1322 : vector<16xi32>
        %parallel_loop3A_1324 = tpu.vector_load_idx %arg14[%parallel_loop3A_1323] masked %parallel_loop3A_1320 : memref<512xf32, #tpu.memory_space<vmem>>[vector<16xi32>], vector<16xf32>, vector<16xi1>
        %parallel_loop3A_1325 = vector.extract_strided_slice %get3A_34 {offsets = [3], sizes = [1], strides = [1]} : vector<16xf32> to vector<1xf32>
        %parallel_loop3A_1326 = vector.extract %parallel_loop3A_1325[0] : f32 from vector<1xf32>
        %parallel_loop3A_1327 = vector.broadcast %parallel_loop3A_1326 : f32 to vector<16xf32>
        %parallel_loop3A_1328 = arith.addf %parallel_loop3A_1324, %parallel_loop3A_1327 : vector<16xf32>
        %parallel_loop3A_1329 = arith.select %parallel_loop3A_1320, %parallel_loop3A_1328, %broadcast_in_dim3A_4 : vector<16xi1>, vector<16xf32>
        %parallel_loop3A_1330 = arith.cmpf ogt, %parallel_loop3A_1329, %parallel_loop3A_1311 : vector<16xf32>
        %parallel_loop3A_1331 = arith.constant 3 : i32
        %parallel_loop3A_1332 = vector.broadcast %parallel_loop3A_1331 : i32 to vector<16xi32>
        %parallel_loop3A_1333 = arith.select %parallel_loop3A_1330, %parallel_loop3A_1332, %parallel_loop3A_1310 : vector<16xi1>, vector<16xi32>
        %parallel_loop3A_1334 = arith.maximumf %parallel_loop3A_1311, %parallel_loop3A_1329 : vector<16xf32>
        %parallel_loop3A_1335 = arith.constant 4 : i32
        %parallel_loop3A_1336 = vector.broadcast %parallel_loop3A_1335 : i32 to vector<16xi32>
        %parallel_loop3A_1337 = arith.shrsi %parallel_loop3A_1240, %parallel_loop3A_1336 : vector<16xi32>
        %parallel_loop3A_1338 = arith.constant 1 : i32
        %parallel_loop3A_1339 = vector.broadcast %parallel_loop3A_1338 : i32 to vector<16xi32>
        %parallel_loop3A_1340 = arith.andi %parallel_loop3A_1337, %parallel_loop3A_1339 : vector<16xi32>
        %parallel_loop3A_1341 = arith.constant 1 : i32
        %parallel_loop3A_1342 = vector.broadcast %parallel_loop3A_1341 : i32 to vector<16xi32>
        %parallel_loop3A_1343 = arith.cmpi eq, %parallel_loop3A_1340, %parallel_loop3A_1342 : vector<16xi32>
        %parallel_loop3A_1344 = arith.constant 16 : i32
        %parallel_loop3A_1345 = vector.broadcast %parallel_loop3A_1344 : i32 to vector<16xi32>
        %parallel_loop3A_1346 = arith.subi %parallel_loop3A_1240, %parallel_loop3A_1345 : vector<16xi32>
        %parallel_loop3A_1347 = tpu.vector_load_idx %arg14[%parallel_loop3A_1346] masked %parallel_loop3A_1343 : memref<512xf32, #tpu.memory_space<vmem>>[vector<16xi32>], vector<16xf32>, vector<16xi1>
        %parallel_loop3A_1348 = vector.extract_strided_slice %get3A_34 {offsets = [4], sizes = [1], strides = [1]} : vector<16xf32> to vector<1xf32>
        %parallel_loop3A_1349 = vector.extract %parallel_loop3A_1348[0] : f32 from vector<1xf32>
        %parallel_loop3A_1350 = vector.broadcast %parallel_loop3A_1349 : f32 to vector<16xf32>
        %parallel_loop3A_1351 = arith.addf %parallel_loop3A_1347, %parallel_loop3A_1350 : vector<16xf32>
        %parallel_loop3A_1352 = arith.select %parallel_loop3A_1343, %parallel_loop3A_1351, %broadcast_in_dim3A_4 : vector<16xi1>, vector<16xf32>
        %parallel_loop3A_1353 = arith.cmpf ogt, %parallel_loop3A_1352, %parallel_loop3A_1334 : vector<16xf32>
        %parallel_loop3A_1354 = arith.constant 4 : i32
        %parallel_loop3A_1355 = vector.broadcast %parallel_loop3A_1354 : i32 to vector<16xi32>
        %parallel_loop3A_1356 = arith.select %parallel_loop3A_1353, %parallel_loop3A_1355, %parallel_loop3A_1333 : vector<16xi1>, vector<16xi32>
        %parallel_loop3A_1357 = arith.maximumf %parallel_loop3A_1334, %parallel_loop3A_1352 : vector<16xf32>
        %parallel_loop3A_1358 = arith.constant 5 : i32
        %parallel_loop3A_1359 = vector.broadcast %parallel_loop3A_1358 : i32 to vector<16xi32>
        %parallel_loop3A_1360 = arith.shrsi %parallel_loop3A_1240, %parallel_loop3A_1359 : vector<16xi32>
        %parallel_loop3A_1361 = arith.constant 1 : i32
        %parallel_loop3A_1362 = vector.broadcast %parallel_loop3A_1361 : i32 to vector<16xi32>
        %parallel_loop3A_1363 = arith.andi %parallel_loop3A_1360, %parallel_loop3A_1362 : vector<16xi32>
        %parallel_loop3A_1364 = arith.constant 1 : i32
        %parallel_loop3A_1365 = vector.broadcast %parallel_loop3A_1364 : i32 to vector<16xi32>
        %parallel_loop3A_1366 = arith.cmpi eq, %parallel_loop3A_1363, %parallel_loop3A_1365 : vector<16xi32>
        %parallel_loop3A_1367 = arith.constant 32 : i32
        %parallel_loop3A_1368 = vector.broadcast %parallel_loop3A_1367 : i32 to vector<16xi32>
        %parallel_loop3A_1369 = arith.subi %parallel_loop3A_1240, %parallel_loop3A_1368 : vector<16xi32>
        %parallel_loop3A_1370 = tpu.vector_load_idx %arg14[%parallel_loop3A_1369] masked %parallel_loop3A_1366 : memref<512xf32, #tpu.memory_space<vmem>>[vector<16xi32>], vector<16xf32>, vector<16xi1>
        %parallel_loop3A_1371 = vector.extract_strided_slice %get3A_34 {offsets = [5], sizes = [1], strides = [1]} : vector<16xf32> to vector<1xf32>
        %parallel_loop3A_1372 = vector.extract %parallel_loop3A_1371[0] : f32 from vector<1xf32>
        %parallel_loop3A_1373 = vector.broadcast %parallel_loop3A_1372 : f32 to vector<16xf32>
        %parallel_loop3A_1374 = arith.addf %parallel_loop3A_1370, %parallel_loop3A_1373 : vector<16xf32>
        %parallel_loop3A_1375 = arith.select %parallel_loop3A_1366, %parallel_loop3A_1374, %broadcast_in_dim3A_4 : vector<16xi1>, vector<16xf32>
        %parallel_loop3A_1376 = arith.cmpf ogt, %parallel_loop3A_1375, %parallel_loop3A_1357 : vector<16xf32>
        %parallel_loop3A_1377 = arith.constant 5 : i32
        %parallel_loop3A_1378 = vector.broadcast %parallel_loop3A_1377 : i32 to vector<16xi32>
        %parallel_loop3A_1379 = arith.select %parallel_loop3A_1376, %parallel_loop3A_1378, %parallel_loop3A_1356 : vector<16xi1>, vector<16xi32>
        %parallel_loop3A_1380 = arith.maximumf %parallel_loop3A_1357, %parallel_loop3A_1375 : vector<16xf32>
        %parallel_loop3A_1381 = arith.constant 6 : i32
        %parallel_loop3A_1382 = vector.broadcast %parallel_loop3A_1381 : i32 to vector<16xi32>
        %parallel_loop3A_1383 = arith.shrsi %parallel_loop3A_1240, %parallel_loop3A_1382 : vector<16xi32>
        %parallel_loop3A_1384 = arith.constant 1 : i32
        %parallel_loop3A_1385 = vector.broadcast %parallel_loop3A_1384 : i32 to vector<16xi32>
        %parallel_loop3A_1386 = arith.andi %parallel_loop3A_1383, %parallel_loop3A_1385 : vector<16xi32>
        %parallel_loop3A_1387 = arith.constant 1 : i32
        %parallel_loop3A_1388 = vector.broadcast %parallel_loop3A_1387 : i32 to vector<16xi32>
        %parallel_loop3A_1389 = arith.cmpi eq, %parallel_loop3A_1386, %parallel_loop3A_1388 : vector<16xi32>
        %parallel_loop3A_1390 = arith.constant 64 : i32
        %parallel_loop3A_1391 = vector.broadcast %parallel_loop3A_1390 : i32 to vector<16xi32>
        %parallel_loop3A_1392 = arith.subi %parallel_loop3A_1240, %parallel_loop3A_1391 : vector<16xi32>
        %parallel_loop3A_1393 = tpu.vector_load_idx %arg14[%parallel_loop3A_1392] masked %parallel_loop3A_1389 : memref<512xf32, #tpu.memory_space<vmem>>[vector<16xi32>], vector<16xf32>, vector<16xi1>
        %parallel_loop3A_1394 = vector.extract_strided_slice %get3A_34 {offsets = [6], sizes = [1], strides = [1]} : vector<16xf32> to vector<1xf32>
        %parallel_loop3A_1395 = vector.extract %parallel_loop3A_1394[0] : f32 from vector<1xf32>
        %parallel_loop3A_1396 = vector.broadcast %parallel_loop3A_1395 : f32 to vector<16xf32>
        %parallel_loop3A_1397 = arith.addf %parallel_loop3A_1393, %parallel_loop3A_1396 : vector<16xf32>
        %parallel_loop3A_1398 = arith.select %parallel_loop3A_1389, %parallel_loop3A_1397, %broadcast_in_dim3A_4 : vector<16xi1>, vector<16xf32>
        %parallel_loop3A_1399 = arith.cmpf ogt, %parallel_loop3A_1398, %parallel_loop3A_1380 : vector<16xf32>
        %parallel_loop3A_1400 = arith.constant 6 : i32
        %parallel_loop3A_1401 = vector.broadcast %parallel_loop3A_1400 : i32 to vector<16xi32>
        %parallel_loop3A_1402 = arith.select %parallel_loop3A_1399, %parallel_loop3A_1401, %parallel_loop3A_1379 : vector<16xi1>, vector<16xi32>
        %parallel_loop3A_1403 = arith.maximumf %parallel_loop3A_1380, %parallel_loop3A_1398 : vector<16xf32>
        %parallel_loop3A_1404 = arith.constant 7 : i32
        %parallel_loop3A_1405 = vector.broadcast %parallel_loop3A_1404 : i32 to vector<16xi32>
        %parallel_loop3A_1406 = arith.shrsi %parallel_loop3A_1240, %parallel_loop3A_1405 : vector<16xi32>
        %parallel_loop3A_1407 = arith.constant 1 : i32
        %parallel_loop3A_1408 = vector.broadcast %parallel_loop3A_1407 : i32 to vector<16xi32>
        %parallel_loop3A_1409 = arith.andi %parallel_loop3A_1406, %parallel_loop3A_1408 : vector<16xi32>
        %parallel_loop3A_1410 = arith.constant 1 : i32
        %parallel_loop3A_1411 = vector.broadcast %parallel_loop3A_1410 : i32 to vector<16xi32>
        %parallel_loop3A_1412 = arith.cmpi eq, %parallel_loop3A_1409, %parallel_loop3A_1411 : vector<16xi32>
        %parallel_loop3A_1413 = arith.constant 128 : i32
        %parallel_loop3A_1414 = vector.broadcast %parallel_loop3A_1413 : i32 to vector<16xi32>
        %parallel_loop3A_1415 = arith.subi %parallel_loop3A_1240, %parallel_loop3A_1414 : vector<16xi32>
        %parallel_loop3A_1416 = tpu.vector_load_idx %arg14[%parallel_loop3A_1415] masked %parallel_loop3A_1412 : memref<512xf32, #tpu.memory_space<vmem>>[vector<16xi32>], vector<16xf32>, vector<16xi1>
        %parallel_loop3A_1417 = vector.extract_strided_slice %get3A_34 {offsets = [7], sizes = [1], strides = [1]} : vector<16xf32> to vector<1xf32>
        %parallel_loop3A_1418 = vector.extract %parallel_loop3A_1417[0] : f32 from vector<1xf32>
        %parallel_loop3A_1419 = vector.broadcast %parallel_loop3A_1418 : f32 to vector<16xf32>
        %parallel_loop3A_1420 = arith.addf %parallel_loop3A_1416, %parallel_loop3A_1419 : vector<16xf32>
        %parallel_loop3A_1421 = arith.select %parallel_loop3A_1412, %parallel_loop3A_1420, %broadcast_in_dim3A_4 : vector<16xi1>, vector<16xf32>
        %parallel_loop3A_1422 = arith.cmpf ogt, %parallel_loop3A_1421, %parallel_loop3A_1403 : vector<16xf32>
        %parallel_loop3A_1423 = arith.constant 7 : i32
        %parallel_loop3A_1424 = vector.broadcast %parallel_loop3A_1423 : i32 to vector<16xi32>
        %parallel_loop3A_1425 = arith.select %parallel_loop3A_1422, %parallel_loop3A_1424, %parallel_loop3A_1402 : vector<16xi1>, vector<16xi32>
        %parallel_loop3A_1426 = arith.maximumf %parallel_loop3A_1403, %parallel_loop3A_1421 : vector<16xf32>
        %parallel_loop3A_1427 = arith.constant 8 : i32
        %parallel_loop3A_1428 = vector.broadcast %parallel_loop3A_1427 : i32 to vector<16xi32>
        %parallel_loop3A_1429 = arith.shrsi %parallel_loop3A_1240, %parallel_loop3A_1428 : vector<16xi32>
        %parallel_loop3A_1430 = arith.constant 1 : i32
        %parallel_loop3A_1431 = vector.broadcast %parallel_loop3A_1430 : i32 to vector<16xi32>
        %parallel_loop3A_1432 = arith.andi %parallel_loop3A_1429, %parallel_loop3A_1431 : vector<16xi32>
        %parallel_loop3A_1433 = arith.constant 1 : i32
        %parallel_loop3A_1434 = vector.broadcast %parallel_loop3A_1433 : i32 to vector<16xi32>
        %parallel_loop3A_1435 = arith.cmpi eq, %parallel_loop3A_1432, %parallel_loop3A_1434 : vector<16xi32>
        %parallel_loop3A_1436 = arith.constant 256 : i32
        %parallel_loop3A_1437 = vector.broadcast %parallel_loop3A_1436 : i32 to vector<16xi32>
        %parallel_loop3A_1438 = arith.subi %parallel_loop3A_1240, %parallel_loop3A_1437 : vector<16xi32>
        %parallel_loop3A_1439 = tpu.vector_load_idx %arg14[%parallel_loop3A_1438] masked %parallel_loop3A_1435 : memref<512xf32, #tpu.memory_space<vmem>>[vector<16xi32>], vector<16xf32>, vector<16xi1>
        %parallel_loop3A_1440 = vector.extract_strided_slice %get3A_34 {offsets = [8], sizes = [1], strides = [1]} : vector<16xf32> to vector<1xf32>
        %parallel_loop3A_1441 = vector.extract %parallel_loop3A_1440[0] : f32 from vector<1xf32>
        %parallel_loop3A_1442 = vector.broadcast %parallel_loop3A_1441 : f32 to vector<16xf32>
        %parallel_loop3A_1443 = arith.addf %parallel_loop3A_1439, %parallel_loop3A_1442 : vector<16xf32>
        %parallel_loop3A_1444 = arith.select %parallel_loop3A_1435, %parallel_loop3A_1443, %broadcast_in_dim3A_4 : vector<16xi1>, vector<16xf32>
        %parallel_loop3A_1445 = arith.cmpf ogt, %parallel_loop3A_1444, %parallel_loop3A_1426 : vector<16xf32>
        %parallel_loop3A_1446 = arith.constant 8 : i32
        %parallel_loop3A_1447 = vector.broadcast %parallel_loop3A_1446 : i32 to vector<16xi32>
        %parallel_loop3A_1448 = arith.select %parallel_loop3A_1445, %parallel_loop3A_1447, %parallel_loop3A_1425 : vector<16xi1>, vector<16xi32>
        %parallel_loop3A_1449 = arith.maximumf %parallel_loop3A_1426, %parallel_loop3A_1444 : vector<16xf32>
        %parallel_loop3A_1450 = arith.index_cast %parallel_loop3A_1238 : i32 to index
        %parallel_loop3A_1451 = tpu.vector_load %arg13[%parallel_loop3A_1450] {strides = array<i32>} : memref<512xf32, #tpu.memory_space<vmem>>, vector<16xf32>,
        tpu.vector_store %arg13[%parallel_loop3A_1450], %parallel_loop3A_1449 {strides = array<i32>} : memref<512xf32, #tpu.memory_space<vmem>>, vector<16xf32>,
        %parallel_loop3A_1452 = arith.constant 2560 : i32
        %parallel_loop3A_1453 = arith.addi %parallel_loop3A_1452, %parallel_loop3A_1238 : i32
        %parallel_loop3A_1454 = arith.index_cast %parallel_loop3A_1453 : i32 to index
        %parallel_loop3A_1455 = tpu.vector_load %arg15[%parallel_loop3A_1454] {strides = array<i32>} : memref<4608xi32, #tpu.memory_space<vmem>>, vector<16xi32>,
        tpu.vector_store %arg15[%parallel_loop3A_1454], %parallel_loop3A_1448 {strides = array<i32>} : memref<4608xi32, #tpu.memory_space<vmem>>, vector<16xi32>,
      } {sc.loop_unroll_factor = 4 : i64, sc.parallel_access}
      %get3A_38 = arith.constant 4 : i32
      %get3A_39 = arith.index_cast %get3A_38 : i32 to index
      %get3A_40 = arith.constant 0 : index
      %get3A_41 = tpu.vector_load %arg8[%get3A_39, %get3A_40] {strides = array<i32>} : memref<9x16xf32, #tpu.memory_space<vmem>>, vector<16xf32>,
      %parallel_loop3A_42 = arith.constant 0 : i32
      %parallel_loop3A_43 = arith.constant 32 : i32
      %parallel_loop3A_44 = arith.constant 1 : i32
      scf.for %parallel_loop3A_1236 = %parallel_loop3A_42 to %parallel_loop3A_43 step %parallel_loop3A_44  : i32 {
        %parallel_loop3A_1237 = arith.constant 16 : i32
        %parallel_loop3A_1238 = arith.muli %parallel_loop3A_1236, %parallel_loop3A_1237 : i32
        %parallel_loop3A_1239 = vector.broadcast %parallel_loop3A_1238 : i32 to vector<16xi32>
        %parallel_loop3A_1240 = arith.addi %parallel_loop3A_1239, %iota3A : vector<16xi32>
        %parallel_loop3A_1241 = arith.constant 0 : i32
        %parallel_loop3A_1242 = vector.broadcast %parallel_loop3A_1241 : i32 to vector<16xi32>
        %parallel_loop3A_1243 = arith.constant 0 : i32
        %parallel_loop3A_1244 = vector.broadcast %parallel_loop3A_1243 : i32 to vector<16xi32>
        %parallel_loop3A_1245 = arith.shrsi %parallel_loop3A_1240, %parallel_loop3A_1244 : vector<16xi32>
        %parallel_loop3A_1246 = arith.constant 1 : i32
        %parallel_loop3A_1247 = vector.broadcast %parallel_loop3A_1246 : i32 to vector<16xi32>
        %parallel_loop3A_1248 = arith.andi %parallel_loop3A_1245, %parallel_loop3A_1247 : vector<16xi32>
        %parallel_loop3A_1249 = arith.constant 1 : i32
        %parallel_loop3A_1250 = vector.broadcast %parallel_loop3A_1249 : i32 to vector<16xi32>
        %parallel_loop3A_1251 = arith.cmpi eq, %parallel_loop3A_1248, %parallel_loop3A_1250 : vector<16xi32>
        %parallel_loop3A_1252 = arith.constant 1 : i32
        %parallel_loop3A_1253 = vector.broadcast %parallel_loop3A_1252 : i32 to vector<16xi32>
        %parallel_loop3A_1254 = arith.subi %parallel_loop3A_1240, %parallel_loop3A_1253 : vector<16xi32>
        %parallel_loop3A_1255 = tpu.vector_load_idx %arg13[%parallel_loop3A_1254] masked %parallel_loop3A_1251 : memref<512xf32, #tpu.memory_space<vmem>>[vector<16xi32>], vector<16xf32>, vector<16xi1>
        %parallel_loop3A_1256 = vector.extract_strided_slice %get3A_41 {offsets = [0], sizes = [1], strides = [1]} : vector<16xf32> to vector<1xf32>
        %parallel_loop3A_1257 = vector.extract %parallel_loop3A_1256[0] : f32 from vector<1xf32>
        %parallel_loop3A_1258 = vector.broadcast %parallel_loop3A_1257 : f32 to vector<16xf32>
        %parallel_loop3A_1259 = arith.addf %parallel_loop3A_1255, %parallel_loop3A_1258 : vector<16xf32>
        %parallel_loop3A_1260 = arith.select %parallel_loop3A_1251, %parallel_loop3A_1259, %broadcast_in_dim3A_4 : vector<16xi1>, vector<16xf32>
        %parallel_loop3A_1261 = arith.cmpf ogt, %parallel_loop3A_1260, %broadcast_in_dim3A_4 : vector<16xf32>
        %parallel_loop3A_1262 = arith.constant 0 : i32
        %parallel_loop3A_1263 = vector.broadcast %parallel_loop3A_1262 : i32 to vector<16xi32>
        %parallel_loop3A_1264 = arith.select %parallel_loop3A_1261, %parallel_loop3A_1263, %parallel_loop3A_1242 : vector<16xi1>, vector<16xi32>
        %parallel_loop3A_1265 = arith.maximumf %broadcast_in_dim3A_4, %parallel_loop3A_1260 : vector<16xf32>
        %parallel_loop3A_1266 = arith.constant 1 : i32
        %parallel_loop3A_1267 = vector.broadcast %parallel_loop3A_1266 : i32 to vector<16xi32>
        %parallel_loop3A_1268 = arith.shrsi %parallel_loop3A_1240, %parallel_loop3A_1267 : vector<16xi32>
        %parallel_loop3A_1269 = arith.constant 1 : i32
        %parallel_loop3A_1270 = vector.broadcast %parallel_loop3A_1269 : i32 to vector<16xi32>
        %parallel_loop3A_1271 = arith.andi %parallel_loop3A_1268, %parallel_loop3A_1270 : vector<16xi32>
        %parallel_loop3A_1272 = arith.constant 1 : i32
        %parallel_loop3A_1273 = vector.broadcast %parallel_loop3A_1272 : i32 to vector<16xi32>
        %parallel_loop3A_1274 = arith.cmpi eq, %parallel_loop3A_1271, %parallel_loop3A_1273 : vector<16xi32>
        %parallel_loop3A_1275 = arith.constant 2 : i32
        %parallel_loop3A_1276 = vector.broadcast %parallel_loop3A_1275 : i32 to vector<16xi32>
        %parallel_loop3A_1277 = arith.subi %parallel_loop3A_1240, %parallel_loop3A_1276 : vector<16xi32>
        %parallel_loop3A_1278 = tpu.vector_load_idx %arg13[%parallel_loop3A_1277] masked %parallel_loop3A_1274 : memref<512xf32, #tpu.memory_space<vmem>>[vector<16xi32>], vector<16xf32>, vector<16xi1>
        %parallel_loop3A_1279 = vector.extract_strided_slice %get3A_41 {offsets = [1], sizes = [1], strides = [1]} : vector<16xf32> to vector<1xf32>
        %parallel_loop3A_1280 = vector.extract %parallel_loop3A_1279[0] : f32 from vector<1xf32>
        %parallel_loop3A_1281 = vector.broadcast %parallel_loop3A_1280 : f32 to vector<16xf32>
        %parallel_loop3A_1282 = arith.addf %parallel_loop3A_1278, %parallel_loop3A_1281 : vector<16xf32>
        %parallel_loop3A_1283 = arith.select %parallel_loop3A_1274, %parallel_loop3A_1282, %broadcast_in_dim3A_4 : vector<16xi1>, vector<16xf32>
        %parallel_loop3A_1284 = arith.cmpf ogt, %parallel_loop3A_1283, %parallel_loop3A_1265 : vector<16xf32>
        %parallel_loop3A_1285 = arith.constant 1 : i32
        %parallel_loop3A_1286 = vector.broadcast %parallel_loop3A_1285 : i32 to vector<16xi32>
        %parallel_loop3A_1287 = arith.select %parallel_loop3A_1284, %parallel_loop3A_1286, %parallel_loop3A_1264 : vector<16xi1>, vector<16xi32>
        %parallel_loop3A_1288 = arith.maximumf %parallel_loop3A_1265, %parallel_loop3A_1283 : vector<16xf32>
        %parallel_loop3A_1289 = arith.constant 2 : i32
        %parallel_loop3A_1290 = vector.broadcast %parallel_loop3A_1289 : i32 to vector<16xi32>
        %parallel_loop3A_1291 = arith.shrsi %parallel_loop3A_1240, %parallel_loop3A_1290 : vector<16xi32>
        %parallel_loop3A_1292 = arith.constant 1 : i32
        %parallel_loop3A_1293 = vector.broadcast %parallel_loop3A_1292 : i32 to vector<16xi32>
        %parallel_loop3A_1294 = arith.andi %parallel_loop3A_1291, %parallel_loop3A_1293 : vector<16xi32>
        %parallel_loop3A_1295 = arith.constant 1 : i32
        %parallel_loop3A_1296 = vector.broadcast %parallel_loop3A_1295 : i32 to vector<16xi32>
        %parallel_loop3A_1297 = arith.cmpi eq, %parallel_loop3A_1294, %parallel_loop3A_1296 : vector<16xi32>
        %parallel_loop3A_1298 = arith.constant 4 : i32
        %parallel_loop3A_1299 = vector.broadcast %parallel_loop3A_1298 : i32 to vector<16xi32>
        %parallel_loop3A_1300 = arith.subi %parallel_loop3A_1240, %parallel_loop3A_1299 : vector<16xi32>
        %parallel_loop3A_1301 = tpu.vector_load_idx %arg13[%parallel_loop3A_1300] masked %parallel_loop3A_1297 : memref<512xf32, #tpu.memory_space<vmem>>[vector<16xi32>], vector<16xf32>, vector<16xi1>
        %parallel_loop3A_1302 = vector.extract_strided_slice %get3A_41 {offsets = [2], sizes = [1], strides = [1]} : vector<16xf32> to vector<1xf32>
        %parallel_loop3A_1303 = vector.extract %parallel_loop3A_1302[0] : f32 from vector<1xf32>
        %parallel_loop3A_1304 = vector.broadcast %parallel_loop3A_1303 : f32 to vector<16xf32>
        %parallel_loop3A_1305 = arith.addf %parallel_loop3A_1301, %parallel_loop3A_1304 : vector<16xf32>
        %parallel_loop3A_1306 = arith.select %parallel_loop3A_1297, %parallel_loop3A_1305, %broadcast_in_dim3A_4 : vector<16xi1>, vector<16xf32>
        %parallel_loop3A_1307 = arith.cmpf ogt, %parallel_loop3A_1306, %parallel_loop3A_1288 : vector<16xf32>
        %parallel_loop3A_1308 = arith.constant 2 : i32
        %parallel_loop3A_1309 = vector.broadcast %parallel_loop3A_1308 : i32 to vector<16xi32>
        %parallel_loop3A_1310 = arith.select %parallel_loop3A_1307, %parallel_loop3A_1309, %parallel_loop3A_1287 : vector<16xi1>, vector<16xi32>
        %parallel_loop3A_1311 = arith.maximumf %parallel_loop3A_1288, %parallel_loop3A_1306 : vector<16xf32>
        %parallel_loop3A_1312 = arith.constant 3 : i32
        %parallel_loop3A_1313 = vector.broadcast %parallel_loop3A_1312 : i32 to vector<16xi32>
        %parallel_loop3A_1314 = arith.shrsi %parallel_loop3A_1240, %parallel_loop3A_1313 : vector<16xi32>
        %parallel_loop3A_1315 = arith.constant 1 : i32
        %parallel_loop3A_1316 = vector.broadcast %parallel_loop3A_1315 : i32 to vector<16xi32>
        %parallel_loop3A_1317 = arith.andi %parallel_loop3A_1314, %parallel_loop3A_1316 : vector<16xi32>
        %parallel_loop3A_1318 = arith.constant 1 : i32
        %parallel_loop3A_1319 = vector.broadcast %parallel_loop3A_1318 : i32 to vector<16xi32>
        %parallel_loop3A_1320 = arith.cmpi eq, %parallel_loop3A_1317, %parallel_loop3A_1319 : vector<16xi32>
        %parallel_loop3A_1321 = arith.constant 8 : i32
        %parallel_loop3A_1322 = vector.broadcast %parallel_loop3A_1321 : i32 to vector<16xi32>
        %parallel_loop3A_1323 = arith.subi %parallel_loop3A_1240, %parallel_loop3A_1322 : vector<16xi32>
        %parallel_loop3A_1324 = tpu.vector_load_idx %arg13[%parallel_loop3A_1323] masked %parallel_loop3A_1320 : memref<512xf32, #tpu.memory_space<vmem>>[vector<16xi32>], vector<16xf32>, vector<16xi1>
        %parallel_loop3A_1325 = vector.extract_strided_slice %get3A_41 {offsets = [3], sizes = [1], strides = [1]} : vector<16xf32> to vector<1xf32>
        %parallel_loop3A_1326 = vector.extract %parallel_loop3A_1325[0] : f32 from vector<1xf32>
        %parallel_loop3A_1327 = vector.broadcast %parallel_loop3A_1326 : f32 to vector<16xf32>
        %parallel_loop3A_1328 = arith.addf %parallel_loop3A_1324, %parallel_loop3A_1327 : vector<16xf32>
        %parallel_loop3A_1329 = arith.select %parallel_loop3A_1320, %parallel_loop3A_1328, %broadcast_in_dim3A_4 : vector<16xi1>, vector<16xf32>
        %parallel_loop3A_1330 = arith.cmpf ogt, %parallel_loop3A_1329, %parallel_loop3A_1311 : vector<16xf32>
        %parallel_loop3A_1331 = arith.constant 3 : i32
        %parallel_loop3A_1332 = vector.broadcast %parallel_loop3A_1331 : i32 to vector<16xi32>
        %parallel_loop3A_1333 = arith.select %parallel_loop3A_1330, %parallel_loop3A_1332, %parallel_loop3A_1310 : vector<16xi1>, vector<16xi32>
        %parallel_loop3A_1334 = arith.maximumf %parallel_loop3A_1311, %parallel_loop3A_1329 : vector<16xf32>
        %parallel_loop3A_1335 = arith.constant 4 : i32
        %parallel_loop3A_1336 = vector.broadcast %parallel_loop3A_1335 : i32 to vector<16xi32>
        %parallel_loop3A_1337 = arith.shrsi %parallel_loop3A_1240, %parallel_loop3A_1336 : vector<16xi32>
        %parallel_loop3A_1338 = arith.constant 1 : i32
        %parallel_loop3A_1339 = vector.broadcast %parallel_loop3A_1338 : i32 to vector<16xi32>
        %parallel_loop3A_1340 = arith.andi %parallel_loop3A_1337, %parallel_loop3A_1339 : vector<16xi32>
        %parallel_loop3A_1341 = arith.constant 1 : i32
        %parallel_loop3A_1342 = vector.broadcast %parallel_loop3A_1341 : i32 to vector<16xi32>
        %parallel_loop3A_1343 = arith.cmpi eq, %parallel_loop3A_1340, %parallel_loop3A_1342 : vector<16xi32>
        %parallel_loop3A_1344 = arith.constant 16 : i32
        %parallel_loop3A_1345 = vector.broadcast %parallel_loop3A_1344 : i32 to vector<16xi32>
        %parallel_loop3A_1346 = arith.subi %parallel_loop3A_1240, %parallel_loop3A_1345 : vector<16xi32>
        %parallel_loop3A_1347 = tpu.vector_load_idx %arg13[%parallel_loop3A_1346] masked %parallel_loop3A_1343 : memref<512xf32, #tpu.memory_space<vmem>>[vector<16xi32>], vector<16xf32>, vector<16xi1>
        %parallel_loop3A_1348 = vector.extract_strided_slice %get3A_41 {offsets = [4], sizes = [1], strides = [1]} : vector<16xf32> to vector<1xf32>
        %parallel_loop3A_1349 = vector.extract %parallel_loop3A_1348[0] : f32 from vector<1xf32>
        %parallel_loop3A_1350 = vector.broadcast %parallel_loop3A_1349 : f32 to vector<16xf32>
        %parallel_loop3A_1351 = arith.addf %parallel_loop3A_1347, %parallel_loop3A_1350 : vector<16xf32>
        %parallel_loop3A_1352 = arith.select %parallel_loop3A_1343, %parallel_loop3A_1351, %broadcast_in_dim3A_4 : vector<16xi1>, vector<16xf32>
        %parallel_loop3A_1353 = arith.cmpf ogt, %parallel_loop3A_1352, %parallel_loop3A_1334 : vector<16xf32>
        %parallel_loop3A_1354 = arith.constant 4 : i32
        %parallel_loop3A_1355 = vector.broadcast %parallel_loop3A_1354 : i32 to vector<16xi32>
        %parallel_loop3A_1356 = arith.select %parallel_loop3A_1353, %parallel_loop3A_1355, %parallel_loop3A_1333 : vector<16xi1>, vector<16xi32>
        %parallel_loop3A_1357 = arith.maximumf %parallel_loop3A_1334, %parallel_loop3A_1352 : vector<16xf32>
        %parallel_loop3A_1358 = arith.constant 5 : i32
        %parallel_loop3A_1359 = vector.broadcast %parallel_loop3A_1358 : i32 to vector<16xi32>
        %parallel_loop3A_1360 = arith.shrsi %parallel_loop3A_1240, %parallel_loop3A_1359 : vector<16xi32>
        %parallel_loop3A_1361 = arith.constant 1 : i32
        %parallel_loop3A_1362 = vector.broadcast %parallel_loop3A_1361 : i32 to vector<16xi32>
        %parallel_loop3A_1363 = arith.andi %parallel_loop3A_1360, %parallel_loop3A_1362 : vector<16xi32>
        %parallel_loop3A_1364 = arith.constant 1 : i32
        %parallel_loop3A_1365 = vector.broadcast %parallel_loop3A_1364 : i32 to vector<16xi32>
        %parallel_loop3A_1366 = arith.cmpi eq, %parallel_loop3A_1363, %parallel_loop3A_1365 : vector<16xi32>
        %parallel_loop3A_1367 = arith.constant 32 : i32
        %parallel_loop3A_1368 = vector.broadcast %parallel_loop3A_1367 : i32 to vector<16xi32>
        %parallel_loop3A_1369 = arith.subi %parallel_loop3A_1240, %parallel_loop3A_1368 : vector<16xi32>
        %parallel_loop3A_1370 = tpu.vector_load_idx %arg13[%parallel_loop3A_1369] masked %parallel_loop3A_1366 : memref<512xf32, #tpu.memory_space<vmem>>[vector<16xi32>], vector<16xf32>, vector<16xi1>
        %parallel_loop3A_1371 = vector.extract_strided_slice %get3A_41 {offsets = [5], sizes = [1], strides = [1]} : vector<16xf32> to vector<1xf32>
        %parallel_loop3A_1372 = vector.extract %parallel_loop3A_1371[0] : f32 from vector<1xf32>
        %parallel_loop3A_1373 = vector.broadcast %parallel_loop3A_1372 : f32 to vector<16xf32>
        %parallel_loop3A_1374 = arith.addf %parallel_loop3A_1370, %parallel_loop3A_1373 : vector<16xf32>
        %parallel_loop3A_1375 = arith.select %parallel_loop3A_1366, %parallel_loop3A_1374, %broadcast_in_dim3A_4 : vector<16xi1>, vector<16xf32>
        %parallel_loop3A_1376 = arith.cmpf ogt, %parallel_loop3A_1375, %parallel_loop3A_1357 : vector<16xf32>
        %parallel_loop3A_1377 = arith.constant 5 : i32
        %parallel_loop3A_1378 = vector.broadcast %parallel_loop3A_1377 : i32 to vector<16xi32>
        %parallel_loop3A_1379 = arith.select %parallel_loop3A_1376, %parallel_loop3A_1378, %parallel_loop3A_1356 : vector<16xi1>, vector<16xi32>
        %parallel_loop3A_1380 = arith.maximumf %parallel_loop3A_1357, %parallel_loop3A_1375 : vector<16xf32>
        %parallel_loop3A_1381 = arith.constant 6 : i32
        %parallel_loop3A_1382 = vector.broadcast %parallel_loop3A_1381 : i32 to vector<16xi32>
        %parallel_loop3A_1383 = arith.shrsi %parallel_loop3A_1240, %parallel_loop3A_1382 : vector<16xi32>
        %parallel_loop3A_1384 = arith.constant 1 : i32
        %parallel_loop3A_1385 = vector.broadcast %parallel_loop3A_1384 : i32 to vector<16xi32>
        %parallel_loop3A_1386 = arith.andi %parallel_loop3A_1383, %parallel_loop3A_1385 : vector<16xi32>
        %parallel_loop3A_1387 = arith.constant 1 : i32
        %parallel_loop3A_1388 = vector.broadcast %parallel_loop3A_1387 : i32 to vector<16xi32>
        %parallel_loop3A_1389 = arith.cmpi eq, %parallel_loop3A_1386, %parallel_loop3A_1388 : vector<16xi32>
        %parallel_loop3A_1390 = arith.constant 64 : i32
        %parallel_loop3A_1391 = vector.broadcast %parallel_loop3A_1390 : i32 to vector<16xi32>
        %parallel_loop3A_1392 = arith.subi %parallel_loop3A_1240, %parallel_loop3A_1391 : vector<16xi32>
        %parallel_loop3A_1393 = tpu.vector_load_idx %arg13[%parallel_loop3A_1392] masked %parallel_loop3A_1389 : memref<512xf32, #tpu.memory_space<vmem>>[vector<16xi32>], vector<16xf32>, vector<16xi1>
        %parallel_loop3A_1394 = vector.extract_strided_slice %get3A_41 {offsets = [6], sizes = [1], strides = [1]} : vector<16xf32> to vector<1xf32>
        %parallel_loop3A_1395 = vector.extract %parallel_loop3A_1394[0] : f32 from vector<1xf32>
        %parallel_loop3A_1396 = vector.broadcast %parallel_loop3A_1395 : f32 to vector<16xf32>
        %parallel_loop3A_1397 = arith.addf %parallel_loop3A_1393, %parallel_loop3A_1396 : vector<16xf32>
        %parallel_loop3A_1398 = arith.select %parallel_loop3A_1389, %parallel_loop3A_1397, %broadcast_in_dim3A_4 : vector<16xi1>, vector<16xf32>
        %parallel_loop3A_1399 = arith.cmpf ogt, %parallel_loop3A_1398, %parallel_loop3A_1380 : vector<16xf32>
        %parallel_loop3A_1400 = arith.constant 6 : i32
        %parallel_loop3A_1401 = vector.broadcast %parallel_loop3A_1400 : i32 to vector<16xi32>
        %parallel_loop3A_1402 = arith.select %parallel_loop3A_1399, %parallel_loop3A_1401, %parallel_loop3A_1379 : vector<16xi1>, vector<16xi32>
        %parallel_loop3A_1403 = arith.maximumf %parallel_loop3A_1380, %parallel_loop3A_1398 : vector<16xf32>
        %parallel_loop3A_1404 = arith.constant 7 : i32
        %parallel_loop3A_1405 = vector.broadcast %parallel_loop3A_1404 : i32 to vector<16xi32>
        %parallel_loop3A_1406 = arith.shrsi %parallel_loop3A_1240, %parallel_loop3A_1405 : vector<16xi32>
        %parallel_loop3A_1407 = arith.constant 1 : i32
        %parallel_loop3A_1408 = vector.broadcast %parallel_loop3A_1407 : i32 to vector<16xi32>
        %parallel_loop3A_1409 = arith.andi %parallel_loop3A_1406, %parallel_loop3A_1408 : vector<16xi32>
        %parallel_loop3A_1410 = arith.constant 1 : i32
        %parallel_loop3A_1411 = vector.broadcast %parallel_loop3A_1410 : i32 to vector<16xi32>
        %parallel_loop3A_1412 = arith.cmpi eq, %parallel_loop3A_1409, %parallel_loop3A_1411 : vector<16xi32>
        %parallel_loop3A_1413 = arith.constant 128 : i32
        %parallel_loop3A_1414 = vector.broadcast %parallel_loop3A_1413 : i32 to vector<16xi32>
        %parallel_loop3A_1415 = arith.subi %parallel_loop3A_1240, %parallel_loop3A_1414 : vector<16xi32>
        %parallel_loop3A_1416 = tpu.vector_load_idx %arg13[%parallel_loop3A_1415] masked %parallel_loop3A_1412 : memref<512xf32, #tpu.memory_space<vmem>>[vector<16xi32>], vector<16xf32>, vector<16xi1>
        %parallel_loop3A_1417 = vector.extract_strided_slice %get3A_41 {offsets = [7], sizes = [1], strides = [1]} : vector<16xf32> to vector<1xf32>
        %parallel_loop3A_1418 = vector.extract %parallel_loop3A_1417[0] : f32 from vector<1xf32>
        %parallel_loop3A_1419 = vector.broadcast %parallel_loop3A_1418 : f32 to vector<16xf32>
        %parallel_loop3A_1420 = arith.addf %parallel_loop3A_1416, %parallel_loop3A_1419 : vector<16xf32>
        %parallel_loop3A_1421 = arith.select %parallel_loop3A_1412, %parallel_loop3A_1420, %broadcast_in_dim3A_4 : vector<16xi1>, vector<16xf32>
        %parallel_loop3A_1422 = arith.cmpf ogt, %parallel_loop3A_1421, %parallel_loop3A_1403 : vector<16xf32>
        %parallel_loop3A_1423 = arith.constant 7 : i32
        %parallel_loop3A_1424 = vector.broadcast %parallel_loop3A_1423 : i32 to vector<16xi32>
        %parallel_loop3A_1425 = arith.select %parallel_loop3A_1422, %parallel_loop3A_1424, %parallel_loop3A_1402 : vector<16xi1>, vector<16xi32>
        %parallel_loop3A_1426 = arith.maximumf %parallel_loop3A_1403, %parallel_loop3A_1421 : vector<16xf32>
        %parallel_loop3A_1427 = arith.constant 8 : i32
        %parallel_loop3A_1428 = vector.broadcast %parallel_loop3A_1427 : i32 to vector<16xi32>
        %parallel_loop3A_1429 = arith.shrsi %parallel_loop3A_1240, %parallel_loop3A_1428 : vector<16xi32>
        %parallel_loop3A_1430 = arith.constant 1 : i32
        %parallel_loop3A_1431 = vector.broadcast %parallel_loop3A_1430 : i32 to vector<16xi32>
        %parallel_loop3A_1432 = arith.andi %parallel_loop3A_1429, %parallel_loop3A_1431 : vector<16xi32>
        %parallel_loop3A_1433 = arith.constant 1 : i32
        %parallel_loop3A_1434 = vector.broadcast %parallel_loop3A_1433 : i32 to vector<16xi32>
        %parallel_loop3A_1435 = arith.cmpi eq, %parallel_loop3A_1432, %parallel_loop3A_1434 : vector<16xi32>
        %parallel_loop3A_1436 = arith.constant 256 : i32
        %parallel_loop3A_1437 = vector.broadcast %parallel_loop3A_1436 : i32 to vector<16xi32>
        %parallel_loop3A_1438 = arith.subi %parallel_loop3A_1240, %parallel_loop3A_1437 : vector<16xi32>
        %parallel_loop3A_1439 = tpu.vector_load_idx %arg13[%parallel_loop3A_1438] masked %parallel_loop3A_1435 : memref<512xf32, #tpu.memory_space<vmem>>[vector<16xi32>], vector<16xf32>, vector<16xi1>
        %parallel_loop3A_1440 = vector.extract_strided_slice %get3A_41 {offsets = [8], sizes = [1], strides = [1]} : vector<16xf32> to vector<1xf32>
        %parallel_loop3A_1441 = vector.extract %parallel_loop3A_1440[0] : f32 from vector<1xf32>
        %parallel_loop3A_1442 = vector.broadcast %parallel_loop3A_1441 : f32 to vector<16xf32>
        %parallel_loop3A_1443 = arith.addf %parallel_loop3A_1439, %parallel_loop3A_1442 : vector<16xf32>
        %parallel_loop3A_1444 = arith.select %parallel_loop3A_1435, %parallel_loop3A_1443, %broadcast_in_dim3A_4 : vector<16xi1>, vector<16xf32>
        %parallel_loop3A_1445 = arith.cmpf ogt, %parallel_loop3A_1444, %parallel_loop3A_1426 : vector<16xf32>
        %parallel_loop3A_1446 = arith.constant 8 : i32
        %parallel_loop3A_1447 = vector.broadcast %parallel_loop3A_1446 : i32 to vector<16xi32>
        %parallel_loop3A_1448 = arith.select %parallel_loop3A_1445, %parallel_loop3A_1447, %parallel_loop3A_1425 : vector<16xi1>, vector<16xi32>
        %parallel_loop3A_1449 = arith.maximumf %parallel_loop3A_1426, %parallel_loop3A_1444 : vector<16xf32>
        %parallel_loop3A_1450 = arith.index_cast %parallel_loop3A_1238 : i32 to index
        %parallel_loop3A_1451 = tpu.vector_load %arg14[%parallel_loop3A_1450] {strides = array<i32>} : memref<512xf32, #tpu.memory_space<vmem>>, vector<16xf32>,
        tpu.vector_store %arg14[%parallel_loop3A_1450], %parallel_loop3A_1449 {strides = array<i32>} : memref<512xf32, #tpu.memory_space<vmem>>, vector<16xf32>,
        %parallel_loop3A_1452 = arith.constant 2048 : i32
        %parallel_loop3A_1453 = arith.addi %parallel_loop3A_1452, %parallel_loop3A_1238 : i32
        %parallel_loop3A_1454 = arith.index_cast %parallel_loop3A_1453 : i32 to index
        %parallel_loop3A_1455 = tpu.vector_load %arg15[%parallel_loop3A_1454] {strides = array<i32>} : memref<4608xi32, #tpu.memory_space<vmem>>, vector<16xi32>,
        tpu.vector_store %arg15[%parallel_loop3A_1454], %parallel_loop3A_1448 {strides = array<i32>} : memref<4608xi32, #tpu.memory_space<vmem>>, vector<16xi32>,
      } {sc.loop_unroll_factor = 4 : i64, sc.parallel_access}
      %get3A_45 = arith.constant 3 : i32
      %get3A_46 = arith.index_cast %get3A_45 : i32 to index
      %get3A_47 = arith.constant 0 : index
      %get3A_48 = tpu.vector_load %arg8[%get3A_46, %get3A_47] {strides = array<i32>} : memref<9x16xf32, #tpu.memory_space<vmem>>, vector<16xf32>,
      %parallel_loop3A_49 = arith.constant 0 : i32
      %parallel_loop3A_50 = arith.constant 32 : i32
      %parallel_loop3A_51 = arith.constant 1 : i32
      scf.for %parallel_loop3A_1236 = %parallel_loop3A_49 to %parallel_loop3A_50 step %parallel_loop3A_51  : i32 {
        %parallel_loop3A_1237 = arith.constant 16 : i32
        %parallel_loop3A_1238 = arith.muli %parallel_loop3A_1236, %parallel_loop3A_1237 : i32
        %parallel_loop3A_1239 = vector.broadcast %parallel_loop3A_1238 : i32 to vector<16xi32>
        %parallel_loop3A_1240 = arith.addi %parallel_loop3A_1239, %iota3A : vector<16xi32>
        %parallel_loop3A_1241 = arith.constant 0 : i32
        %parallel_loop3A_1242 = vector.broadcast %parallel_loop3A_1241 : i32 to vector<16xi32>
        %parallel_loop3A_1243 = arith.constant 0 : i32
        %parallel_loop3A_1244 = vector.broadcast %parallel_loop3A_1243 : i32 to vector<16xi32>
        %parallel_loop3A_1245 = arith.shrsi %parallel_loop3A_1240, %parallel_loop3A_1244 : vector<16xi32>
        %parallel_loop3A_1246 = arith.constant 1 : i32
        %parallel_loop3A_1247 = vector.broadcast %parallel_loop3A_1246 : i32 to vector<16xi32>
        %parallel_loop3A_1248 = arith.andi %parallel_loop3A_1245, %parallel_loop3A_1247 : vector<16xi32>
        %parallel_loop3A_1249 = arith.constant 1 : i32
        %parallel_loop3A_1250 = vector.broadcast %parallel_loop3A_1249 : i32 to vector<16xi32>
        %parallel_loop3A_1251 = arith.cmpi eq, %parallel_loop3A_1248, %parallel_loop3A_1250 : vector<16xi32>
        %parallel_loop3A_1252 = arith.constant 1 : i32
        %parallel_loop3A_1253 = vector.broadcast %parallel_loop3A_1252 : i32 to vector<16xi32>
        %parallel_loop3A_1254 = arith.subi %parallel_loop3A_1240, %parallel_loop3A_1253 : vector<16xi32>
        %parallel_loop3A_1255 = tpu.vector_load_idx %arg14[%parallel_loop3A_1254] masked %parallel_loop3A_1251 : memref<512xf32, #tpu.memory_space<vmem>>[vector<16xi32>], vector<16xf32>, vector<16xi1>
        %parallel_loop3A_1256 = vector.extract_strided_slice %get3A_48 {offsets = [0], sizes = [1], strides = [1]} : vector<16xf32> to vector<1xf32>
        %parallel_loop3A_1257 = vector.extract %parallel_loop3A_1256[0] : f32 from vector<1xf32>
        %parallel_loop3A_1258 = vector.broadcast %parallel_loop3A_1257 : f32 to vector<16xf32>
        %parallel_loop3A_1259 = arith.addf %parallel_loop3A_1255, %parallel_loop3A_1258 : vector<16xf32>
        %parallel_loop3A_1260 = arith.select %parallel_loop3A_1251, %parallel_loop3A_1259, %broadcast_in_dim3A_4 : vector<16xi1>, vector<16xf32>
        %parallel_loop3A_1261 = arith.cmpf ogt, %parallel_loop3A_1260, %broadcast_in_dim3A_4 : vector<16xf32>
        %parallel_loop3A_1262 = arith.constant 0 : i32
        %parallel_loop3A_1263 = vector.broadcast %parallel_loop3A_1262 : i32 to vector<16xi32>
        %parallel_loop3A_1264 = arith.select %parallel_loop3A_1261, %parallel_loop3A_1263, %parallel_loop3A_1242 : vector<16xi1>, vector<16xi32>
        %parallel_loop3A_1265 = arith.maximumf %broadcast_in_dim3A_4, %parallel_loop3A_1260 : vector<16xf32>
        %parallel_loop3A_1266 = arith.constant 1 : i32
        %parallel_loop3A_1267 = vector.broadcast %parallel_loop3A_1266 : i32 to vector<16xi32>
        %parallel_loop3A_1268 = arith.shrsi %parallel_loop3A_1240, %parallel_loop3A_1267 : vector<16xi32>
        %parallel_loop3A_1269 = arith.constant 1 : i32
        %parallel_loop3A_1270 = vector.broadcast %parallel_loop3A_1269 : i32 to vector<16xi32>
        %parallel_loop3A_1271 = arith.andi %parallel_loop3A_1268, %parallel_loop3A_1270 : vector<16xi32>
        %parallel_loop3A_1272 = arith.constant 1 : i32
        %parallel_loop3A_1273 = vector.broadcast %parallel_loop3A_1272 : i32 to vector<16xi32>
        %parallel_loop3A_1274 = arith.cmpi eq, %parallel_loop3A_1271, %parallel_loop3A_1273 : vector<16xi32>
        %parallel_loop3A_1275 = arith.constant 2 : i32
        %parallel_loop3A_1276 = vector.broadcast %parallel_loop3A_1275 : i32 to vector<16xi32>
        %parallel_loop3A_1277 = arith.subi %parallel_loop3A_1240, %parallel_loop3A_1276 : vector<16xi32>
        %parallel_loop3A_1278 = tpu.vector_load_idx %arg14[%parallel_loop3A_1277] masked %parallel_loop3A_1274 : memref<512xf32, #tpu.memory_space<vmem>>[vector<16xi32>], vector<16xf32>, vector<16xi1>
        %parallel_loop3A_1279 = vector.extract_strided_slice %get3A_48 {offsets = [1], sizes = [1], strides = [1]} : vector<16xf32> to vector<1xf32>
        %parallel_loop3A_1280 = vector.extract %parallel_loop3A_1279[0] : f32 from vector<1xf32>
        %parallel_loop3A_1281 = vector.broadcast %parallel_loop3A_1280 : f32 to vector<16xf32>
        %parallel_loop3A_1282 = arith.addf %parallel_loop3A_1278, %parallel_loop3A_1281 : vector<16xf32>
        %parallel_loop3A_1283 = arith.select %parallel_loop3A_1274, %parallel_loop3A_1282, %broadcast_in_dim3A_4 : vector<16xi1>, vector<16xf32>
        %parallel_loop3A_1284 = arith.cmpf ogt, %parallel_loop3A_1283, %parallel_loop3A_1265 : vector<16xf32>
        %parallel_loop3A_1285 = arith.constant 1 : i32
        %parallel_loop3A_1286 = vector.broadcast %parallel_loop3A_1285 : i32 to vector<16xi32>
        %parallel_loop3A_1287 = arith.select %parallel_loop3A_1284, %parallel_loop3A_1286, %parallel_loop3A_1264 : vector<16xi1>, vector<16xi32>
        %parallel_loop3A_1288 = arith.maximumf %parallel_loop3A_1265, %parallel_loop3A_1283 : vector<16xf32>
        %parallel_loop3A_1289 = arith.constant 2 : i32
        %parallel_loop3A_1290 = vector.broadcast %parallel_loop3A_1289 : i32 to vector<16xi32>
        %parallel_loop3A_1291 = arith.shrsi %parallel_loop3A_1240, %parallel_loop3A_1290 : vector<16xi32>
        %parallel_loop3A_1292 = arith.constant 1 : i32
        %parallel_loop3A_1293 = vector.broadcast %parallel_loop3A_1292 : i32 to vector<16xi32>
        %parallel_loop3A_1294 = arith.andi %parallel_loop3A_1291, %parallel_loop3A_1293 : vector<16xi32>
        %parallel_loop3A_1295 = arith.constant 1 : i32
        %parallel_loop3A_1296 = vector.broadcast %parallel_loop3A_1295 : i32 to vector<16xi32>
        %parallel_loop3A_1297 = arith.cmpi eq, %parallel_loop3A_1294, %parallel_loop3A_1296 : vector<16xi32>
        %parallel_loop3A_1298 = arith.constant 4 : i32
        %parallel_loop3A_1299 = vector.broadcast %parallel_loop3A_1298 : i32 to vector<16xi32>
        %parallel_loop3A_1300 = arith.subi %parallel_loop3A_1240, %parallel_loop3A_1299 : vector<16xi32>
        %parallel_loop3A_1301 = tpu.vector_load_idx %arg14[%parallel_loop3A_1300] masked %parallel_loop3A_1297 : memref<512xf32, #tpu.memory_space<vmem>>[vector<16xi32>], vector<16xf32>, vector<16xi1>
        %parallel_loop3A_1302 = vector.extract_strided_slice %get3A_48 {offsets = [2], sizes = [1], strides = [1]} : vector<16xf32> to vector<1xf32>
        %parallel_loop3A_1303 = vector.extract %parallel_loop3A_1302[0] : f32 from vector<1xf32>
        %parallel_loop3A_1304 = vector.broadcast %parallel_loop3A_1303 : f32 to vector<16xf32>
        %parallel_loop3A_1305 = arith.addf %parallel_loop3A_1301, %parallel_loop3A_1304 : vector<16xf32>
        %parallel_loop3A_1306 = arith.select %parallel_loop3A_1297, %parallel_loop3A_1305, %broadcast_in_dim3A_4 : vector<16xi1>, vector<16xf32>
        %parallel_loop3A_1307 = arith.cmpf ogt, %parallel_loop3A_1306, %parallel_loop3A_1288 : vector<16xf32>
        %parallel_loop3A_1308 = arith.constant 2 : i32
        %parallel_loop3A_1309 = vector.broadcast %parallel_loop3A_1308 : i32 to vector<16xi32>
        %parallel_loop3A_1310 = arith.select %parallel_loop3A_1307, %parallel_loop3A_1309, %parallel_loop3A_1287 : vector<16xi1>, vector<16xi32>
        %parallel_loop3A_1311 = arith.maximumf %parallel_loop3A_1288, %parallel_loop3A_1306 : vector<16xf32>
        %parallel_loop3A_1312 = arith.constant 3 : i32
        %parallel_loop3A_1313 = vector.broadcast %parallel_loop3A_1312 : i32 to vector<16xi32>
        %parallel_loop3A_1314 = arith.shrsi %parallel_loop3A_1240, %parallel_loop3A_1313 : vector<16xi32>
        %parallel_loop3A_1315 = arith.constant 1 : i32
        %parallel_loop3A_1316 = vector.broadcast %parallel_loop3A_1315 : i32 to vector<16xi32>
        %parallel_loop3A_1317 = arith.andi %parallel_loop3A_1314, %parallel_loop3A_1316 : vector<16xi32>
        %parallel_loop3A_1318 = arith.constant 1 : i32
        %parallel_loop3A_1319 = vector.broadcast %parallel_loop3A_1318 : i32 to vector<16xi32>
        %parallel_loop3A_1320 = arith.cmpi eq, %parallel_loop3A_1317, %parallel_loop3A_1319 : vector<16xi32>
        %parallel_loop3A_1321 = arith.constant 8 : i32
        %parallel_loop3A_1322 = vector.broadcast %parallel_loop3A_1321 : i32 to vector<16xi32>
        %parallel_loop3A_1323 = arith.subi %parallel_loop3A_1240, %parallel_loop3A_1322 : vector<16xi32>
        %parallel_loop3A_1324 = tpu.vector_load_idx %arg14[%parallel_loop3A_1323] masked %parallel_loop3A_1320 : memref<512xf32, #tpu.memory_space<vmem>>[vector<16xi32>], vector<16xf32>, vector<16xi1>
        %parallel_loop3A_1325 = vector.extract_strided_slice %get3A_48 {offsets = [3], sizes = [1], strides = [1]} : vector<16xf32> to vector<1xf32>
        %parallel_loop3A_1326 = vector.extract %parallel_loop3A_1325[0] : f32 from vector<1xf32>
        %parallel_loop3A_1327 = vector.broadcast %parallel_loop3A_1326 : f32 to vector<16xf32>
        %parallel_loop3A_1328 = arith.addf %parallel_loop3A_1324, %parallel_loop3A_1327 : vector<16xf32>
        %parallel_loop3A_1329 = arith.select %parallel_loop3A_1320, %parallel_loop3A_1328, %broadcast_in_dim3A_4 : vector<16xi1>, vector<16xf32>
        %parallel_loop3A_1330 = arith.cmpf ogt, %parallel_loop3A_1329, %parallel_loop3A_1311 : vector<16xf32>
        %parallel_loop3A_1331 = arith.constant 3 : i32
        %parallel_loop3A_1332 = vector.broadcast %parallel_loop3A_1331 : i32 to vector<16xi32>
        %parallel_loop3A_1333 = arith.select %parallel_loop3A_1330, %parallel_loop3A_1332, %parallel_loop3A_1310 : vector<16xi1>, vector<16xi32>
        %parallel_loop3A_1334 = arith.maximumf %parallel_loop3A_1311, %parallel_loop3A_1329 : vector<16xf32>
        %parallel_loop3A_1335 = arith.constant 4 : i32
        %parallel_loop3A_1336 = vector.broadcast %parallel_loop3A_1335 : i32 to vector<16xi32>
        %parallel_loop3A_1337 = arith.shrsi %parallel_loop3A_1240, %parallel_loop3A_1336 : vector<16xi32>
        %parallel_loop3A_1338 = arith.constant 1 : i32
        %parallel_loop3A_1339 = vector.broadcast %parallel_loop3A_1338 : i32 to vector<16xi32>
        %parallel_loop3A_1340 = arith.andi %parallel_loop3A_1337, %parallel_loop3A_1339 : vector<16xi32>
        %parallel_loop3A_1341 = arith.constant 1 : i32
        %parallel_loop3A_1342 = vector.broadcast %parallel_loop3A_1341 : i32 to vector<16xi32>
        %parallel_loop3A_1343 = arith.cmpi eq, %parallel_loop3A_1340, %parallel_loop3A_1342 : vector<16xi32>
        %parallel_loop3A_1344 = arith.constant 16 : i32
        %parallel_loop3A_1345 = vector.broadcast %parallel_loop3A_1344 : i32 to vector<16xi32>
        %parallel_loop3A_1346 = arith.subi %parallel_loop3A_1240, %parallel_loop3A_1345 : vector<16xi32>
        %parallel_loop3A_1347 = tpu.vector_load_idx %arg14[%parallel_loop3A_1346] masked %parallel_loop3A_1343 : memref<512xf32, #tpu.memory_space<vmem>>[vector<16xi32>], vector<16xf32>, vector<16xi1>
        %parallel_loop3A_1348 = vector.extract_strided_slice %get3A_48 {offsets = [4], sizes = [1], strides = [1]} : vector<16xf32> to vector<1xf32>
        %parallel_loop3A_1349 = vector.extract %parallel_loop3A_1348[0] : f32 from vector<1xf32>
        %parallel_loop3A_1350 = vector.broadcast %parallel_loop3A_1349 : f32 to vector<16xf32>
        %parallel_loop3A_1351 = arith.addf %parallel_loop3A_1347, %parallel_loop3A_1350 : vector<16xf32>
        %parallel_loop3A_1352 = arith.select %parallel_loop3A_1343, %parallel_loop3A_1351, %broadcast_in_dim3A_4 : vector<16xi1>, vector<16xf32>
        %parallel_loop3A_1353 = arith.cmpf ogt, %parallel_loop3A_1352, %parallel_loop3A_1334 : vector<16xf32>
        %parallel_loop3A_1354 = arith.constant 4 : i32
        %parallel_loop3A_1355 = vector.broadcast %parallel_loop3A_1354 : i32 to vector<16xi32>
        %parallel_loop3A_1356 = arith.select %parallel_loop3A_1353, %parallel_loop3A_1355, %parallel_loop3A_1333 : vector<16xi1>, vector<16xi32>
        %parallel_loop3A_1357 = arith.maximumf %parallel_loop3A_1334, %parallel_loop3A_1352 : vector<16xf32>
        %parallel_loop3A_1358 = arith.constant 5 : i32
        %parallel_loop3A_1359 = vector.broadcast %parallel_loop3A_1358 : i32 to vector<16xi32>
        %parallel_loop3A_1360 = arith.shrsi %parallel_loop3A_1240, %parallel_loop3A_1359 : vector<16xi32>
        %parallel_loop3A_1361 = arith.constant 1 : i32
        %parallel_loop3A_1362 = vector.broadcast %parallel_loop3A_1361 : i32 to vector<16xi32>
        %parallel_loop3A_1363 = arith.andi %parallel_loop3A_1360, %parallel_loop3A_1362 : vector<16xi32>
        %parallel_loop3A_1364 = arith.constant 1 : i32
        %parallel_loop3A_1365 = vector.broadcast %parallel_loop3A_1364 : i32 to vector<16xi32>
        %parallel_loop3A_1366 = arith.cmpi eq, %parallel_loop3A_1363, %parallel_loop3A_1365 : vector<16xi32>
        %parallel_loop3A_1367 = arith.constant 32 : i32
        %parallel_loop3A_1368 = vector.broadcast %parallel_loop3A_1367 : i32 to vector<16xi32>
        %parallel_loop3A_1369 = arith.subi %parallel_loop3A_1240, %parallel_loop3A_1368 : vector<16xi32>
        %parallel_loop3A_1370 = tpu.vector_load_idx %arg14[%parallel_loop3A_1369] masked %parallel_loop3A_1366 : memref<512xf32, #tpu.memory_space<vmem>>[vector<16xi32>], vector<16xf32>, vector<16xi1>
        %parallel_loop3A_1371 = vector.extract_strided_slice %get3A_48 {offsets = [5], sizes = [1], strides = [1]} : vector<16xf32> to vector<1xf32>
        %parallel_loop3A_1372 = vector.extract %parallel_loop3A_1371[0] : f32 from vector<1xf32>
        %parallel_loop3A_1373 = vector.broadcast %parallel_loop3A_1372 : f32 to vector<16xf32>
        %parallel_loop3A_1374 = arith.addf %parallel_loop3A_1370, %parallel_loop3A_1373 : vector<16xf32>
        %parallel_loop3A_1375 = arith.select %parallel_loop3A_1366, %parallel_loop3A_1374, %broadcast_in_dim3A_4 : vector<16xi1>, vector<16xf32>
        %parallel_loop3A_1376 = arith.cmpf ogt, %parallel_loop3A_1375, %parallel_loop3A_1357 : vector<16xf32>
        %parallel_loop3A_1377 = arith.constant 5 : i32
        %parallel_loop3A_1378 = vector.broadcast %parallel_loop3A_1377 : i32 to vector<16xi32>
        %parallel_loop3A_1379 = arith.select %parallel_loop3A_1376, %parallel_loop3A_1378, %parallel_loop3A_1356 : vector<16xi1>, vector<16xi32>
        %parallel_loop3A_1380 = arith.maximumf %parallel_loop3A_1357, %parallel_loop3A_1375 : vector<16xf32>
        %parallel_loop3A_1381 = arith.constant 6 : i32
        %parallel_loop3A_1382 = vector.broadcast %parallel_loop3A_1381 : i32 to vector<16xi32>
        %parallel_loop3A_1383 = arith.shrsi %parallel_loop3A_1240, %parallel_loop3A_1382 : vector<16xi32>
        %parallel_loop3A_1384 = arith.constant 1 : i32
        %parallel_loop3A_1385 = vector.broadcast %parallel_loop3A_1384 : i32 to vector<16xi32>
        %parallel_loop3A_1386 = arith.andi %parallel_loop3A_1383, %parallel_loop3A_1385 : vector<16xi32>
        %parallel_loop3A_1387 = arith.constant 1 : i32
        %parallel_loop3A_1388 = vector.broadcast %parallel_loop3A_1387 : i32 to vector<16xi32>
        %parallel_loop3A_1389 = arith.cmpi eq, %parallel_loop3A_1386, %parallel_loop3A_1388 : vector<16xi32>
        %parallel_loop3A_1390 = arith.constant 64 : i32
        %parallel_loop3A_1391 = vector.broadcast %parallel_loop3A_1390 : i32 to vector<16xi32>
        %parallel_loop3A_1392 = arith.subi %parallel_loop3A_1240, %parallel_loop3A_1391 : vector<16xi32>
        %parallel_loop3A_1393 = tpu.vector_load_idx %arg14[%parallel_loop3A_1392] masked %parallel_loop3A_1389 : memref<512xf32, #tpu.memory_space<vmem>>[vector<16xi32>], vector<16xf32>, vector<16xi1>
        %parallel_loop3A_1394 = vector.extract_strided_slice %get3A_48 {offsets = [6], sizes = [1], strides = [1]} : vector<16xf32> to vector<1xf32>
        %parallel_loop3A_1395 = vector.extract %parallel_loop3A_1394[0] : f32 from vector<1xf32>
        %parallel_loop3A_1396 = vector.broadcast %parallel_loop3A_1395 : f32 to vector<16xf32>
        %parallel_loop3A_1397 = arith.addf %parallel_loop3A_1393, %parallel_loop3A_1396 : vector<16xf32>
        %parallel_loop3A_1398 = arith.select %parallel_loop3A_1389, %parallel_loop3A_1397, %broadcast_in_dim3A_4 : vector<16xi1>, vector<16xf32>
        %parallel_loop3A_1399 = arith.cmpf ogt, %parallel_loop3A_1398, %parallel_loop3A_1380 : vector<16xf32>
        %parallel_loop3A_1400 = arith.constant 6 : i32
        %parallel_loop3A_1401 = vector.broadcast %parallel_loop3A_1400 : i32 to vector<16xi32>
        %parallel_loop3A_1402 = arith.select %parallel_loop3A_1399, %parallel_loop3A_1401, %parallel_loop3A_1379 : vector<16xi1>, vector<16xi32>
        %parallel_loop3A_1403 = arith.maximumf %parallel_loop3A_1380, %parallel_loop3A_1398 : vector<16xf32>
        %parallel_loop3A_1404 = arith.constant 7 : i32
        %parallel_loop3A_1405 = vector.broadcast %parallel_loop3A_1404 : i32 to vector<16xi32>
        %parallel_loop3A_1406 = arith.shrsi %parallel_loop3A_1240, %parallel_loop3A_1405 : vector<16xi32>
        %parallel_loop3A_1407 = arith.constant 1 : i32
        %parallel_loop3A_1408 = vector.broadcast %parallel_loop3A_1407 : i32 to vector<16xi32>
        %parallel_loop3A_1409 = arith.andi %parallel_loop3A_1406, %parallel_loop3A_1408 : vector<16xi32>
        %parallel_loop3A_1410 = arith.constant 1 : i32
        %parallel_loop3A_1411 = vector.broadcast %parallel_loop3A_1410 : i32 to vector<16xi32>
        %parallel_loop3A_1412 = arith.cmpi eq, %parallel_loop3A_1409, %parallel_loop3A_1411 : vector<16xi32>
        %parallel_loop3A_1413 = arith.constant 128 : i32
        %parallel_loop3A_1414 = vector.broadcast %parallel_loop3A_1413 : i32 to vector<16xi32>
        %parallel_loop3A_1415 = arith.subi %parallel_loop3A_1240, %parallel_loop3A_1414 : vector<16xi32>
        %parallel_loop3A_1416 = tpu.vector_load_idx %arg14[%parallel_loop3A_1415] masked %parallel_loop3A_1412 : memref<512xf32, #tpu.memory_space<vmem>>[vector<16xi32>], vector<16xf32>, vector<16xi1>
        %parallel_loop3A_1417 = vector.extract_strided_slice %get3A_48 {offsets = [7], sizes = [1], strides = [1]} : vector<16xf32> to vector<1xf32>
        %parallel_loop3A_1418 = vector.extract %parallel_loop3A_1417[0] : f32 from vector<1xf32>
        %parallel_loop3A_1419 = vector.broadcast %parallel_loop3A_1418 : f32 to vector<16xf32>
        %parallel_loop3A_1420 = arith.addf %parallel_loop3A_1416, %parallel_loop3A_1419 : vector<16xf32>
        %parallel_loop3A_1421 = arith.select %parallel_loop3A_1412, %parallel_loop3A_1420, %broadcast_in_dim3A_4 : vector<16xi1>, vector<16xf32>
        %parallel_loop3A_1422 = arith.cmpf ogt, %parallel_loop3A_1421, %parallel_loop3A_1403 : vector<16xf32>
        %parallel_loop3A_1423 = arith.constant 7 : i32
        %parallel_loop3A_1424 = vector.broadcast %parallel_loop3A_1423 : i32 to vector<16xi32>
        %parallel_loop3A_1425 = arith.select %parallel_loop3A_1422, %parallel_loop3A_1424, %parallel_loop3A_1402 : vector<16xi1>, vector<16xi32>
        %parallel_loop3A_1426 = arith.maximumf %parallel_loop3A_1403, %parallel_loop3A_1421 : vector<16xf32>
        %parallel_loop3A_1427 = arith.constant 8 : i32
        %parallel_loop3A_1428 = vector.broadcast %parallel_loop3A_1427 : i32 to vector<16xi32>
        %parallel_loop3A_1429 = arith.shrsi %parallel_loop3A_1240, %parallel_loop3A_1428 : vector<16xi32>
        %parallel_loop3A_1430 = arith.constant 1 : i32
        %parallel_loop3A_1431 = vector.broadcast %parallel_loop3A_1430 : i32 to vector<16xi32>
        %parallel_loop3A_1432 = arith.andi %parallel_loop3A_1429, %parallel_loop3A_1431 : vector<16xi32>
        %parallel_loop3A_1433 = arith.constant 1 : i32
        %parallel_loop3A_1434 = vector.broadcast %parallel_loop3A_1433 : i32 to vector<16xi32>
        %parallel_loop3A_1435 = arith.cmpi eq, %parallel_loop3A_1432, %parallel_loop3A_1434 : vector<16xi32>
        %parallel_loop3A_1436 = arith.constant 256 : i32
        %parallel_loop3A_1437 = vector.broadcast %parallel_loop3A_1436 : i32 to vector<16xi32>
        %parallel_loop3A_1438 = arith.subi %parallel_loop3A_1240, %parallel_loop3A_1437 : vector<16xi32>
        %parallel_loop3A_1439 = tpu.vector_load_idx %arg14[%parallel_loop3A_1438] masked %parallel_loop3A_1435 : memref<512xf32, #tpu.memory_space<vmem>>[vector<16xi32>], vector<16xf32>, vector<16xi1>
        %parallel_loop3A_1440 = vector.extract_strided_slice %get3A_48 {offsets = [8], sizes = [1], strides = [1]} : vector<16xf32> to vector<1xf32>
        %parallel_loop3A_1441 = vector.extract %parallel_loop3A_1440[0] : f32 from vector<1xf32>
        %parallel_loop3A_1442 = vector.broadcast %parallel_loop3A_1441 : f32 to vector<16xf32>
        %parallel_loop3A_1443 = arith.addf %parallel_loop3A_1439, %parallel_loop3A_1442 : vector<16xf32>
        %parallel_loop3A_1444 = arith.select %parallel_loop3A_1435, %parallel_loop3A_1443, %broadcast_in_dim3A_4 : vector<16xi1>, vector<16xf32>
        %parallel_loop3A_1445 = arith.cmpf ogt, %parallel_loop3A_1444, %parallel_loop3A_1426 : vector<16xf32>
        %parallel_loop3A_1446 = arith.constant 8 : i32
        %parallel_loop3A_1447 = vector.broadcast %parallel_loop3A_1446 : i32 to vector<16xi32>
        %parallel_loop3A_1448 = arith.select %parallel_loop3A_1445, %parallel_loop3A_1447, %parallel_loop3A_1425 : vector<16xi1>, vector<16xi32>
        %parallel_loop3A_1449 = arith.maximumf %parallel_loop3A_1426, %parallel_loop3A_1444 : vector<16xf32>
        %parallel_loop3A_1450 = arith.index_cast %parallel_loop3A_1238 : i32 to index
        %parallel_loop3A_1451 = tpu.vector_load %arg13[%parallel_loop3A_1450] {strides = array<i32>} : memref<512xf32, #tpu.memory_space<vmem>>, vector<16xf32>,
        tpu.vector_store %arg13[%parallel_loop3A_1450], %parallel_loop3A_1449 {strides = array<i32>} : memref<512xf32, #tpu.memory_space<vmem>>, vector<16xf32>,
        %parallel_loop3A_1452 = arith.constant 1536 : i32
        %parallel_loop3A_1453 = arith.addi %parallel_loop3A_1452, %parallel_loop3A_1238 : i32
        %parallel_loop3A_1454 = arith.index_cast %parallel_loop3A_1453 : i32 to index
        %parallel_loop3A_1455 = tpu.vector_load %arg15[%parallel_loop3A_1454] {strides = array<i32>} : memref<4608xi32, #tpu.memory_space<vmem>>, vector<16xi32>,
        tpu.vector_store %arg15[%parallel_loop3A_1454], %parallel_loop3A_1448 {strides = array<i32>} : memref<4608xi32, #tpu.memory_space<vmem>>, vector<16xi32>,
      } {sc.loop_unroll_factor = 4 : i64, sc.parallel_access}
      %get3A_52 = arith.constant 2 : i32
      %get3A_53 = arith.index_cast %get3A_52 : i32 to index
      %get3A_54 = arith.constant 0 : index
      %get3A_55 = tpu.vector_load %arg8[%get3A_53, %get3A_54] {strides = array<i32>} : memref<9x16xf32, #tpu.memory_space<vmem>>, vector<16xf32>,
      %parallel_loop3A_56 = arith.constant 0 : i32
      %parallel_loop3A_57 = arith.constant 32 : i32
      %parallel_loop3A_58 = arith.constant 1 : i32
      scf.for %parallel_loop3A_1236 = %parallel_loop3A_56 to %parallel_loop3A_57 step %parallel_loop3A_58  : i32 {
        %parallel_loop3A_1237 = arith.constant 16 : i32
        %parallel_loop3A_1238 = arith.muli %parallel_loop3A_1236, %parallel_loop3A_1237 : i32
        %parallel_loop3A_1239 = vector.broadcast %parallel_loop3A_1238 : i32 to vector<16xi32>
        %parallel_loop3A_1240 = arith.addi %parallel_loop3A_1239, %iota3A : vector<16xi32>
        %parallel_loop3A_1241 = arith.constant 0 : i32
        %parallel_loop3A_1242 = vector.broadcast %parallel_loop3A_1241 : i32 to vector<16xi32>
        %parallel_loop3A_1243 = arith.constant 0 : i32
        %parallel_loop3A_1244 = vector.broadcast %parallel_loop3A_1243 : i32 to vector<16xi32>
        %parallel_loop3A_1245 = arith.shrsi %parallel_loop3A_1240, %parallel_loop3A_1244 : vector<16xi32>
        %parallel_loop3A_1246 = arith.constant 1 : i32
        %parallel_loop3A_1247 = vector.broadcast %parallel_loop3A_1246 : i32 to vector<16xi32>
        %parallel_loop3A_1248 = arith.andi %parallel_loop3A_1245, %parallel_loop3A_1247 : vector<16xi32>
        %parallel_loop3A_1249 = arith.constant 1 : i32
        %parallel_loop3A_1250 = vector.broadcast %parallel_loop3A_1249 : i32 to vector<16xi32>
        %parallel_loop3A_1251 = arith.cmpi eq, %parallel_loop3A_1248, %parallel_loop3A_1250 : vector<16xi32>
        %parallel_loop3A_1252 = arith.constant 1 : i32
        %parallel_loop3A_1253 = vector.broadcast %parallel_loop3A_1252 : i32 to vector<16xi32>
        %parallel_loop3A_1254 = arith.subi %parallel_loop3A_1240, %parallel_loop3A_1253 : vector<16xi32>
        %parallel_loop3A_1255 = tpu.vector_load_idx %arg13[%parallel_loop3A_1254] masked %parallel_loop3A_1251 : memref<512xf32, #tpu.memory_space<vmem>>[vector<16xi32>], vector<16xf32>, vector<16xi1>
        %parallel_loop3A_1256 = vector.extract_strided_slice %get3A_55 {offsets = [0], sizes = [1], strides = [1]} : vector<16xf32> to vector<1xf32>
        %parallel_loop3A_1257 = vector.extract %parallel_loop3A_1256[0] : f32 from vector<1xf32>
        %parallel_loop3A_1258 = vector.broadcast %parallel_loop3A_1257 : f32 to vector<16xf32>
        %parallel_loop3A_1259 = arith.addf %parallel_loop3A_1255, %parallel_loop3A_1258 : vector<16xf32>
        %parallel_loop3A_1260 = arith.select %parallel_loop3A_1251, %parallel_loop3A_1259, %broadcast_in_dim3A_4 : vector<16xi1>, vector<16xf32>
        %parallel_loop3A_1261 = arith.cmpf ogt, %parallel_loop3A_1260, %broadcast_in_dim3A_4 : vector<16xf32>
        %parallel_loop3A_1262 = arith.constant 0 : i32
        %parallel_loop3A_1263 = vector.broadcast %parallel_loop3A_1262 : i32 to vector<16xi32>
        %parallel_loop3A_1264 = arith.select %parallel_loop3A_1261, %parallel_loop3A_1263, %parallel_loop3A_1242 : vector<16xi1>, vector<16xi32>
        %parallel_loop3A_1265 = arith.maximumf %broadcast_in_dim3A_4, %parallel_loop3A_1260 : vector<16xf32>
        %parallel_loop3A_1266 = arith.constant 1 : i32
        %parallel_loop3A_1267 = vector.broadcast %parallel_loop3A_1266 : i32 to vector<16xi32>
        %parallel_loop3A_1268 = arith.shrsi %parallel_loop3A_1240, %parallel_loop3A_1267 : vector<16xi32>
        %parallel_loop3A_1269 = arith.constant 1 : i32
        %parallel_loop3A_1270 = vector.broadcast %parallel_loop3A_1269 : i32 to vector<16xi32>
        %parallel_loop3A_1271 = arith.andi %parallel_loop3A_1268, %parallel_loop3A_1270 : vector<16xi32>
        %parallel_loop3A_1272 = arith.constant 1 : i32
        %parallel_loop3A_1273 = vector.broadcast %parallel_loop3A_1272 : i32 to vector<16xi32>
        %parallel_loop3A_1274 = arith.cmpi eq, %parallel_loop3A_1271, %parallel_loop3A_1273 : vector<16xi32>
        %parallel_loop3A_1275 = arith.constant 2 : i32
        %parallel_loop3A_1276 = vector.broadcast %parallel_loop3A_1275 : i32 to vector<16xi32>
        %parallel_loop3A_1277 = arith.subi %parallel_loop3A_1240, %parallel_loop3A_1276 : vector<16xi32>
        %parallel_loop3A_1278 = tpu.vector_load_idx %arg13[%parallel_loop3A_1277] masked %parallel_loop3A_1274 : memref<512xf32, #tpu.memory_space<vmem>>[vector<16xi32>], vector<16xf32>, vector<16xi1>
        %parallel_loop3A_1279 = vector.extract_strided_slice %get3A_55 {offsets = [1], sizes = [1], strides = [1]} : vector<16xf32> to vector<1xf32>
        %parallel_loop3A_1280 = vector.extract %parallel_loop3A_1279[0] : f32 from vector<1xf32>
        %parallel_loop3A_1281 = vector.broadcast %parallel_loop3A_1280 : f32 to vector<16xf32>
        %parallel_loop3A_1282 = arith.addf %parallel_loop3A_1278, %parallel_loop3A_1281 : vector<16xf32>
        %parallel_loop3A_1283 = arith.select %parallel_loop3A_1274, %parallel_loop3A_1282, %broadcast_in_dim3A_4 : vector<16xi1>, vector<16xf32>
        %parallel_loop3A_1284 = arith.cmpf ogt, %parallel_loop3A_1283, %parallel_loop3A_1265 : vector<16xf32>
        %parallel_loop3A_1285 = arith.constant 1 : i32
        %parallel_loop3A_1286 = vector.broadcast %parallel_loop3A_1285 : i32 to vector<16xi32>
        %parallel_loop3A_1287 = arith.select %parallel_loop3A_1284, %parallel_loop3A_1286, %parallel_loop3A_1264 : vector<16xi1>, vector<16xi32>
        %parallel_loop3A_1288 = arith.maximumf %parallel_loop3A_1265, %parallel_loop3A_1283 : vector<16xf32>
        %parallel_loop3A_1289 = arith.constant 2 : i32
        %parallel_loop3A_1290 = vector.broadcast %parallel_loop3A_1289 : i32 to vector<16xi32>
        %parallel_loop3A_1291 = arith.shrsi %parallel_loop3A_1240, %parallel_loop3A_1290 : vector<16xi32>
        %parallel_loop3A_1292 = arith.constant 1 : i32
        %parallel_loop3A_1293 = vector.broadcast %parallel_loop3A_1292 : i32 to vector<16xi32>
        %parallel_loop3A_1294 = arith.andi %parallel_loop3A_1291, %parallel_loop3A_1293 : vector<16xi32>
        %parallel_loop3A_1295 = arith.constant 1 : i32
        %parallel_loop3A_1296 = vector.broadcast %parallel_loop3A_1295 : i32 to vector<16xi32>
        %parallel_loop3A_1297 = arith.cmpi eq, %parallel_loop3A_1294, %parallel_loop3A_1296 : vector<16xi32>
        %parallel_loop3A_1298 = arith.constant 4 : i32
        %parallel_loop3A_1299 = vector.broadcast %parallel_loop3A_1298 : i32 to vector<16xi32>
        %parallel_loop3A_1300 = arith.subi %parallel_loop3A_1240, %parallel_loop3A_1299 : vector<16xi32>
        %parallel_loop3A_1301 = tpu.vector_load_idx %arg13[%parallel_loop3A_1300] masked %parallel_loop3A_1297 : memref<512xf32, #tpu.memory_space<vmem>>[vector<16xi32>], vector<16xf32>, vector<16xi1>
        %parallel_loop3A_1302 = vector.extract_strided_slice %get3A_55 {offsets = [2], sizes = [1], strides = [1]} : vector<16xf32> to vector<1xf32>
        %parallel_loop3A_1303 = vector.extract %parallel_loop3A_1302[0] : f32 from vector<1xf32>
        %parallel_loop3A_1304 = vector.broadcast %parallel_loop3A_1303 : f32 to vector<16xf32>
        %parallel_loop3A_1305 = arith.addf %parallel_loop3A_1301, %parallel_loop3A_1304 : vector<16xf32>
        %parallel_loop3A_1306 = arith.select %parallel_loop3A_1297, %parallel_loop3A_1305, %broadcast_in_dim3A_4 : vector<16xi1>, vector<16xf32>
        %parallel_loop3A_1307 = arith.cmpf ogt, %parallel_loop3A_1306, %parallel_loop3A_1288 : vector<16xf32>
        %parallel_loop3A_1308 = arith.constant 2 : i32
        %parallel_loop3A_1309 = vector.broadcast %parallel_loop3A_1308 : i32 to vector<16xi32>
        %parallel_loop3A_1310 = arith.select %parallel_loop3A_1307, %parallel_loop3A_1309, %parallel_loop3A_1287 : vector<16xi1>, vector<16xi32>
        %parallel_loop3A_1311 = arith.maximumf %parallel_loop3A_1288, %parallel_loop3A_1306 : vector<16xf32>
        %parallel_loop3A_1312 = arith.constant 3 : i32
        %parallel_loop3A_1313 = vector.broadcast %parallel_loop3A_1312 : i32 to vector<16xi32>
        %parallel_loop3A_1314 = arith.shrsi %parallel_loop3A_1240, %parallel_loop3A_1313 : vector<16xi32>
        %parallel_loop3A_1315 = arith.constant 1 : i32
        %parallel_loop3A_1316 = vector.broadcast %parallel_loop3A_1315 : i32 to vector<16xi32>
        %parallel_loop3A_1317 = arith.andi %parallel_loop3A_1314, %parallel_loop3A_1316 : vector<16xi32>
        %parallel_loop3A_1318 = arith.constant 1 : i32
        %parallel_loop3A_1319 = vector.broadcast %parallel_loop3A_1318 : i32 to vector<16xi32>
        %parallel_loop3A_1320 = arith.cmpi eq, %parallel_loop3A_1317, %parallel_loop3A_1319 : vector<16xi32>
        %parallel_loop3A_1321 = arith.constant 8 : i32
        %parallel_loop3A_1322 = vector.broadcast %parallel_loop3A_1321 : i32 to vector<16xi32>
        %parallel_loop3A_1323 = arith.subi %parallel_loop3A_1240, %parallel_loop3A_1322 : vector<16xi32>
        %parallel_loop3A_1324 = tpu.vector_load_idx %arg13[%parallel_loop3A_1323] masked %parallel_loop3A_1320 : memref<512xf32, #tpu.memory_space<vmem>>[vector<16xi32>], vector<16xf32>, vector<16xi1>
        %parallel_loop3A_1325 = vector.extract_strided_slice %get3A_55 {offsets = [3], sizes = [1], strides = [1]} : vector<16xf32> to vector<1xf32>
        %parallel_loop3A_1326 = vector.extract %parallel_loop3A_1325[0] : f32 from vector<1xf32>
        %parallel_loop3A_1327 = vector.broadcast %parallel_loop3A_1326 : f32 to vector<16xf32>
        %parallel_loop3A_1328 = arith.addf %parallel_loop3A_1324, %parallel_loop3A_1327 : vector<16xf32>
        %parallel_loop3A_1329 = arith.select %parallel_loop3A_1320, %parallel_loop3A_1328, %broadcast_in_dim3A_4 : vector<16xi1>, vector<16xf32>
        %parallel_loop3A_1330 = arith.cmpf ogt, %parallel_loop3A_1329, %parallel_loop3A_1311 : vector<16xf32>
        %parallel_loop3A_1331 = arith.constant 3 : i32
        %parallel_loop3A_1332 = vector.broadcast %parallel_loop3A_1331 : i32 to vector<16xi32>
        %parallel_loop3A_1333 = arith.select %parallel_loop3A_1330, %parallel_loop3A_1332, %parallel_loop3A_1310 : vector<16xi1>, vector<16xi32>
        %parallel_loop3A_1334 = arith.maximumf %parallel_loop3A_1311, %parallel_loop3A_1329 : vector<16xf32>
        %parallel_loop3A_1335 = arith.constant 4 : i32
        %parallel_loop3A_1336 = vector.broadcast %parallel_loop3A_1335 : i32 to vector<16xi32>
        %parallel_loop3A_1337 = arith.shrsi %parallel_loop3A_1240, %parallel_loop3A_1336 : vector<16xi32>
        %parallel_loop3A_1338 = arith.constant 1 : i32
        %parallel_loop3A_1339 = vector.broadcast %parallel_loop3A_1338 : i32 to vector<16xi32>
        %parallel_loop3A_1340 = arith.andi %parallel_loop3A_1337, %parallel_loop3A_1339 : vector<16xi32>
        %parallel_loop3A_1341 = arith.constant 1 : i32
        %parallel_loop3A_1342 = vector.broadcast %parallel_loop3A_1341 : i32 to vector<16xi32>
        %parallel_loop3A_1343 = arith.cmpi eq, %parallel_loop3A_1340, %parallel_loop3A_1342 : vector<16xi32>
        %parallel_loop3A_1344 = arith.constant 16 : i32
        %parallel_loop3A_1345 = vector.broadcast %parallel_loop3A_1344 : i32 to vector<16xi32>
        %parallel_loop3A_1346 = arith.subi %parallel_loop3A_1240, %parallel_loop3A_1345 : vector<16xi32>
        %parallel_loop3A_1347 = tpu.vector_load_idx %arg13[%parallel_loop3A_1346] masked %parallel_loop3A_1343 : memref<512xf32, #tpu.memory_space<vmem>>[vector<16xi32>], vector<16xf32>, vector<16xi1>
        %parallel_loop3A_1348 = vector.extract_strided_slice %get3A_55 {offsets = [4], sizes = [1], strides = [1]} : vector<16xf32> to vector<1xf32>
        %parallel_loop3A_1349 = vector.extract %parallel_loop3A_1348[0] : f32 from vector<1xf32>
        %parallel_loop3A_1350 = vector.broadcast %parallel_loop3A_1349 : f32 to vector<16xf32>
        %parallel_loop3A_1351 = arith.addf %parallel_loop3A_1347, %parallel_loop3A_1350 : vector<16xf32>
        %parallel_loop3A_1352 = arith.select %parallel_loop3A_1343, %parallel_loop3A_1351, %broadcast_in_dim3A_4 : vector<16xi1>, vector<16xf32>
        %parallel_loop3A_1353 = arith.cmpf ogt, %parallel_loop3A_1352, %parallel_loop3A_1334 : vector<16xf32>
        %parallel_loop3A_1354 = arith.constant 4 : i32
        %parallel_loop3A_1355 = vector.broadcast %parallel_loop3A_1354 : i32 to vector<16xi32>
        %parallel_loop3A_1356 = arith.select %parallel_loop3A_1353, %parallel_loop3A_1355, %parallel_loop3A_1333 : vector<16xi1>, vector<16xi32>
        %parallel_loop3A_1357 = arith.maximumf %parallel_loop3A_1334, %parallel_loop3A_1352 : vector<16xf32>
        %parallel_loop3A_1358 = arith.constant 5 : i32
        %parallel_loop3A_1359 = vector.broadcast %parallel_loop3A_1358 : i32 to vector<16xi32>
        %parallel_loop3A_1360 = arith.shrsi %parallel_loop3A_1240, %parallel_loop3A_1359 : vector<16xi32>
        %parallel_loop3A_1361 = arith.constant 1 : i32
        %parallel_loop3A_1362 = vector.broadcast %parallel_loop3A_1361 : i32 to vector<16xi32>
        %parallel_loop3A_1363 = arith.andi %parallel_loop3A_1360, %parallel_loop3A_1362 : vector<16xi32>
        %parallel_loop3A_1364 = arith.constant 1 : i32
        %parallel_loop3A_1365 = vector.broadcast %parallel_loop3A_1364 : i32 to vector<16xi32>
        %parallel_loop3A_1366 = arith.cmpi eq, %parallel_loop3A_1363, %parallel_loop3A_1365 : vector<16xi32>
        %parallel_loop3A_1367 = arith.constant 32 : i32
        %parallel_loop3A_1368 = vector.broadcast %parallel_loop3A_1367 : i32 to vector<16xi32>
        %parallel_loop3A_1369 = arith.subi %parallel_loop3A_1240, %parallel_loop3A_1368 : vector<16xi32>
        %parallel_loop3A_1370 = tpu.vector_load_idx %arg13[%parallel_loop3A_1369] masked %parallel_loop3A_1366 : memref<512xf32, #tpu.memory_space<vmem>>[vector<16xi32>], vector<16xf32>, vector<16xi1>
        %parallel_loop3A_1371 = vector.extract_strided_slice %get3A_55 {offsets = [5], sizes = [1], strides = [1]} : vector<16xf32> to vector<1xf32>
        %parallel_loop3A_1372 = vector.extract %parallel_loop3A_1371[0] : f32 from vector<1xf32>
        %parallel_loop3A_1373 = vector.broadcast %parallel_loop3A_1372 : f32 to vector<16xf32>
        %parallel_loop3A_1374 = arith.addf %parallel_loop3A_1370, %parallel_loop3A_1373 : vector<16xf32>
        %parallel_loop3A_1375 = arith.select %parallel_loop3A_1366, %parallel_loop3A_1374, %broadcast_in_dim3A_4 : vector<16xi1>, vector<16xf32>
        %parallel_loop3A_1376 = arith.cmpf ogt, %parallel_loop3A_1375, %parallel_loop3A_1357 : vector<16xf32>
        %parallel_loop3A_1377 = arith.constant 5 : i32
        %parallel_loop3A_1378 = vector.broadcast %parallel_loop3A_1377 : i32 to vector<16xi32>
        %parallel_loop3A_1379 = arith.select %parallel_loop3A_1376, %parallel_loop3A_1378, %parallel_loop3A_1356 : vector<16xi1>, vector<16xi32>
        %parallel_loop3A_1380 = arith.maximumf %parallel_loop3A_1357, %parallel_loop3A_1375 : vector<16xf32>
        %parallel_loop3A_1381 = arith.constant 6 : i32
        %parallel_loop3A_1382 = vector.broadcast %parallel_loop3A_1381 : i32 to vector<16xi32>
        %parallel_loop3A_1383 = arith.shrsi %parallel_loop3A_1240, %parallel_loop3A_1382 : vector<16xi32>
        %parallel_loop3A_1384 = arith.constant 1 : i32
        %parallel_loop3A_1385 = vector.broadcast %parallel_loop3A_1384 : i32 to vector<16xi32>
        %parallel_loop3A_1386 = arith.andi %parallel_loop3A_1383, %parallel_loop3A_1385 : vector<16xi32>
        %parallel_loop3A_1387 = arith.constant 1 : i32
        %parallel_loop3A_1388 = vector.broadcast %parallel_loop3A_1387 : i32 to vector<16xi32>
        %parallel_loop3A_1389 = arith.cmpi eq, %parallel_loop3A_1386, %parallel_loop3A_1388 : vector<16xi32>
        %parallel_loop3A_1390 = arith.constant 64 : i32
        %parallel_loop3A_1391 = vector.broadcast %parallel_loop3A_1390 : i32 to vector<16xi32>
        %parallel_loop3A_1392 = arith.subi %parallel_loop3A_1240, %parallel_loop3A_1391 : vector<16xi32>
        %parallel_loop3A_1393 = tpu.vector_load_idx %arg13[%parallel_loop3A_1392] masked %parallel_loop3A_1389 : memref<512xf32, #tpu.memory_space<vmem>>[vector<16xi32>], vector<16xf32>, vector<16xi1>
        %parallel_loop3A_1394 = vector.extract_strided_slice %get3A_55 {offsets = [6], sizes = [1], strides = [1]} : vector<16xf32> to vector<1xf32>
        %parallel_loop3A_1395 = vector.extract %parallel_loop3A_1394[0] : f32 from vector<1xf32>
        %parallel_loop3A_1396 = vector.broadcast %parallel_loop3A_1395 : f32 to vector<16xf32>
        %parallel_loop3A_1397 = arith.addf %parallel_loop3A_1393, %parallel_loop3A_1396 : vector<16xf32>
        %parallel_loop3A_1398 = arith.select %parallel_loop3A_1389, %parallel_loop3A_1397, %broadcast_in_dim3A_4 : vector<16xi1>, vector<16xf32>
        %parallel_loop3A_1399 = arith.cmpf ogt, %parallel_loop3A_1398, %parallel_loop3A_1380 : vector<16xf32>
        %parallel_loop3A_1400 = arith.constant 6 : i32
        %parallel_loop3A_1401 = vector.broadcast %parallel_loop3A_1400 : i32 to vector<16xi32>
        %parallel_loop3A_1402 = arith.select %parallel_loop3A_1399, %parallel_loop3A_1401, %parallel_loop3A_1379 : vector<16xi1>, vector<16xi32>
        %parallel_loop3A_1403 = arith.maximumf %parallel_loop3A_1380, %parallel_loop3A_1398 : vector<16xf32>
        %parallel_loop3A_1404 = arith.constant 7 : i32
        %parallel_loop3A_1405 = vector.broadcast %parallel_loop3A_1404 : i32 to vector<16xi32>
        %parallel_loop3A_1406 = arith.shrsi %parallel_loop3A_1240, %parallel_loop3A_1405 : vector<16xi32>
        %parallel_loop3A_1407 = arith.constant 1 : i32
        %parallel_loop3A_1408 = vector.broadcast %parallel_loop3A_1407 : i32 to vector<16xi32>
        %parallel_loop3A_1409 = arith.andi %parallel_loop3A_1406, %parallel_loop3A_1408 : vector<16xi32>
        %parallel_loop3A_1410 = arith.constant 1 : i32
        %parallel_loop3A_1411 = vector.broadcast %parallel_loop3A_1410 : i32 to vector<16xi32>
        %parallel_loop3A_1412 = arith.cmpi eq, %parallel_loop3A_1409, %parallel_loop3A_1411 : vector<16xi32>
        %parallel_loop3A_1413 = arith.constant 128 : i32
        %parallel_loop3A_1414 = vector.broadcast %parallel_loop3A_1413 : i32 to vector<16xi32>
        %parallel_loop3A_1415 = arith.subi %parallel_loop3A_1240, %parallel_loop3A_1414 : vector<16xi32>
        %parallel_loop3A_1416 = tpu.vector_load_idx %arg13[%parallel_loop3A_1415] masked %parallel_loop3A_1412 : memref<512xf32, #tpu.memory_space<vmem>>[vector<16xi32>], vector<16xf32>, vector<16xi1>
        %parallel_loop3A_1417 = vector.extract_strided_slice %get3A_55 {offsets = [7], sizes = [1], strides = [1]} : vector<16xf32> to vector<1xf32>
        %parallel_loop3A_1418 = vector.extract %parallel_loop3A_1417[0] : f32 from vector<1xf32>
        %parallel_loop3A_1419 = vector.broadcast %parallel_loop3A_1418 : f32 to vector<16xf32>
        %parallel_loop3A_1420 = arith.addf %parallel_loop3A_1416, %parallel_loop3A_1419 : vector<16xf32>
        %parallel_loop3A_1421 = arith.select %parallel_loop3A_1412, %parallel_loop3A_1420, %broadcast_in_dim3A_4 : vector<16xi1>, vector<16xf32>
        %parallel_loop3A_1422 = arith.cmpf ogt, %parallel_loop3A_1421, %parallel_loop3A_1403 : vector<16xf32>
        %parallel_loop3A_1423 = arith.constant 7 : i32
        %parallel_loop3A_1424 = vector.broadcast %parallel_loop3A_1423 : i32 to vector<16xi32>
        %parallel_loop3A_1425 = arith.select %parallel_loop3A_1422, %parallel_loop3A_1424, %parallel_loop3A_1402 : vector<16xi1>, vector<16xi32>
        %parallel_loop3A_1426 = arith.maximumf %parallel_loop3A_1403, %parallel_loop3A_1421 : vector<16xf32>
        %parallel_loop3A_1427 = arith.constant 8 : i32
        %parallel_loop3A_1428 = vector.broadcast %parallel_loop3A_1427 : i32 to vector<16xi32>
        %parallel_loop3A_1429 = arith.shrsi %parallel_loop3A_1240, %parallel_loop3A_1428 : vector<16xi32>
        %parallel_loop3A_1430 = arith.constant 1 : i32
        %parallel_loop3A_1431 = vector.broadcast %parallel_loop3A_1430 : i32 to vector<16xi32>
        %parallel_loop3A_1432 = arith.andi %parallel_loop3A_1429, %parallel_loop3A_1431 : vector<16xi32>
        %parallel_loop3A_1433 = arith.constant 1 : i32
        %parallel_loop3A_1434 = vector.broadcast %parallel_loop3A_1433 : i32 to vector<16xi32>
        %parallel_loop3A_1435 = arith.cmpi eq, %parallel_loop3A_1432, %parallel_loop3A_1434 : vector<16xi32>
        %parallel_loop3A_1436 = arith.constant 256 : i32
        %parallel_loop3A_1437 = vector.broadcast %parallel_loop3A_1436 : i32 to vector<16xi32>
        %parallel_loop3A_1438 = arith.subi %parallel_loop3A_1240, %parallel_loop3A_1437 : vector<16xi32>
        %parallel_loop3A_1439 = tpu.vector_load_idx %arg13[%parallel_loop3A_1438] masked %parallel_loop3A_1435 : memref<512xf32, #tpu.memory_space<vmem>>[vector<16xi32>], vector<16xf32>, vector<16xi1>
        %parallel_loop3A_1440 = vector.extract_strided_slice %get3A_55 {offsets = [8], sizes = [1], strides = [1]} : vector<16xf32> to vector<1xf32>
        %parallel_loop3A_1441 = vector.extract %parallel_loop3A_1440[0] : f32 from vector<1xf32>
        %parallel_loop3A_1442 = vector.broadcast %parallel_loop3A_1441 : f32 to vector<16xf32>
        %parallel_loop3A_1443 = arith.addf %parallel_loop3A_1439, %parallel_loop3A_1442 : vector<16xf32>
        %parallel_loop3A_1444 = arith.select %parallel_loop3A_1435, %parallel_loop3A_1443, %broadcast_in_dim3A_4 : vector<16xi1>, vector<16xf32>
        %parallel_loop3A_1445 = arith.cmpf ogt, %parallel_loop3A_1444, %parallel_loop3A_1426 : vector<16xf32>
        %parallel_loop3A_1446 = arith.constant 8 : i32
        %parallel_loop3A_1447 = vector.broadcast %parallel_loop3A_1446 : i32 to vector<16xi32>
        %parallel_loop3A_1448 = arith.select %parallel_loop3A_1445, %parallel_loop3A_1447, %parallel_loop3A_1425 : vector<16xi1>, vector<16xi32>
        %parallel_loop3A_1449 = arith.maximumf %parallel_loop3A_1426, %parallel_loop3A_1444 : vector<16xf32>
        %parallel_loop3A_1450 = arith.index_cast %parallel_loop3A_1238 : i32 to index
        %parallel_loop3A_1451 = tpu.vector_load %arg14[%parallel_loop3A_1450] {strides = array<i32>} : memref<512xf32, #tpu.memory_space<vmem>>, vector<16xf32>,
        tpu.vector_store %arg14[%parallel_loop3A_1450], %parallel_loop3A_1449 {strides = array<i32>} : memref<512xf32, #tpu.memory_space<vmem>>, vector<16xf32>,
        %parallel_loop3A_1452 = arith.constant 1024 : i32
        %parallel_loop3A_1453 = arith.addi %parallel_loop3A_1452, %parallel_loop3A_1238 : i32
        %parallel_loop3A_1454 = arith.index_cast %parallel_loop3A_1453 : i32 to index
        %parallel_loop3A_1455 = tpu.vector_load %arg15[%parallel_loop3A_1454] {strides = array<i32>} : memref<4608xi32, #tpu.memory_space<vmem>>, vector<16xi32>,
        tpu.vector_store %arg15[%parallel_loop3A_1454], %parallel_loop3A_1448 {strides = array<i32>} : memref<4608xi32, #tpu.memory_space<vmem>>, vector<16xi32>,
      } {sc.loop_unroll_factor = 4 : i64, sc.parallel_access}
      %get3A_59 = arith.constant 1 : i32
      %get3A_60 = arith.index_cast %get3A_59 : i32 to index
      %get3A_61 = arith.constant 0 : index
      %get3A_62 = tpu.vector_load %arg8[%get3A_60, %get3A_61] {strides = array<i32>} : memref<9x16xf32, #tpu.memory_space<vmem>>, vector<16xf32>,
      %parallel_loop3A_63 = arith.constant 0 : i32
      %parallel_loop3A_64 = arith.constant 32 : i32
      %parallel_loop3A_65 = arith.constant 1 : i32
      scf.for %parallel_loop3A_1236 = %parallel_loop3A_63 to %parallel_loop3A_64 step %parallel_loop3A_65  : i32 {
        %parallel_loop3A_1237 = arith.constant 16 : i32
        %parallel_loop3A_1238 = arith.muli %parallel_loop3A_1236, %parallel_loop3A_1237 : i32
        %parallel_loop3A_1239 = vector.broadcast %parallel_loop3A_1238 : i32 to vector<16xi32>
        %parallel_loop3A_1240 = arith.addi %parallel_loop3A_1239, %iota3A : vector<16xi32>
        %parallel_loop3A_1241 = arith.constant 0 : i32
        %parallel_loop3A_1242 = vector.broadcast %parallel_loop3A_1241 : i32 to vector<16xi32>
        %parallel_loop3A_1243 = arith.constant 0 : i32
        %parallel_loop3A_1244 = vector.broadcast %parallel_loop3A_1243 : i32 to vector<16xi32>
        %parallel_loop3A_1245 = arith.shrsi %parallel_loop3A_1240, %parallel_loop3A_1244 : vector<16xi32>
        %parallel_loop3A_1246 = arith.constant 1 : i32
        %parallel_loop3A_1247 = vector.broadcast %parallel_loop3A_1246 : i32 to vector<16xi32>
        %parallel_loop3A_1248 = arith.andi %parallel_loop3A_1245, %parallel_loop3A_1247 : vector<16xi32>
        %parallel_loop3A_1249 = arith.constant 1 : i32
        %parallel_loop3A_1250 = vector.broadcast %parallel_loop3A_1249 : i32 to vector<16xi32>
        %parallel_loop3A_1251 = arith.cmpi eq, %parallel_loop3A_1248, %parallel_loop3A_1250 : vector<16xi32>
        %parallel_loop3A_1252 = arith.constant 1 : i32
        %parallel_loop3A_1253 = vector.broadcast %parallel_loop3A_1252 : i32 to vector<16xi32>
        %parallel_loop3A_1254 = arith.subi %parallel_loop3A_1240, %parallel_loop3A_1253 : vector<16xi32>
        %parallel_loop3A_1255 = tpu.vector_load_idx %arg14[%parallel_loop3A_1254] masked %parallel_loop3A_1251 : memref<512xf32, #tpu.memory_space<vmem>>[vector<16xi32>], vector<16xf32>, vector<16xi1>
        %parallel_loop3A_1256 = vector.extract_strided_slice %get3A_62 {offsets = [0], sizes = [1], strides = [1]} : vector<16xf32> to vector<1xf32>
        %parallel_loop3A_1257 = vector.extract %parallel_loop3A_1256[0] : f32 from vector<1xf32>
        %parallel_loop3A_1258 = vector.broadcast %parallel_loop3A_1257 : f32 to vector<16xf32>
        %parallel_loop3A_1259 = arith.addf %parallel_loop3A_1255, %parallel_loop3A_1258 : vector<16xf32>
        %parallel_loop3A_1260 = arith.select %parallel_loop3A_1251, %parallel_loop3A_1259, %broadcast_in_dim3A_4 : vector<16xi1>, vector<16xf32>
        %parallel_loop3A_1261 = arith.cmpf ogt, %parallel_loop3A_1260, %broadcast_in_dim3A_4 : vector<16xf32>
        %parallel_loop3A_1262 = arith.constant 0 : i32
        %parallel_loop3A_1263 = vector.broadcast %parallel_loop3A_1262 : i32 to vector<16xi32>
        %parallel_loop3A_1264 = arith.select %parallel_loop3A_1261, %parallel_loop3A_1263, %parallel_loop3A_1242 : vector<16xi1>, vector<16xi32>
        %parallel_loop3A_1265 = arith.maximumf %broadcast_in_dim3A_4, %parallel_loop3A_1260 : vector<16xf32>
        %parallel_loop3A_1266 = arith.constant 1 : i32
        %parallel_loop3A_1267 = vector.broadcast %parallel_loop3A_1266 : i32 to vector<16xi32>
        %parallel_loop3A_1268 = arith.shrsi %parallel_loop3A_1240, %parallel_loop3A_1267 : vector<16xi32>
        %parallel_loop3A_1269 = arith.constant 1 : i32
        %parallel_loop3A_1270 = vector.broadcast %parallel_loop3A_1269 : i32 to vector<16xi32>
        %parallel_loop3A_1271 = arith.andi %parallel_loop3A_1268, %parallel_loop3A_1270 : vector<16xi32>
        %parallel_loop3A_1272 = arith.constant 1 : i32
        %parallel_loop3A_1273 = vector.broadcast %parallel_loop3A_1272 : i32 to vector<16xi32>
        %parallel_loop3A_1274 = arith.cmpi eq, %parallel_loop3A_1271, %parallel_loop3A_1273 : vector<16xi32>
        %parallel_loop3A_1275 = arith.constant 2 : i32
        %parallel_loop3A_1276 = vector.broadcast %parallel_loop3A_1275 : i32 to vector<16xi32>
        %parallel_loop3A_1277 = arith.subi %parallel_loop3A_1240, %parallel_loop3A_1276 : vector<16xi32>
        %parallel_loop3A_1278 = tpu.vector_load_idx %arg14[%parallel_loop3A_1277] masked %parallel_loop3A_1274 : memref<512xf32, #tpu.memory_space<vmem>>[vector<16xi32>], vector<16xf32>, vector<16xi1>
        %parallel_loop3A_1279 = vector.extract_strided_slice %get3A_62 {offsets = [1], sizes = [1], strides = [1]} : vector<16xf32> to vector<1xf32>
        %parallel_loop3A_1280 = vector.extract %parallel_loop3A_1279[0] : f32 from vector<1xf32>
        %parallel_loop3A_1281 = vector.broadcast %parallel_loop3A_1280 : f32 to vector<16xf32>
        %parallel_loop3A_1282 = arith.addf %parallel_loop3A_1278, %parallel_loop3A_1281 : vector<16xf32>
        %parallel_loop3A_1283 = arith.select %parallel_loop3A_1274, %parallel_loop3A_1282, %broadcast_in_dim3A_4 : vector<16xi1>, vector<16xf32>
        %parallel_loop3A_1284 = arith.cmpf ogt, %parallel_loop3A_1283, %parallel_loop3A_1265 : vector<16xf32>
        %parallel_loop3A_1285 = arith.constant 1 : i32
        %parallel_loop3A_1286 = vector.broadcast %parallel_loop3A_1285 : i32 to vector<16xi32>
        %parallel_loop3A_1287 = arith.select %parallel_loop3A_1284, %parallel_loop3A_1286, %parallel_loop3A_1264 : vector<16xi1>, vector<16xi32>
        %parallel_loop3A_1288 = arith.maximumf %parallel_loop3A_1265, %parallel_loop3A_1283 : vector<16xf32>
        %parallel_loop3A_1289 = arith.constant 2 : i32
        %parallel_loop3A_1290 = vector.broadcast %parallel_loop3A_1289 : i32 to vector<16xi32>
        %parallel_loop3A_1291 = arith.shrsi %parallel_loop3A_1240, %parallel_loop3A_1290 : vector<16xi32>
        %parallel_loop3A_1292 = arith.constant 1 : i32
        %parallel_loop3A_1293 = vector.broadcast %parallel_loop3A_1292 : i32 to vector<16xi32>
        %parallel_loop3A_1294 = arith.andi %parallel_loop3A_1291, %parallel_loop3A_1293 : vector<16xi32>
        %parallel_loop3A_1295 = arith.constant 1 : i32
        %parallel_loop3A_1296 = vector.broadcast %parallel_loop3A_1295 : i32 to vector<16xi32>
        %parallel_loop3A_1297 = arith.cmpi eq, %parallel_loop3A_1294, %parallel_loop3A_1296 : vector<16xi32>
        %parallel_loop3A_1298 = arith.constant 4 : i32
        %parallel_loop3A_1299 = vector.broadcast %parallel_loop3A_1298 : i32 to vector<16xi32>
        %parallel_loop3A_1300 = arith.subi %parallel_loop3A_1240, %parallel_loop3A_1299 : vector<16xi32>
        %parallel_loop3A_1301 = tpu.vector_load_idx %arg14[%parallel_loop3A_1300] masked %parallel_loop3A_1297 : memref<512xf32, #tpu.memory_space<vmem>>[vector<16xi32>], vector<16xf32>, vector<16xi1>
        %parallel_loop3A_1302 = vector.extract_strided_slice %get3A_62 {offsets = [2], sizes = [1], strides = [1]} : vector<16xf32> to vector<1xf32>
        %parallel_loop3A_1303 = vector.extract %parallel_loop3A_1302[0] : f32 from vector<1xf32>
        %parallel_loop3A_1304 = vector.broadcast %parallel_loop3A_1303 : f32 to vector<16xf32>
        %parallel_loop3A_1305 = arith.addf %parallel_loop3A_1301, %parallel_loop3A_1304 : vector<16xf32>
        %parallel_loop3A_1306 = arith.select %parallel_loop3A_1297, %parallel_loop3A_1305, %broadcast_in_dim3A_4 : vector<16xi1>, vector<16xf32>
        %parallel_loop3A_1307 = arith.cmpf ogt, %parallel_loop3A_1306, %parallel_loop3A_1288 : vector<16xf32>
        %parallel_loop3A_1308 = arith.constant 2 : i32
        %parallel_loop3A_1309 = vector.broadcast %parallel_loop3A_1308 : i32 to vector<16xi32>
        %parallel_loop3A_1310 = arith.select %parallel_loop3A_1307, %parallel_loop3A_1309, %parallel_loop3A_1287 : vector<16xi1>, vector<16xi32>
        %parallel_loop3A_1311 = arith.maximumf %parallel_loop3A_1288, %parallel_loop3A_1306 : vector<16xf32>
        %parallel_loop3A_1312 = arith.constant 3 : i32
        %parallel_loop3A_1313 = vector.broadcast %parallel_loop3A_1312 : i32 to vector<16xi32>
        %parallel_loop3A_1314 = arith.shrsi %parallel_loop3A_1240, %parallel_loop3A_1313 : vector<16xi32>
        %parallel_loop3A_1315 = arith.constant 1 : i32
        %parallel_loop3A_1316 = vector.broadcast %parallel_loop3A_1315 : i32 to vector<16xi32>
        %parallel_loop3A_1317 = arith.andi %parallel_loop3A_1314, %parallel_loop3A_1316 : vector<16xi32>
        %parallel_loop3A_1318 = arith.constant 1 : i32
        %parallel_loop3A_1319 = vector.broadcast %parallel_loop3A_1318 : i32 to vector<16xi32>
        %parallel_loop3A_1320 = arith.cmpi eq, %parallel_loop3A_1317, %parallel_loop3A_1319 : vector<16xi32>
        %parallel_loop3A_1321 = arith.constant 8 : i32
        %parallel_loop3A_1322 = vector.broadcast %parallel_loop3A_1321 : i32 to vector<16xi32>
        %parallel_loop3A_1323 = arith.subi %parallel_loop3A_1240, %parallel_loop3A_1322 : vector<16xi32>
        %parallel_loop3A_1324 = tpu.vector_load_idx %arg14[%parallel_loop3A_1323] masked %parallel_loop3A_1320 : memref<512xf32, #tpu.memory_space<vmem>>[vector<16xi32>], vector<16xf32>, vector<16xi1>
        %parallel_loop3A_1325 = vector.extract_strided_slice %get3A_62 {offsets = [3], sizes = [1], strides = [1]} : vector<16xf32> to vector<1xf32>
        %parallel_loop3A_1326 = vector.extract %parallel_loop3A_1325[0] : f32 from vector<1xf32>
        %parallel_loop3A_1327 = vector.broadcast %parallel_loop3A_1326 : f32 to vector<16xf32>
        %parallel_loop3A_1328 = arith.addf %parallel_loop3A_1324, %parallel_loop3A_1327 : vector<16xf32>
        %parallel_loop3A_1329 = arith.select %parallel_loop3A_1320, %parallel_loop3A_1328, %broadcast_in_dim3A_4 : vector<16xi1>, vector<16xf32>
        %parallel_loop3A_1330 = arith.cmpf ogt, %parallel_loop3A_1329, %parallel_loop3A_1311 : vector<16xf32>
        %parallel_loop3A_1331 = arith.constant 3 : i32
        %parallel_loop3A_1332 = vector.broadcast %parallel_loop3A_1331 : i32 to vector<16xi32>
        %parallel_loop3A_1333 = arith.select %parallel_loop3A_1330, %parallel_loop3A_1332, %parallel_loop3A_1310 : vector<16xi1>, vector<16xi32>
        %parallel_loop3A_1334 = arith.maximumf %parallel_loop3A_1311, %parallel_loop3A_1329 : vector<16xf32>
        %parallel_loop3A_1335 = arith.constant 4 : i32
        %parallel_loop3A_1336 = vector.broadcast %parallel_loop3A_1335 : i32 to vector<16xi32>
        %parallel_loop3A_1337 = arith.shrsi %parallel_loop3A_1240, %parallel_loop3A_1336 : vector<16xi32>
        %parallel_loop3A_1338 = arith.constant 1 : i32
        %parallel_loop3A_1339 = vector.broadcast %parallel_loop3A_1338 : i32 to vector<16xi32>
        %parallel_loop3A_1340 = arith.andi %parallel_loop3A_1337, %parallel_loop3A_1339 : vector<16xi32>
        %parallel_loop3A_1341 = arith.constant 1 : i32
        %parallel_loop3A_1342 = vector.broadcast %parallel_loop3A_1341 : i32 to vector<16xi32>
        %parallel_loop3A_1343 = arith.cmpi eq, %parallel_loop3A_1340, %parallel_loop3A_1342 : vector<16xi32>
        %parallel_loop3A_1344 = arith.constant 16 : i32
        %parallel_loop3A_1345 = vector.broadcast %parallel_loop3A_1344 : i32 to vector<16xi32>
        %parallel_loop3A_1346 = arith.subi %parallel_loop3A_1240, %parallel_loop3A_1345 : vector<16xi32>
        %parallel_loop3A_1347 = tpu.vector_load_idx %arg14[%parallel_loop3A_1346] masked %parallel_loop3A_1343 : memref<512xf32, #tpu.memory_space<vmem>>[vector<16xi32>], vector<16xf32>, vector<16xi1>
        %parallel_loop3A_1348 = vector.extract_strided_slice %get3A_62 {offsets = [4], sizes = [1], strides = [1]} : vector<16xf32> to vector<1xf32>
        %parallel_loop3A_1349 = vector.extract %parallel_loop3A_1348[0] : f32 from vector<1xf32>
        %parallel_loop3A_1350 = vector.broadcast %parallel_loop3A_1349 : f32 to vector<16xf32>
        %parallel_loop3A_1351 = arith.addf %parallel_loop3A_1347, %parallel_loop3A_1350 : vector<16xf32>
        %parallel_loop3A_1352 = arith.select %parallel_loop3A_1343, %parallel_loop3A_1351, %broadcast_in_dim3A_4 : vector<16xi1>, vector<16xf32>
        %parallel_loop3A_1353 = arith.cmpf ogt, %parallel_loop3A_1352, %parallel_loop3A_1334 : vector<16xf32>
        %parallel_loop3A_1354 = arith.constant 4 : i32
        %parallel_loop3A_1355 = vector.broadcast %parallel_loop3A_1354 : i32 to vector<16xi32>
        %parallel_loop3A_1356 = arith.select %parallel_loop3A_1353, %parallel_loop3A_1355, %parallel_loop3A_1333 : vector<16xi1>, vector<16xi32>
        %parallel_loop3A_1357 = arith.maximumf %parallel_loop3A_1334, %parallel_loop3A_1352 : vector<16xf32>
        %parallel_loop3A_1358 = arith.constant 5 : i32
        %parallel_loop3A_1359 = vector.broadcast %parallel_loop3A_1358 : i32 to vector<16xi32>
        %parallel_loop3A_1360 = arith.shrsi %parallel_loop3A_1240, %parallel_loop3A_1359 : vector<16xi32>
        %parallel_loop3A_1361 = arith.constant 1 : i32
        %parallel_loop3A_1362 = vector.broadcast %parallel_loop3A_1361 : i32 to vector<16xi32>
        %parallel_loop3A_1363 = arith.andi %parallel_loop3A_1360, %parallel_loop3A_1362 : vector<16xi32>
        %parallel_loop3A_1364 = arith.constant 1 : i32
        %parallel_loop3A_1365 = vector.broadcast %parallel_loop3A_1364 : i32 to vector<16xi32>
        %parallel_loop3A_1366 = arith.cmpi eq, %parallel_loop3A_1363, %parallel_loop3A_1365 : vector<16xi32>
        %parallel_loop3A_1367 = arith.constant 32 : i32
        %parallel_loop3A_1368 = vector.broadcast %parallel_loop3A_1367 : i32 to vector<16xi32>
        %parallel_loop3A_1369 = arith.subi %parallel_loop3A_1240, %parallel_loop3A_1368 : vector<16xi32>
        %parallel_loop3A_1370 = tpu.vector_load_idx %arg14[%parallel_loop3A_1369] masked %parallel_loop3A_1366 : memref<512xf32, #tpu.memory_space<vmem>>[vector<16xi32>], vector<16xf32>, vector<16xi1>
        %parallel_loop3A_1371 = vector.extract_strided_slice %get3A_62 {offsets = [5], sizes = [1], strides = [1]} : vector<16xf32> to vector<1xf32>
        %parallel_loop3A_1372 = vector.extract %parallel_loop3A_1371[0] : f32 from vector<1xf32>
        %parallel_loop3A_1373 = vector.broadcast %parallel_loop3A_1372 : f32 to vector<16xf32>
        %parallel_loop3A_1374 = arith.addf %parallel_loop3A_1370, %parallel_loop3A_1373 : vector<16xf32>
        %parallel_loop3A_1375 = arith.select %parallel_loop3A_1366, %parallel_loop3A_1374, %broadcast_in_dim3A_4 : vector<16xi1>, vector<16xf32>
        %parallel_loop3A_1376 = arith.cmpf ogt, %parallel_loop3A_1375, %parallel_loop3A_1357 : vector<16xf32>
        %parallel_loop3A_1377 = arith.constant 5 : i32
        %parallel_loop3A_1378 = vector.broadcast %parallel_loop3A_1377 : i32 to vector<16xi32>
        %parallel_loop3A_1379 = arith.select %parallel_loop3A_1376, %parallel_loop3A_1378, %parallel_loop3A_1356 : vector<16xi1>, vector<16xi32>
        %parallel_loop3A_1380 = arith.maximumf %parallel_loop3A_1357, %parallel_loop3A_1375 : vector<16xf32>
        %parallel_loop3A_1381 = arith.constant 6 : i32
        %parallel_loop3A_1382 = vector.broadcast %parallel_loop3A_1381 : i32 to vector<16xi32>
        %parallel_loop3A_1383 = arith.shrsi %parallel_loop3A_1240, %parallel_loop3A_1382 : vector<16xi32>
        %parallel_loop3A_1384 = arith.constant 1 : i32
        %parallel_loop3A_1385 = vector.broadcast %parallel_loop3A_1384 : i32 to vector<16xi32>
        %parallel_loop3A_1386 = arith.andi %parallel_loop3A_1383, %parallel_loop3A_1385 : vector<16xi32>
        %parallel_loop3A_1387 = arith.constant 1 : i32
        %parallel_loop3A_1388 = vector.broadcast %parallel_loop3A_1387 : i32 to vector<16xi32>
        %parallel_loop3A_1389 = arith.cmpi eq, %parallel_loop3A_1386, %parallel_loop3A_1388 : vector<16xi32>
        %parallel_loop3A_1390 = arith.constant 64 : i32
        %parallel_loop3A_1391 = vector.broadcast %parallel_loop3A_1390 : i32 to vector<16xi32>
        %parallel_loop3A_1392 = arith.subi %parallel_loop3A_1240, %parallel_loop3A_1391 : vector<16xi32>
        %parallel_loop3A_1393 = tpu.vector_load_idx %arg14[%parallel_loop3A_1392] masked %parallel_loop3A_1389 : memref<512xf32, #tpu.memory_space<vmem>>[vector<16xi32>], vector<16xf32>, vector<16xi1>
        %parallel_loop3A_1394 = vector.extract_strided_slice %get3A_62 {offsets = [6], sizes = [1], strides = [1]} : vector<16xf32> to vector<1xf32>
        %parallel_loop3A_1395 = vector.extract %parallel_loop3A_1394[0] : f32 from vector<1xf32>
        %parallel_loop3A_1396 = vector.broadcast %parallel_loop3A_1395 : f32 to vector<16xf32>
        %parallel_loop3A_1397 = arith.addf %parallel_loop3A_1393, %parallel_loop3A_1396 : vector<16xf32>
        %parallel_loop3A_1398 = arith.select %parallel_loop3A_1389, %parallel_loop3A_1397, %broadcast_in_dim3A_4 : vector<16xi1>, vector<16xf32>
        %parallel_loop3A_1399 = arith.cmpf ogt, %parallel_loop3A_1398, %parallel_loop3A_1380 : vector<16xf32>
        %parallel_loop3A_1400 = arith.constant 6 : i32
        %parallel_loop3A_1401 = vector.broadcast %parallel_loop3A_1400 : i32 to vector<16xi32>
        %parallel_loop3A_1402 = arith.select %parallel_loop3A_1399, %parallel_loop3A_1401, %parallel_loop3A_1379 : vector<16xi1>, vector<16xi32>
        %parallel_loop3A_1403 = arith.maximumf %parallel_loop3A_1380, %parallel_loop3A_1398 : vector<16xf32>
        %parallel_loop3A_1404 = arith.constant 7 : i32
        %parallel_loop3A_1405 = vector.broadcast %parallel_loop3A_1404 : i32 to vector<16xi32>
        %parallel_loop3A_1406 = arith.shrsi %parallel_loop3A_1240, %parallel_loop3A_1405 : vector<16xi32>
        %parallel_loop3A_1407 = arith.constant 1 : i32
        %parallel_loop3A_1408 = vector.broadcast %parallel_loop3A_1407 : i32 to vector<16xi32>
        %parallel_loop3A_1409 = arith.andi %parallel_loop3A_1406, %parallel_loop3A_1408 : vector<16xi32>
        %parallel_loop3A_1410 = arith.constant 1 : i32
        %parallel_loop3A_1411 = vector.broadcast %parallel_loop3A_1410 : i32 to vector<16xi32>
        %parallel_loop3A_1412 = arith.cmpi eq, %parallel_loop3A_1409, %parallel_loop3A_1411 : vector<16xi32>
        %parallel_loop3A_1413 = arith.constant 128 : i32
        %parallel_loop3A_1414 = vector.broadcast %parallel_loop3A_1413 : i32 to vector<16xi32>
        %parallel_loop3A_1415 = arith.subi %parallel_loop3A_1240, %parallel_loop3A_1414 : vector<16xi32>
        %parallel_loop3A_1416 = tpu.vector_load_idx %arg14[%parallel_loop3A_1415] masked %parallel_loop3A_1412 : memref<512xf32, #tpu.memory_space<vmem>>[vector<16xi32>], vector<16xf32>, vector<16xi1>
        %parallel_loop3A_1417 = vector.extract_strided_slice %get3A_62 {offsets = [7], sizes = [1], strides = [1]} : vector<16xf32> to vector<1xf32>
        %parallel_loop3A_1418 = vector.extract %parallel_loop3A_1417[0] : f32 from vector<1xf32>
        %parallel_loop3A_1419 = vector.broadcast %parallel_loop3A_1418 : f32 to vector<16xf32>
        %parallel_loop3A_1420 = arith.addf %parallel_loop3A_1416, %parallel_loop3A_1419 : vector<16xf32>
        %parallel_loop3A_1421 = arith.select %parallel_loop3A_1412, %parallel_loop3A_1420, %broadcast_in_dim3A_4 : vector<16xi1>, vector<16xf32>
        %parallel_loop3A_1422 = arith.cmpf ogt, %parallel_loop3A_1421, %parallel_loop3A_1403 : vector<16xf32>
        %parallel_loop3A_1423 = arith.constant 7 : i32
        %parallel_loop3A_1424 = vector.broadcast %parallel_loop3A_1423 : i32 to vector<16xi32>
        %parallel_loop3A_1425 = arith.select %parallel_loop3A_1422, %parallel_loop3A_1424, %parallel_loop3A_1402 : vector<16xi1>, vector<16xi32>
        %parallel_loop3A_1426 = arith.maximumf %parallel_loop3A_1403, %parallel_loop3A_1421 : vector<16xf32>
        %parallel_loop3A_1427 = arith.constant 8 : i32
        %parallel_loop3A_1428 = vector.broadcast %parallel_loop3A_1427 : i32 to vector<16xi32>
        %parallel_loop3A_1429 = arith.shrsi %parallel_loop3A_1240, %parallel_loop3A_1428 : vector<16xi32>
        %parallel_loop3A_1430 = arith.constant 1 : i32
        %parallel_loop3A_1431 = vector.broadcast %parallel_loop3A_1430 : i32 to vector<16xi32>
        %parallel_loop3A_1432 = arith.andi %parallel_loop3A_1429, %parallel_loop3A_1431 : vector<16xi32>
        %parallel_loop3A_1433 = arith.constant 1 : i32
        %parallel_loop3A_1434 = vector.broadcast %parallel_loop3A_1433 : i32 to vector<16xi32>
        %parallel_loop3A_1435 = arith.cmpi eq, %parallel_loop3A_1432, %parallel_loop3A_1434 : vector<16xi32>
        %parallel_loop3A_1436 = arith.constant 256 : i32
        %parallel_loop3A_1437 = vector.broadcast %parallel_loop3A_1436 : i32 to vector<16xi32>
        %parallel_loop3A_1438 = arith.subi %parallel_loop3A_1240, %parallel_loop3A_1437 : vector<16xi32>
        %parallel_loop3A_1439 = tpu.vector_load_idx %arg14[%parallel_loop3A_1438] masked %parallel_loop3A_1435 : memref<512xf32, #tpu.memory_space<vmem>>[vector<16xi32>], vector<16xf32>, vector<16xi1>
        %parallel_loop3A_1440 = vector.extract_strided_slice %get3A_62 {offsets = [8], sizes = [1], strides = [1]} : vector<16xf32> to vector<1xf32>
        %parallel_loop3A_1441 = vector.extract %parallel_loop3A_1440[0] : f32 from vector<1xf32>
        %parallel_loop3A_1442 = vector.broadcast %parallel_loop3A_1441 : f32 to vector<16xf32>
        %parallel_loop3A_1443 = arith.addf %parallel_loop3A_1439, %parallel_loop3A_1442 : vector<16xf32>
        %parallel_loop3A_1444 = arith.select %parallel_loop3A_1435, %parallel_loop3A_1443, %broadcast_in_dim3A_4 : vector<16xi1>, vector<16xf32>
        %parallel_loop3A_1445 = arith.cmpf ogt, %parallel_loop3A_1444, %parallel_loop3A_1426 : vector<16xf32>
        %parallel_loop3A_1446 = arith.constant 8 : i32
        %parallel_loop3A_1447 = vector.broadcast %parallel_loop3A_1446 : i32 to vector<16xi32>
        %parallel_loop3A_1448 = arith.select %parallel_loop3A_1445, %parallel_loop3A_1447, %parallel_loop3A_1425 : vector<16xi1>, vector<16xi32>
        %parallel_loop3A_1449 = arith.maximumf %parallel_loop3A_1426, %parallel_loop3A_1444 : vector<16xf32>
        %parallel_loop3A_1450 = arith.index_cast %parallel_loop3A_1238 : i32 to index
        %parallel_loop3A_1451 = tpu.vector_load %arg13[%parallel_loop3A_1450] {strides = array<i32>} : memref<512xf32, #tpu.memory_space<vmem>>, vector<16xf32>,
        tpu.vector_store %arg13[%parallel_loop3A_1450], %parallel_loop3A_1449 {strides = array<i32>} : memref<512xf32, #tpu.memory_space<vmem>>, vector<16xf32>,
        %parallel_loop3A_1452 = arith.constant 512 : i32
        %parallel_loop3A_1453 = arith.addi %parallel_loop3A_1452, %parallel_loop3A_1238 : i32
        %parallel_loop3A_1454 = arith.index_cast %parallel_loop3A_1453 : i32 to index
        %parallel_loop3A_1455 = tpu.vector_load %arg15[%parallel_loop3A_1454] {strides = array<i32>} : memref<4608xi32, #tpu.memory_space<vmem>>, vector<16xi32>,
        tpu.vector_store %arg15[%parallel_loop3A_1454], %parallel_loop3A_1448 {strides = array<i32>} : memref<4608xi32, #tpu.memory_space<vmem>>, vector<16xi32>,
      } {sc.loop_unroll_factor = 4 : i64, sc.parallel_access}
      %get3A_66 = arith.constant 0 : i32
      %get3A_67 = arith.index_cast %get3A_66 : i32 to index
      %get3A_68 = arith.constant 0 : index
      %get3A_69 = tpu.vector_load %arg8[%get3A_67, %get3A_68] {strides = array<i32>} : memref<9x16xf32, #tpu.memory_space<vmem>>, vector<16xf32>,
      %parallel_loop3A_70 = arith.constant 0 : i32
      %parallel_loop3A_71 = arith.constant 32 : i32
      %parallel_loop3A_72 = arith.constant 1 : i32
      scf.for %parallel_loop3A_1236 = %parallel_loop3A_70 to %parallel_loop3A_71 step %parallel_loop3A_72  : i32 {
        %parallel_loop3A_1237 = arith.constant 16 : i32
        %parallel_loop3A_1238 = arith.muli %parallel_loop3A_1236, %parallel_loop3A_1237 : i32
        %parallel_loop3A_1239 = vector.broadcast %parallel_loop3A_1238 : i32 to vector<16xi32>
        %parallel_loop3A_1240 = arith.addi %parallel_loop3A_1239, %iota3A : vector<16xi32>
        %parallel_loop3A_1241 = arith.constant 0 : i32
        %parallel_loop3A_1242 = vector.broadcast %parallel_loop3A_1241 : i32 to vector<16xi32>
        %parallel_loop3A_1243 = arith.constant 0 : i32
        %parallel_loop3A_1244 = vector.broadcast %parallel_loop3A_1243 : i32 to vector<16xi32>
        %parallel_loop3A_1245 = arith.shrsi %parallel_loop3A_1240, %parallel_loop3A_1244 : vector<16xi32>
        %parallel_loop3A_1246 = arith.constant 1 : i32
        %parallel_loop3A_1247 = vector.broadcast %parallel_loop3A_1246 : i32 to vector<16xi32>
        %parallel_loop3A_1248 = arith.andi %parallel_loop3A_1245, %parallel_loop3A_1247 : vector<16xi32>
        %parallel_loop3A_1249 = arith.constant 1 : i32
        %parallel_loop3A_1250 = vector.broadcast %parallel_loop3A_1249 : i32 to vector<16xi32>
        %parallel_loop3A_1251 = arith.cmpi eq, %parallel_loop3A_1248, %parallel_loop3A_1250 : vector<16xi32>
        %parallel_loop3A_1252 = arith.constant 1 : i32
        %parallel_loop3A_1253 = vector.broadcast %parallel_loop3A_1252 : i32 to vector<16xi32>
        %parallel_loop3A_1254 = arith.subi %parallel_loop3A_1240, %parallel_loop3A_1253 : vector<16xi32>
        %parallel_loop3A_1255 = tpu.vector_load_idx %arg13[%parallel_loop3A_1254] masked %parallel_loop3A_1251 : memref<512xf32, #tpu.memory_space<vmem>>[vector<16xi32>], vector<16xf32>, vector<16xi1>
        %parallel_loop3A_1256 = vector.extract_strided_slice %get3A_69 {offsets = [0], sizes = [1], strides = [1]} : vector<16xf32> to vector<1xf32>
        %parallel_loop3A_1257 = vector.extract %parallel_loop3A_1256[0] : f32 from vector<1xf32>
        %parallel_loop3A_1258 = vector.broadcast %parallel_loop3A_1257 : f32 to vector<16xf32>
        %parallel_loop3A_1259 = arith.addf %parallel_loop3A_1255, %parallel_loop3A_1258 : vector<16xf32>
        %parallel_loop3A_1260 = arith.select %parallel_loop3A_1251, %parallel_loop3A_1259, %broadcast_in_dim3A_4 : vector<16xi1>, vector<16xf32>
        %parallel_loop3A_1261 = arith.cmpf ogt, %parallel_loop3A_1260, %broadcast_in_dim3A_4 : vector<16xf32>
        %parallel_loop3A_1262 = arith.constant 0 : i32
        %parallel_loop3A_1263 = vector.broadcast %parallel_loop3A_1262 : i32 to vector<16xi32>
        %parallel_loop3A_1264 = arith.select %parallel_loop3A_1261, %parallel_loop3A_1263, %parallel_loop3A_1242 : vector<16xi1>, vector<16xi32>
        %parallel_loop3A_1265 = arith.maximumf %broadcast_in_dim3A_4, %parallel_loop3A_1260 : vector<16xf32>
        %parallel_loop3A_1266 = arith.constant 1 : i32
        %parallel_loop3A_1267 = vector.broadcast %parallel_loop3A_1266 : i32 to vector<16xi32>
        %parallel_loop3A_1268 = arith.shrsi %parallel_loop3A_1240, %parallel_loop3A_1267 : vector<16xi32>
        %parallel_loop3A_1269 = arith.constant 1 : i32
        %parallel_loop3A_1270 = vector.broadcast %parallel_loop3A_1269 : i32 to vector<16xi32>
        %parallel_loop3A_1271 = arith.andi %parallel_loop3A_1268, %parallel_loop3A_1270 : vector<16xi32>
        %parallel_loop3A_1272 = arith.constant 1 : i32
        %parallel_loop3A_1273 = vector.broadcast %parallel_loop3A_1272 : i32 to vector<16xi32>
        %parallel_loop3A_1274 = arith.cmpi eq, %parallel_loop3A_1271, %parallel_loop3A_1273 : vector<16xi32>
        %parallel_loop3A_1275 = arith.constant 2 : i32
        %parallel_loop3A_1276 = vector.broadcast %parallel_loop3A_1275 : i32 to vector<16xi32>
        %parallel_loop3A_1277 = arith.subi %parallel_loop3A_1240, %parallel_loop3A_1276 : vector<16xi32>
        %parallel_loop3A_1278 = tpu.vector_load_idx %arg13[%parallel_loop3A_1277] masked %parallel_loop3A_1274 : memref<512xf32, #tpu.memory_space<vmem>>[vector<16xi32>], vector<16xf32>, vector<16xi1>
        %parallel_loop3A_1279 = vector.extract_strided_slice %get3A_69 {offsets = [1], sizes = [1], strides = [1]} : vector<16xf32> to vector<1xf32>
        %parallel_loop3A_1280 = vector.extract %parallel_loop3A_1279[0] : f32 from vector<1xf32>
        %parallel_loop3A_1281 = vector.broadcast %parallel_loop3A_1280 : f32 to vector<16xf32>
        %parallel_loop3A_1282 = arith.addf %parallel_loop3A_1278, %parallel_loop3A_1281 : vector<16xf32>
        %parallel_loop3A_1283 = arith.select %parallel_loop3A_1274, %parallel_loop3A_1282, %broadcast_in_dim3A_4 : vector<16xi1>, vector<16xf32>
        %parallel_loop3A_1284 = arith.cmpf ogt, %parallel_loop3A_1283, %parallel_loop3A_1265 : vector<16xf32>
        %parallel_loop3A_1285 = arith.constant 1 : i32
        %parallel_loop3A_1286 = vector.broadcast %parallel_loop3A_1285 : i32 to vector<16xi32>
        %parallel_loop3A_1287 = arith.select %parallel_loop3A_1284, %parallel_loop3A_1286, %parallel_loop3A_1264 : vector<16xi1>, vector<16xi32>
        %parallel_loop3A_1288 = arith.maximumf %parallel_loop3A_1265, %parallel_loop3A_1283 : vector<16xf32>
        %parallel_loop3A_1289 = arith.constant 2 : i32
        %parallel_loop3A_1290 = vector.broadcast %parallel_loop3A_1289 : i32 to vector<16xi32>
        %parallel_loop3A_1291 = arith.shrsi %parallel_loop3A_1240, %parallel_loop3A_1290 : vector<16xi32>
        %parallel_loop3A_1292 = arith.constant 1 : i32
        %parallel_loop3A_1293 = vector.broadcast %parallel_loop3A_1292 : i32 to vector<16xi32>
        %parallel_loop3A_1294 = arith.andi %parallel_loop3A_1291, %parallel_loop3A_1293 : vector<16xi32>
        %parallel_loop3A_1295 = arith.constant 1 : i32
        %parallel_loop3A_1296 = vector.broadcast %parallel_loop3A_1295 : i32 to vector<16xi32>
        %parallel_loop3A_1297 = arith.cmpi eq, %parallel_loop3A_1294, %parallel_loop3A_1296 : vector<16xi32>
        %parallel_loop3A_1298 = arith.constant 4 : i32
        %parallel_loop3A_1299 = vector.broadcast %parallel_loop3A_1298 : i32 to vector<16xi32>
        %parallel_loop3A_1300 = arith.subi %parallel_loop3A_1240, %parallel_loop3A_1299 : vector<16xi32>
        %parallel_loop3A_1301 = tpu.vector_load_idx %arg13[%parallel_loop3A_1300] masked %parallel_loop3A_1297 : memref<512xf32, #tpu.memory_space<vmem>>[vector<16xi32>], vector<16xf32>, vector<16xi1>
        %parallel_loop3A_1302 = vector.extract_strided_slice %get3A_69 {offsets = [2], sizes = [1], strides = [1]} : vector<16xf32> to vector<1xf32>
        %parallel_loop3A_1303 = vector.extract %parallel_loop3A_1302[0] : f32 from vector<1xf32>
        %parallel_loop3A_1304 = vector.broadcast %parallel_loop3A_1303 : f32 to vector<16xf32>
        %parallel_loop3A_1305 = arith.addf %parallel_loop3A_1301, %parallel_loop3A_1304 : vector<16xf32>
        %parallel_loop3A_1306 = arith.select %parallel_loop3A_1297, %parallel_loop3A_1305, %broadcast_in_dim3A_4 : vector<16xi1>, vector<16xf32>
        %parallel_loop3A_1307 = arith.cmpf ogt, %parallel_loop3A_1306, %parallel_loop3A_1288 : vector<16xf32>
        %parallel_loop3A_1308 = arith.constant 2 : i32
        %parallel_loop3A_1309 = vector.broadcast %parallel_loop3A_1308 : i32 to vector<16xi32>
        %parallel_loop3A_1310 = arith.select %parallel_loop3A_1307, %parallel_loop3A_1309, %parallel_loop3A_1287 : vector<16xi1>, vector<16xi32>
        %parallel_loop3A_1311 = arith.maximumf %parallel_loop3A_1288, %parallel_loop3A_1306 : vector<16xf32>
        %parallel_loop3A_1312 = arith.constant 3 : i32
        %parallel_loop3A_1313 = vector.broadcast %parallel_loop3A_1312 : i32 to vector<16xi32>
        %parallel_loop3A_1314 = arith.shrsi %parallel_loop3A_1240, %parallel_loop3A_1313 : vector<16xi32>
        %parallel_loop3A_1315 = arith.constant 1 : i32
        %parallel_loop3A_1316 = vector.broadcast %parallel_loop3A_1315 : i32 to vector<16xi32>
        %parallel_loop3A_1317 = arith.andi %parallel_loop3A_1314, %parallel_loop3A_1316 : vector<16xi32>
        %parallel_loop3A_1318 = arith.constant 1 : i32
        %parallel_loop3A_1319 = vector.broadcast %parallel_loop3A_1318 : i32 to vector<16xi32>
        %parallel_loop3A_1320 = arith.cmpi eq, %parallel_loop3A_1317, %parallel_loop3A_1319 : vector<16xi32>
        %parallel_loop3A_1321 = arith.constant 8 : i32
        %parallel_loop3A_1322 = vector.broadcast %parallel_loop3A_1321 : i32 to vector<16xi32>
        %parallel_loop3A_1323 = arith.subi %parallel_loop3A_1240, %parallel_loop3A_1322 : vector<16xi32>
        %parallel_loop3A_1324 = tpu.vector_load_idx %arg13[%parallel_loop3A_1323] masked %parallel_loop3A_1320 : memref<512xf32, #tpu.memory_space<vmem>>[vector<16xi32>], vector<16xf32>, vector<16xi1>
        %parallel_loop3A_1325 = vector.extract_strided_slice %get3A_69 {offsets = [3], sizes = [1], strides = [1]} : vector<16xf32> to vector<1xf32>
        %parallel_loop3A_1326 = vector.extract %parallel_loop3A_1325[0] : f32 from vector<1xf32>
        %parallel_loop3A_1327 = vector.broadcast %parallel_loop3A_1326 : f32 to vector<16xf32>
        %parallel_loop3A_1328 = arith.addf %parallel_loop3A_1324, %parallel_loop3A_1327 : vector<16xf32>
        %parallel_loop3A_1329 = arith.select %parallel_loop3A_1320, %parallel_loop3A_1328, %broadcast_in_dim3A_4 : vector<16xi1>, vector<16xf32>
        %parallel_loop3A_1330 = arith.cmpf ogt, %parallel_loop3A_1329, %parallel_loop3A_1311 : vector<16xf32>
        %parallel_loop3A_1331 = arith.constant 3 : i32
        %parallel_loop3A_1332 = vector.broadcast %parallel_loop3A_1331 : i32 to vector<16xi32>
        %parallel_loop3A_1333 = arith.select %parallel_loop3A_1330, %parallel_loop3A_1332, %parallel_loop3A_1310 : vector<16xi1>, vector<16xi32>
        %parallel_loop3A_1334 = arith.maximumf %parallel_loop3A_1311, %parallel_loop3A_1329 : vector<16xf32>
        %parallel_loop3A_1335 = arith.constant 4 : i32
        %parallel_loop3A_1336 = vector.broadcast %parallel_loop3A_1335 : i32 to vector<16xi32>
        %parallel_loop3A_1337 = arith.shrsi %parallel_loop3A_1240, %parallel_loop3A_1336 : vector<16xi32>
        %parallel_loop3A_1338 = arith.constant 1 : i32
        %parallel_loop3A_1339 = vector.broadcast %parallel_loop3A_1338 : i32 to vector<16xi32>
        %parallel_loop3A_1340 = arith.andi %parallel_loop3A_1337, %parallel_loop3A_1339 : vector<16xi32>
        %parallel_loop3A_1341 = arith.constant 1 : i32
        %parallel_loop3A_1342 = vector.broadcast %parallel_loop3A_1341 : i32 to vector<16xi32>
        %parallel_loop3A_1343 = arith.cmpi eq, %parallel_loop3A_1340, %parallel_loop3A_1342 : vector<16xi32>
        %parallel_loop3A_1344 = arith.constant 16 : i32
        %parallel_loop3A_1345 = vector.broadcast %parallel_loop3A_1344 : i32 to vector<16xi32>
        %parallel_loop3A_1346 = arith.subi %parallel_loop3A_1240, %parallel_loop3A_1345 : vector<16xi32>
        %parallel_loop3A_1347 = tpu.vector_load_idx %arg13[%parallel_loop3A_1346] masked %parallel_loop3A_1343 : memref<512xf32, #tpu.memory_space<vmem>>[vector<16xi32>], vector<16xf32>, vector<16xi1>
        %parallel_loop3A_1348 = vector.extract_strided_slice %get3A_69 {offsets = [4], sizes = [1], strides = [1]} : vector<16xf32> to vector<1xf32>
        %parallel_loop3A_1349 = vector.extract %parallel_loop3A_1348[0] : f32 from vector<1xf32>
        %parallel_loop3A_1350 = vector.broadcast %parallel_loop3A_1349 : f32 to vector<16xf32>
        %parallel_loop3A_1351 = arith.addf %parallel_loop3A_1347, %parallel_loop3A_1350 : vector<16xf32>
        %parallel_loop3A_1352 = arith.select %parallel_loop3A_1343, %parallel_loop3A_1351, %broadcast_in_dim3A_4 : vector<16xi1>, vector<16xf32>
        %parallel_loop3A_1353 = arith.cmpf ogt, %parallel_loop3A_1352, %parallel_loop3A_1334 : vector<16xf32>
        %parallel_loop3A_1354 = arith.constant 4 : i32
        %parallel_loop3A_1355 = vector.broadcast %parallel_loop3A_1354 : i32 to vector<16xi32>
        %parallel_loop3A_1356 = arith.select %parallel_loop3A_1353, %parallel_loop3A_1355, %parallel_loop3A_1333 : vector<16xi1>, vector<16xi32>
        %parallel_loop3A_1357 = arith.maximumf %parallel_loop3A_1334, %parallel_loop3A_1352 : vector<16xf32>
        %parallel_loop3A_1358 = arith.constant 5 : i32
        %parallel_loop3A_1359 = vector.broadcast %parallel_loop3A_1358 : i32 to vector<16xi32>
        %parallel_loop3A_1360 = arith.shrsi %parallel_loop3A_1240, %parallel_loop3A_1359 : vector<16xi32>
        %parallel_loop3A_1361 = arith.constant 1 : i32
        %parallel_loop3A_1362 = vector.broadcast %parallel_loop3A_1361 : i32 to vector<16xi32>
        %parallel_loop3A_1363 = arith.andi %parallel_loop3A_1360, %parallel_loop3A_1362 : vector<16xi32>
        %parallel_loop3A_1364 = arith.constant 1 : i32
        %parallel_loop3A_1365 = vector.broadcast %parallel_loop3A_1364 : i32 to vector<16xi32>
        %parallel_loop3A_1366 = arith.cmpi eq, %parallel_loop3A_1363, %parallel_loop3A_1365 : vector<16xi32>
        %parallel_loop3A_1367 = arith.constant 32 : i32
        %parallel_loop3A_1368 = vector.broadcast %parallel_loop3A_1367 : i32 to vector<16xi32>
        %parallel_loop3A_1369 = arith.subi %parallel_loop3A_1240, %parallel_loop3A_1368 : vector<16xi32>
        %parallel_loop3A_1370 = tpu.vector_load_idx %arg13[%parallel_loop3A_1369] masked %parallel_loop3A_1366 : memref<512xf32, #tpu.memory_space<vmem>>[vector<16xi32>], vector<16xf32>, vector<16xi1>
        %parallel_loop3A_1371 = vector.extract_strided_slice %get3A_69 {offsets = [5], sizes = [1], strides = [1]} : vector<16xf32> to vector<1xf32>
        %parallel_loop3A_1372 = vector.extract %parallel_loop3A_1371[0] : f32 from vector<1xf32>
        %parallel_loop3A_1373 = vector.broadcast %parallel_loop3A_1372 : f32 to vector<16xf32>
        %parallel_loop3A_1374 = arith.addf %parallel_loop3A_1370, %parallel_loop3A_1373 : vector<16xf32>
        %parallel_loop3A_1375 = arith.select %parallel_loop3A_1366, %parallel_loop3A_1374, %broadcast_in_dim3A_4 : vector<16xi1>, vector<16xf32>
        %parallel_loop3A_1376 = arith.cmpf ogt, %parallel_loop3A_1375, %parallel_loop3A_1357 : vector<16xf32>
        %parallel_loop3A_1377 = arith.constant 5 : i32
        %parallel_loop3A_1378 = vector.broadcast %parallel_loop3A_1377 : i32 to vector<16xi32>
        %parallel_loop3A_1379 = arith.select %parallel_loop3A_1376, %parallel_loop3A_1378, %parallel_loop3A_1356 : vector<16xi1>, vector<16xi32>
        %parallel_loop3A_1380 = arith.maximumf %parallel_loop3A_1357, %parallel_loop3A_1375 : vector<16xf32>
        %parallel_loop3A_1381 = arith.constant 6 : i32
        %parallel_loop3A_1382 = vector.broadcast %parallel_loop3A_1381 : i32 to vector<16xi32>
        %parallel_loop3A_1383 = arith.shrsi %parallel_loop3A_1240, %parallel_loop3A_1382 : vector<16xi32>
        %parallel_loop3A_1384 = arith.constant 1 : i32
        %parallel_loop3A_1385 = vector.broadcast %parallel_loop3A_1384 : i32 to vector<16xi32>
        %parallel_loop3A_1386 = arith.andi %parallel_loop3A_1383, %parallel_loop3A_1385 : vector<16xi32>
        %parallel_loop3A_1387 = arith.constant 1 : i32
        %parallel_loop3A_1388 = vector.broadcast %parallel_loop3A_1387 : i32 to vector<16xi32>
        %parallel_loop3A_1389 = arith.cmpi eq, %parallel_loop3A_1386, %parallel_loop3A_1388 : vector<16xi32>
        %parallel_loop3A_1390 = arith.constant 64 : i32
        %parallel_loop3A_1391 = vector.broadcast %parallel_loop3A_1390 : i32 to vector<16xi32>
        %parallel_loop3A_1392 = arith.subi %parallel_loop3A_1240, %parallel_loop3A_1391 : vector<16xi32>
        %parallel_loop3A_1393 = tpu.vector_load_idx %arg13[%parallel_loop3A_1392] masked %parallel_loop3A_1389 : memref<512xf32, #tpu.memory_space<vmem>>[vector<16xi32>], vector<16xf32>, vector<16xi1>
        %parallel_loop3A_1394 = vector.extract_strided_slice %get3A_69 {offsets = [6], sizes = [1], strides = [1]} : vector<16xf32> to vector<1xf32>
        %parallel_loop3A_1395 = vector.extract %parallel_loop3A_1394[0] : f32 from vector<1xf32>
        %parallel_loop3A_1396 = vector.broadcast %parallel_loop3A_1395 : f32 to vector<16xf32>
        %parallel_loop3A_1397 = arith.addf %parallel_loop3A_1393, %parallel_loop3A_1396 : vector<16xf32>
        %parallel_loop3A_1398 = arith.select %parallel_loop3A_1389, %parallel_loop3A_1397, %broadcast_in_dim3A_4 : vector<16xi1>, vector<16xf32>
        %parallel_loop3A_1399 = arith.cmpf ogt, %parallel_loop3A_1398, %parallel_loop3A_1380 : vector<16xf32>
        %parallel_loop3A_1400 = arith.constant 6 : i32
        %parallel_loop3A_1401 = vector.broadcast %parallel_loop3A_1400 : i32 to vector<16xi32>
        %parallel_loop3A_1402 = arith.select %parallel_loop3A_1399, %parallel_loop3A_1401, %parallel_loop3A_1379 : vector<16xi1>, vector<16xi32>
        %parallel_loop3A_1403 = arith.maximumf %parallel_loop3A_1380, %parallel_loop3A_1398 : vector<16xf32>
        %parallel_loop3A_1404 = arith.constant 7 : i32
        %parallel_loop3A_1405 = vector.broadcast %parallel_loop3A_1404 : i32 to vector<16xi32>
        %parallel_loop3A_1406 = arith.shrsi %parallel_loop3A_1240, %parallel_loop3A_1405 : vector<16xi32>
        %parallel_loop3A_1407 = arith.constant 1 : i32
        %parallel_loop3A_1408 = vector.broadcast %parallel_loop3A_1407 : i32 to vector<16xi32>
        %parallel_loop3A_1409 = arith.andi %parallel_loop3A_1406, %parallel_loop3A_1408 : vector<16xi32>
        %parallel_loop3A_1410 = arith.constant 1 : i32
        %parallel_loop3A_1411 = vector.broadcast %parallel_loop3A_1410 : i32 to vector<16xi32>
        %parallel_loop3A_1412 = arith.cmpi eq, %parallel_loop3A_1409, %parallel_loop3A_1411 : vector<16xi32>
        %parallel_loop3A_1413 = arith.constant 128 : i32
        %parallel_loop3A_1414 = vector.broadcast %parallel_loop3A_1413 : i32 to vector<16xi32>
        %parallel_loop3A_1415 = arith.subi %parallel_loop3A_1240, %parallel_loop3A_1414 : vector<16xi32>
        %parallel_loop3A_1416 = tpu.vector_load_idx %arg13[%parallel_loop3A_1415] masked %parallel_loop3A_1412 : memref<512xf32, #tpu.memory_space<vmem>>[vector<16xi32>], vector<16xf32>, vector<16xi1>
        %parallel_loop3A_1417 = vector.extract_strided_slice %get3A_69 {offsets = [7], sizes = [1], strides = [1]} : vector<16xf32> to vector<1xf32>
        %parallel_loop3A_1418 = vector.extract %parallel_loop3A_1417[0] : f32 from vector<1xf32>
        %parallel_loop3A_1419 = vector.broadcast %parallel_loop3A_1418 : f32 to vector<16xf32>
        %parallel_loop3A_1420 = arith.addf %parallel_loop3A_1416, %parallel_loop3A_1419 : vector<16xf32>
        %parallel_loop3A_1421 = arith.select %parallel_loop3A_1412, %parallel_loop3A_1420, %broadcast_in_dim3A_4 : vector<16xi1>, vector<16xf32>
        %parallel_loop3A_1422 = arith.cmpf ogt, %parallel_loop3A_1421, %parallel_loop3A_1403 : vector<16xf32>
        %parallel_loop3A_1423 = arith.constant 7 : i32
        %parallel_loop3A_1424 = vector.broadcast %parallel_loop3A_1423 : i32 to vector<16xi32>
        %parallel_loop3A_1425 = arith.select %parallel_loop3A_1422, %parallel_loop3A_1424, %parallel_loop3A_1402 : vector<16xi1>, vector<16xi32>
        %parallel_loop3A_1426 = arith.maximumf %parallel_loop3A_1403, %parallel_loop3A_1421 : vector<16xf32>
        %parallel_loop3A_1427 = arith.constant 8 : i32
        %parallel_loop3A_1428 = vector.broadcast %parallel_loop3A_1427 : i32 to vector<16xi32>
        %parallel_loop3A_1429 = arith.shrsi %parallel_loop3A_1240, %parallel_loop3A_1428 : vector<16xi32>
        %parallel_loop3A_1430 = arith.constant 1 : i32
        %parallel_loop3A_1431 = vector.broadcast %parallel_loop3A_1430 : i32 to vector<16xi32>
        %parallel_loop3A_1432 = arith.andi %parallel_loop3A_1429, %parallel_loop3A_1431 : vector<16xi32>
        %parallel_loop3A_1433 = arith.constant 1 : i32
        %parallel_loop3A_1434 = vector.broadcast %parallel_loop3A_1433 : i32 to vector<16xi32>
        %parallel_loop3A_1435 = arith.cmpi eq, %parallel_loop3A_1432, %parallel_loop3A_1434 : vector<16xi32>
        %parallel_loop3A_1436 = arith.constant 256 : i32
        %parallel_loop3A_1437 = vector.broadcast %parallel_loop3A_1436 : i32 to vector<16xi32>
        %parallel_loop3A_1438 = arith.subi %parallel_loop3A_1240, %parallel_loop3A_1437 : vector<16xi32>
        %parallel_loop3A_1439 = tpu.vector_load_idx %arg13[%parallel_loop3A_1438] masked %parallel_loop3A_1435 : memref<512xf32, #tpu.memory_space<vmem>>[vector<16xi32>], vector<16xf32>, vector<16xi1>
        %parallel_loop3A_1440 = vector.extract_strided_slice %get3A_69 {offsets = [8], sizes = [1], strides = [1]} : vector<16xf32> to vector<1xf32>
        %parallel_loop3A_1441 = vector.extract %parallel_loop3A_1440[0] : f32 from vector<1xf32>
        %parallel_loop3A_1442 = vector.broadcast %parallel_loop3A_1441 : f32 to vector<16xf32>
        %parallel_loop3A_1443 = arith.addf %parallel_loop3A_1439, %parallel_loop3A_1442 : vector<16xf32>
        %parallel_loop3A_1444 = arith.select %parallel_loop3A_1435, %parallel_loop3A_1443, %broadcast_in_dim3A_4 : vector<16xi1>, vector<16xf32>
        %parallel_loop3A_1445 = arith.cmpf ogt, %parallel_loop3A_1444, %parallel_loop3A_1426 : vector<16xf32>
        %parallel_loop3A_1446 = arith.constant 8 : i32
        %parallel_loop3A_1447 = vector.broadcast %parallel_loop3A_1446 : i32 to vector<16xi32>
        %parallel_loop3A_1448 = arith.select %parallel_loop3A_1445, %parallel_loop3A_1447, %parallel_loop3A_1425 : vector<16xi1>, vector<16xi32>
        %parallel_loop3A_1449 = arith.maximumf %parallel_loop3A_1426, %parallel_loop3A_1444 : vector<16xf32>
        %parallel_loop3A_1450 = arith.index_cast %parallel_loop3A_1238 : i32 to index
        %parallel_loop3A_1451 = tpu.vector_load %arg14[%parallel_loop3A_1450] {strides = array<i32>} : memref<512xf32, #tpu.memory_space<vmem>>, vector<16xf32>,
        tpu.vector_store %arg14[%parallel_loop3A_1450], %parallel_loop3A_1449 {strides = array<i32>} : memref<512xf32, #tpu.memory_space<vmem>>, vector<16xf32>,
        %parallel_loop3A_1452 = arith.constant 0 : i32
        %parallel_loop3A_1453 = arith.addi %parallel_loop3A_1452, %parallel_loop3A_1238 : i32
        %parallel_loop3A_1454 = arith.index_cast %parallel_loop3A_1453 : i32 to index
        %parallel_loop3A_1455 = tpu.vector_load %arg15[%parallel_loop3A_1454] {strides = array<i32>} : memref<4608xi32, #tpu.memory_space<vmem>>, vector<16xi32>,
        tpu.vector_store %arg15[%parallel_loop3A_1454], %parallel_loop3A_1448 {strides = array<i32>} : memref<4608xi32, #tpu.memory_space<vmem>>, vector<16xi32>,
      } {sc.loop_unroll_factor = 4 : i64, sc.parallel_access}
      %broadcast_in_dim3A_73 = arith.constant 511 : i32
      %broadcast_in_dim3A_74 = vector.broadcast %broadcast_in_dim3A_73 : i32 to vector<16xi32>
      %broadcast_in_dim3A_75 = arith.constant 0 : i32
      %broadcast_in_dim3A_76 = vector.broadcast %broadcast_in_dim3A_75 : i32 to vector<16xi32>
      %add3A = arith.constant 0 : i32
      %add3A_77 = vector.broadcast %add3A : i32 to vector<16xi32>
      %add3A_78 = arith.addi %add3A_77, %broadcast_in_dim3A_74 : vector<16xi32>
      %gather3A = tpu.vector_load_idx %arg15[%add3A_78] : memref<4608xi32, #tpu.memory_space<vmem>>[vector<16xi32>], vector<16xi32>,
      %eq3A_79 = arith.cmpi eq, %iota3A, %gather3A : vector<16xi32>
      %jit3A = arith.constant 0 : i32
      %jit3A_80 = arith.constant 0 : i32
      %broadcast_in_dim3A_81 = vector.broadcast %jit3A : i32 to vector<16xi32>
      %broadcast_in_dim3A_82 = vector.broadcast %jit3A_80 : i32 to vector<16xi32>
      %select_n3A = arith.select %eq3A_79, %broadcast_in_dim3A_81, %broadcast_in_dim3A_82 : vector<16xi1>, vector<16xi32>
      %add3A_83 = arith.addi %broadcast_in_dim3A_76, %select_n3A : vector<16xi32>
      %shift_left3A = arith.constant 1 : i32
      %shift_left3A_84 = vector.broadcast %shift_left3A : i32 to vector<16xi32>
      %shift_left3A_85 = arith.shli %shift_left3A_84, %gather3A : vector<16xi32>
      %sub3A = arith.subi %broadcast_in_dim3A_74, %shift_left3A_85 : vector<16xi32>
      %add3A_86 = arith.constant 512 : i32
      %add3A_87 = vector.broadcast %add3A_86 : i32 to vector<16xi32>
      %add3A_88 = arith.addi %add3A_87, %sub3A : vector<16xi32>
      %gather3A_89 = tpu.vector_load_idx %arg15[%add3A_88] : memref<4608xi32, #tpu.memory_space<vmem>>[vector<16xi32>], vector<16xi32>,
      %eq3A_90 = arith.cmpi eq, %iota3A, %gather3A_89 : vector<16xi32>
      %jit3A_91 = arith.constant 1 : i32
      %jit3A_92 = arith.constant 0 : i32
      %broadcast_in_dim3A_93 = vector.broadcast %jit3A_91 : i32 to vector<16xi32>
      %broadcast_in_dim3A_94 = vector.broadcast %jit3A_92 : i32 to vector<16xi32>
      %select_n3A_95 = arith.select %eq3A_90, %broadcast_in_dim3A_93, %broadcast_in_dim3A_94 : vector<16xi1>, vector<16xi32>
      %add3A_96 = arith.addi %add3A_83, %select_n3A_95 : vector<16xi32>
      %shift_left3A_97 = arith.constant 1 : i32
      %shift_left3A_98 = vector.broadcast %shift_left3A_97 : i32 to vector<16xi32>
      %shift_left3A_99 = arith.shli %shift_left3A_98, %gather3A_89 : vector<16xi32>
      %sub3A_100 = arith.subi %sub3A, %shift_left3A_99 : vector<16xi32>
      %add3A_101 = arith.constant 1024 : i32
      %add3A_102 = vector.broadcast %add3A_101 : i32 to vector<16xi32>
      %add3A_103 = arith.addi %add3A_102, %sub3A_100 : vector<16xi32>
      %gather3A_104 = tpu.vector_load_idx %arg15[%add3A_103] : memref<4608xi32, #tpu.memory_space<vmem>>[vector<16xi32>], vector<16xi32>,
      %eq3A_105 = arith.cmpi eq, %iota3A, %gather3A_104 : vector<16xi32>
      %jit3A_106 = arith.constant 2 : i32
      %jit3A_107 = arith.constant 0 : i32
      %broadcast_in_dim3A_108 = vector.broadcast %jit3A_106 : i32 to vector<16xi32>
      %broadcast_in_dim3A_109 = vector.broadcast %jit3A_107 : i32 to vector<16xi32>
      %select_n3A_110 = arith.select %eq3A_105, %broadcast_in_dim3A_108, %broadcast_in_dim3A_109 : vector<16xi1>, vector<16xi32>
      %add3A_111 = arith.addi %add3A_96, %select_n3A_110 : vector<16xi32>
      %shift_left3A_112 = arith.constant 1 : i32
      %shift_left3A_113 = vector.broadcast %shift_left3A_112 : i32 to vector<16xi32>
      %shift_left3A_114 = arith.shli %shift_left3A_113, %gather3A_104 : vector<16xi32>
      %sub3A_115 = arith.subi %sub3A_100, %shift_left3A_114 : vector<16xi32>
      %add3A_116 = arith.constant 1536 : i32
      %add3A_117 = vector.broadcast %add3A_116 : i32 to vector<16xi32>
      %add3A_118 = arith.addi %add3A_117, %sub3A_115 : vector<16xi32>
      %gather3A_119 = tpu.vector_load_idx %arg15[%add3A_118] : memref<4608xi32, #tpu.memory_space<vmem>>[vector<16xi32>], vector<16xi32>,
      %eq3A_120 = arith.cmpi eq, %iota3A, %gather3A_119 : vector<16xi32>
      %jit3A_121 = arith.constant 3 : i32
      %jit3A_122 = arith.constant 0 : i32
      %broadcast_in_dim3A_123 = vector.broadcast %jit3A_121 : i32 to vector<16xi32>
      %broadcast_in_dim3A_124 = vector.broadcast %jit3A_122 : i32 to vector<16xi32>
      %select_n3A_125 = arith.select %eq3A_120, %broadcast_in_dim3A_123, %broadcast_in_dim3A_124 : vector<16xi1>, vector<16xi32>
      %add3A_126 = arith.addi %add3A_111, %select_n3A_125 : vector<16xi32>
      %shift_left3A_127 = arith.constant 1 : i32
      %shift_left3A_128 = vector.broadcast %shift_left3A_127 : i32 to vector<16xi32>
      %shift_left3A_129 = arith.shli %shift_left3A_128, %gather3A_119 : vector<16xi32>
      %sub3A_130 = arith.subi %sub3A_115, %shift_left3A_129 : vector<16xi32>
      %add3A_131 = arith.constant 2048 : i32
      %add3A_132 = vector.broadcast %add3A_131 : i32 to vector<16xi32>
      %add3A_133 = arith.addi %add3A_132, %sub3A_130 : vector<16xi32>
      %gather3A_134 = tpu.vector_load_idx %arg15[%add3A_133] : memref<4608xi32, #tpu.memory_space<vmem>>[vector<16xi32>], vector<16xi32>,
      %eq3A_135 = arith.cmpi eq, %iota3A, %gather3A_134 : vector<16xi32>
      %jit3A_136 = arith.constant 4 : i32
      %jit3A_137 = arith.constant 0 : i32
      %broadcast_in_dim3A_138 = vector.broadcast %jit3A_136 : i32 to vector<16xi32>
      %broadcast_in_dim3A_139 = vector.broadcast %jit3A_137 : i32 to vector<16xi32>
      %select_n3A_140 = arith.select %eq3A_135, %broadcast_in_dim3A_138, %broadcast_in_dim3A_139 : vector<16xi1>, vector<16xi32>
      %add3A_141 = arith.addi %add3A_126, %select_n3A_140 : vector<16xi32>
      %shift_left3A_142 = arith.constant 1 : i32
      %shift_left3A_143 = vector.broadcast %shift_left3A_142 : i32 to vector<16xi32>
      %shift_left3A_144 = arith.shli %shift_left3A_143, %gather3A_134 : vector<16xi32>
      %sub3A_145 = arith.subi %sub3A_130, %shift_left3A_144 : vector<16xi32>
      %add3A_146 = arith.constant 2560 : i32
      %add3A_147 = vector.broadcast %add3A_146 : i32 to vector<16xi32>
      %add3A_148 = arith.addi %add3A_147, %sub3A_145 : vector<16xi32>
      %gather3A_149 = tpu.vector_load_idx %arg15[%add3A_148] : memref<4608xi32, #tpu.memory_space<vmem>>[vector<16xi32>], vector<16xi32>,
      %eq3A_150 = arith.cmpi eq, %iota3A, %gather3A_149 : vector<16xi32>
      %jit3A_151 = arith.constant 5 : i32
      %jit3A_152 = arith.constant 0 : i32
      %broadcast_in_dim3A_153 = vector.broadcast %jit3A_151 : i32 to vector<16xi32>
      %broadcast_in_dim3A_154 = vector.broadcast %jit3A_152 : i32 to vector<16xi32>
      %select_n3A_155 = arith.select %eq3A_150, %broadcast_in_dim3A_153, %broadcast_in_dim3A_154 : vector<16xi1>, vector<16xi32>
      %add3A_156 = arith.addi %add3A_141, %select_n3A_155 : vector<16xi32>
      %shift_left3A_157 = arith.constant 1 : i32
      %shift_left3A_158 = vector.broadcast %shift_left3A_157 : i32 to vector<16xi32>
      %shift_left3A_159 = arith.shli %shift_left3A_158, %gather3A_149 : vector<16xi32>
      %sub3A_160 = arith.subi %sub3A_145, %shift_left3A_159 : vector<16xi32>
      %add3A_161 = arith.constant 3072 : i32
      %add3A_162 = vector.broadcast %add3A_161 : i32 to vector<16xi32>
      %add3A_163 = arith.addi %add3A_162, %sub3A_160 : vector<16xi32>
      %gather3A_164 = tpu.vector_load_idx %arg15[%add3A_163] : memref<4608xi32, #tpu.memory_space<vmem>>[vector<16xi32>], vector<16xi32>,
      %eq3A_165 = arith.cmpi eq, %iota3A, %gather3A_164 : vector<16xi32>
      %jit3A_166 = arith.constant 6 : i32
      %jit3A_167 = arith.constant 0 : i32
      %broadcast_in_dim3A_168 = vector.broadcast %jit3A_166 : i32 to vector<16xi32>
      %broadcast_in_dim3A_169 = vector.broadcast %jit3A_167 : i32 to vector<16xi32>
      %select_n3A_170 = arith.select %eq3A_165, %broadcast_in_dim3A_168, %broadcast_in_dim3A_169 : vector<16xi1>, vector<16xi32>
      %add3A_171 = arith.addi %add3A_156, %select_n3A_170 : vector<16xi32>
      %shift_left3A_172 = arith.constant 1 : i32
      %shift_left3A_173 = vector.broadcast %shift_left3A_172 : i32 to vector<16xi32>
      %shift_left3A_174 = arith.shli %shift_left3A_173, %gather3A_164 : vector<16xi32>
      %sub3A_175 = arith.subi %sub3A_160, %shift_left3A_174 : vector<16xi32>
      %add3A_176 = arith.constant 3584 : i32
      %add3A_177 = vector.broadcast %add3A_176 : i32 to vector<16xi32>
      %add3A_178 = arith.addi %add3A_177, %sub3A_175 : vector<16xi32>
      %gather3A_179 = tpu.vector_load_idx %arg15[%add3A_178] : memref<4608xi32, #tpu.memory_space<vmem>>[vector<16xi32>], vector<16xi32>,
      %eq3A_180 = arith.cmpi eq, %iota3A, %gather3A_179 : vector<16xi32>
      %jit3A_181 = arith.constant 7 : i32
      %jit3A_182 = arith.constant 0 : i32
      %broadcast_in_dim3A_183 = vector.broadcast %jit3A_181 : i32 to vector<16xi32>
      %broadcast_in_dim3A_184 = vector.broadcast %jit3A_182 : i32 to vector<16xi32>
      %select_n3A_185 = arith.select %eq3A_180, %broadcast_in_dim3A_183, %broadcast_in_dim3A_184 : vector<16xi1>, vector<16xi32>
      %add3A_186 = arith.addi %add3A_171, %select_n3A_185 : vector<16xi32>
      %shift_left3A_187 = arith.constant 1 : i32
      %shift_left3A_188 = vector.broadcast %shift_left3A_187 : i32 to vector<16xi32>
      %shift_left3A_189 = arith.shli %shift_left3A_188, %gather3A_179 : vector<16xi32>
      %sub3A_190 = arith.subi %sub3A_175, %shift_left3A_189 : vector<16xi32>
      %add3A_191 = arith.constant 4096 : i32
      %add3A_192 = vector.broadcast %add3A_191 : i32 to vector<16xi32>
      %add3A_193 = arith.addi %add3A_192, %sub3A_190 : vector<16xi32>
      %gather3A_194 = tpu.vector_load_idx %arg15[%add3A_193] : memref<4608xi32, #tpu.memory_space<vmem>>[vector<16xi32>], vector<16xi32>,
      %eq3A_195 = arith.cmpi eq, %iota3A, %gather3A_194 : vector<16xi32>
      %jit3A_196 = arith.constant 8 : i32
      %jit3A_197 = arith.constant 0 : i32
      %broadcast_in_dim3A_198 = vector.broadcast %jit3A_196 : i32 to vector<16xi32>
      %broadcast_in_dim3A_199 = vector.broadcast %jit3A_197 : i32 to vector<16xi32>
      %select_n3A_200 = arith.select %eq3A_195, %broadcast_in_dim3A_198, %broadcast_in_dim3A_199 : vector<16xi1>, vector<16xi32>
      %add3A_201 = arith.addi %add3A_186, %select_n3A_200 : vector<16xi32>
      %shift_left3A_202 = arith.constant 1 : i32
      %shift_left3A_203 = vector.broadcast %shift_left3A_202 : i32 to vector<16xi32>
      %shift_left3A_204 = arith.shli %shift_left3A_203, %gather3A_194 : vector<16xi32>
      %sub3A_205 = arith.subi %sub3A_190, %shift_left3A_204 : vector<16xi32>
      %broadcast_in_dim3A_206 = arith.constant 0.000000e+00 : f32
      %broadcast_in_dim3A_207 = vector.broadcast %broadcast_in_dim3A_206 : f32 to vector<16xf32>
      %broadcast_in_dim3A_208 = arith.constant 0 : i32
      %broadcast_in_dim3A_209 = vector.broadcast %broadcast_in_dim3A_208 : i32 to vector<16xi32>
      %eq3A_210 = arith.constant 0 : i32
      %eq3A_211 = vector.broadcast %eq3A_210 : i32 to vector<16xi32>
      %eq3A_212 = arith.cmpi eq, %gather3A, %eq3A_211 : vector<16xi32>
      %jit3A_213 = arith.constant 0 : i32
      %jit3A_214 = arith.constant 0 : i32
      %broadcast_in_dim3A_215 = vector.broadcast %jit3A_213 : i32 to vector<16xi32>
      %broadcast_in_dim3A_216 = vector.broadcast %jit3A_214 : i32 to vector<16xi32>
      %select_n3A_217 = arith.select %eq3A_212, %broadcast_in_dim3A_215, %broadcast_in_dim3A_216 : vector<16xi1>, vector<16xi32>
      %add3A_218 = arith.addi %broadcast_in_dim3A_209, %select_n3A_217 : vector<16xi32>
      %eq3A_219 = arith.constant 0 : i32
      %eq3A_220 = vector.broadcast %eq3A_219 : i32 to vector<16xi32>
      %eq3A_221 = arith.cmpi eq, %gather3A_89, %eq3A_220 : vector<16xi32>
      %jit3A_222 = arith.constant 1 : i32
      %jit3A_223 = arith.constant 0 : i32
      %broadcast_in_dim3A_224 = vector.broadcast %jit3A_222 : i32 to vector<16xi32>
      %broadcast_in_dim3A_225 = vector.broadcast %jit3A_223 : i32 to vector<16xi32>
      %select_n3A_226 = arith.select %eq3A_221, %broadcast_in_dim3A_224, %broadcast_in_dim3A_225 : vector<16xi1>, vector<16xi32>
      %add3A_227 = arith.addi %add3A_218, %select_n3A_226 : vector<16xi32>
      %eq3A_228 = arith.constant 0 : i32
      %eq3A_229 = vector.broadcast %eq3A_228 : i32 to vector<16xi32>
      %eq3A_230 = arith.cmpi eq, %gather3A_104, %eq3A_229 : vector<16xi32>
      %jit3A_231 = arith.constant 2 : i32
      %jit3A_232 = arith.constant 0 : i32
      %broadcast_in_dim3A_233 = vector.broadcast %jit3A_231 : i32 to vector<16xi32>
      %broadcast_in_dim3A_234 = vector.broadcast %jit3A_232 : i32 to vector<16xi32>
      %select_n3A_235 = arith.select %eq3A_230, %broadcast_in_dim3A_233, %broadcast_in_dim3A_234 : vector<16xi1>, vector<16xi32>
      %add3A_236 = arith.addi %add3A_227, %select_n3A_235 : vector<16xi32>
      %eq3A_237 = arith.constant 0 : i32
      %eq3A_238 = vector.broadcast %eq3A_237 : i32 to vector<16xi32>
      %eq3A_239 = arith.cmpi eq, %gather3A_119, %eq3A_238 : vector<16xi32>
      %jit3A_240 = arith.constant 3 : i32
      %jit3A_241 = arith.constant 0 : i32
      %broadcast_in_dim3A_242 = vector.broadcast %jit3A_240 : i32 to vector<16xi32>
      %broadcast_in_dim3A_243 = vector.broadcast %jit3A_241 : i32 to vector<16xi32>
      %select_n3A_244 = arith.select %eq3A_239, %broadcast_in_dim3A_242, %broadcast_in_dim3A_243 : vector<16xi1>, vector<16xi32>
      %add3A_245 = arith.addi %add3A_236, %select_n3A_244 : vector<16xi32>
      %eq3A_246 = arith.constant 0 : i32
      %eq3A_247 = vector.broadcast %eq3A_246 : i32 to vector<16xi32>
      %eq3A_248 = arith.cmpi eq, %gather3A_134, %eq3A_247 : vector<16xi32>
      %jit3A_249 = arith.constant 4 : i32
      %jit3A_250 = arith.constant 0 : i32
      %broadcast_in_dim3A_251 = vector.broadcast %jit3A_249 : i32 to vector<16xi32>
      %broadcast_in_dim3A_252 = vector.broadcast %jit3A_250 : i32 to vector<16xi32>
      %select_n3A_253 = arith.select %eq3A_248, %broadcast_in_dim3A_251, %broadcast_in_dim3A_252 : vector<16xi1>, vector<16xi32>
      %add3A_254 = arith.addi %add3A_245, %select_n3A_253 : vector<16xi32>
      %eq3A_255 = arith.constant 0 : i32
      %eq3A_256 = vector.broadcast %eq3A_255 : i32 to vector<16xi32>
      %eq3A_257 = arith.cmpi eq, %gather3A_149, %eq3A_256 : vector<16xi32>
      %jit3A_258 = arith.constant 5 : i32
      %jit3A_259 = arith.constant 0 : i32
      %broadcast_in_dim3A_260 = vector.broadcast %jit3A_258 : i32 to vector<16xi32>
      %broadcast_in_dim3A_261 = vector.broadcast %jit3A_259 : i32 to vector<16xi32>
      %select_n3A_262 = arith.select %eq3A_257, %broadcast_in_dim3A_260, %broadcast_in_dim3A_261 : vector<16xi1>, vector<16xi32>
      %add3A_263 = arith.addi %add3A_254, %select_n3A_262 : vector<16xi32>
      %eq3A_264 = arith.constant 0 : i32
      %eq3A_265 = vector.broadcast %eq3A_264 : i32 to vector<16xi32>
      %eq3A_266 = arith.cmpi eq, %gather3A_164, %eq3A_265 : vector<16xi32>
      %jit3A_267 = arith.constant 6 : i32
      %jit3A_268 = arith.constant 0 : i32
      %broadcast_in_dim3A_269 = vector.broadcast %jit3A_267 : i32 to vector<16xi32>
      %broadcast_in_dim3A_270 = vector.broadcast %jit3A_268 : i32 to vector<16xi32>
      %select_n3A_271 = arith.select %eq3A_266, %broadcast_in_dim3A_269, %broadcast_in_dim3A_270 : vector<16xi1>, vector<16xi32>
      %add3A_272 = arith.addi %add3A_263, %select_n3A_271 : vector<16xi32>
      %eq3A_273 = arith.constant 0 : i32
      %eq3A_274 = vector.broadcast %eq3A_273 : i32 to vector<16xi32>
      %eq3A_275 = arith.cmpi eq, %gather3A_179, %eq3A_274 : vector<16xi32>
      %jit3A_276 = arith.constant 7 : i32
      %jit3A_277 = arith.constant 0 : i32
      %broadcast_in_dim3A_278 = vector.broadcast %jit3A_276 : i32 to vector<16xi32>
      %broadcast_in_dim3A_279 = vector.broadcast %jit3A_277 : i32 to vector<16xi32>
      %select_n3A_280 = arith.select %eq3A_275, %broadcast_in_dim3A_278, %broadcast_in_dim3A_279 : vector<16xi1>, vector<16xi32>
      %add3A_281 = arith.addi %add3A_272, %select_n3A_280 : vector<16xi32>
      %eq3A_282 = arith.constant 0 : i32
      %eq3A_283 = vector.broadcast %eq3A_282 : i32 to vector<16xi32>
      %eq3A_284 = arith.cmpi eq, %gather3A_194, %eq3A_283 : vector<16xi32>
      %jit3A_285 = arith.constant 8 : i32
      %jit3A_286 = arith.constant 0 : i32
      %broadcast_in_dim3A_287 = vector.broadcast %jit3A_285 : i32 to vector<16xi32>
      %broadcast_in_dim3A_288 = vector.broadcast %jit3A_286 : i32 to vector<16xi32>
      %select_n3A_289 = arith.select %eq3A_284, %broadcast_in_dim3A_287, %broadcast_in_dim3A_288 : vector<16xi1>, vector<16xi32>
      %add3A_290 = arith.addi %add3A_281, %select_n3A_289 : vector<16xi32>
      %mul3A = arith.constant 16 : i32
      %mul3A_291 = vector.broadcast %mul3A : i32 to vector<16xi32>
      %mul3A_292 = arith.muli %add3A_290, %mul3A_291 : vector<16xi32>
      %add3A_293 = arith.addi %mul3A_292, %add3A_201 : vector<16xi32>
      %gather3A_294 = tpu.vector_load_idx %arg9[%add3A_293] : memref<144xf32, #tpu.memory_space<vmem>>[vector<16xi32>], vector<16xf32>,
      %get3A_295 = arith.constant 0 : i32
      %get3A_296 = arith.index_cast %get3A_295 : i32 to index
      %get3A_297 = arith.constant 0 : index
      %get3A_298 = tpu.vector_load %arg10[%get3A_296, %get3A_297] {strides = array<i32>} : memref<9x16xf32, #tpu.memory_space<vmem>>, vector<16xf32>,
      %get3A_299 = arith.constant 0 : i32
      %get3A_300 = arith.index_cast %get3A_299 : i32 to index
      %get3A_301 = arith.constant 0 : index
      %get3A_302 = tpu.vector_load %arg11[%get3A_300, %get3A_301] {strides = array<i32>} : memref<9x16xf32, #tpu.memory_space<vmem>>, vector<16xf32>,
      %mul3A_303 = arith.mulf %gather3A_294, %get3A_298 : vector<16xf32>
      %sub3A_304 = arith.constant 1.000000e+00 : f32
      %sub3A_305 = vector.broadcast %sub3A_304 : f32 to vector<16xf32>
      %sub3A_306 = arith.subf %sub3A_305, %gather3A_294 : vector<16xf32>
      %mul3A_307 = arith.mulf %sub3A_306, %get3A_302 : vector<16xf32>
      %add3A_308 = arith.addf %mul3A_303, %mul3A_307 : vector<16xf32>
      %ge3A = arith.constant 0 : i32
      %ge3A_309 = vector.broadcast %ge3A : i32 to vector<16xi32>
      %ge3A_310 = arith.cmpi sge, %iota3A, %ge3A_309 : vector<16xi32>
      %lt3A = arith.constant 9 : i32
      %lt3A_311 = vector.broadcast %lt3A : i32 to vector<16xi32>
      %lt3A_312 = arith.cmpi slt, %iota3A, %lt3A_311 : vector<16xi32>
      %and3A_313 = arith.andi %ge3A_310, %lt3A_312 : vector<16xi1>
      %jit3A_314 = arith.constant 0.000000e+00 : f32
      %broadcast_in_dim3A_315 = vector.broadcast %jit3A_314 : f32 to vector<16xf32>
      %select_n3A_316 = arith.select %and3A_313, %add3A_308, %broadcast_in_dim3A_315 : vector<16xi1>, vector<16xf32>
      %add3A_317 = arith.addf %broadcast_in_dim3A_207, %select_n3A_316 : vector<16xf32>
      %broadcast_in_dim3A_318 = arith.constant 0 : i32
      %broadcast_in_dim3A_319 = vector.broadcast %broadcast_in_dim3A_318 : i32 to vector<16xi32>
      %eq3A_320 = arith.constant 1 : i32
      %eq3A_321 = vector.broadcast %eq3A_320 : i32 to vector<16xi32>
      %eq3A_322 = arith.cmpi eq, %gather3A, %eq3A_321 : vector<16xi32>
      %jit3A_323 = arith.constant 0 : i32
      %jit3A_324 = arith.constant 0 : i32
      %broadcast_in_dim3A_325 = vector.broadcast %jit3A_323 : i32 to vector<16xi32>
      %broadcast_in_dim3A_326 = vector.broadcast %jit3A_324 : i32 to vector<16xi32>
      %select_n3A_327 = arith.select %eq3A_322, %broadcast_in_dim3A_325, %broadcast_in_dim3A_326 : vector<16xi1>, vector<16xi32>
      %add3A_328 = arith.addi %broadcast_in_dim3A_319, %select_n3A_327 : vector<16xi32>
      %eq3A_329 = arith.constant 1 : i32
      %eq3A_330 = vector.broadcast %eq3A_329 : i32 to vector<16xi32>
      %eq3A_331 = arith.cmpi eq, %gather3A_89, %eq3A_330 : vector<16xi32>
      %jit3A_332 = arith.constant 1 : i32
      %jit3A_333 = arith.constant 0 : i32
      %broadcast_in_dim3A_334 = vector.broadcast %jit3A_332 : i32 to vector<16xi32>
      %broadcast_in_dim3A_335 = vector.broadcast %jit3A_333 : i32 to vector<16xi32>
      %select_n3A_336 = arith.select %eq3A_331, %broadcast_in_dim3A_334, %broadcast_in_dim3A_335 : vector<16xi1>, vector<16xi32>
      %add3A_337 = arith.addi %add3A_328, %select_n3A_336 : vector<16xi32>
      %eq3A_338 = arith.constant 1 : i32
      %eq3A_339 = vector.broadcast %eq3A_338 : i32 to vector<16xi32>
      %eq3A_340 = arith.cmpi eq, %gather3A_104, %eq3A_339 : vector<16xi32>
      %jit3A_341 = arith.constant 2 : i32
      %jit3A_342 = arith.constant 0 : i32
      %broadcast_in_dim3A_343 = vector.broadcast %jit3A_341 : i32 to vector<16xi32>
      %broadcast_in_dim3A_344 = vector.broadcast %jit3A_342 : i32 to vector<16xi32>
      %select_n3A_345 = arith.select %eq3A_340, %broadcast_in_dim3A_343, %broadcast_in_dim3A_344 : vector<16xi1>, vector<16xi32>
      %add3A_346 = arith.addi %add3A_337, %select_n3A_345 : vector<16xi32>
      %eq3A_347 = arith.constant 1 : i32
      %eq3A_348 = vector.broadcast %eq3A_347 : i32 to vector<16xi32>
      %eq3A_349 = arith.cmpi eq, %gather3A_119, %eq3A_348 : vector<16xi32>
      %jit3A_350 = arith.constant 3 : i32
      %jit3A_351 = arith.constant 0 : i32
      %broadcast_in_dim3A_352 = vector.broadcast %jit3A_350 : i32 to vector<16xi32>
      %broadcast_in_dim3A_353 = vector.broadcast %jit3A_351 : i32 to vector<16xi32>
      %select_n3A_354 = arith.select %eq3A_349, %broadcast_in_dim3A_352, %broadcast_in_dim3A_353 : vector<16xi1>, vector<16xi32>
      %add3A_355 = arith.addi %add3A_346, %select_n3A_354 : vector<16xi32>
      %eq3A_356 = arith.constant 1 : i32
      %eq3A_357 = vector.broadcast %eq3A_356 : i32 to vector<16xi32>
      %eq3A_358 = arith.cmpi eq, %gather3A_134, %eq3A_357 : vector<16xi32>
      %jit3A_359 = arith.constant 4 : i32
      %jit3A_360 = arith.constant 0 : i32
      %broadcast_in_dim3A_361 = vector.broadcast %jit3A_359 : i32 to vector<16xi32>
      %broadcast_in_dim3A_362 = vector.broadcast %jit3A_360 : i32 to vector<16xi32>
      %select_n3A_363 = arith.select %eq3A_358, %broadcast_in_dim3A_361, %broadcast_in_dim3A_362 : vector<16xi1>, vector<16xi32>
      %add3A_364 = arith.addi %add3A_355, %select_n3A_363 : vector<16xi32>
      %eq3A_365 = arith.constant 1 : i32
      %eq3A_366 = vector.broadcast %eq3A_365 : i32 to vector<16xi32>
      %eq3A_367 = arith.cmpi eq, %gather3A_149, %eq3A_366 : vector<16xi32>
      %jit3A_368 = arith.constant 5 : i32
      %jit3A_369 = arith.constant 0 : i32
      %broadcast_in_dim3A_370 = vector.broadcast %jit3A_368 : i32 to vector<16xi32>
      %broadcast_in_dim3A_371 = vector.broadcast %jit3A_369 : i32 to vector<16xi32>
      %select_n3A_372 = arith.select %eq3A_367, %broadcast_in_dim3A_370, %broadcast_in_dim3A_371 : vector<16xi1>, vector<16xi32>
      %add3A_373 = arith.addi %add3A_364, %select_n3A_372 : vector<16xi32>
      %eq3A_374 = arith.constant 1 : i32
      %eq3A_375 = vector.broadcast %eq3A_374 : i32 to vector<16xi32>
      %eq3A_376 = arith.cmpi eq, %gather3A_164, %eq3A_375 : vector<16xi32>
      %jit3A_377 = arith.constant 6 : i32
      %jit3A_378 = arith.constant 0 : i32
      %broadcast_in_dim3A_379 = vector.broadcast %jit3A_377 : i32 to vector<16xi32>
      %broadcast_in_dim3A_380 = vector.broadcast %jit3A_378 : i32 to vector<16xi32>
      %select_n3A_381 = arith.select %eq3A_376, %broadcast_in_dim3A_379, %broadcast_in_dim3A_380 : vector<16xi1>, vector<16xi32>
      %add3A_382 = arith.addi %add3A_373, %select_n3A_381 : vector<16xi32>
      %eq3A_383 = arith.constant 1 : i32
      %eq3A_384 = vector.broadcast %eq3A_383 : i32 to vector<16xi32>
      %eq3A_385 = arith.cmpi eq, %gather3A_179, %eq3A_384 : vector<16xi32>
      %jit3A_386 = arith.constant 7 : i32
      %jit3A_387 = arith.constant 0 : i32
      %broadcast_in_dim3A_388 = vector.broadcast %jit3A_386 : i32 to vector<16xi32>
      %broadcast_in_dim3A_389 = vector.broadcast %jit3A_387 : i32 to vector<16xi32>
      %select_n3A_390 = arith.select %eq3A_385, %broadcast_in_dim3A_388, %broadcast_in_dim3A_389 : vector<16xi1>, vector<16xi32>
      %add3A_391 = arith.addi %add3A_382, %select_n3A_390 : vector<16xi32>
      %eq3A_392 = arith.constant 1 : i32
      %eq3A_393 = vector.broadcast %eq3A_392 : i32 to vector<16xi32>
      %eq3A_394 = arith.cmpi eq, %gather3A_194, %eq3A_393 : vector<16xi32>
      %jit3A_395 = arith.constant 8 : i32
      %jit3A_396 = arith.constant 0 : i32
      %broadcast_in_dim3A_397 = vector.broadcast %jit3A_395 : i32 to vector<16xi32>
      %broadcast_in_dim3A_398 = vector.broadcast %jit3A_396 : i32 to vector<16xi32>
      %select_n3A_399 = arith.select %eq3A_394, %broadcast_in_dim3A_397, %broadcast_in_dim3A_398 : vector<16xi1>, vector<16xi32>
      %add3A_400 = arith.addi %add3A_391, %select_n3A_399 : vector<16xi32>
      %mul3A_401 = arith.constant 16 : i32
      %mul3A_402 = vector.broadcast %mul3A_401 : i32 to vector<16xi32>
      %mul3A_403 = arith.muli %add3A_400, %mul3A_402 : vector<16xi32>
      %add3A_404 = arith.addi %mul3A_403, %add3A_201 : vector<16xi32>
      %gather3A_405 = tpu.vector_load_idx %arg9[%add3A_404] : memref<144xf32, #tpu.memory_space<vmem>>[vector<16xi32>], vector<16xf32>,
      %get3A_406 = arith.constant 1 : i32
      %get3A_407 = arith.index_cast %get3A_406 : i32 to index
      %get3A_408 = arith.constant 0 : index
      %get3A_409 = tpu.vector_load %arg10[%get3A_407, %get3A_408] {strides = array<i32>} : memref<9x16xf32, #tpu.memory_space<vmem>>, vector<16xf32>,
      %get3A_410 = arith.constant 1 : i32
      %get3A_411 = arith.index_cast %get3A_410 : i32 to index
      %get3A_412 = arith.constant 0 : index
      %get3A_413 = tpu.vector_load %arg11[%get3A_411, %get3A_412] {strides = array<i32>} : memref<9x16xf32, #tpu.memory_space<vmem>>, vector<16xf32>,
      %mul3A_414 = arith.mulf %gather3A_405, %get3A_409 : vector<16xf32>
      %sub3A_415 = arith.constant 1.000000e+00 : f32
      %sub3A_416 = vector.broadcast %sub3A_415 : f32 to vector<16xf32>
      %sub3A_417 = arith.subf %sub3A_416, %gather3A_405 : vector<16xf32>
      %mul3A_418 = arith.mulf %sub3A_417, %get3A_413 : vector<16xf32>
      %add3A_419 = arith.addf %mul3A_414, %mul3A_418 : vector<16xf32>
      %ge3A_420 = arith.constant 1 : i32
      %ge3A_421 = vector.broadcast %ge3A_420 : i32 to vector<16xi32>
      %ge3A_422 = arith.cmpi sge, %iota3A, %ge3A_421 : vector<16xi32>
      %lt3A_423 = arith.constant 9 : i32
      %lt3A_424 = vector.broadcast %lt3A_423 : i32 to vector<16xi32>
      %lt3A_425 = arith.cmpi slt, %iota3A, %lt3A_424 : vector<16xi32>
      %and3A_426 = arith.andi %ge3A_422, %lt3A_425 : vector<16xi1>
      %jit3A_427 = arith.constant 0.000000e+00 : f32
      %broadcast_in_dim3A_428 = vector.broadcast %jit3A_427 : f32 to vector<16xf32>
      %select_n3A_429 = arith.select %and3A_426, %add3A_419, %broadcast_in_dim3A_428 : vector<16xi1>, vector<16xf32>
      %add3A_430 = arith.addf %add3A_317, %select_n3A_429 : vector<16xf32>
      %broadcast_in_dim3A_431 = arith.constant 0 : i32
      %broadcast_in_dim3A_432 = vector.broadcast %broadcast_in_dim3A_431 : i32 to vector<16xi32>
      %eq3A_433 = arith.constant 2 : i32
      %eq3A_434 = vector.broadcast %eq3A_433 : i32 to vector<16xi32>
      %eq3A_435 = arith.cmpi eq, %gather3A, %eq3A_434 : vector<16xi32>
      %jit3A_436 = arith.constant 0 : i32
      %jit3A_437 = arith.constant 0 : i32
      %broadcast_in_dim3A_438 = vector.broadcast %jit3A_436 : i32 to vector<16xi32>
      %broadcast_in_dim3A_439 = vector.broadcast %jit3A_437 : i32 to vector<16xi32>
      %select_n3A_440 = arith.select %eq3A_435, %broadcast_in_dim3A_438, %broadcast_in_dim3A_439 : vector<16xi1>, vector<16xi32>
      %add3A_441 = arith.addi %broadcast_in_dim3A_432, %select_n3A_440 : vector<16xi32>
      %eq3A_442 = arith.constant 2 : i32
      %eq3A_443 = vector.broadcast %eq3A_442 : i32 to vector<16xi32>
      %eq3A_444 = arith.cmpi eq, %gather3A_89, %eq3A_443 : vector<16xi32>
      %jit3A_445 = arith.constant 1 : i32
      %jit3A_446 = arith.constant 0 : i32
      %broadcast_in_dim3A_447 = vector.broadcast %jit3A_445 : i32 to vector<16xi32>
      %broadcast_in_dim3A_448 = vector.broadcast %jit3A_446 : i32 to vector<16xi32>
      %select_n3A_449 = arith.select %eq3A_444, %broadcast_in_dim3A_447, %broadcast_in_dim3A_448 : vector<16xi1>, vector<16xi32>
      %add3A_450 = arith.addi %add3A_441, %select_n3A_449 : vector<16xi32>
      %eq3A_451 = arith.constant 2 : i32
      %eq3A_452 = vector.broadcast %eq3A_451 : i32 to vector<16xi32>
      %eq3A_453 = arith.cmpi eq, %gather3A_104, %eq3A_452 : vector<16xi32>
      %jit3A_454 = arith.constant 2 : i32
      %jit3A_455 = arith.constant 0 : i32
      %broadcast_in_dim3A_456 = vector.broadcast %jit3A_454 : i32 to vector<16xi32>
      %broadcast_in_dim3A_457 = vector.broadcast %jit3A_455 : i32 to vector<16xi32>
      %select_n3A_458 = arith.select %eq3A_453, %broadcast_in_dim3A_456, %broadcast_in_dim3A_457 : vector<16xi1>, vector<16xi32>
      %add3A_459 = arith.addi %add3A_450, %select_n3A_458 : vector<16xi32>
      %eq3A_460 = arith.constant 2 : i32
      %eq3A_461 = vector.broadcast %eq3A_460 : i32 to vector<16xi32>
      %eq3A_462 = arith.cmpi eq, %gather3A_119, %eq3A_461 : vector<16xi32>
      %jit3A_463 = arith.constant 3 : i32
      %jit3A_464 = arith.constant 0 : i32
      %broadcast_in_dim3A_465 = vector.broadcast %jit3A_463 : i32 to vector<16xi32>
      %broadcast_in_dim3A_466 = vector.broadcast %jit3A_464 : i32 to vector<16xi32>
      %select_n3A_467 = arith.select %eq3A_462, %broadcast_in_dim3A_465, %broadcast_in_dim3A_466 : vector<16xi1>, vector<16xi32>
      %add3A_468 = arith.addi %add3A_459, %select_n3A_467 : vector<16xi32>
      %eq3A_469 = arith.constant 2 : i32
      %eq3A_470 = vector.broadcast %eq3A_469 : i32 to vector<16xi32>
      %eq3A_471 = arith.cmpi eq, %gather3A_134, %eq3A_470 : vector<16xi32>
      %jit3A_472 = arith.constant 4 : i32
      %jit3A_473 = arith.constant 0 : i32
      %broadcast_in_dim3A_474 = vector.broadcast %jit3A_472 : i32 to vector<16xi32>
      %broadcast_in_dim3A_475 = vector.broadcast %jit3A_473 : i32 to vector<16xi32>
      %select_n3A_476 = arith.select %eq3A_471, %broadcast_in_dim3A_474, %broadcast_in_dim3A_475 : vector<16xi1>, vector<16xi32>
      %add3A_477 = arith.addi %add3A_468, %select_n3A_476 : vector<16xi32>
      %eq3A_478 = arith.constant 2 : i32
      %eq3A_479 = vector.broadcast %eq3A_478 : i32 to vector<16xi32>
      %eq3A_480 = arith.cmpi eq, %gather3A_149, %eq3A_479 : vector<16xi32>
      %jit3A_481 = arith.constant 5 : i32
      %jit3A_482 = arith.constant 0 : i32
      %broadcast_in_dim3A_483 = vector.broadcast %jit3A_481 : i32 to vector<16xi32>
      %broadcast_in_dim3A_484 = vector.broadcast %jit3A_482 : i32 to vector<16xi32>
      %select_n3A_485 = arith.select %eq3A_480, %broadcast_in_dim3A_483, %broadcast_in_dim3A_484 : vector<16xi1>, vector<16xi32>
      %add3A_486 = arith.addi %add3A_477, %select_n3A_485 : vector<16xi32>
      %eq3A_487 = arith.constant 2 : i32
      %eq3A_488 = vector.broadcast %eq3A_487 : i32 to vector<16xi32>
      %eq3A_489 = arith.cmpi eq, %gather3A_164, %eq3A_488 : vector<16xi32>
      %jit3A_490 = arith.constant 6 : i32
      %jit3A_491 = arith.constant 0 : i32
      %broadcast_in_dim3A_492 = vector.broadcast %jit3A_490 : i32 to vector<16xi32>
      %broadcast_in_dim3A_493 = vector.broadcast %jit3A_491 : i32 to vector<16xi32>
      %select_n3A_494 = arith.select %eq3A_489, %broadcast_in_dim3A_492, %broadcast_in_dim3A_493 : vector<16xi1>, vector<16xi32>
      %add3A_495 = arith.addi %add3A_486, %select_n3A_494 : vector<16xi32>
      %eq3A_496 = arith.constant 2 : i32
      %eq3A_497 = vector.broadcast %eq3A_496 : i32 to vector<16xi32>
      %eq3A_498 = arith.cmpi eq, %gather3A_179, %eq3A_497 : vector<16xi32>
      %jit3A_499 = arith.constant 7 : i32
      %jit3A_500 = arith.constant 0 : i32
      %broadcast_in_dim3A_501 = vector.broadcast %jit3A_499 : i32 to vector<16xi32>
      %broadcast_in_dim3A_502 = vector.broadcast %jit3A_500 : i32 to vector<16xi32>
      %select_n3A_503 = arith.select %eq3A_498, %broadcast_in_dim3A_501, %broadcast_in_dim3A_502 : vector<16xi1>, vector<16xi32>
      %add3A_504 = arith.addi %add3A_495, %select_n3A_503 : vector<16xi32>
      %eq3A_505 = arith.constant 2 : i32
      %eq3A_506 = vector.broadcast %eq3A_505 : i32 to vector<16xi32>
      %eq3A_507 = arith.cmpi eq, %gather3A_194, %eq3A_506 : vector<16xi32>
      %jit3A_508 = arith.constant 8 : i32
      %jit3A_509 = arith.constant 0 : i32
      %broadcast_in_dim3A_510 = vector.broadcast %jit3A_508 : i32 to vector<16xi32>
      %broadcast_in_dim3A_511 = vector.broadcast %jit3A_509 : i32 to vector<16xi32>
      %select_n3A_512 = arith.select %eq3A_507, %broadcast_in_dim3A_510, %broadcast_in_dim3A_511 : vector<16xi1>, vector<16xi32>
      %add3A_513 = arith.addi %add3A_504, %select_n3A_512 : vector<16xi32>
      %mul3A_514 = arith.constant 16 : i32
      %mul3A_515 = vector.broadcast %mul3A_514 : i32 to vector<16xi32>
      %mul3A_516 = arith.muli %add3A_513, %mul3A_515 : vector<16xi32>
      %add3A_517 = arith.addi %mul3A_516, %add3A_201 : vector<16xi32>
      %gather3A_518 = tpu.vector_load_idx %arg9[%add3A_517] : memref<144xf32, #tpu.memory_space<vmem>>[vector<16xi32>], vector<16xf32>,
      %get3A_519 = arith.constant 2 : i32
      %get3A_520 = arith.index_cast %get3A_519 : i32 to index
      %get3A_521 = arith.constant 0 : index
      %get3A_522 = tpu.vector_load %arg10[%get3A_520, %get3A_521] {strides = array<i32>} : memref<9x16xf32, #tpu.memory_space<vmem>>, vector<16xf32>,
      %get3A_523 = arith.constant 2 : i32
      %get3A_524 = arith.index_cast %get3A_523 : i32 to index
      %get3A_525 = arith.constant 0 : index
      %get3A_526 = tpu.vector_load %arg11[%get3A_524, %get3A_525] {strides = array<i32>} : memref<9x16xf32, #tpu.memory_space<vmem>>, vector<16xf32>,
      %mul3A_527 = arith.mulf %gather3A_518, %get3A_522 : vector<16xf32>
      %sub3A_528 = arith.constant 1.000000e+00 : f32
      %sub3A_529 = vector.broadcast %sub3A_528 : f32 to vector<16xf32>
      %sub3A_530 = arith.subf %sub3A_529, %gather3A_518 : vector<16xf32>
      %mul3A_531 = arith.mulf %sub3A_530, %get3A_526 : vector<16xf32>
      %add3A_532 = arith.addf %mul3A_527, %mul3A_531 : vector<16xf32>
      %ge3A_533 = arith.constant 2 : i32
      %ge3A_534 = vector.broadcast %ge3A_533 : i32 to vector<16xi32>
      %ge3A_535 = arith.cmpi sge, %iota3A, %ge3A_534 : vector<16xi32>
      %lt3A_536 = arith.constant 9 : i32
      %lt3A_537 = vector.broadcast %lt3A_536 : i32 to vector<16xi32>
      %lt3A_538 = arith.cmpi slt, %iota3A, %lt3A_537 : vector<16xi32>
      %and3A_539 = arith.andi %ge3A_535, %lt3A_538 : vector<16xi1>
      %jit3A_540 = arith.constant 0.000000e+00 : f32
      %broadcast_in_dim3A_541 = vector.broadcast %jit3A_540 : f32 to vector<16xf32>
      %select_n3A_542 = arith.select %and3A_539, %add3A_532, %broadcast_in_dim3A_541 : vector<16xi1>, vector<16xf32>
      %add3A_543 = arith.addf %add3A_430, %select_n3A_542 : vector<16xf32>
      %broadcast_in_dim3A_544 = arith.constant 0 : i32
      %broadcast_in_dim3A_545 = vector.broadcast %broadcast_in_dim3A_544 : i32 to vector<16xi32>
      %eq3A_546 = arith.constant 3 : i32
      %eq3A_547 = vector.broadcast %eq3A_546 : i32 to vector<16xi32>
      %eq3A_548 = arith.cmpi eq, %gather3A, %eq3A_547 : vector<16xi32>
      %jit3A_549 = arith.constant 0 : i32
      %jit3A_550 = arith.constant 0 : i32
      %broadcast_in_dim3A_551 = vector.broadcast %jit3A_549 : i32 to vector<16xi32>
      %broadcast_in_dim3A_552 = vector.broadcast %jit3A_550 : i32 to vector<16xi32>
      %select_n3A_553 = arith.select %eq3A_548, %broadcast_in_dim3A_551, %broadcast_in_dim3A_552 : vector<16xi1>, vector<16xi32>
      %add3A_554 = arith.addi %broadcast_in_dim3A_545, %select_n3A_553 : vector<16xi32>
      %eq3A_555 = arith.constant 3 : i32
      %eq3A_556 = vector.broadcast %eq3A_555 : i32 to vector<16xi32>
      %eq3A_557 = arith.cmpi eq, %gather3A_89, %eq3A_556 : vector<16xi32>
      %jit3A_558 = arith.constant 1 : i32
      %jit3A_559 = arith.constant 0 : i32
      %broadcast_in_dim3A_560 = vector.broadcast %jit3A_558 : i32 to vector<16xi32>
      %broadcast_in_dim3A_561 = vector.broadcast %jit3A_559 : i32 to vector<16xi32>
      %select_n3A_562 = arith.select %eq3A_557, %broadcast_in_dim3A_560, %broadcast_in_dim3A_561 : vector<16xi1>, vector<16xi32>
      %add3A_563 = arith.addi %add3A_554, %select_n3A_562 : vector<16xi32>
      %eq3A_564 = arith.constant 3 : i32
      %eq3A_565 = vector.broadcast %eq3A_564 : i32 to vector<16xi32>
      %eq3A_566 = arith.cmpi eq, %gather3A_104, %eq3A_565 : vector<16xi32>
      %jit3A_567 = arith.constant 2 : i32
      %jit3A_568 = arith.constant 0 : i32
      %broadcast_in_dim3A_569 = vector.broadcast %jit3A_567 : i32 to vector<16xi32>
      %broadcast_in_dim3A_570 = vector.broadcast %jit3A_568 : i32 to vector<16xi32>
      %select_n3A_571 = arith.select %eq3A_566, %broadcast_in_dim3A_569, %broadcast_in_dim3A_570 : vector<16xi1>, vector<16xi32>
      %add3A_572 = arith.addi %add3A_563, %select_n3A_571 : vector<16xi32>
      %eq3A_573 = arith.constant 3 : i32
      %eq3A_574 = vector.broadcast %eq3A_573 : i32 to vector<16xi32>
      %eq3A_575 = arith.cmpi eq, %gather3A_119, %eq3A_574 : vector<16xi32>
      %jit3A_576 = arith.constant 3 : i32
      %jit3A_577 = arith.constant 0 : i32
      %broadcast_in_dim3A_578 = vector.broadcast %jit3A_576 : i32 to vector<16xi32>
      %broadcast_in_dim3A_579 = vector.broadcast %jit3A_577 : i32 to vector<16xi32>
      %select_n3A_580 = arith.select %eq3A_575, %broadcast_in_dim3A_578, %broadcast_in_dim3A_579 : vector<16xi1>, vector<16xi32>
      %add3A_581 = arith.addi %add3A_572, %select_n3A_580 : vector<16xi32>
      %eq3A_582 = arith.constant 3 : i32
      %eq3A_583 = vector.broadcast %eq3A_582 : i32 to vector<16xi32>
      %eq3A_584 = arith.cmpi eq, %gather3A_134, %eq3A_583 : vector<16xi32>
      %jit3A_585 = arith.constant 4 : i32
      %jit3A_586 = arith.constant 0 : i32
      %broadcast_in_dim3A_587 = vector.broadcast %jit3A_585 : i32 to vector<16xi32>
      %broadcast_in_dim3A_588 = vector.broadcast %jit3A_586 : i32 to vector<16xi32>
      %select_n3A_589 = arith.select %eq3A_584, %broadcast_in_dim3A_587, %broadcast_in_dim3A_588 : vector<16xi1>, vector<16xi32>
      %add3A_590 = arith.addi %add3A_581, %select_n3A_589 : vector<16xi32>
      %eq3A_591 = arith.constant 3 : i32
      %eq3A_592 = vector.broadcast %eq3A_591 : i32 to vector<16xi32>
      %eq3A_593 = arith.cmpi eq, %gather3A_149, %eq3A_592 : vector<16xi32>
      %jit3A_594 = arith.constant 5 : i32
      %jit3A_595 = arith.constant 0 : i32
      %broadcast_in_dim3A_596 = vector.broadcast %jit3A_594 : i32 to vector<16xi32>
      %broadcast_in_dim3A_597 = vector.broadcast %jit3A_595 : i32 to vector<16xi32>
      %select_n3A_598 = arith.select %eq3A_593, %broadcast_in_dim3A_596, %broadcast_in_dim3A_597 : vector<16xi1>, vector<16xi32>
      %add3A_599 = arith.addi %add3A_590, %select_n3A_598 : vector<16xi32>
      %eq3A_600 = arith.constant 3 : i32
      %eq3A_601 = vector.broadcast %eq3A_600 : i32 to vector<16xi32>
      %eq3A_602 = arith.cmpi eq, %gather3A_164, %eq3A_601 : vector<16xi32>
      %jit3A_603 = arith.constant 6 : i32
      %jit3A_604 = arith.constant 0 : i32
      %broadcast_in_dim3A_605 = vector.broadcast %jit3A_603 : i32 to vector<16xi32>
      %broadcast_in_dim3A_606 = vector.broadcast %jit3A_604 : i32 to vector<16xi32>
      %select_n3A_607 = arith.select %eq3A_602, %broadcast_in_dim3A_605, %broadcast_in_dim3A_606 : vector<16xi1>, vector<16xi32>
      %add3A_608 = arith.addi %add3A_599, %select_n3A_607 : vector<16xi32>
      %eq3A_609 = arith.constant 3 : i32
      %eq3A_610 = vector.broadcast %eq3A_609 : i32 to vector<16xi32>
      %eq3A_611 = arith.cmpi eq, %gather3A_179, %eq3A_610 : vector<16xi32>
      %jit3A_612 = arith.constant 7 : i32
      %jit3A_613 = arith.constant 0 : i32
      %broadcast_in_dim3A_614 = vector.broadcast %jit3A_612 : i32 to vector<16xi32>
      %broadcast_in_dim3A_615 = vector.broadcast %jit3A_613 : i32 to vector<16xi32>
      %select_n3A_616 = arith.select %eq3A_611, %broadcast_in_dim3A_614, %broadcast_in_dim3A_615 : vector<16xi1>, vector<16xi32>
      %add3A_617 = arith.addi %add3A_608, %select_n3A_616 : vector<16xi32>
      %eq3A_618 = arith.constant 3 : i32
      %eq3A_619 = vector.broadcast %eq3A_618 : i32 to vector<16xi32>
      %eq3A_620 = arith.cmpi eq, %gather3A_194, %eq3A_619 : vector<16xi32>
      %jit3A_621 = arith.constant 8 : i32
      %jit3A_622 = arith.constant 0 : i32
      %broadcast_in_dim3A_623 = vector.broadcast %jit3A_621 : i32 to vector<16xi32>
      %broadcast_in_dim3A_624 = vector.broadcast %jit3A_622 : i32 to vector<16xi32>
      %select_n3A_625 = arith.select %eq3A_620, %broadcast_in_dim3A_623, %broadcast_in_dim3A_624 : vector<16xi1>, vector<16xi32>
      %add3A_626 = arith.addi %add3A_617, %select_n3A_625 : vector<16xi32>
      %mul3A_627 = arith.constant 16 : i32
      %mul3A_628 = vector.broadcast %mul3A_627 : i32 to vector<16xi32>
      %mul3A_629 = arith.muli %add3A_626, %mul3A_628 : vector<16xi32>
      %add3A_630 = arith.addi %mul3A_629, %add3A_201 : vector<16xi32>
      %gather3A_631 = tpu.vector_load_idx %arg9[%add3A_630] : memref<144xf32, #tpu.memory_space<vmem>>[vector<16xi32>], vector<16xf32>,
      %get3A_632 = arith.constant 3 : i32
      %get3A_633 = arith.index_cast %get3A_632 : i32 to index
      %get3A_634 = arith.constant 0 : index
      %get3A_635 = tpu.vector_load %arg10[%get3A_633, %get3A_634] {strides = array<i32>} : memref<9x16xf32, #tpu.memory_space<vmem>>, vector<16xf32>,
      %get3A_636 = arith.constant 3 : i32
      %get3A_637 = arith.index_cast %get3A_636 : i32 to index
      %get3A_638 = arith.constant 0 : index
      %get3A_639 = tpu.vector_load %arg11[%get3A_637, %get3A_638] {strides = array<i32>} : memref<9x16xf32, #tpu.memory_space<vmem>>, vector<16xf32>,
      %mul3A_640 = arith.mulf %gather3A_631, %get3A_635 : vector<16xf32>
      %sub3A_641 = arith.constant 1.000000e+00 : f32
      %sub3A_642 = vector.broadcast %sub3A_641 : f32 to vector<16xf32>
      %sub3A_643 = arith.subf %sub3A_642, %gather3A_631 : vector<16xf32>
      %mul3A_644 = arith.mulf %sub3A_643, %get3A_639 : vector<16xf32>
      %add3A_645 = arith.addf %mul3A_640, %mul3A_644 : vector<16xf32>
      %ge3A_646 = arith.constant 3 : i32
      %ge3A_647 = vector.broadcast %ge3A_646 : i32 to vector<16xi32>
      %ge3A_648 = arith.cmpi sge, %iota3A, %ge3A_647 : vector<16xi32>
      %lt3A_649 = arith.constant 9 : i32
      %lt3A_650 = vector.broadcast %lt3A_649 : i32 to vector<16xi32>
      %lt3A_651 = arith.cmpi slt, %iota3A, %lt3A_650 : vector<16xi32>
      %and3A_652 = arith.andi %ge3A_648, %lt3A_651 : vector<16xi1>
      %jit3A_653 = arith.constant 0.000000e+00 : f32
      %broadcast_in_dim3A_654 = vector.broadcast %jit3A_653 : f32 to vector<16xf32>
      %select_n3A_655 = arith.select %and3A_652, %add3A_645, %broadcast_in_dim3A_654 : vector<16xi1>, vector<16xf32>
      %add3A_656 = arith.addf %add3A_543, %select_n3A_655 : vector<16xf32>
      %broadcast_in_dim3A_657 = arith.constant 0 : i32
      %broadcast_in_dim3A_658 = vector.broadcast %broadcast_in_dim3A_657 : i32 to vector<16xi32>
      %eq3A_659 = arith.constant 4 : i32
      %eq3A_660 = vector.broadcast %eq3A_659 : i32 to vector<16xi32>
      %eq3A_661 = arith.cmpi eq, %gather3A, %eq3A_660 : vector<16xi32>
      %jit3A_662 = arith.constant 0 : i32
      %jit3A_663 = arith.constant 0 : i32
      %broadcast_in_dim3A_664 = vector.broadcast %jit3A_662 : i32 to vector<16xi32>
      %broadcast_in_dim3A_665 = vector.broadcast %jit3A_663 : i32 to vector<16xi32>
      %select_n3A_666 = arith.select %eq3A_661, %broadcast_in_dim3A_664, %broadcast_in_dim3A_665 : vector<16xi1>, vector<16xi32>
      %add3A_667 = arith.addi %broadcast_in_dim3A_658, %select_n3A_666 : vector<16xi32>
      %eq3A_668 = arith.constant 4 : i32
      %eq3A_669 = vector.broadcast %eq3A_668 : i32 to vector<16xi32>
      %eq3A_670 = arith.cmpi eq, %gather3A_89, %eq3A_669 : vector<16xi32>
      %jit3A_671 = arith.constant 1 : i32
      %jit3A_672 = arith.constant 0 : i32
      %broadcast_in_dim3A_673 = vector.broadcast %jit3A_671 : i32 to vector<16xi32>
      %broadcast_in_dim3A_674 = vector.broadcast %jit3A_672 : i32 to vector<16xi32>
      %select_n3A_675 = arith.select %eq3A_670, %broadcast_in_dim3A_673, %broadcast_in_dim3A_674 : vector<16xi1>, vector<16xi32>
      %add3A_676 = arith.addi %add3A_667, %select_n3A_675 : vector<16xi32>
      %eq3A_677 = arith.constant 4 : i32
      %eq3A_678 = vector.broadcast %eq3A_677 : i32 to vector<16xi32>
      %eq3A_679 = arith.cmpi eq, %gather3A_104, %eq3A_678 : vector<16xi32>
      %jit3A_680 = arith.constant 2 : i32
      %jit3A_681 = arith.constant 0 : i32
      %broadcast_in_dim3A_682 = vector.broadcast %jit3A_680 : i32 to vector<16xi32>
      %broadcast_in_dim3A_683 = vector.broadcast %jit3A_681 : i32 to vector<16xi32>
      %select_n3A_684 = arith.select %eq3A_679, %broadcast_in_dim3A_682, %broadcast_in_dim3A_683 : vector<16xi1>, vector<16xi32>
      %add3A_685 = arith.addi %add3A_676, %select_n3A_684 : vector<16xi32>
      %eq3A_686 = arith.constant 4 : i32
      %eq3A_687 = vector.broadcast %eq3A_686 : i32 to vector<16xi32>
      %eq3A_688 = arith.cmpi eq, %gather3A_119, %eq3A_687 : vector<16xi32>
      %jit3A_689 = arith.constant 3 : i32
      %jit3A_690 = arith.constant 0 : i32
      %broadcast_in_dim3A_691 = vector.broadcast %jit3A_689 : i32 to vector<16xi32>
      %broadcast_in_dim3A_692 = vector.broadcast %jit3A_690 : i32 to vector<16xi32>
      %select_n3A_693 = arith.select %eq3A_688, %broadcast_in_dim3A_691, %broadcast_in_dim3A_692 : vector<16xi1>, vector<16xi32>
      %add3A_694 = arith.addi %add3A_685, %select_n3A_693 : vector<16xi32>
      %eq3A_695 = arith.constant 4 : i32
      %eq3A_696 = vector.broadcast %eq3A_695 : i32 to vector<16xi32>
      %eq3A_697 = arith.cmpi eq, %gather3A_134, %eq3A_696 : vector<16xi32>
      %jit3A_698 = arith.constant 4 : i32
      %jit3A_699 = arith.constant 0 : i32
      %broadcast_in_dim3A_700 = vector.broadcast %jit3A_698 : i32 to vector<16xi32>
      %broadcast_in_dim3A_701 = vector.broadcast %jit3A_699 : i32 to vector<16xi32>
      %select_n3A_702 = arith.select %eq3A_697, %broadcast_in_dim3A_700, %broadcast_in_dim3A_701 : vector<16xi1>, vector<16xi32>
      %add3A_703 = arith.addi %add3A_694, %select_n3A_702 : vector<16xi32>
      %eq3A_704 = arith.constant 4 : i32
      %eq3A_705 = vector.broadcast %eq3A_704 : i32 to vector<16xi32>
      %eq3A_706 = arith.cmpi eq, %gather3A_149, %eq3A_705 : vector<16xi32>
      %jit3A_707 = arith.constant 5 : i32
      %jit3A_708 = arith.constant 0 : i32
      %broadcast_in_dim3A_709 = vector.broadcast %jit3A_707 : i32 to vector<16xi32>
      %broadcast_in_dim3A_710 = vector.broadcast %jit3A_708 : i32 to vector<16xi32>
      %select_n3A_711 = arith.select %eq3A_706, %broadcast_in_dim3A_709, %broadcast_in_dim3A_710 : vector<16xi1>, vector<16xi32>
      %add3A_712 = arith.addi %add3A_703, %select_n3A_711 : vector<16xi32>
      %eq3A_713 = arith.constant 4 : i32
      %eq3A_714 = vector.broadcast %eq3A_713 : i32 to vector<16xi32>
      %eq3A_715 = arith.cmpi eq, %gather3A_164, %eq3A_714 : vector<16xi32>
      %jit3A_716 = arith.constant 6 : i32
      %jit3A_717 = arith.constant 0 : i32
      %broadcast_in_dim3A_718 = vector.broadcast %jit3A_716 : i32 to vector<16xi32>
      %broadcast_in_dim3A_719 = vector.broadcast %jit3A_717 : i32 to vector<16xi32>
      %select_n3A_720 = arith.select %eq3A_715, %broadcast_in_dim3A_718, %broadcast_in_dim3A_719 : vector<16xi1>, vector<16xi32>
      %add3A_721 = arith.addi %add3A_712, %select_n3A_720 : vector<16xi32>
      %eq3A_722 = arith.constant 4 : i32
      %eq3A_723 = vector.broadcast %eq3A_722 : i32 to vector<16xi32>
      %eq3A_724 = arith.cmpi eq, %gather3A_179, %eq3A_723 : vector<16xi32>
      %jit3A_725 = arith.constant 7 : i32
      %jit3A_726 = arith.constant 0 : i32
      %broadcast_in_dim3A_727 = vector.broadcast %jit3A_725 : i32 to vector<16xi32>
      %broadcast_in_dim3A_728 = vector.broadcast %jit3A_726 : i32 to vector<16xi32>
      %select_n3A_729 = arith.select %eq3A_724, %broadcast_in_dim3A_727, %broadcast_in_dim3A_728 : vector<16xi1>, vector<16xi32>
      %add3A_730 = arith.addi %add3A_721, %select_n3A_729 : vector<16xi32>
      %eq3A_731 = arith.constant 4 : i32
      %eq3A_732 = vector.broadcast %eq3A_731 : i32 to vector<16xi32>
      %eq3A_733 = arith.cmpi eq, %gather3A_194, %eq3A_732 : vector<16xi32>
      %jit3A_734 = arith.constant 8 : i32
      %jit3A_735 = arith.constant 0 : i32
      %broadcast_in_dim3A_736 = vector.broadcast %jit3A_734 : i32 to vector<16xi32>
      %broadcast_in_dim3A_737 = vector.broadcast %jit3A_735 : i32 to vector<16xi32>
      %select_n3A_738 = arith.select %eq3A_733, %broadcast_in_dim3A_736, %broadcast_in_dim3A_737 : vector<16xi1>, vector<16xi32>
      %add3A_739 = arith.addi %add3A_730, %select_n3A_738 : vector<16xi32>
      %mul3A_740 = arith.constant 16 : i32
      %mul3A_741 = vector.broadcast %mul3A_740 : i32 to vector<16xi32>
      %mul3A_742 = arith.muli %add3A_739, %mul3A_741 : vector<16xi32>
      %add3A_743 = arith.addi %mul3A_742, %add3A_201 : vector<16xi32>
      %gather3A_744 = tpu.vector_load_idx %arg9[%add3A_743] : memref<144xf32, #tpu.memory_space<vmem>>[vector<16xi32>], vector<16xf32>,
      %get3A_745 = arith.constant 4 : i32
      %get3A_746 = arith.index_cast %get3A_745 : i32 to index
      %get3A_747 = arith.constant 0 : index
      %get3A_748 = tpu.vector_load %arg10[%get3A_746, %get3A_747] {strides = array<i32>} : memref<9x16xf32, #tpu.memory_space<vmem>>, vector<16xf32>,
      %get3A_749 = arith.constant 4 : i32
      %get3A_750 = arith.index_cast %get3A_749 : i32 to index
      %get3A_751 = arith.constant 0 : index
      %get3A_752 = tpu.vector_load %arg11[%get3A_750, %get3A_751] {strides = array<i32>} : memref<9x16xf32, #tpu.memory_space<vmem>>, vector<16xf32>,
      %mul3A_753 = arith.mulf %gather3A_744, %get3A_748 : vector<16xf32>
      %sub3A_754 = arith.constant 1.000000e+00 : f32
      %sub3A_755 = vector.broadcast %sub3A_754 : f32 to vector<16xf32>
      %sub3A_756 = arith.subf %sub3A_755, %gather3A_744 : vector<16xf32>
      %mul3A_757 = arith.mulf %sub3A_756, %get3A_752 : vector<16xf32>
      %add3A_758 = arith.addf %mul3A_753, %mul3A_757 : vector<16xf32>
      %ge3A_759 = arith.constant 4 : i32
      %ge3A_760 = vector.broadcast %ge3A_759 : i32 to vector<16xi32>
      %ge3A_761 = arith.cmpi sge, %iota3A, %ge3A_760 : vector<16xi32>
      %lt3A_762 = arith.constant 9 : i32
      %lt3A_763 = vector.broadcast %lt3A_762 : i32 to vector<16xi32>
      %lt3A_764 = arith.cmpi slt, %iota3A, %lt3A_763 : vector<16xi32>
      %and3A_765 = arith.andi %ge3A_761, %lt3A_764 : vector<16xi1>
      %jit3A_766 = arith.constant 0.000000e+00 : f32
      %broadcast_in_dim3A_767 = vector.broadcast %jit3A_766 : f32 to vector<16xf32>
      %select_n3A_768 = arith.select %and3A_765, %add3A_758, %broadcast_in_dim3A_767 : vector<16xi1>, vector<16xf32>
      %add3A_769 = arith.addf %add3A_656, %select_n3A_768 : vector<16xf32>
      %broadcast_in_dim3A_770 = arith.constant 0 : i32
      %broadcast_in_dim3A_771 = vector.broadcast %broadcast_in_dim3A_770 : i32 to vector<16xi32>
      %eq3A_772 = arith.constant 5 : i32
      %eq3A_773 = vector.broadcast %eq3A_772 : i32 to vector<16xi32>
      %eq3A_774 = arith.cmpi eq, %gather3A, %eq3A_773 : vector<16xi32>
      %jit3A_775 = arith.constant 0 : i32
      %jit3A_776 = arith.constant 0 : i32
      %broadcast_in_dim3A_777 = vector.broadcast %jit3A_775 : i32 to vector<16xi32>
      %broadcast_in_dim3A_778 = vector.broadcast %jit3A_776 : i32 to vector<16xi32>
      %select_n3A_779 = arith.select %eq3A_774, %broadcast_in_dim3A_777, %broadcast_in_dim3A_778 : vector<16xi1>, vector<16xi32>
      %add3A_780 = arith.addi %broadcast_in_dim3A_771, %select_n3A_779 : vector<16xi32>
      %eq3A_781 = arith.constant 5 : i32
      %eq3A_782 = vector.broadcast %eq3A_781 : i32 to vector<16xi32>
      %eq3A_783 = arith.cmpi eq, %gather3A_89, %eq3A_782 : vector<16xi32>
      %jit3A_784 = arith.constant 1 : i32
      %jit3A_785 = arith.constant 0 : i32
      %broadcast_in_dim3A_786 = vector.broadcast %jit3A_784 : i32 to vector<16xi32>
      %broadcast_in_dim3A_787 = vector.broadcast %jit3A_785 : i32 to vector<16xi32>
      %select_n3A_788 = arith.select %eq3A_783, %broadcast_in_dim3A_786, %broadcast_in_dim3A_787 : vector<16xi1>, vector<16xi32>
      %add3A_789 = arith.addi %add3A_780, %select_n3A_788 : vector<16xi32>
      %eq3A_790 = arith.constant 5 : i32
      %eq3A_791 = vector.broadcast %eq3A_790 : i32 to vector<16xi32>
      %eq3A_792 = arith.cmpi eq, %gather3A_104, %eq3A_791 : vector<16xi32>
      %jit3A_793 = arith.constant 2 : i32
      %jit3A_794 = arith.constant 0 : i32
      %broadcast_in_dim3A_795 = vector.broadcast %jit3A_793 : i32 to vector<16xi32>
      %broadcast_in_dim3A_796 = vector.broadcast %jit3A_794 : i32 to vector<16xi32>
      %select_n3A_797 = arith.select %eq3A_792, %broadcast_in_dim3A_795, %broadcast_in_dim3A_796 : vector<16xi1>, vector<16xi32>
      %add3A_798 = arith.addi %add3A_789, %select_n3A_797 : vector<16xi32>
      %eq3A_799 = arith.constant 5 : i32
      %eq3A_800 = vector.broadcast %eq3A_799 : i32 to vector<16xi32>
      %eq3A_801 = arith.cmpi eq, %gather3A_119, %eq3A_800 : vector<16xi32>
      %jit3A_802 = arith.constant 3 : i32
      %jit3A_803 = arith.constant 0 : i32
      %broadcast_in_dim3A_804 = vector.broadcast %jit3A_802 : i32 to vector<16xi32>
      %broadcast_in_dim3A_805 = vector.broadcast %jit3A_803 : i32 to vector<16xi32>
      %select_n3A_806 = arith.select %eq3A_801, %broadcast_in_dim3A_804, %broadcast_in_dim3A_805 : vector<16xi1>, vector<16xi32>
      %add3A_807 = arith.addi %add3A_798, %select_n3A_806 : vector<16xi32>
      %eq3A_808 = arith.constant 5 : i32
      %eq3A_809 = vector.broadcast %eq3A_808 : i32 to vector<16xi32>
      %eq3A_810 = arith.cmpi eq, %gather3A_134, %eq3A_809 : vector<16xi32>
      %jit3A_811 = arith.constant 4 : i32
      %jit3A_812 = arith.constant 0 : i32
      %broadcast_in_dim3A_813 = vector.broadcast %jit3A_811 : i32 to vector<16xi32>
      %broadcast_in_dim3A_814 = vector.broadcast %jit3A_812 : i32 to vector<16xi32>
      %select_n3A_815 = arith.select %eq3A_810, %broadcast_in_dim3A_813, %broadcast_in_dim3A_814 : vector<16xi1>, vector<16xi32>
      %add3A_816 = arith.addi %add3A_807, %select_n3A_815 : vector<16xi32>
      %eq3A_817 = arith.constant 5 : i32
      %eq3A_818 = vector.broadcast %eq3A_817 : i32 to vector<16xi32>
      %eq3A_819 = arith.cmpi eq, %gather3A_149, %eq3A_818 : vector<16xi32>
      %jit3A_820 = arith.constant 5 : i32
      %jit3A_821 = arith.constant 0 : i32
      %broadcast_in_dim3A_822 = vector.broadcast %jit3A_820 : i32 to vector<16xi32>
      %broadcast_in_dim3A_823 = vector.broadcast %jit3A_821 : i32 to vector<16xi32>
      %select_n3A_824 = arith.select %eq3A_819, %broadcast_in_dim3A_822, %broadcast_in_dim3A_823 : vector<16xi1>, vector<16xi32>
      %add3A_825 = arith.addi %add3A_816, %select_n3A_824 : vector<16xi32>
      %eq3A_826 = arith.constant 5 : i32
      %eq3A_827 = vector.broadcast %eq3A_826 : i32 to vector<16xi32>
      %eq3A_828 = arith.cmpi eq, %gather3A_164, %eq3A_827 : vector<16xi32>
      %jit3A_829 = arith.constant 6 : i32
      %jit3A_830 = arith.constant 0 : i32
      %broadcast_in_dim3A_831 = vector.broadcast %jit3A_829 : i32 to vector<16xi32>
      %broadcast_in_dim3A_832 = vector.broadcast %jit3A_830 : i32 to vector<16xi32>
      %select_n3A_833 = arith.select %eq3A_828, %broadcast_in_dim3A_831, %broadcast_in_dim3A_832 : vector<16xi1>, vector<16xi32>
      %add3A_834 = arith.addi %add3A_825, %select_n3A_833 : vector<16xi32>
      %eq3A_835 = arith.constant 5 : i32
      %eq3A_836 = vector.broadcast %eq3A_835 : i32 to vector<16xi32>
      %eq3A_837 = arith.cmpi eq, %gather3A_179, %eq3A_836 : vector<16xi32>
      %jit3A_838 = arith.constant 7 : i32
      %jit3A_839 = arith.constant 0 : i32
      %broadcast_in_dim3A_840 = vector.broadcast %jit3A_838 : i32 to vector<16xi32>
      %broadcast_in_dim3A_841 = vector.broadcast %jit3A_839 : i32 to vector<16xi32>
      %select_n3A_842 = arith.select %eq3A_837, %broadcast_in_dim3A_840, %broadcast_in_dim3A_841 : vector<16xi1>, vector<16xi32>
      %add3A_843 = arith.addi %add3A_834, %select_n3A_842 : vector<16xi32>
      %eq3A_844 = arith.constant 5 : i32
      %eq3A_845 = vector.broadcast %eq3A_844 : i32 to vector<16xi32>
      %eq3A_846 = arith.cmpi eq, %gather3A_194, %eq3A_845 : vector<16xi32>
      %jit3A_847 = arith.constant 8 : i32
      %jit3A_848 = arith.constant 0 : i32
      %broadcast_in_dim3A_849 = vector.broadcast %jit3A_847 : i32 to vector<16xi32>
      %broadcast_in_dim3A_850 = vector.broadcast %jit3A_848 : i32 to vector<16xi32>
      %select_n3A_851 = arith.select %eq3A_846, %broadcast_in_dim3A_849, %broadcast_in_dim3A_850 : vector<16xi1>, vector<16xi32>
      %add3A_852 = arith.addi %add3A_843, %select_n3A_851 : vector<16xi32>
      %mul3A_853 = arith.constant 16 : i32
      %mul3A_854 = vector.broadcast %mul3A_853 : i32 to vector<16xi32>
      %mul3A_855 = arith.muli %add3A_852, %mul3A_854 : vector<16xi32>
      %add3A_856 = arith.addi %mul3A_855, %add3A_201 : vector<16xi32>
      %gather3A_857 = tpu.vector_load_idx %arg9[%add3A_856] : memref<144xf32, #tpu.memory_space<vmem>>[vector<16xi32>], vector<16xf32>,
      %get3A_858 = arith.constant 5 : i32
      %get3A_859 = arith.index_cast %get3A_858 : i32 to index
      %get3A_860 = arith.constant 0 : index
      %get3A_861 = tpu.vector_load %arg10[%get3A_859, %get3A_860] {strides = array<i32>} : memref<9x16xf32, #tpu.memory_space<vmem>>, vector<16xf32>,
      %get3A_862 = arith.constant 5 : i32
      %get3A_863 = arith.index_cast %get3A_862 : i32 to index
      %get3A_864 = arith.constant 0 : index
      %get3A_865 = tpu.vector_load %arg11[%get3A_863, %get3A_864] {strides = array<i32>} : memref<9x16xf32, #tpu.memory_space<vmem>>, vector<16xf32>,
      %mul3A_866 = arith.mulf %gather3A_857, %get3A_861 : vector<16xf32>
      %sub3A_867 = arith.constant 1.000000e+00 : f32
      %sub3A_868 = vector.broadcast %sub3A_867 : f32 to vector<16xf32>
      %sub3A_869 = arith.subf %sub3A_868, %gather3A_857 : vector<16xf32>
      %mul3A_870 = arith.mulf %sub3A_869, %get3A_865 : vector<16xf32>
      %add3A_871 = arith.addf %mul3A_866, %mul3A_870 : vector<16xf32>
      %ge3A_872 = arith.constant 5 : i32
      %ge3A_873 = vector.broadcast %ge3A_872 : i32 to vector<16xi32>
      %ge3A_874 = arith.cmpi sge, %iota3A, %ge3A_873 : vector<16xi32>
      %lt3A_875 = arith.constant 9 : i32
      %lt3A_876 = vector.broadcast %lt3A_875 : i32 to vector<16xi32>
      %lt3A_877 = arith.cmpi slt, %iota3A, %lt3A_876 : vector<16xi32>
      %and3A_878 = arith.andi %ge3A_874, %lt3A_877 : vector<16xi1>
      %jit3A_879 = arith.constant 0.000000e+00 : f32
      %broadcast_in_dim3A_880 = vector.broadcast %jit3A_879 : f32 to vector<16xf32>
      %select_n3A_881 = arith.select %and3A_878, %add3A_871, %broadcast_in_dim3A_880 : vector<16xi1>, vector<16xf32>
      %add3A_882 = arith.addf %add3A_769, %select_n3A_881 : vector<16xf32>
      %broadcast_in_dim3A_883 = arith.constant 0 : i32
      %broadcast_in_dim3A_884 = vector.broadcast %broadcast_in_dim3A_883 : i32 to vector<16xi32>
      %eq3A_885 = arith.constant 6 : i32
      %eq3A_886 = vector.broadcast %eq3A_885 : i32 to vector<16xi32>
      %eq3A_887 = arith.cmpi eq, %gather3A, %eq3A_886 : vector<16xi32>
      %jit3A_888 = arith.constant 0 : i32
      %jit3A_889 = arith.constant 0 : i32
      %broadcast_in_dim3A_890 = vector.broadcast %jit3A_888 : i32 to vector<16xi32>
      %broadcast_in_dim3A_891 = vector.broadcast %jit3A_889 : i32 to vector<16xi32>
      %select_n3A_892 = arith.select %eq3A_887, %broadcast_in_dim3A_890, %broadcast_in_dim3A_891 : vector<16xi1>, vector<16xi32>
      %add3A_893 = arith.addi %broadcast_in_dim3A_884, %select_n3A_892 : vector<16xi32>
      %eq3A_894 = arith.constant 6 : i32
      %eq3A_895 = vector.broadcast %eq3A_894 : i32 to vector<16xi32>
      %eq3A_896 = arith.cmpi eq, %gather3A_89, %eq3A_895 : vector<16xi32>
      %jit3A_897 = arith.constant 1 : i32
      %jit3A_898 = arith.constant 0 : i32
      %broadcast_in_dim3A_899 = vector.broadcast %jit3A_897 : i32 to vector<16xi32>
      %broadcast_in_dim3A_900 = vector.broadcast %jit3A_898 : i32 to vector<16xi32>
      %select_n3A_901 = arith.select %eq3A_896, %broadcast_in_dim3A_899, %broadcast_in_dim3A_900 : vector<16xi1>, vector<16xi32>
      %add3A_902 = arith.addi %add3A_893, %select_n3A_901 : vector<16xi32>
      %eq3A_903 = arith.constant 6 : i32
      %eq3A_904 = vector.broadcast %eq3A_903 : i32 to vector<16xi32>
      %eq3A_905 = arith.cmpi eq, %gather3A_104, %eq3A_904 : vector<16xi32>
      %jit3A_906 = arith.constant 2 : i32
      %jit3A_907 = arith.constant 0 : i32
      %broadcast_in_dim3A_908 = vector.broadcast %jit3A_906 : i32 to vector<16xi32>
      %broadcast_in_dim3A_909 = vector.broadcast %jit3A_907 : i32 to vector<16xi32>
      %select_n3A_910 = arith.select %eq3A_905, %broadcast_in_dim3A_908, %broadcast_in_dim3A_909 : vector<16xi1>, vector<16xi32>
      %add3A_911 = arith.addi %add3A_902, %select_n3A_910 : vector<16xi32>
      %eq3A_912 = arith.constant 6 : i32
      %eq3A_913 = vector.broadcast %eq3A_912 : i32 to vector<16xi32>
      %eq3A_914 = arith.cmpi eq, %gather3A_119, %eq3A_913 : vector<16xi32>
      %jit3A_915 = arith.constant 3 : i32
      %jit3A_916 = arith.constant 0 : i32
      %broadcast_in_dim3A_917 = vector.broadcast %jit3A_915 : i32 to vector<16xi32>
      %broadcast_in_dim3A_918 = vector.broadcast %jit3A_916 : i32 to vector<16xi32>
      %select_n3A_919 = arith.select %eq3A_914, %broadcast_in_dim3A_917, %broadcast_in_dim3A_918 : vector<16xi1>, vector<16xi32>
      %add3A_920 = arith.addi %add3A_911, %select_n3A_919 : vector<16xi32>
      %eq3A_921 = arith.constant 6 : i32
      %eq3A_922 = vector.broadcast %eq3A_921 : i32 to vector<16xi32>
      %eq3A_923 = arith.cmpi eq, %gather3A_134, %eq3A_922 : vector<16xi32>
      %jit3A_924 = arith.constant 4 : i32
      %jit3A_925 = arith.constant 0 : i32
      %broadcast_in_dim3A_926 = vector.broadcast %jit3A_924 : i32 to vector<16xi32>
      %broadcast_in_dim3A_927 = vector.broadcast %jit3A_925 : i32 to vector<16xi32>
      %select_n3A_928 = arith.select %eq3A_923, %broadcast_in_dim3A_926, %broadcast_in_dim3A_927 : vector<16xi1>, vector<16xi32>
      %add3A_929 = arith.addi %add3A_920, %select_n3A_928 : vector<16xi32>
      %eq3A_930 = arith.constant 6 : i32
      %eq3A_931 = vector.broadcast %eq3A_930 : i32 to vector<16xi32>
      %eq3A_932 = arith.cmpi eq, %gather3A_149, %eq3A_931 : vector<16xi32>
      %jit3A_933 = arith.constant 5 : i32
      %jit3A_934 = arith.constant 0 : i32
      %broadcast_in_dim3A_935 = vector.broadcast %jit3A_933 : i32 to vector<16xi32>
      %broadcast_in_dim3A_936 = vector.broadcast %jit3A_934 : i32 to vector<16xi32>
      %select_n3A_937 = arith.select %eq3A_932, %broadcast_in_dim3A_935, %broadcast_in_dim3A_936 : vector<16xi1>, vector<16xi32>
      %add3A_938 = arith.addi %add3A_929, %select_n3A_937 : vector<16xi32>
      %eq3A_939 = arith.constant 6 : i32
      %eq3A_940 = vector.broadcast %eq3A_939 : i32 to vector<16xi32>
      %eq3A_941 = arith.cmpi eq, %gather3A_164, %eq3A_940 : vector<16xi32>
      %jit3A_942 = arith.constant 6 : i32
      %jit3A_943 = arith.constant 0 : i32
      %broadcast_in_dim3A_944 = vector.broadcast %jit3A_942 : i32 to vector<16xi32>
      %broadcast_in_dim3A_945 = vector.broadcast %jit3A_943 : i32 to vector<16xi32>
      %select_n3A_946 = arith.select %eq3A_941, %broadcast_in_dim3A_944, %broadcast_in_dim3A_945 : vector<16xi1>, vector<16xi32>
      %add3A_947 = arith.addi %add3A_938, %select_n3A_946 : vector<16xi32>
      %eq3A_948 = arith.constant 6 : i32
      %eq3A_949 = vector.broadcast %eq3A_948 : i32 to vector<16xi32>
      %eq3A_950 = arith.cmpi eq, %gather3A_179, %eq3A_949 : vector<16xi32>
      %jit3A_951 = arith.constant 7 : i32
      %jit3A_952 = arith.constant 0 : i32
      %broadcast_in_dim3A_953 = vector.broadcast %jit3A_951 : i32 to vector<16xi32>
      %broadcast_in_dim3A_954 = vector.broadcast %jit3A_952 : i32 to vector<16xi32>
      %select_n3A_955 = arith.select %eq3A_950, %broadcast_in_dim3A_953, %broadcast_in_dim3A_954 : vector<16xi1>, vector<16xi32>
      %add3A_956 = arith.addi %add3A_947, %select_n3A_955 : vector<16xi32>
      %eq3A_957 = arith.constant 6 : i32
      %eq3A_958 = vector.broadcast %eq3A_957 : i32 to vector<16xi32>
      %eq3A_959 = arith.cmpi eq, %gather3A_194, %eq3A_958 : vector<16xi32>
      %jit3A_960 = arith.constant 8 : i32
      %jit3A_961 = arith.constant 0 : i32
      %broadcast_in_dim3A_962 = vector.broadcast %jit3A_960 : i32 to vector<16xi32>
      %broadcast_in_dim3A_963 = vector.broadcast %jit3A_961 : i32 to vector<16xi32>
      %select_n3A_964 = arith.select %eq3A_959, %broadcast_in_dim3A_962, %broadcast_in_dim3A_963 : vector<16xi1>, vector<16xi32>
      %add3A_965 = arith.addi %add3A_956, %select_n3A_964 : vector<16xi32>
      %mul3A_966 = arith.constant 16 : i32
      %mul3A_967 = vector.broadcast %mul3A_966 : i32 to vector<16xi32>
      %mul3A_968 = arith.muli %add3A_965, %mul3A_967 : vector<16xi32>
      %add3A_969 = arith.addi %mul3A_968, %add3A_201 : vector<16xi32>
      %gather3A_970 = tpu.vector_load_idx %arg9[%add3A_969] : memref<144xf32, #tpu.memory_space<vmem>>[vector<16xi32>], vector<16xf32>,
      %get3A_971 = arith.constant 6 : i32
      %get3A_972 = arith.index_cast %get3A_971 : i32 to index
      %get3A_973 = arith.constant 0 : index
      %get3A_974 = tpu.vector_load %arg10[%get3A_972, %get3A_973] {strides = array<i32>} : memref<9x16xf32, #tpu.memory_space<vmem>>, vector<16xf32>,
      %get3A_975 = arith.constant 6 : i32
      %get3A_976 = arith.index_cast %get3A_975 : i32 to index
      %get3A_977 = arith.constant 0 : index
      %get3A_978 = tpu.vector_load %arg11[%get3A_976, %get3A_977] {strides = array<i32>} : memref<9x16xf32, #tpu.memory_space<vmem>>, vector<16xf32>,
      %mul3A_979 = arith.mulf %gather3A_970, %get3A_974 : vector<16xf32>
      %sub3A_980 = arith.constant 1.000000e+00 : f32
      %sub3A_981 = vector.broadcast %sub3A_980 : f32 to vector<16xf32>
      %sub3A_982 = arith.subf %sub3A_981, %gather3A_970 : vector<16xf32>
      %mul3A_983 = arith.mulf %sub3A_982, %get3A_978 : vector<16xf32>
      %add3A_984 = arith.addf %mul3A_979, %mul3A_983 : vector<16xf32>
      %ge3A_985 = arith.constant 6 : i32
      %ge3A_986 = vector.broadcast %ge3A_985 : i32 to vector<16xi32>
      %ge3A_987 = arith.cmpi sge, %iota3A, %ge3A_986 : vector<16xi32>
      %lt3A_988 = arith.constant 9 : i32
      %lt3A_989 = vector.broadcast %lt3A_988 : i32 to vector<16xi32>
      %lt3A_990 = arith.cmpi slt, %iota3A, %lt3A_989 : vector<16xi32>
      %and3A_991 = arith.andi %ge3A_987, %lt3A_990 : vector<16xi1>
      %jit3A_992 = arith.constant 0.000000e+00 : f32
      %broadcast_in_dim3A_993 = vector.broadcast %jit3A_992 : f32 to vector<16xf32>
      %select_n3A_994 = arith.select %and3A_991, %add3A_984, %broadcast_in_dim3A_993 : vector<16xi1>, vector<16xf32>
      %add3A_995 = arith.addf %add3A_882, %select_n3A_994 : vector<16xf32>
      %broadcast_in_dim3A_996 = arith.constant 0 : i32
      %broadcast_in_dim3A_997 = vector.broadcast %broadcast_in_dim3A_996 : i32 to vector<16xi32>
      %eq3A_998 = arith.constant 7 : i32
      %eq3A_999 = vector.broadcast %eq3A_998 : i32 to vector<16xi32>
      %eq3A_1000 = arith.cmpi eq, %gather3A, %eq3A_999 : vector<16xi32>
      %jit3A_1001 = arith.constant 0 : i32
      %jit3A_1002 = arith.constant 0 : i32
      %broadcast_in_dim3A_1003 = vector.broadcast %jit3A_1001 : i32 to vector<16xi32>
      %broadcast_in_dim3A_1004 = vector.broadcast %jit3A_1002 : i32 to vector<16xi32>
      %select_n3A_1005 = arith.select %eq3A_1000, %broadcast_in_dim3A_1003, %broadcast_in_dim3A_1004 : vector<16xi1>, vector<16xi32>
      %add3A_1006 = arith.addi %broadcast_in_dim3A_997, %select_n3A_1005 : vector<16xi32>
      %eq3A_1007 = arith.constant 7 : i32
      %eq3A_1008 = vector.broadcast %eq3A_1007 : i32 to vector<16xi32>
      %eq3A_1009 = arith.cmpi eq, %gather3A_89, %eq3A_1008 : vector<16xi32>
      %jit3A_1010 = arith.constant 1 : i32
      %jit3A_1011 = arith.constant 0 : i32
      %broadcast_in_dim3A_1012 = vector.broadcast %jit3A_1010 : i32 to vector<16xi32>
      %broadcast_in_dim3A_1013 = vector.broadcast %jit3A_1011 : i32 to vector<16xi32>
      %select_n3A_1014 = arith.select %eq3A_1009, %broadcast_in_dim3A_1012, %broadcast_in_dim3A_1013 : vector<16xi1>, vector<16xi32>
      %add3A_1015 = arith.addi %add3A_1006, %select_n3A_1014 : vector<16xi32>
      %eq3A_1016 = arith.constant 7 : i32
      %eq3A_1017 = vector.broadcast %eq3A_1016 : i32 to vector<16xi32>
      %eq3A_1018 = arith.cmpi eq, %gather3A_104, %eq3A_1017 : vector<16xi32>
      %jit3A_1019 = arith.constant 2 : i32
      %jit3A_1020 = arith.constant 0 : i32
      %broadcast_in_dim3A_1021 = vector.broadcast %jit3A_1019 : i32 to vector<16xi32>
      %broadcast_in_dim3A_1022 = vector.broadcast %jit3A_1020 : i32 to vector<16xi32>
      %select_n3A_1023 = arith.select %eq3A_1018, %broadcast_in_dim3A_1021, %broadcast_in_dim3A_1022 : vector<16xi1>, vector<16xi32>
      %add3A_1024 = arith.addi %add3A_1015, %select_n3A_1023 : vector<16xi32>
      %eq3A_1025 = arith.constant 7 : i32
      %eq3A_1026 = vector.broadcast %eq3A_1025 : i32 to vector<16xi32>
      %eq3A_1027 = arith.cmpi eq, %gather3A_119, %eq3A_1026 : vector<16xi32>
      %jit3A_1028 = arith.constant 3 : i32
      %jit3A_1029 = arith.constant 0 : i32
      %broadcast_in_dim3A_1030 = vector.broadcast %jit3A_1028 : i32 to vector<16xi32>
      %broadcast_in_dim3A_1031 = vector.broadcast %jit3A_1029 : i32 to vector<16xi32>
      %select_n3A_1032 = arith.select %eq3A_1027, %broadcast_in_dim3A_1030, %broadcast_in_dim3A_1031 : vector<16xi1>, vector<16xi32>
      %add3A_1033 = arith.addi %add3A_1024, %select_n3A_1032 : vector<16xi32>
      %eq3A_1034 = arith.constant 7 : i32
      %eq3A_1035 = vector.broadcast %eq3A_1034 : i32 to vector<16xi32>
      %eq3A_1036 = arith.cmpi eq, %gather3A_134, %eq3A_1035 : vector<16xi32>
      %jit3A_1037 = arith.constant 4 : i32
      %jit3A_1038 = arith.constant 0 : i32
      %broadcast_in_dim3A_1039 = vector.broadcast %jit3A_1037 : i32 to vector<16xi32>
      %broadcast_in_dim3A_1040 = vector.broadcast %jit3A_1038 : i32 to vector<16xi32>
      %select_n3A_1041 = arith.select %eq3A_1036, %broadcast_in_dim3A_1039, %broadcast_in_dim3A_1040 : vector<16xi1>, vector<16xi32>
      %add3A_1042 = arith.addi %add3A_1033, %select_n3A_1041 : vector<16xi32>
      %eq3A_1043 = arith.constant 7 : i32
      %eq3A_1044 = vector.broadcast %eq3A_1043 : i32 to vector<16xi32>
      %eq3A_1045 = arith.cmpi eq, %gather3A_149, %eq3A_1044 : vector<16xi32>
      %jit3A_1046 = arith.constant 5 : i32
      %jit3A_1047 = arith.constant 0 : i32
      %broadcast_in_dim3A_1048 = vector.broadcast %jit3A_1046 : i32 to vector<16xi32>
      %broadcast_in_dim3A_1049 = vector.broadcast %jit3A_1047 : i32 to vector<16xi32>
      %select_n3A_1050 = arith.select %eq3A_1045, %broadcast_in_dim3A_1048, %broadcast_in_dim3A_1049 : vector<16xi1>, vector<16xi32>
      %add3A_1051 = arith.addi %add3A_1042, %select_n3A_1050 : vector<16xi32>
      %eq3A_1052 = arith.constant 7 : i32
      %eq3A_1053 = vector.broadcast %eq3A_1052 : i32 to vector<16xi32>
      %eq3A_1054 = arith.cmpi eq, %gather3A_164, %eq3A_1053 : vector<16xi32>
      %jit3A_1055 = arith.constant 6 : i32
      %jit3A_1056 = arith.constant 0 : i32
      %broadcast_in_dim3A_1057 = vector.broadcast %jit3A_1055 : i32 to vector<16xi32>
      %broadcast_in_dim3A_1058 = vector.broadcast %jit3A_1056 : i32 to vector<16xi32>
      %select_n3A_1059 = arith.select %eq3A_1054, %broadcast_in_dim3A_1057, %broadcast_in_dim3A_1058 : vector<16xi1>, vector<16xi32>
      %add3A_1060 = arith.addi %add3A_1051, %select_n3A_1059 : vector<16xi32>
      %eq3A_1061 = arith.constant 7 : i32
      %eq3A_1062 = vector.broadcast %eq3A_1061 : i32 to vector<16xi32>
      %eq3A_1063 = arith.cmpi eq, %gather3A_179, %eq3A_1062 : vector<16xi32>
      %jit3A_1064 = arith.constant 7 : i32
      %jit3A_1065 = arith.constant 0 : i32
      %broadcast_in_dim3A_1066 = vector.broadcast %jit3A_1064 : i32 to vector<16xi32>
      %broadcast_in_dim3A_1067 = vector.broadcast %jit3A_1065 : i32 to vector<16xi32>
      %select_n3A_1068 = arith.select %eq3A_1063, %broadcast_in_dim3A_1066, %broadcast_in_dim3A_1067 : vector<16xi1>, vector<16xi32>
      %add3A_1069 = arith.addi %add3A_1060, %select_n3A_1068 : vector<16xi32>
      %eq3A_1070 = arith.constant 7 : i32
      %eq3A_1071 = vector.broadcast %eq3A_1070 : i32 to vector<16xi32>
      %eq3A_1072 = arith.cmpi eq, %gather3A_194, %eq3A_1071 : vector<16xi32>
      %jit3A_1073 = arith.constant 8 : i32
      %jit3A_1074 = arith.constant 0 : i32
      %broadcast_in_dim3A_1075 = vector.broadcast %jit3A_1073 : i32 to vector<16xi32>
      %broadcast_in_dim3A_1076 = vector.broadcast %jit3A_1074 : i32 to vector<16xi32>
      %select_n3A_1077 = arith.select %eq3A_1072, %broadcast_in_dim3A_1075, %broadcast_in_dim3A_1076 : vector<16xi1>, vector<16xi32>
      %add3A_1078 = arith.addi %add3A_1069, %select_n3A_1077 : vector<16xi32>
      %mul3A_1079 = arith.constant 16 : i32
      %mul3A_1080 = vector.broadcast %mul3A_1079 : i32 to vector<16xi32>
      %mul3A_1081 = arith.muli %add3A_1078, %mul3A_1080 : vector<16xi32>
      %add3A_1082 = arith.addi %mul3A_1081, %add3A_201 : vector<16xi32>
      %gather3A_1083 = tpu.vector_load_idx %arg9[%add3A_1082] : memref<144xf32, #tpu.memory_space<vmem>>[vector<16xi32>], vector<16xf32>,
      %get3A_1084 = arith.constant 7 : i32
      %get3A_1085 = arith.index_cast %get3A_1084 : i32 to index
      %get3A_1086 = arith.constant 0 : index
      %get3A_1087 = tpu.vector_load %arg10[%get3A_1085, %get3A_1086] {strides = array<i32>} : memref<9x16xf32, #tpu.memory_space<vmem>>, vector<16xf32>,
      %get3A_1088 = arith.constant 7 : i32
      %get3A_1089 = arith.index_cast %get3A_1088 : i32 to index
      %get3A_1090 = arith.constant 0 : index
      %get3A_1091 = tpu.vector_load %arg11[%get3A_1089, %get3A_1090] {strides = array<i32>} : memref<9x16xf32, #tpu.memory_space<vmem>>, vector<16xf32>,
      %mul3A_1092 = arith.mulf %gather3A_1083, %get3A_1087 : vector<16xf32>
      %sub3A_1093 = arith.constant 1.000000e+00 : f32
      %sub3A_1094 = vector.broadcast %sub3A_1093 : f32 to vector<16xf32>
      %sub3A_1095 = arith.subf %sub3A_1094, %gather3A_1083 : vector<16xf32>
      %mul3A_1096 = arith.mulf %sub3A_1095, %get3A_1091 : vector<16xf32>
      %add3A_1097 = arith.addf %mul3A_1092, %mul3A_1096 : vector<16xf32>
      %ge3A_1098 = arith.constant 7 : i32
      %ge3A_1099 = vector.broadcast %ge3A_1098 : i32 to vector<16xi32>
      %ge3A_1100 = arith.cmpi sge, %iota3A, %ge3A_1099 : vector<16xi32>
      %lt3A_1101 = arith.constant 9 : i32
      %lt3A_1102 = vector.broadcast %lt3A_1101 : i32 to vector<16xi32>
      %lt3A_1103 = arith.cmpi slt, %iota3A, %lt3A_1102 : vector<16xi32>
      %and3A_1104 = arith.andi %ge3A_1100, %lt3A_1103 : vector<16xi1>
      %jit3A_1105 = arith.constant 0.000000e+00 : f32
      %broadcast_in_dim3A_1106 = vector.broadcast %jit3A_1105 : f32 to vector<16xf32>
      %select_n3A_1107 = arith.select %and3A_1104, %add3A_1097, %broadcast_in_dim3A_1106 : vector<16xi1>, vector<16xf32>
      %add3A_1108 = arith.addf %add3A_995, %select_n3A_1107 : vector<16xf32>
      %broadcast_in_dim3A_1109 = arith.constant 0 : i32
      %broadcast_in_dim3A_1110 = vector.broadcast %broadcast_in_dim3A_1109 : i32 to vector<16xi32>
      %eq3A_1111 = arith.constant 8 : i32
      %eq3A_1112 = vector.broadcast %eq3A_1111 : i32 to vector<16xi32>
      %eq3A_1113 = arith.cmpi eq, %gather3A, %eq3A_1112 : vector<16xi32>
      %jit3A_1114 = arith.constant 0 : i32
      %jit3A_1115 = arith.constant 0 : i32
      %broadcast_in_dim3A_1116 = vector.broadcast %jit3A_1114 : i32 to vector<16xi32>
      %broadcast_in_dim3A_1117 = vector.broadcast %jit3A_1115 : i32 to vector<16xi32>
      %select_n3A_1118 = arith.select %eq3A_1113, %broadcast_in_dim3A_1116, %broadcast_in_dim3A_1117 : vector<16xi1>, vector<16xi32>
      %add3A_1119 = arith.addi %broadcast_in_dim3A_1110, %select_n3A_1118 : vector<16xi32>
      %eq3A_1120 = arith.constant 8 : i32
      %eq3A_1121 = vector.broadcast %eq3A_1120 : i32 to vector<16xi32>
      %eq3A_1122 = arith.cmpi eq, %gather3A_89, %eq3A_1121 : vector<16xi32>
      %jit3A_1123 = arith.constant 1 : i32
      %jit3A_1124 = arith.constant 0 : i32
      %broadcast_in_dim3A_1125 = vector.broadcast %jit3A_1123 : i32 to vector<16xi32>
      %broadcast_in_dim3A_1126 = vector.broadcast %jit3A_1124 : i32 to vector<16xi32>
      %select_n3A_1127 = arith.select %eq3A_1122, %broadcast_in_dim3A_1125, %broadcast_in_dim3A_1126 : vector<16xi1>, vector<16xi32>
      %add3A_1128 = arith.addi %add3A_1119, %select_n3A_1127 : vector<16xi32>
      %eq3A_1129 = arith.constant 8 : i32
      %eq3A_1130 = vector.broadcast %eq3A_1129 : i32 to vector<16xi32>
      %eq3A_1131 = arith.cmpi eq, %gather3A_104, %eq3A_1130 : vector<16xi32>
      %jit3A_1132 = arith.constant 2 : i32
      %jit3A_1133 = arith.constant 0 : i32
      %broadcast_in_dim3A_1134 = vector.broadcast %jit3A_1132 : i32 to vector<16xi32>
      %broadcast_in_dim3A_1135 = vector.broadcast %jit3A_1133 : i32 to vector<16xi32>
      %select_n3A_1136 = arith.select %eq3A_1131, %broadcast_in_dim3A_1134, %broadcast_in_dim3A_1135 : vector<16xi1>, vector<16xi32>
      %add3A_1137 = arith.addi %add3A_1128, %select_n3A_1136 : vector<16xi32>
      %eq3A_1138 = arith.constant 8 : i32
      %eq3A_1139 = vector.broadcast %eq3A_1138 : i32 to vector<16xi32>
      %eq3A_1140 = arith.cmpi eq, %gather3A_119, %eq3A_1139 : vector<16xi32>
      %jit3A_1141 = arith.constant 3 : i32
      %jit3A_1142 = arith.constant 0 : i32
      %broadcast_in_dim3A_1143 = vector.broadcast %jit3A_1141 : i32 to vector<16xi32>
      %broadcast_in_dim3A_1144 = vector.broadcast %jit3A_1142 : i32 to vector<16xi32>
      %select_n3A_1145 = arith.select %eq3A_1140, %broadcast_in_dim3A_1143, %broadcast_in_dim3A_1144 : vector<16xi1>, vector<16xi32>
      %add3A_1146 = arith.addi %add3A_1137, %select_n3A_1145 : vector<16xi32>
      %eq3A_1147 = arith.constant 8 : i32
      %eq3A_1148 = vector.broadcast %eq3A_1147 : i32 to vector<16xi32>
      %eq3A_1149 = arith.cmpi eq, %gather3A_134, %eq3A_1148 : vector<16xi32>
      %jit3A_1150 = arith.constant 4 : i32
      %jit3A_1151 = arith.constant 0 : i32
      %broadcast_in_dim3A_1152 = vector.broadcast %jit3A_1150 : i32 to vector<16xi32>
      %broadcast_in_dim3A_1153 = vector.broadcast %jit3A_1151 : i32 to vector<16xi32>
      %select_n3A_1154 = arith.select %eq3A_1149, %broadcast_in_dim3A_1152, %broadcast_in_dim3A_1153 : vector<16xi1>, vector<16xi32>
      %add3A_1155 = arith.addi %add3A_1146, %select_n3A_1154 : vector<16xi32>
      %eq3A_1156 = arith.constant 8 : i32
      %eq3A_1157 = vector.broadcast %eq3A_1156 : i32 to vector<16xi32>
      %eq3A_1158 = arith.cmpi eq, %gather3A_149, %eq3A_1157 : vector<16xi32>
      %jit3A_1159 = arith.constant 5 : i32
      %jit3A_1160 = arith.constant 0 : i32
      %broadcast_in_dim3A_1161 = vector.broadcast %jit3A_1159 : i32 to vector<16xi32>
      %broadcast_in_dim3A_1162 = vector.broadcast %jit3A_1160 : i32 to vector<16xi32>
      %select_n3A_1163 = arith.select %eq3A_1158, %broadcast_in_dim3A_1161, %broadcast_in_dim3A_1162 : vector<16xi1>, vector<16xi32>
      %add3A_1164 = arith.addi %add3A_1155, %select_n3A_1163 : vector<16xi32>
      %eq3A_1165 = arith.constant 8 : i32
      %eq3A_1166 = vector.broadcast %eq3A_1165 : i32 to vector<16xi32>
      %eq3A_1167 = arith.cmpi eq, %gather3A_164, %eq3A_1166 : vector<16xi32>
      %jit3A_1168 = arith.constant 6 : i32
      %jit3A_1169 = arith.constant 0 : i32
      %broadcast_in_dim3A_1170 = vector.broadcast %jit3A_1168 : i32 to vector<16xi32>
      %broadcast_in_dim3A_1171 = vector.broadcast %jit3A_1169 : i32 to vector<16xi32>
      %select_n3A_1172 = arith.select %eq3A_1167, %broadcast_in_dim3A_1170, %broadcast_in_dim3A_1171 : vector<16xi1>, vector<16xi32>
      %add3A_1173 = arith.addi %add3A_1164, %select_n3A_1172 : vector<16xi32>
      %eq3A_1174 = arith.constant 8 : i32
      %eq3A_1175 = vector.broadcast %eq3A_1174 : i32 to vector<16xi32>
      %eq3A_1176 = arith.cmpi eq, %gather3A_179, %eq3A_1175 : vector<16xi32>
      %jit3A_1177 = arith.constant 7 : i32
      %jit3A_1178 = arith.constant 0 : i32
      %broadcast_in_dim3A_1179 = vector.broadcast %jit3A_1177 : i32 to vector<16xi32>
      %broadcast_in_dim3A_1180 = vector.broadcast %jit3A_1178 : i32 to vector<16xi32>
      %select_n3A_1181 = arith.select %eq3A_1176, %broadcast_in_dim3A_1179, %broadcast_in_dim3A_1180 : vector<16xi1>, vector<16xi32>
      %add3A_1182 = arith.addi %add3A_1173, %select_n3A_1181 : vector<16xi32>
      %eq3A_1183 = arith.constant 8 : i32
      %eq3A_1184 = vector.broadcast %eq3A_1183 : i32 to vector<16xi32>
      %eq3A_1185 = arith.cmpi eq, %gather3A_194, %eq3A_1184 : vector<16xi32>
      %jit3A_1186 = arith.constant 8 : i32
      %jit3A_1187 = arith.constant 0 : i32
      %broadcast_in_dim3A_1188 = vector.broadcast %jit3A_1186 : i32 to vector<16xi32>
      %broadcast_in_dim3A_1189 = vector.broadcast %jit3A_1187 : i32 to vector<16xi32>
      %select_n3A_1190 = arith.select %eq3A_1185, %broadcast_in_dim3A_1188, %broadcast_in_dim3A_1189 : vector<16xi1>, vector<16xi32>
      %add3A_1191 = arith.addi %add3A_1182, %select_n3A_1190 : vector<16xi32>
      %mul3A_1192 = arith.constant 16 : i32
      %mul3A_1193 = vector.broadcast %mul3A_1192 : i32 to vector<16xi32>
      %mul3A_1194 = arith.muli %add3A_1191, %mul3A_1193 : vector<16xi32>
      %add3A_1195 = arith.addi %mul3A_1194, %add3A_201 : vector<16xi32>
      %gather3A_1196 = tpu.vector_load_idx %arg9[%add3A_1195] : memref<144xf32, #tpu.memory_space<vmem>>[vector<16xi32>], vector<16xf32>,
      %get3A_1197 = arith.constant 8 : i32
      %get3A_1198 = arith.index_cast %get3A_1197 : i32 to index
      %get3A_1199 = arith.constant 0 : index
      %get3A_1200 = tpu.vector_load %arg10[%get3A_1198, %get3A_1199] {strides = array<i32>} : memref<9x16xf32, #tpu.memory_space<vmem>>, vector<16xf32>,
      %get3A_1201 = arith.constant 8 : i32
      %get3A_1202 = arith.index_cast %get3A_1201 : i32 to index
      %get3A_1203 = arith.constant 0 : index
      %get3A_1204 = tpu.vector_load %arg11[%get3A_1202, %get3A_1203] {strides = array<i32>} : memref<9x16xf32, #tpu.memory_space<vmem>>, vector<16xf32>,
      %mul3A_1205 = arith.mulf %gather3A_1196, %get3A_1200 : vector<16xf32>
      %sub3A_1206 = arith.constant 1.000000e+00 : f32
      %sub3A_1207 = vector.broadcast %sub3A_1206 : f32 to vector<16xf32>
      %sub3A_1208 = arith.subf %sub3A_1207, %gather3A_1196 : vector<16xf32>
      %mul3A_1209 = arith.mulf %sub3A_1208, %get3A_1204 : vector<16xf32>
      %add3A_1210 = arith.addf %mul3A_1205, %mul3A_1209 : vector<16xf32>
      %ge3A_1211 = arith.constant 8 : i32
      %ge3A_1212 = vector.broadcast %ge3A_1211 : i32 to vector<16xi32>
      %ge3A_1213 = arith.cmpi sge, %iota3A, %ge3A_1212 : vector<16xi32>
      %lt3A_1214 = arith.constant 9 : i32
      %lt3A_1215 = vector.broadcast %lt3A_1214 : i32 to vector<16xi32>
      %lt3A_1216 = arith.cmpi slt, %iota3A, %lt3A_1215 : vector<16xi32>
      %and3A_1217 = arith.andi %ge3A_1213, %lt3A_1216 : vector<16xi1>
      %jit3A_1218 = arith.constant 0.000000e+00 : f32
      %broadcast_in_dim3A_1219 = vector.broadcast %jit3A_1218 : f32 to vector<16xf32>
      %select_n3A_1220 = arith.select %and3A_1217, %add3A_1210, %broadcast_in_dim3A_1219 : vector<16xi1>, vector<16xf32>
      %add3A_1221 = arith.addf %add3A_1108, %select_n3A_1220 : vector<16xf32>
      %reduce_sum3A = arith.constant true
      %reduce_sum3A_1222 = vector.broadcast %reduce_sum3A : i1 to vector<16xi1>
      %reduce_sum3A_1223 = tpu.scan <sum>, %add3A_1221 masked %reduce_sum3A_1222 : vector<16xf32>, vector<16xi1> -> vector<16xf32>
      %reduce_sum3A_1224 = vector.extract %reduce_sum3A_1223[15] : f32 from vector<16xf32>
      %broadcast_in_dim3A_1225 = vector.broadcast %reduce_sum3A_1224 : f32 to vector<16xf32>
      %get3A_1226 = arith.constant 0 : i32
      %get3A_1227 = arith.index_cast %get3A_1226 : i32 to index
      %get3A_1228 = arith.constant 0 : index
      %get3A_1229 = tpu.vector_load %arg12[%get3A_1227, %get3A_1228] {strides = array<i32>} : memref<1x16xf32, #tpu.memory_space<vmem>>, vector<16xf32>,
      %broadcast_in_dim3A_1230 = arith.constant 4.500000e+01 : f32
      %broadcast_in_dim3A_1231 = vector.broadcast %broadcast_in_dim3A_1230 : f32 to vector<16xf32>
      %div3A = arith.divf %broadcast_in_dim3A_1225, %broadcast_in_dim3A_1231 : vector<16xf32>
      %sub3A_1232 = arith.subf %get3A_1229, %div3A : vector<16xf32>
      %swap3A = arith.constant 0 : i32
      %swap3A_1233 = arith.index_cast %swap3A : i32 to index
      %swap3A_1234 = arith.constant 0 : index
      %swap3A_1235 = tpu.vector_load %arg16[%swap3A_1233, %swap3A_1234] {strides = array<i32>} : memref<1x16xf32, #tpu.memory_space<vmem>>, vector<16xf32>,
      tpu.vector_store %arg16[%swap3A_1233, %swap3A_1234], %sub3A_1232 {strides = array<i32>} : memref<1x16xf32, #tpu.memory_space<vmem>>, vector<16xf32>,
      "tpu.region"() ({
        %run_scoped3A = tpu.sem_alloc : memref<!tpu.dma_semaphore, #tpu.memory_space<semaphore_mem>>
        tpu.enqueue_dma source(%arg16 : memref<1x16xf32, #tpu.memory_space<vmem>>) target(%arg7 : memref<1x16xf32, #tpu.memory_space<hbm>>) target_semaphore(%run_scoped3A : memref<!tpu.dma_semaphore, #tpu.memory_space<semaphore_mem>>)
        tpu.wait_dma2 semaphore(%run_scoped3A : memref<!tpu.dma_semaphore, #tpu.memory_space<semaphore_mem>>) src(%arg16 : memref<1x16xf32, #tpu.memory_space<vmem>>) dst(%arg7 : memref<1x16xf32, #tpu.memory_space<hbm>>)
        tpu.yield
      }) : () -> ()
    } else {
    }
    return
  }
}

module attributes {stable_mosaic.version = 14 : i64} {
  func.func @_body1(%arg0: memref<9x9xf32, #tpu.memory_space<vmem>>, %arg1: memref<36x4xf32, #tpu.memory_space<vmem>>, %arg2: memref<1x99xf32, #tpu.memory_space<vmem>>, %arg3: memref<99x128xf32, #tpu.memory_space<vmem>>, %arg4: memref<1x128xf32, #tpu.memory_space<vmem>>, %arg5: memref<99x128xf32, #tpu.memory_space<vmem>>, %arg6: memref<1x128xf32, #tpu.memory_space<vmem>>, %arg7: memref<128x128xf32, #tpu.memory_space<vmem>>, %arg8: memref<1x128xf32, #tpu.memory_space<vmem>>, %arg9: memref<128x45xf32, #tpu.memory_space<vmem>>, %arg10: memref<1x45xf32, #tpu.memory_space<vmem>>, %arg11: memref<128x99xf32, #tpu.memory_space<vmem>>, %arg12: memref<1x99xf32, #tpu.memory_space<vmem>>, %arg13: memref<128x144xf32, #tpu.memory_space<vmem>>, %arg14: memref<1x144xf32, #tpu.memory_space<vmem>>, %arg15: memref<1x128xf32, #tpu.memory_space<vmem>>, %arg16: memref<9x16xf32, #tpu.memory_space<vmem>>, %arg17: memref<9x16xf32, #tpu.memory_space<vmem>>, %arg18: memref<9x16xf32, #tpu.memory_space<vmem>>, %arg19: memref<9x16xf32, #tpu.memory_space<vmem>>, %arg20: memref<1x16xf32, #tpu.memory_space<vmem>>) attributes {dimension_semantics = [], scalar_prefetch = 0 : i64, scratch_operands = 0 : i64, tpu.core_type = #tpu.core_type<tc>} {
    %get3A = arith.constant 0 : index
    %get3A_0 = arith.constant 0 : index
    %get3A_1 = vector.load %arg0[%get3A, %get3A_0] : memref<9x9xf32, #tpu.memory_space<vmem>>, vector<9x9xf32>
    %get3A_2 = arith.constant 0 : index
    %get3A_3 = arith.constant 0 : index
    %get3A_4 = vector.load %arg1[%get3A_2, %get3A_3] : memref<36x4xf32, #tpu.memory_space<vmem>>, vector<36x4xf32>
    %get3A_5 = arith.constant 0 : index
    %get3A_6 = arith.constant 0 : index
    %get3A_7 = vector.load %arg2[%get3A_5, %get3A_6] : memref<1x99xf32, #tpu.memory_space<vmem>>, vector<1x99xf32>
    %get3A_8 = arith.constant 0 : index
    %get3A_9 = arith.constant 0 : index
    %get3A_10 = vector.load %arg15[%get3A_8, %get3A_9] : memref<1x128xf32, #tpu.memory_space<vmem>>, vector<1x128xf32>
    %get3A_11 = arith.constant 0 : index
    %get3A_12 = arith.constant 0 : index
    %get3A_13 = vector.load %arg3[%get3A_11, %get3A_12] : memref<99x128xf32, #tpu.memory_space<vmem>>, vector<99x128xf32>
    %dot_general3A = arith.constant dense<0.000000e+00> : vector<1x128xf32>
    %dot_general3A_14 = tpu.matmul %get3A_7, %get3A_13, %dot_general3A {dimension_numbers = #tpu.dot_dimension_numbers<[1], [0], [0], [1], [0, 0, 1, 1], [], []>, transpose_lhs_hint = false} : vector<1x99xf32>, vector<99x128xf32>, vector<1x128xf32> -> vector<1x128xf32>
    %get3A_15 = arith.constant 0 : index
    %get3A_16 = arith.constant 0 : index
    %get3A_17 = vector.load %arg4[%get3A_15, %get3A_16] : memref<1x128xf32, #tpu.memory_space<vmem>>, vector<1x128xf32>
    %add3A = arith.addf %dot_general3A_14, %get3A_17 : vector<1x128xf32>
    %get3A_18 = arith.constant 0 : index
    %get3A_19 = arith.constant 0 : index
    %get3A_20 = vector.load %arg5[%get3A_18, %get3A_19] : memref<99x128xf32, #tpu.memory_space<vmem>>, vector<99x128xf32>
    %dot_general3A_21 = arith.constant dense<0.000000e+00> : vector<1x128xf32>
    %dot_general3A_22 = tpu.matmul %get3A_7, %get3A_20, %dot_general3A_21 {dimension_numbers = #tpu.dot_dimension_numbers<[1], [0], [0], [1], [0, 0, 1, 1], [], []>, transpose_lhs_hint = false} : vector<1x99xf32>, vector<99x128xf32>, vector<1x128xf32> -> vector<1x128xf32>
    %get3A_23 = arith.constant 0 : index
    %get3A_24 = arith.constant 0 : index
    %get3A_25 = vector.load %arg6[%get3A_23, %get3A_24] : memref<1x128xf32, #tpu.memory_space<vmem>>, vector<1x128xf32>
    %add3A_26 = arith.addf %dot_general3A_22, %get3A_25 : vector<1x128xf32>
    %mul3A = arith.constant 5.000000e-01 : f32
    %mul3A_27 = vector.broadcast %mul3A : f32 to vector<1x128xf32>
    %mul3A_28 = arith.mulf %mul3A_27, %add3A_26 : vector<1x128xf32>
    %exp3A = math.exp %mul3A_28 : vector<1x128xf32>
    %mul3A_29 = arith.mulf %get3A_10, %exp3A : vector<1x128xf32>
    %add3A_30 = arith.addf %add3A, %mul3A_29 : vector<1x128xf32>
    %get3A_31 = arith.constant 0 : index
    %get3A_32 = arith.constant 0 : index
    %get3A_33 = vector.load %arg7[%get3A_31, %get3A_32] : memref<128x128xf32, #tpu.memory_space<vmem>>, vector<128x128xf32>
    %dot_general3A_34 = arith.constant dense<0.000000e+00> : vector<1x128xf32>
    %dot_general3A_35 = tpu.matmul %add3A_30, %get3A_33, %dot_general3A_34 {dimension_numbers = #tpu.dot_dimension_numbers<[1], [0], [0], [1], [0, 0, 1, 1], [], []>, transpose_lhs_hint = false} : vector<1x128xf32>, vector<128x128xf32>, vector<1x128xf32> -> vector<1x128xf32>
    %get3A_36 = arith.constant 0 : index
    %get3A_37 = arith.constant 0 : index
    %get3A_38 = vector.load %arg8[%get3A_36, %get3A_37] : memref<1x128xf32, #tpu.memory_space<vmem>>, vector<1x128xf32>
    %add3A_39 = arith.addf %dot_general3A_35, %get3A_38 : vector<1x128xf32>
    %max3A = arith.constant 0.000000e+00 : f32
    %max3A_40 = vector.broadcast %max3A : f32 to vector<1x128xf32>
    %max3A_41 = arith.maximumf %add3A_39, %max3A_40 : vector<1x128xf32>
    %get3A_42 = arith.constant 0 : index
    %get3A_43 = arith.constant 0 : index
    %get3A_44 = vector.load %arg9[%get3A_42, %get3A_43] : memref<128x45xf32, #tpu.memory_space<vmem>>, vector<128x45xf32>
    %dot_general3A_45 = arith.constant dense<0.000000e+00> : vector<1x45xf32>
    %dot_general3A_46 = tpu.matmul %max3A_41, %get3A_44, %dot_general3A_45 {dimension_numbers = #tpu.dot_dimension_numbers<[1], [0], [0], [1], [0, 0, 1, 1], [], []>, transpose_lhs_hint = false} : vector<1x128xf32>, vector<128x45xf32>, vector<1x45xf32> -> vector<1x45xf32>
    %get3A_47 = arith.constant 0 : index
    %get3A_48 = arith.constant 0 : index
    %get3A_49 = vector.load %arg10[%get3A_47, %get3A_48] : memref<1x45xf32, #tpu.memory_space<vmem>>, vector<1x45xf32>
    %add3A_50 = arith.addf %dot_general3A_46, %get3A_49 : vector<1x45xf32>
    %logistic3A = arith.negf %add3A_50 : vector<1x45xf32>
    %logistic3A_51 = math.exp %logistic3A : vector<1x45xf32>
    %logistic3A_52 = arith.constant 1.000000e+00 : f32
    %logistic3A_53 = vector.broadcast %logistic3A_52 : f32 to vector<1x45xf32>
    %logistic3A_54 = arith.addf %logistic3A_53, %logistic3A_51 : vector<1x45xf32>
    %logistic3A_55 = arith.divf %logistic3A_53, %logistic3A_54 : vector<1x45xf32>
    %get3A_56 = arith.constant 0 : index
    %get3A_57 = arith.constant 0 : index
    %get3A_58 = vector.load %arg11[%get3A_56, %get3A_57] : memref<128x99xf32, #tpu.memory_space<vmem>>, vector<128x99xf32>
    %dot_general3A_59 = arith.constant dense<0.000000e+00> : vector<1x99xf32>
    %dot_general3A_60 = tpu.matmul %max3A_41, %get3A_58, %dot_general3A_59 {dimension_numbers = #tpu.dot_dimension_numbers<[1], [0], [0], [1], [0, 0, 1, 1], [], []>, transpose_lhs_hint = false} : vector<1x128xf32>, vector<128x99xf32>, vector<1x99xf32> -> vector<1x99xf32>
    %get3A_61 = arith.constant 0 : index
    %get3A_62 = arith.constant 0 : index
    %get3A_63 = vector.load %arg12[%get3A_61, %get3A_62] : memref<1x99xf32, #tpu.memory_space<vmem>>, vector<1x99xf32>
    %add3A_64 = arith.addf %dot_general3A_60, %get3A_63 : vector<1x99xf32>
    %get3A_65 = arith.constant 0 : index
    %get3A_66 = arith.constant 0 : index
    %get3A_67 = vector.load %arg13[%get3A_65, %get3A_66] : memref<128x144xf32, #tpu.memory_space<vmem>>, vector<128x144xf32>
    %dot_general3A_68 = arith.constant dense<0.000000e+00> : vector<1x144xf32>
    %dot_general3A_69 = tpu.matmul %max3A_41, %get3A_67, %dot_general3A_68 {dimension_numbers = #tpu.dot_dimension_numbers<[1], [0], [0], [1], [0, 0, 1, 1], [], []>, transpose_lhs_hint = false} : vector<1x128xf32>, vector<128x144xf32>, vector<1x144xf32> -> vector<1x144xf32>
    %get3A_70 = arith.constant 0 : index
    %get3A_71 = arith.constant 0 : index
    %get3A_72 = vector.load %arg14[%get3A_70, %get3A_71] : memref<1x144xf32, #tpu.memory_space<vmem>>, vector<1x144xf32>
    %add3A_73 = arith.addf %dot_general3A_69, %get3A_72 : vector<1x144xf32>
    %iota3A = tpu.iota {dimensions = array<i32: 0>} : vector<36x144xi32>
    %iota3A_74 = tpu.iota {dimensions = array<i32: 1>} : vector<36x144xi32>
    %jit3A = arith.constant 4 : i32
    %div3A = vector.broadcast %jit3A : i32 to vector<36x144xi32>
    %div3A_75 = arith.divsi %iota3A_74, %div3A : vector<36x144xi32>
    %sign3A = arith.constant 0 : i32
    %sign3A_76 = vector.broadcast %sign3A : i32 to vector<36x144xi32>
    %sign3A_77 = arith.cmpi sgt, %iota3A_74, %sign3A_76 : vector<36x144xi32>
    %sign3A_78 = arith.extui %sign3A_77 : vector<36x144xi1> to vector<36x144xi32>
    %sign3A_79 = arith.constant 0 : i32
    %sign3A_80 = vector.broadcast %sign3A_79 : i32 to vector<36x144xi32>
    %sign3A_81 = arith.cmpi slt, %iota3A_74, %sign3A_80 : vector<36x144xi32>
    %sign3A_82 = arith.extui %sign3A_81 : vector<36x144xi1> to vector<36x144xi32>
    %sign3A_83 = arith.subi %sign3A_78, %sign3A_82 : vector<36x144xi32>
    %sign3A_84 = arith.constant 0 : i32
    %sign3A_85 = arith.cmpi sgt, %jit3A, %sign3A_84 : i32
    %sign3A_86 = arith.extui %sign3A_85 : i1 to i32
    %sign3A_87 = arith.constant 0 : i32
    %sign3A_88 = arith.cmpi slt, %jit3A, %sign3A_87 : i32
    %sign3A_89 = arith.extui %sign3A_88 : i1 to i32
    %sign3A_90 = arith.subi %sign3A_86, %sign3A_89 : i32
    %ne3A = vector.broadcast %sign3A_90 : i32 to vector<36x144xi32>
    %ne3A_91 = arith.cmpi ne, %sign3A_83, %ne3A : vector<36x144xi32>
    %rem3A = vector.broadcast %jit3A : i32 to vector<36x144xi32>
    %rem3A_92 = arith.remsi %iota3A_74, %rem3A : vector<36x144xi32>
    %ne3A_93 = arith.constant 0 : i32
    %ne3A_94 = vector.broadcast %ne3A_93 : i32 to vector<36x144xi32>
    %ne3A_95 = arith.cmpi ne, %rem3A_92, %ne3A_94 : vector<36x144xi32>
    %and3A = arith.andi %ne3A_91, %ne3A_95 : vector<36x144xi1>
    %sub3A = arith.constant 1 : i32
    %sub3A_96 = vector.broadcast %sub3A : i32 to vector<36x144xi32>
    %sub3A_97 = arith.subi %div3A_75, %sub3A_96 : vector<36x144xi32>
    %select_n3A = arith.select %and3A, %sub3A_97, %div3A_75 : vector<36x144xi1>, vector<36x144xi32>
    %eq3A = arith.cmpi eq, %select_n3A, %iota3A : vector<36x144xi32>
    %convert_element_type3A = arith.extui %eq3A : vector<36x144xi1> to vector<36x144xi32>
    %convert_element_type3A_98 = arith.sitofp %convert_element_type3A : vector<36x144xi32> to vector<36x144xf32>
    %iota3A_99 = tpu.iota {dimensions = array<i32: 0>} : vector<144x4xi32>
    %iota3A_100 = tpu.iota {dimensions = array<i32: 1>} : vector<144x4xi32>
    %jit3A_101 = arith.constant 4 : i32
    %eq3A_102 = arith.constant 0 : i32
    %eq3A_103 = arith.cmpi eq, %jit3A_101, %eq3A_102 : i32
    %jit3A_104 = arith.constant 1 : i32
    %select_n3A_105 = arith.select %eq3A_103, %jit3A_104, %jit3A_101 : i32
    %rem3A_106 = vector.broadcast %select_n3A_105 : i32 to vector<144x4xi32>
    %rem3A_107 = arith.remsi %iota3A_99, %rem3A_106 : vector<144x4xi32>
    %ne3A_108 = arith.constant 0 : i32
    %ne3A_109 = vector.broadcast %ne3A_108 : i32 to vector<144x4xi32>
    %ne3A_110 = arith.cmpi ne, %rem3A_107, %ne3A_109 : vector<144x4xi32>
    %lt3A = arith.constant 0 : i32
    %lt3A_111 = vector.broadcast %lt3A : i32 to vector<144x4xi32>
    %lt3A_112 = arith.cmpi slt, %rem3A_107, %lt3A_111 : vector<144x4xi32>
    %lt3A_113 = arith.constant 0 : i32
    %lt3A_114 = arith.cmpi slt, %select_n3A_105, %lt3A_113 : i32
    %ne3A_115 = vector.broadcast %lt3A_114 : i1 to vector<144x4xi1>
    %ne3A_116 = vector.broadcast %ne3A_115 : vector<144x4xi1> to vector<144x4xi1>
    %ne3A_117 = arith.xori %lt3A_112, %ne3A_116 : vector<144x4xi1>
    %and3A_118 = arith.andi %ne3A_117, %ne3A_110 : vector<144x4xi1>
    %add3A_119 = vector.broadcast %select_n3A_105 : i32 to vector<144x4xi32>
    %add3A_120 = arith.addi %rem3A_107, %add3A_119 : vector<144x4xi32>
    %select_n3A_121 = arith.select %and3A_118, %add3A_120, %rem3A_107 : vector<144x4xi1>, vector<144x4xi32>
    %eq3A_122 = arith.cmpi eq, %select_n3A_121, %iota3A_100 : vector<144x4xi32>
    %convert_element_type3A_123 = arith.extui %eq3A_122 : vector<144x4xi1> to vector<144x4xi32>
    %convert_element_type3A_124 = arith.sitofp %convert_element_type3A_123 : vector<144x4xi32> to vector<144x4xf32>
    %mul3A_125 = vector.broadcast %add3A_73 : vector<1x144xf32> to vector<36x144xf32>
    %mul3A_126 = arith.mulf %convert_element_type3A_98, %mul3A_125 : vector<36x144xf32>
    %dot_general3A_127 = arith.constant dense<0.000000e+00> : vector<36x4xf32>
    %dot_general3A_128 = tpu.matmul %mul3A_126, %convert_element_type3A_124, %dot_general3A_127 {dimension_numbers = #tpu.dot_dimension_numbers<[1], [0], [0], [1], [0, 0, 1, 1], [], []>, transpose_lhs_hint = false} : vector<36x144xf32>, vector<144x4xf32>, vector<36x4xf32> -> vector<36x4xf32>
    %reduce_max3A = arith.constant dense<0xFF800000> : vector<36xf32>
    %reduce_max3A_129 = vector.multi_reduction <maximumf>, %dot_general3A_128, %reduce_max3A [1] : vector<36x4xf32> to vector<36xf32>
    %broadcast_in_dim3A = vector.shape_cast %reduce_max3A_129 : vector<36xf32> to vector<36x1xf32>
    %sub3A_130 = vector.broadcast %broadcast_in_dim3A : vector<36x1xf32> to vector<36x4xf32>
    %sub3A_131 = arith.subf %dot_general3A_128, %sub3A_130 : vector<36x4xf32>
    %exp3A_132 = math.exp %sub3A_131 : vector<36x4xf32>
    %reduce_sum3A = arith.constant dense<0.000000e+00> : vector<36xf32>
    %reduce_sum3A_133 = vector.multi_reduction <add>, %exp3A_132, %reduce_sum3A [1] : vector<36x4xf32> to vector<36xf32>
    %broadcast_in_dim3A_134 = vector.shape_cast %reduce_sum3A_133 : vector<36xf32> to vector<36x1xf32>
    %div3A_135 = vector.broadcast %broadcast_in_dim3A_134 : vector<36x1xf32> to vector<36x4xf32>
    %div3A_136 = arith.divf %exp3A_132, %div3A_135 : vector<36x4xf32>
    %slice3A = vector.extract_strided_slice %logistic3A_55 {offsets = [0, 0], sizes = [1, 9], strides = [1, 1]} : vector<1x45xf32> to vector<1x9xf32>
    %slice3A_137 = vector.extract_strided_slice %logistic3A_55 {offsets = [0, 9], sizes = [1, 8], strides = [1, 1]} : vector<1x45xf32> to vector<1x8xf32>
    %broadcast_in_dim3A_138 = arith.constant 0.000000e+00 : f32
    %broadcast_in_dim3A_139 = vector.broadcast %broadcast_in_dim3A_138 : f32 to vector<1x1xf32>
    %concatenate3A = tpu.concatenate %broadcast_in_dim3A_139, %slice3A_137 in 1 : vector<1x1xf32>, vector<1x8xf32> -> vector<1x9xf32>
    %slice3A_140 = vector.extract_strided_slice %logistic3A_55 {offsets = [0, 17], sizes = [1, 7], strides = [1, 1]} : vector<1x45xf32> to vector<1x7xf32>
    %broadcast_in_dim3A_141 = arith.constant 0.000000e+00 : f32
    %broadcast_in_dim3A_142 = vector.broadcast %broadcast_in_dim3A_141 : f32 to vector<1x2xf32>
    %concatenate3A_143 = tpu.concatenate %broadcast_in_dim3A_142, %slice3A_140 in 1 : vector<1x2xf32>, vector<1x7xf32> -> vector<1x9xf32>
    %slice3A_144 = vector.extract_strided_slice %logistic3A_55 {offsets = [0, 24], sizes = [1, 6], strides = [1, 1]} : vector<1x45xf32> to vector<1x6xf32>
    %broadcast_in_dim3A_145 = arith.constant 0.000000e+00 : f32
    %broadcast_in_dim3A_146 = vector.broadcast %broadcast_in_dim3A_145 : f32 to vector<1x3xf32>
    %concatenate3A_147 = tpu.concatenate %broadcast_in_dim3A_146, %slice3A_144 in 1 : vector<1x3xf32>, vector<1x6xf32> -> vector<1x9xf32>
    %slice3A_148 = vector.extract_strided_slice %logistic3A_55 {offsets = [0, 30], sizes = [1, 5], strides = [1, 1]} : vector<1x45xf32> to vector<1x5xf32>
    %broadcast_in_dim3A_149 = arith.constant 0.000000e+00 : f32
    %broadcast_in_dim3A_150 = vector.broadcast %broadcast_in_dim3A_149 : f32 to vector<1x4xf32>
    %concatenate3A_151 = tpu.concatenate %broadcast_in_dim3A_150, %slice3A_148 in 1 : vector<1x4xf32>, vector<1x5xf32> -> vector<1x9xf32>
    %slice3A_152 = vector.extract_strided_slice %logistic3A_55 {offsets = [0, 35], sizes = [1, 4], strides = [1, 1]} : vector<1x45xf32> to vector<1x4xf32>
    %broadcast_in_dim3A_153 = arith.constant 0.000000e+00 : f32
    %broadcast_in_dim3A_154 = vector.broadcast %broadcast_in_dim3A_153 : f32 to vector<1x5xf32>
    %concatenate3A_155 = tpu.concatenate %broadcast_in_dim3A_154, %slice3A_152 in 1 : vector<1x5xf32>, vector<1x4xf32> -> vector<1x9xf32>
    %slice3A_156 = vector.extract_strided_slice %logistic3A_55 {offsets = [0, 39], sizes = [1, 3], strides = [1, 1]} : vector<1x45xf32> to vector<1x3xf32>
    %broadcast_in_dim3A_157 = arith.constant 0.000000e+00 : f32
    %broadcast_in_dim3A_158 = vector.broadcast %broadcast_in_dim3A_157 : f32 to vector<1x6xf32>
    %concatenate3A_159 = tpu.concatenate %broadcast_in_dim3A_158, %slice3A_156 in 1 : vector<1x6xf32>, vector<1x3xf32> -> vector<1x9xf32>
    %slice3A_160 = vector.extract_strided_slice %logistic3A_55 {offsets = [0, 42], sizes = [1, 2], strides = [1, 1]} : vector<1x45xf32> to vector<1x2xf32>
    %broadcast_in_dim3A_161 = arith.constant 0.000000e+00 : f32
    %broadcast_in_dim3A_162 = vector.broadcast %broadcast_in_dim3A_161 : f32 to vector<1x7xf32>
    %concatenate3A_163 = tpu.concatenate %broadcast_in_dim3A_162, %slice3A_160 in 1 : vector<1x7xf32>, vector<1x2xf32> -> vector<1x9xf32>
    %slice3A_164 = vector.extract_strided_slice %logistic3A_55 {offsets = [0, 44], sizes = [1, 1], strides = [1, 1]} : vector<1x45xf32> to vector<1x1xf32>
    %broadcast_in_dim3A_165 = arith.constant 0.000000e+00 : f32
    %broadcast_in_dim3A_166 = vector.broadcast %broadcast_in_dim3A_165 : f32 to vector<1x8xf32>
    %concatenate3A_167 = tpu.concatenate %broadcast_in_dim3A_166, %slice3A_164 in 1 : vector<1x8xf32>, vector<1x1xf32> -> vector<1x9xf32>
    %concatenate3A_168 = tpu.concatenate %slice3A, %concatenate3A, %concatenate3A_143, %concatenate3A_147, %concatenate3A_151, %concatenate3A_155, %concatenate3A_159, %concatenate3A_163, %concatenate3A_167 in 0 : vector<1x9xf32>, vector<1x9xf32>, vector<1x9xf32>, vector<1x9xf32>, vector<1x9xf32>, vector<1x9xf32>, vector<1x9xf32>, vector<1x9xf32>, vector<1x9xf32> -> vector<9x9xf32>
    %iota3A_169 = tpu.iota {dimensions = array<i32: 0>} : vector<9x9xi32>
    %iota3A_170 = tpu.iota {dimensions = array<i32: 1>} : vector<9x9xi32>
    %eq3A_171 = arith.cmpi eq, %iota3A_169, %iota3A_170 : vector<9x9xi32>
    %convert_element_type3A_172 = arith.extui %eq3A_171 : vector<9x9xi1> to vector<9x9xi32>
    %convert_element_type3A_173 = arith.sitofp %convert_element_type3A_172 : vector<9x9xi32> to vector<9x9xf32>
    %dot_general3A_174 = arith.constant dense<0.000000e+00> : vector<9x9xf32>
    %dot_general3A_175 = tpu.matmul %convert_element_type3A_173, %concatenate3A_168, %dot_general3A_174 {dimension_numbers = #tpu.dot_dimension_numbers<[1], [1], [0], [0], [0, 0, 1, 0], [], []>, transpose_lhs_hint = false} : vector<9x9xf32>, vector<9x9xf32>, vector<9x9xf32> -> vector<9x9xf32>
    %add3A_176 = arith.addf %concatenate3A_168, %dot_general3A_175 : vector<9x9xf32>
    %mul3A_177 = arith.mulf %concatenate3A_168, %convert_element_type3A_173 : vector<9x9xf32>
    %sub3A_178 = arith.subf %add3A_176, %mul3A_177 : vector<9x9xf32>
    %dot_general3A_179 = arith.constant dense<0.000000e+00> : vector<9x9xf32>
    %dot_general3A_180 = tpu.matmul %convert_element_type3A_173, %get3A_1, %dot_general3A_179 {dimension_numbers = #tpu.dot_dimension_numbers<[1], [1], [0], [0], [0, 0, 1, 0], [], []>, transpose_lhs_hint = false} : vector<9x9xf32>, vector<9x9xf32>, vector<9x9xf32> -> vector<9x9xf32>
    %slice3A_181 = vector.extract_strided_slice %dot_general3A_180 {offsets = [1, 0], sizes = [8, 1], strides = [1, 1]} : vector<9x9xf32> to vector<8x1xf32>
    %slice3A_182 = vector.extract_strided_slice %dot_general3A_180 {offsets = [2, 1], sizes = [7, 1], strides = [1, 1]} : vector<9x9xf32> to vector<7x1xf32>
    %slice3A_183 = vector.extract_strided_slice %dot_general3A_180 {offsets = [3, 2], sizes = [6, 1], strides = [1, 1]} : vector<9x9xf32> to vector<6x1xf32>
    %slice3A_184 = vector.extract_strided_slice %dot_general3A_180 {offsets = [4, 3], sizes = [5, 1], strides = [1, 1]} : vector<9x9xf32> to vector<5x1xf32>
    %slice3A_185 = vector.extract_strided_slice %dot_general3A_180 {offsets = [5, 4], sizes = [4, 1], strides = [1, 1]} : vector<9x9xf32> to vector<4x1xf32>
    %slice3A_186 = vector.extract_strided_slice %dot_general3A_180 {offsets = [6, 5], sizes = [3, 1], strides = [1, 1]} : vector<9x9xf32> to vector<3x1xf32>
    %slice3A_187 = vector.extract_strided_slice %dot_general3A_180 {offsets = [7, 6], sizes = [2, 1], strides = [1, 1]} : vector<9x9xf32> to vector<2x1xf32>
    %slice3A_188 = vector.extract_strided_slice %dot_general3A_180 {offsets = [8, 7], sizes = [1, 1], strides = [1, 1]} : vector<9x9xf32> to vector<1x1xf32>
    %concatenate3A_189 = tpu.concatenate %slice3A_181, %slice3A_182, %slice3A_183, %slice3A_184, %slice3A_185, %slice3A_186, %slice3A_187, %slice3A_188 in 0 : vector<8x1xf32>, vector<7x1xf32>, vector<6x1xf32>, vector<5x1xf32>, vector<4x1xf32>, vector<3x1xf32>, vector<2x1xf32>, vector<1x1xf32> -> vector<36x1xf32>
    %mul3A_190 = vector.broadcast %concatenate3A_189 : vector<36x1xf32> to vector<36x4xf32>
    %mul3A_191 = arith.mulf %div3A_136, %mul3A_190 : vector<36x4xf32>
    %slice3A_192 = vector.extract_strided_slice %get3A_4 {offsets = [0, 0], sizes = [9, 4], strides = [1, 1]} : vector<36x4xf32> to vector<9x4xf32>
    %slice3A_193 = vector.extract_strided_slice %div3A_136 {offsets = [0, 0], sizes = [9, 4], strides = [1, 1]} : vector<36x4xf32> to vector<9x4xf32>
    %dot_general3A_194 = arith.constant dense<0.000000e+00> : vector<9x9xf32>
    %dot_general3A_195 = tpu.matmul %slice3A_192, %slice3A_193, %dot_general3A_194 {dimension_numbers = #tpu.dot_dimension_numbers<[1], [1], [0], [0], [0, 0, 1, 0], [], []>, transpose_lhs_hint = false} : vector<9x4xf32>, vector<9x4xf32>, vector<9x9xf32> -> vector<9x9xf32>
    %mul3A_196 = arith.mulf %slice3A_192, %slice3A_192 : vector<9x4xf32>
    %reduce_sum3A_197 = arith.constant dense<0.000000e+00> : vector<9xf32>
    %reduce_sum3A_198 = vector.multi_reduction <add>, %mul3A_196, %reduce_sum3A_197 [1] : vector<9x4xf32> to vector<9xf32>
    %broadcast_in_dim3A_199 = vector.shape_cast %reduce_sum3A_198 : vector<9xf32> to vector<9x1xf32>
    %sqrt3A = math.sqrt %broadcast_in_dim3A_199 : vector<9x1xf32>
    %mul3A_200 = arith.mulf %slice3A_193, %slice3A_193 : vector<9x4xf32>
    %reduce_sum3A_201 = arith.constant dense<0.000000e+00> : vector<9xf32>
    %reduce_sum3A_202 = vector.multi_reduction <add>, %mul3A_200, %reduce_sum3A_201 [1] : vector<9x4xf32> to vector<9xf32>
    %broadcast_in_dim3A_203 = vector.shape_cast %reduce_sum3A_202 : vector<9xf32> to vector<9x1xf32>
    %sqrt3A_204 = math.sqrt %broadcast_in_dim3A_203 : vector<9x1xf32>
    %dot_general3A_205 = arith.constant dense<0.000000e+00> : vector<9x9xf32>
    %dot_general3A_206 = tpu.matmul %sqrt3A, %sqrt3A_204, %dot_general3A_205 {dimension_numbers = #tpu.dot_dimension_numbers<[1], [1], [0], [0], [0, 0, 1, 0], [], []>, transpose_lhs_hint = false} : vector<9x1xf32>, vector<9x1xf32>, vector<9x9xf32> -> vector<9x9xf32>
    %max3A_207 = arith.constant 9.99999993E-9 : f32
    %max3A_208 = vector.broadcast %max3A_207 : f32 to vector<9x9xf32>
    %max3A_209 = arith.maximumf %dot_general3A_206, %max3A_208 : vector<9x9xf32>
    %div3A_210 = arith.divf %dot_general3A_195, %max3A_209 : vector<9x9xf32>
    %mul3A_211 = arith.mulf %get3A_1, %convert_element_type3A_173 : vector<9x9xf32>
    %reduce_sum3A_212 = arith.constant dense<0.000000e+00> : vector<9xf32>
    %reduce_sum3A_213 = vector.multi_reduction <add>, %mul3A_211, %reduce_sum3A_212 [1] : vector<9x9xf32> to vector<9xf32>
    %broadcast_in_dim3A_214 = vector.shape_cast %reduce_sum3A_213 : vector<9xf32> to vector<9x1xf32>
    %mul3A_215 = arith.mulf %sub3A_178, %convert_element_type3A_173 : vector<9x9xf32>
    %reduce_sum3A_216 = arith.constant dense<0.000000e+00> : vector<9xf32>
    %reduce_sum3A_217 = vector.multi_reduction <add>, %mul3A_215, %reduce_sum3A_216 [1] : vector<9x9xf32> to vector<9xf32>
    %broadcast_in_dim3A_218 = vector.shape_cast %reduce_sum3A_217 : vector<9xf32> to vector<9x1xf32>
    %dot_general3A_219 = arith.constant dense<0.000000e+00> : vector<9x9xf32>
    %dot_general3A_220 = tpu.matmul %broadcast_in_dim3A_214, %broadcast_in_dim3A_218, %dot_general3A_219 {dimension_numbers = #tpu.dot_dimension_numbers<[1], [1], [0], [0], [0, 0, 1, 0], [], []>, transpose_lhs_hint = false} : vector<9x1xf32>, vector<9x1xf32>, vector<9x9xf32> -> vector<9x9xf32>
    %mul3A_221 = arith.mulf %dot_general3A_220, %div3A_210 : vector<9x9xf32>
    %iota3A_222 = tpu.iota {dimensions = array<i32: 0>} : vector<81x9xi32>
    %iota3A_223 = tpu.iota {dimensions = array<i32: 1>} : vector<81x9xi32>
    %jit3A_224 = arith.constant 9 : i32
    %div3A_225 = vector.broadcast %jit3A_224 : i32 to vector<81x9xi32>
    %div3A_226 = arith.divsi %iota3A_222, %div3A_225 : vector<81x9xi32>
    %sign3A_227 = arith.constant 0 : i32
    %sign3A_228 = vector.broadcast %sign3A_227 : i32 to vector<81x9xi32>
    %sign3A_229 = arith.cmpi sgt, %iota3A_222, %sign3A_228 : vector<81x9xi32>
    %sign3A_230 = arith.extui %sign3A_229 : vector<81x9xi1> to vector<81x9xi32>
    %sign3A_231 = arith.constant 0 : i32
    %sign3A_232 = vector.broadcast %sign3A_231 : i32 to vector<81x9xi32>
    %sign3A_233 = arith.cmpi slt, %iota3A_222, %sign3A_232 : vector<81x9xi32>
    %sign3A_234 = arith.extui %sign3A_233 : vector<81x9xi1> to vector<81x9xi32>
    %sign3A_235 = arith.subi %sign3A_230, %sign3A_234 : vector<81x9xi32>
    %sign3A_236 = arith.constant 0 : i32
    %sign3A_237 = arith.cmpi sgt, %jit3A_224, %sign3A_236 : i32
    %sign3A_238 = arith.extui %sign3A_237 : i1 to i32
    %sign3A_239 = arith.constant 0 : i32
    %sign3A_240 = arith.cmpi slt, %jit3A_224, %sign3A_239 : i32
    %sign3A_241 = arith.extui %sign3A_240 : i1 to i32
    %sign3A_242 = arith.subi %sign3A_238, %sign3A_241 : i32
    %ne3A_243 = vector.broadcast %sign3A_242 : i32 to vector<81x9xi32>
    %ne3A_244 = arith.cmpi ne, %sign3A_235, %ne3A_243 : vector<81x9xi32>
    %rem3A_245 = vector.broadcast %jit3A_224 : i32 to vector<81x9xi32>
    %rem3A_246 = arith.remsi %iota3A_222, %rem3A_245 : vector<81x9xi32>
    %ne3A_247 = arith.constant 0 : i32
    %ne3A_248 = vector.broadcast %ne3A_247 : i32 to vector<81x9xi32>
    %ne3A_249 = arith.cmpi ne, %rem3A_246, %ne3A_248 : vector<81x9xi32>
    %and3A_250 = arith.andi %ne3A_244, %ne3A_249 : vector<81x9xi1>
    %sub3A_251 = arith.constant 1 : i32
    %sub3A_252 = vector.broadcast %sub3A_251 : i32 to vector<81x9xi32>
    %sub3A_253 = arith.subi %div3A_226, %sub3A_252 : vector<81x9xi32>
    %select_n3A_254 = arith.select %and3A_250, %sub3A_253, %div3A_226 : vector<81x9xi1>, vector<81x9xi32>
    %eq3A_255 = arith.cmpi eq, %select_n3A_254, %iota3A_223 : vector<81x9xi32>
    %convert_element_type3A_256 = arith.extui %eq3A_255 : vector<81x9xi1> to vector<81x9xi32>
    %convert_element_type3A_257 = arith.sitofp %convert_element_type3A_256 : vector<81x9xi32> to vector<81x9xf32>
    %jit3A_258 = arith.constant 9 : i32
    %eq3A_259 = arith.constant 0 : i32
    %eq3A_260 = arith.cmpi eq, %jit3A_258, %eq3A_259 : i32
    %jit3A_261 = arith.constant 1 : i32
    %select_n3A_262 = arith.select %eq3A_260, %jit3A_261, %jit3A_258 : i32
    %rem3A_263 = vector.broadcast %select_n3A_262 : i32 to vector<81x9xi32>
    %rem3A_264 = arith.remsi %iota3A_222, %rem3A_263 : vector<81x9xi32>
    %ne3A_265 = arith.constant 0 : i32
    %ne3A_266 = vector.broadcast %ne3A_265 : i32 to vector<81x9xi32>
    %ne3A_267 = arith.cmpi ne, %rem3A_264, %ne3A_266 : vector<81x9xi32>
    %lt3A_268 = arith.constant 0 : i32
    %lt3A_269 = vector.broadcast %lt3A_268 : i32 to vector<81x9xi32>
    %lt3A_270 = arith.cmpi slt, %rem3A_264, %lt3A_269 : vector<81x9xi32>
    %lt3A_271 = arith.constant 0 : i32
    %lt3A_272 = arith.cmpi slt, %select_n3A_262, %lt3A_271 : i32
    %ne3A_273 = vector.broadcast %lt3A_272 : i1 to vector<81x9xi1>
    %ne3A_274 = vector.broadcast %ne3A_273 : vector<81x9xi1> to vector<81x9xi1>
    %ne3A_275 = arith.xori %lt3A_270, %ne3A_274 : vector<81x9xi1>
    %and3A_276 = arith.andi %ne3A_275, %ne3A_267 : vector<81x9xi1>
    %add3A_277 = vector.broadcast %select_n3A_262 : i32 to vector<81x9xi32>
    %add3A_278 = arith.addi %rem3A_264, %add3A_277 : vector<81x9xi32>
    %select_n3A_279 = arith.select %and3A_276, %add3A_278, %rem3A_264 : vector<81x9xi1>, vector<81x9xi32>
    %eq3A_280 = arith.cmpi eq, %select_n3A_279, %iota3A_223 : vector<81x9xi32>
    %convert_element_type3A_281 = arith.extui %eq3A_280 : vector<81x9xi1> to vector<81x9xi32>
    %convert_element_type3A_282 = arith.sitofp %convert_element_type3A_281 : vector<81x9xi32> to vector<81x9xf32>
    %dot_general3A_283 = arith.constant dense<0.000000e+00> : vector<81x9xf32>
    %dot_general3A_284 = tpu.matmul %convert_element_type3A_257, %get3A_1, %dot_general3A_283 {dimension_numbers = #tpu.dot_dimension_numbers<[1], [0], [0], [1], [0, 0, 1, 1], [], []>, transpose_lhs_hint = false} : vector<81x9xf32>, vector<9x9xf32>, vector<81x9xf32> -> vector<81x9xf32>
    %mul3A_285 = arith.mulf %dot_general3A_284, %convert_element_type3A_282 : vector<81x9xf32>
    %reduce_sum3A_286 = arith.constant dense<0.000000e+00> : vector<81xf32>
    %reduce_sum3A_287 = vector.multi_reduction <add>, %mul3A_285, %reduce_sum3A_286 [1] : vector<81x9xf32> to vector<81xf32>
    %broadcast_in_dim3A_288 = vector.shape_cast %reduce_sum3A_287 : vector<81xf32> to vector<81x1xf32>
    %iota3A_289 = tpu.iota {dimensions = array<i32: 0>} : vector<9x81xi32>
    %iota3A_290 = tpu.iota {dimensions = array<i32: 1>} : vector<9x81xi32>
    %jit3A_291 = arith.constant 9 : i32
    %eq3A_292 = arith.constant 0 : i32
    %eq3A_293 = arith.cmpi eq, %jit3A_291, %eq3A_292 : i32
    %jit3A_294 = arith.constant 1 : i32
    %select_n3A_295 = arith.select %eq3A_293, %jit3A_294, %jit3A_291 : i32
    %rem3A_296 = vector.broadcast %select_n3A_295 : i32 to vector<9x81xi32>
    %rem3A_297 = arith.remsi %iota3A_290, %rem3A_296 : vector<9x81xi32>
    %ne3A_298 = arith.constant 0 : i32
    %ne3A_299 = vector.broadcast %ne3A_298 : i32 to vector<9x81xi32>
    %ne3A_300 = arith.cmpi ne, %rem3A_297, %ne3A_299 : vector<9x81xi32>
    %lt3A_301 = arith.constant 0 : i32
    %lt3A_302 = vector.broadcast %lt3A_301 : i32 to vector<9x81xi32>
    %lt3A_303 = arith.cmpi slt, %rem3A_297, %lt3A_302 : vector<9x81xi32>
    %lt3A_304 = arith.constant 0 : i32
    %lt3A_305 = arith.cmpi slt, %select_n3A_295, %lt3A_304 : i32
    %ne3A_306 = vector.broadcast %lt3A_305 : i1 to vector<9x81xi1>
    %ne3A_307 = vector.broadcast %ne3A_306 : vector<9x81xi1> to vector<9x81xi1>
    %ne3A_308 = arith.xori %lt3A_303, %ne3A_307 : vector<9x81xi1>
    %and3A_309 = arith.andi %ne3A_308, %ne3A_300 : vector<9x81xi1>
    %add3A_310 = vector.broadcast %select_n3A_295 : i32 to vector<9x81xi32>
    %add3A_311 = arith.addi %rem3A_297, %add3A_310 : vector<9x81xi32>
    %select_n3A_312 = arith.select %and3A_309, %add3A_311, %rem3A_297 : vector<9x81xi1>, vector<9x81xi32>
    %eq3A_313 = arith.cmpi eq, %iota3A_289, %select_n3A_312 : vector<9x81xi32>
    %convert_element_type3A_314 = arith.extui %eq3A_313 : vector<9x81xi1> to vector<9x81xi32>
    %convert_element_type3A_315 = arith.sitofp %convert_element_type3A_314 : vector<9x81xi32> to vector<9x81xf32>
    %jit3A_316 = arith.constant 9 : i32
    %div3A_317 = vector.broadcast %jit3A_316 : i32 to vector<9x81xi32>
    %div3A_318 = arith.divsi %iota3A_290, %div3A_317 : vector<9x81xi32>
    %sign3A_319 = arith.constant 0 : i32
    %sign3A_320 = vector.broadcast %sign3A_319 : i32 to vector<9x81xi32>
    %sign3A_321 = arith.cmpi sgt, %iota3A_290, %sign3A_320 : vector<9x81xi32>
    %sign3A_322 = arith.extui %sign3A_321 : vector<9x81xi1> to vector<9x81xi32>
    %sign3A_323 = arith.constant 0 : i32
    %sign3A_324 = vector.broadcast %sign3A_323 : i32 to vector<9x81xi32>
    %sign3A_325 = arith.cmpi slt, %iota3A_290, %sign3A_324 : vector<9x81xi32>
    %sign3A_326 = arith.extui %sign3A_325 : vector<9x81xi1> to vector<9x81xi32>
    %sign3A_327 = arith.subi %sign3A_322, %sign3A_326 : vector<9x81xi32>
    %sign3A_328 = arith.constant 0 : i32
    %sign3A_329 = arith.cmpi sgt, %jit3A_316, %sign3A_328 : i32
    %sign3A_330 = arith.extui %sign3A_329 : i1 to i32
    %sign3A_331 = arith.constant 0 : i32
    %sign3A_332 = arith.cmpi slt, %jit3A_316, %sign3A_331 : i32
    %sign3A_333 = arith.extui %sign3A_332 : i1 to i32
    %sign3A_334 = arith.subi %sign3A_330, %sign3A_333 : i32
    %ne3A_335 = vector.broadcast %sign3A_334 : i32 to vector<9x81xi32>
    %ne3A_336 = arith.cmpi ne, %sign3A_327, %ne3A_335 : vector<9x81xi32>
    %rem3A_337 = vector.broadcast %jit3A_316 : i32 to vector<9x81xi32>
    %rem3A_338 = arith.remsi %iota3A_290, %rem3A_337 : vector<9x81xi32>
    %ne3A_339 = arith.constant 0 : i32
    %ne3A_340 = vector.broadcast %ne3A_339 : i32 to vector<9x81xi32>
    %ne3A_341 = arith.cmpi ne, %rem3A_338, %ne3A_340 : vector<9x81xi32>
    %and3A_342 = arith.andi %ne3A_336, %ne3A_341 : vector<9x81xi1>
    %sub3A_343 = arith.constant 1 : i32
    %sub3A_344 = vector.broadcast %sub3A_343 : i32 to vector<9x81xi32>
    %sub3A_345 = arith.subi %div3A_318, %sub3A_344 : vector<9x81xi32>
    %select_n3A_346 = arith.select %and3A_342, %sub3A_345, %div3A_318 : vector<9x81xi1>, vector<9x81xi32>
    %eq3A_347 = arith.cmpi eq, %iota3A_289, %select_n3A_346 : vector<9x81xi32>
    %convert_element_type3A_348 = arith.extui %eq3A_347 : vector<9x81xi1> to vector<9x81xi32>
    %convert_element_type3A_349 = arith.sitofp %convert_element_type3A_348 : vector<9x81xi32> to vector<9x81xf32>
    %dot_general3A_350 = arith.constant dense<0.000000e+00> : vector<9x81xf32>
    %dot_general3A_351 = tpu.matmul %sub3A_178, %convert_element_type3A_315, %dot_general3A_350 {dimension_numbers = #tpu.dot_dimension_numbers<[1], [0], [0], [1], [0, 0, 1, 1], [], []>, transpose_lhs_hint = false} : vector<9x9xf32>, vector<9x81xf32>, vector<9x81xf32> -> vector<9x81xf32>
    %mul3A_352 = arith.mulf %dot_general3A_351, %convert_element_type3A_349 : vector<9x81xf32>
    %reduce_sum3A_353 = arith.constant dense<0.000000e+00> : vector<81xf32>
    %reduce_sum3A_354 = vector.multi_reduction <add>, %mul3A_352, %reduce_sum3A_353 [0] : vector<9x81xf32> to vector<81xf32>
    %broadcast_in_dim3A_355 = vector.shape_cast %reduce_sum3A_354 : vector<81xf32> to vector<1x81xf32>
    %sub3A_356 = vector.broadcast %broadcast_in_dim3A_288 : vector<81x1xf32> to vector<81x81xf32>
    %sub3A_357 = vector.broadcast %broadcast_in_dim3A_355 : vector<1x81xf32> to vector<81x81xf32>
    %sub3A_358 = arith.subf %sub3A_356, %sub3A_357 : vector<81x81xf32>
    %abs3A = math.absf %sub3A_358 : vector<81x81xf32>
    %iota3A_359 = tpu.iota {dimensions = array<i32: 0>} : vector<81x1xi32>
    %iota3A_360 = tpu.iota {dimensions = array<i32: 1>} : vector<1x81xi32>
    %jit3A_361 = arith.constant 9 : i32
    %div3A_362 = vector.broadcast %jit3A_361 : i32 to vector<81x1xi32>
    %div3A_363 = arith.divsi %iota3A_359, %div3A_362 : vector<81x1xi32>
    %sign3A_364 = arith.constant 0 : i32
    %sign3A_365 = vector.broadcast %sign3A_364 : i32 to vector<81x1xi32>
    %sign3A_366 = arith.cmpi sgt, %iota3A_359, %sign3A_365 : vector<81x1xi32>
    %sign3A_367 = arith.extui %sign3A_366 : vector<81x1xi1> to vector<81x1xi32>
    %sign3A_368 = arith.constant 0 : i32
    %sign3A_369 = vector.broadcast %sign3A_368 : i32 to vector<81x1xi32>
    %sign3A_370 = arith.cmpi slt, %iota3A_359, %sign3A_369 : vector<81x1xi32>
    %sign3A_371 = arith.extui %sign3A_370 : vector<81x1xi1> to vector<81x1xi32>
    %sign3A_372 = arith.subi %sign3A_367, %sign3A_371 : vector<81x1xi32>
    %sign3A_373 = arith.constant 0 : i32
    %sign3A_374 = arith.cmpi sgt, %jit3A_361, %sign3A_373 : i32
    %sign3A_375 = arith.extui %sign3A_374 : i1 to i32
    %sign3A_376 = arith.constant 0 : i32
    %sign3A_377 = arith.cmpi slt, %jit3A_361, %sign3A_376 : i32
    %sign3A_378 = arith.extui %sign3A_377 : i1 to i32
    %sign3A_379 = arith.subi %sign3A_375, %sign3A_378 : i32
    %ne3A_380 = vector.broadcast %sign3A_379 : i32 to vector<81x1xi32>
    %ne3A_381 = arith.cmpi ne, %sign3A_372, %ne3A_380 : vector<81x1xi32>
    %rem3A_382 = vector.broadcast %jit3A_361 : i32 to vector<81x1xi32>
    %rem3A_383 = arith.remsi %iota3A_359, %rem3A_382 : vector<81x1xi32>
    %ne3A_384 = arith.constant 0 : i32
    %ne3A_385 = vector.broadcast %ne3A_384 : i32 to vector<81x1xi32>
    %ne3A_386 = arith.cmpi ne, %rem3A_383, %ne3A_385 : vector<81x1xi32>
    %and3A_387 = arith.andi %ne3A_381, %ne3A_386 : vector<81x1xi1>
    %sub3A_388 = arith.constant 1 : i32
    %sub3A_389 = vector.broadcast %sub3A_388 : i32 to vector<81x1xi32>
    %sub3A_390 = arith.subi %div3A_363, %sub3A_389 : vector<81x1xi32>
    %select_n3A_391 = arith.select %and3A_387, %sub3A_390, %div3A_363 : vector<81x1xi1>, vector<81x1xi32>
    %jit3A_392 = arith.constant 9 : i32
    %eq3A_393 = arith.constant 0 : i32
    %eq3A_394 = arith.cmpi eq, %jit3A_392, %eq3A_393 : i32
    %jit3A_395 = arith.constant 1 : i32
    %select_n3A_396 = arith.select %eq3A_394, %jit3A_395, %jit3A_392 : i32
    %rem3A_397 = vector.broadcast %select_n3A_396 : i32 to vector<81x1xi32>
    %rem3A_398 = arith.remsi %iota3A_359, %rem3A_397 : vector<81x1xi32>
    %ne3A_399 = arith.constant 0 : i32
    %ne3A_400 = vector.broadcast %ne3A_399 : i32 to vector<81x1xi32>
    %ne3A_401 = arith.cmpi ne, %rem3A_398, %ne3A_400 : vector<81x1xi32>
    %lt3A_402 = arith.constant 0 : i32
    %lt3A_403 = vector.broadcast %lt3A_402 : i32 to vector<81x1xi32>
    %lt3A_404 = arith.cmpi slt, %rem3A_398, %lt3A_403 : vector<81x1xi32>
    %lt3A_405 = arith.constant 0 : i32
    %lt3A_406 = arith.cmpi slt, %select_n3A_396, %lt3A_405 : i32
    %ne3A_407 = vector.broadcast %lt3A_406 : i1 to vector<81x1xi1>
    %ne3A_408 = vector.broadcast %ne3A_407 : vector<81x1xi1> to vector<81x1xi1>
    %ne3A_409 = arith.xori %lt3A_404, %ne3A_408 : vector<81x1xi1>
    %and3A_410 = arith.andi %ne3A_409, %ne3A_401 : vector<81x1xi1>
    %add3A_411 = vector.broadcast %select_n3A_396 : i32 to vector<81x1xi32>
    %add3A_412 = arith.addi %rem3A_398, %add3A_411 : vector<81x1xi32>
    %select_n3A_413 = arith.select %and3A_410, %add3A_412, %rem3A_398 : vector<81x1xi1>, vector<81x1xi32>
    %eq3A_414 = arith.cmpi eq, %select_n3A_391, %select_n3A_413 : vector<81x1xi32>
    %jit3A_415 = arith.constant 9 : i32
    %div3A_416 = vector.broadcast %jit3A_415 : i32 to vector<1x81xi32>
    %div3A_417 = arith.divsi %iota3A_360, %div3A_416 : vector<1x81xi32>
    %sign3A_418 = arith.constant 0 : i32
    %sign3A_419 = vector.broadcast %sign3A_418 : i32 to vector<1x81xi32>
    %sign3A_420 = arith.cmpi sgt, %iota3A_360, %sign3A_419 : vector<1x81xi32>
    %sign3A_421 = arith.extui %sign3A_420 : vector<1x81xi1> to vector<1x81xi32>
    %sign3A_422 = arith.constant 0 : i32
    %sign3A_423 = vector.broadcast %sign3A_422 : i32 to vector<1x81xi32>
    %sign3A_424 = arith.cmpi slt, %iota3A_360, %sign3A_423 : vector<1x81xi32>
    %sign3A_425 = arith.extui %sign3A_424 : vector<1x81xi1> to vector<1x81xi32>
    %sign3A_426 = arith.subi %sign3A_421, %sign3A_425 : vector<1x81xi32>
    %sign3A_427 = arith.constant 0 : i32
    %sign3A_428 = arith.cmpi sgt, %jit3A_415, %sign3A_427 : i32
    %sign3A_429 = arith.extui %sign3A_428 : i1 to i32
    %sign3A_430 = arith.constant 0 : i32
    %sign3A_431 = arith.cmpi slt, %jit3A_415, %sign3A_430 : i32
    %sign3A_432 = arith.extui %sign3A_431 : i1 to i32
    %sign3A_433 = arith.subi %sign3A_429, %sign3A_432 : i32
    %ne3A_434 = vector.broadcast %sign3A_433 : i32 to vector<1x81xi32>
    %ne3A_435 = arith.cmpi ne, %sign3A_426, %ne3A_434 : vector<1x81xi32>
    %rem3A_436 = vector.broadcast %jit3A_415 : i32 to vector<1x81xi32>
    %rem3A_437 = arith.remsi %iota3A_360, %rem3A_436 : vector<1x81xi32>
    %ne3A_438 = arith.constant 0 : i32
    %ne3A_439 = vector.broadcast %ne3A_438 : i32 to vector<1x81xi32>
    %ne3A_440 = arith.cmpi ne, %rem3A_437, %ne3A_439 : vector<1x81xi32>
    %and3A_441 = arith.andi %ne3A_435, %ne3A_440 : vector<1x81xi1>
    %sub3A_442 = arith.constant 1 : i32
    %sub3A_443 = vector.broadcast %sub3A_442 : i32 to vector<1x81xi32>
    %sub3A_444 = arith.subi %div3A_417, %sub3A_443 : vector<1x81xi32>
    %select_n3A_445 = arith.select %and3A_441, %sub3A_444, %div3A_417 : vector<1x81xi1>, vector<1x81xi32>
    %jit3A_446 = arith.constant 9 : i32
    %eq3A_447 = arith.constant 0 : i32
    %eq3A_448 = arith.cmpi eq, %jit3A_446, %eq3A_447 : i32
    %jit3A_449 = arith.constant 1 : i32
    %select_n3A_450 = arith.select %eq3A_448, %jit3A_449, %jit3A_446 : i32
    %rem3A_451 = vector.broadcast %select_n3A_450 : i32 to vector<1x81xi32>
    %rem3A_452 = arith.remsi %iota3A_360, %rem3A_451 : vector<1x81xi32>
    %ne3A_453 = arith.constant 0 : i32
    %ne3A_454 = vector.broadcast %ne3A_453 : i32 to vector<1x81xi32>
    %ne3A_455 = arith.cmpi ne, %rem3A_452, %ne3A_454 : vector<1x81xi32>
    %lt3A_456 = arith.constant 0 : i32
    %lt3A_457 = vector.broadcast %lt3A_456 : i32 to vector<1x81xi32>
    %lt3A_458 = arith.cmpi slt, %rem3A_452, %lt3A_457 : vector<1x81xi32>
    %lt3A_459 = arith.constant 0 : i32
    %lt3A_460 = arith.cmpi slt, %select_n3A_450, %lt3A_459 : i32
    %ne3A_461 = vector.broadcast %lt3A_460 : i1 to vector<1x81xi1>
    %ne3A_462 = vector.broadcast %ne3A_461 : vector<1x81xi1> to vector<1x81xi1>
    %ne3A_463 = arith.xori %lt3A_458, %ne3A_462 : vector<1x81xi1>
    %and3A_464 = arith.andi %ne3A_463, %ne3A_455 : vector<1x81xi1>
    %add3A_465 = vector.broadcast %select_n3A_450 : i32 to vector<1x81xi32>
    %add3A_466 = arith.addi %rem3A_452, %add3A_465 : vector<1x81xi32>
    %select_n3A_467 = arith.select %and3A_464, %add3A_466, %rem3A_452 : vector<1x81xi1>, vector<1x81xi32>
    %eq3A_468 = arith.cmpi eq, %select_n3A_445, %select_n3A_467 : vector<1x81xi32>
    %not3A = arith.constant dense<true> : vector<81x1xi1>
    %not3A_469 = arith.xori %eq3A_414, %not3A : vector<81x1xi1>
    %not3A_470 = arith.constant dense<true> : vector<1x81xi1>
    %not3A_471 = arith.xori %eq3A_468, %not3A_470 : vector<1x81xi1>
    %and3A_472 = vector.broadcast %not3A_469 : vector<81x1xi1> to vector<81x81xi1>
    %and3A_473 = vector.broadcast %not3A_471 : vector<1x81xi1> to vector<81x81xi1>
    %and3A_474 = arith.andi %and3A_472, %and3A_473 : vector<81x81xi1>
    %convert_element_type3A_475 = arith.extui %and3A_474 : vector<81x81xi1> to vector<81x81xi32>
    %convert_element_type3A_476 = arith.sitofp %convert_element_type3A_475 : vector<81x81xi32> to vector<81x81xf32>
    %concatenate3A_477 = tpu.concatenate %mul3A_221, %mul3A_221, %mul3A_221, %mul3A_221, %mul3A_221, %mul3A_221, %mul3A_221, %mul3A_221, %mul3A_221 in 1 : vector<9x9xf32>, vector<9x9xf32>, vector<9x9xf32>, vector<9x9xf32>, vector<9x9xf32>, vector<9x9xf32>, vector<9x9xf32>, vector<9x9xf32>, vector<9x9xf32> -> vector<9x81xf32>
    %concatenate3A_478 = tpu.concatenate %concatenate3A_477, %concatenate3A_477, %concatenate3A_477, %concatenate3A_477, %concatenate3A_477, %concatenate3A_477, %concatenate3A_477, %concatenate3A_477, %concatenate3A_477 in 0 : vector<9x81xf32>, vector<9x81xf32>, vector<9x81xf32>, vector<9x81xf32>, vector<9x81xf32>, vector<9x81xf32>, vector<9x81xf32>, vector<9x81xf32>, vector<9x81xf32> -> vector<81x81xf32>
    %and3A_479 = vector.broadcast %eq3A_414 : vector<81x1xi1> to vector<81x81xi1>
    %and3A_480 = vector.broadcast %eq3A_468 : vector<1x81xi1> to vector<81x81xi1>
    %and3A_481 = arith.andi %and3A_479, %and3A_480 : vector<81x81xi1>
    %mul3A_482 = arith.mulf %abs3A, %convert_element_type3A_476 : vector<81x81xf32>
    %select_n3A_483 = arith.select %and3A_481, %concatenate3A_478, %mul3A_482 : vector<81x81xi1>, vector<81x81xf32>
    %iota3A_484 = tpu.iota {dimensions = array<i32: 0>} : vector<9x81xi32>
    %iota3A_485 = tpu.iota {dimensions = array<i32: 1>} : vector<9x81xi32>
    %jit3A_486 = arith.constant 9 : i32
    %div3A_487 = vector.broadcast %jit3A_486 : i32 to vector<9x81xi32>
    %div3A_488 = arith.divsi %iota3A_485, %div3A_487 : vector<9x81xi32>
    %sign3A_489 = arith.constant 0 : i32
    %sign3A_490 = vector.broadcast %sign3A_489 : i32 to vector<9x81xi32>
    %sign3A_491 = arith.cmpi sgt, %iota3A_485, %sign3A_490 : vector<9x81xi32>
    %sign3A_492 = arith.extui %sign3A_491 : vector<9x81xi1> to vector<9x81xi32>
    %sign3A_493 = arith.constant 0 : i32
    %sign3A_494 = vector.broadcast %sign3A_493 : i32 to vector<9x81xi32>
    %sign3A_495 = arith.cmpi slt, %iota3A_485, %sign3A_494 : vector<9x81xi32>
    %sign3A_496 = arith.extui %sign3A_495 : vector<9x81xi1> to vector<9x81xi32>
    %sign3A_497 = arith.subi %sign3A_492, %sign3A_496 : vector<9x81xi32>
    %sign3A_498 = arith.constant 0 : i32
    %sign3A_499 = arith.cmpi sgt, %jit3A_486, %sign3A_498 : i32
    %sign3A_500 = arith.extui %sign3A_499 : i1 to i32
    %sign3A_501 = arith.constant 0 : i32
    %sign3A_502 = arith.cmpi slt, %jit3A_486, %sign3A_501 : i32
    %sign3A_503 = arith.extui %sign3A_502 : i1 to i32
    %sign3A_504 = arith.subi %sign3A_500, %sign3A_503 : i32
    %ne3A_505 = vector.broadcast %sign3A_504 : i32 to vector<9x81xi32>
    %ne3A_506 = arith.cmpi ne, %sign3A_497, %ne3A_505 : vector<9x81xi32>
    %rem3A_507 = vector.broadcast %jit3A_486 : i32 to vector<9x81xi32>
    %rem3A_508 = arith.remsi %iota3A_485, %rem3A_507 : vector<9x81xi32>
    %ne3A_509 = arith.constant 0 : i32
    %ne3A_510 = vector.broadcast %ne3A_509 : i32 to vector<9x81xi32>
    %ne3A_511 = arith.cmpi ne, %rem3A_508, %ne3A_510 : vector<9x81xi32>
    %and3A_512 = arith.andi %ne3A_506, %ne3A_511 : vector<9x81xi1>
    %sub3A_513 = arith.constant 1 : i32
    %sub3A_514 = vector.broadcast %sub3A_513 : i32 to vector<9x81xi32>
    %sub3A_515 = arith.subi %div3A_488, %sub3A_514 : vector<9x81xi32>
    %select_n3A_516 = arith.select %and3A_512, %sub3A_515, %div3A_488 : vector<9x81xi1>, vector<9x81xi32>
    %eq3A_517 = arith.cmpi eq, %select_n3A_516, %iota3A_484 : vector<9x81xi32>
    %jit3A_518 = arith.constant 9 : i32
    %eq3A_519 = arith.constant 0 : i32
    %eq3A_520 = arith.cmpi eq, %jit3A_518, %eq3A_519 : i32
    %jit3A_521 = arith.constant 1 : i32
    %select_n3A_522 = arith.select %eq3A_520, %jit3A_521, %jit3A_518 : i32
    %rem3A_523 = vector.broadcast %select_n3A_522 : i32 to vector<9x81xi32>
    %rem3A_524 = arith.remsi %iota3A_485, %rem3A_523 : vector<9x81xi32>
    %ne3A_525 = arith.constant 0 : i32
    %ne3A_526 = vector.broadcast %ne3A_525 : i32 to vector<9x81xi32>
    %ne3A_527 = arith.cmpi ne, %rem3A_524, %ne3A_526 : vector<9x81xi32>
    %lt3A_528 = arith.constant 0 : i32
    %lt3A_529 = vector.broadcast %lt3A_528 : i32 to vector<9x81xi32>
    %lt3A_530 = arith.cmpi slt, %rem3A_524, %lt3A_529 : vector<9x81xi32>
    %lt3A_531 = arith.constant 0 : i32
    %lt3A_532 = arith.cmpi slt, %select_n3A_522, %lt3A_531 : i32
    %ne3A_533 = vector.broadcast %lt3A_532 : i1 to vector<9x81xi1>
    %ne3A_534 = vector.broadcast %ne3A_533 : vector<9x81xi1> to vector<9x81xi1>
    %ne3A_535 = arith.xori %lt3A_530, %ne3A_534 : vector<9x81xi1>
    %and3A_536 = arith.andi %ne3A_535, %ne3A_527 : vector<9x81xi1>
    %add3A_537 = vector.broadcast %select_n3A_522 : i32 to vector<9x81xi32>
    %add3A_538 = arith.addi %rem3A_524, %add3A_537 : vector<9x81xi32>
    %select_n3A_539 = arith.select %and3A_536, %add3A_538, %rem3A_524 : vector<9x81xi1>, vector<9x81xi32>
    %ne3A_540 = arith.cmpi ne, %select_n3A_539, %iota3A_484 : vector<9x81xi32>
    %and3A_541 = arith.andi %eq3A_517, %ne3A_540 : vector<9x81xi1>
    %convert_element_type3A_542 = arith.extui %and3A_541 : vector<9x81xi1> to vector<9x81xi32>
    %convert_element_type3A_543 = arith.sitofp %convert_element_type3A_542 : vector<9x81xi32> to vector<9x81xf32>
    %broadcast_in_dim3A_544 = arith.constant 0.111111112 : f32
    %broadcast_in_dim3A_545 = vector.broadcast %broadcast_in_dim3A_544 : f32 to vector<9x9xf32>
    %scan3A = arith.constant 0 : i32
    %scan3A_546 = arith.constant 5 : i32
    %scan3A_547 = arith.addi %scan3A, %scan3A_546 : i32
    %scan3A_548 = arith.constant 1 : i32
    %scan3A_549 = scf.for %scan3A_616 = %scan3A to %scan3A_547 step %scan3A_548 iter_args(%scan3A_617 = %broadcast_in_dim3A_545) -> (vector<9x9xf32>)  : i32 {
      %scan3A_618 = arith.constant 0 : i32
      %scan3A_619 = arith.constant 9 : i32
      %scan3A_620 = arith.addi %scan3A_618, %scan3A_619 : i32
      %scan3A_621 = arith.constant 1 : i32
      %scan3A_622 = scf.for %scan3A_683 = %scan3A_618 to %scan3A_620 step %scan3A_621 iter_args(%scan3A_684 = %scan3A_617) -> (vector<9x9xf32>)  : i32 {
        %concatenate3A_685 = tpu.concatenate %scan3A_684, %scan3A_684, %scan3A_684, %scan3A_684, %scan3A_684, %scan3A_684, %scan3A_684, %scan3A_684, %scan3A_684 in 0 : vector<9x9xf32>, vector<9x9xf32>, vector<9x9xf32>, vector<9x9xf32>, vector<9x9xf32>, vector<9x9xf32>, vector<9x9xf32>, vector<9x9xf32>, vector<9x9xf32> -> vector<81x9xf32>
        %slice3A_686 = vector.extract_strided_slice %select_n3A_483 {offsets = [0, 0], sizes = [81, 9], strides = [1, 1]} : vector<81x81xf32> to vector<81x9xf32>
        %mul3A_687 = arith.mulf %slice3A_686, %concatenate3A_685 : vector<81x9xf32>
        %reduce_max3A_688 = arith.constant dense<0xFF800000> : vector<81xf32>
        %reduce_max3A_689 = vector.multi_reduction <maximumf>, %mul3A_687, %reduce_max3A_688 [1] : vector<81x9xf32> to vector<81xf32>
        %broadcast_in_dim3A_690 = vector.shape_cast %reduce_max3A_689 : vector<81xf32> to vector<81x1xf32>
        %slice3A_691 = vector.extract_strided_slice %select_n3A_483 {offsets = [0, 9], sizes = [81, 9], strides = [1, 1]} : vector<81x81xf32> to vector<81x9xf32>
        %mul3A_692 = arith.mulf %slice3A_691, %concatenate3A_685 : vector<81x9xf32>
        %reduce_max3A_693 = arith.constant dense<0xFF800000> : vector<81xf32>
        %reduce_max3A_694 = vector.multi_reduction <maximumf>, %mul3A_692, %reduce_max3A_693 [1] : vector<81x9xf32> to vector<81xf32>
        %broadcast_in_dim3A_695 = vector.shape_cast %reduce_max3A_694 : vector<81xf32> to vector<81x1xf32>
        %slice3A_696 = vector.extract_strided_slice %select_n3A_483 {offsets = [0, 18], sizes = [81, 9], strides = [1, 1]} : vector<81x81xf32> to vector<81x9xf32>
        %mul3A_697 = arith.mulf %slice3A_696, %concatenate3A_685 : vector<81x9xf32>
        %reduce_max3A_698 = arith.constant dense<0xFF800000> : vector<81xf32>
        %reduce_max3A_699 = vector.multi_reduction <maximumf>, %mul3A_697, %reduce_max3A_698 [1] : vector<81x9xf32> to vector<81xf32>
        %broadcast_in_dim3A_700 = vector.shape_cast %reduce_max3A_699 : vector<81xf32> to vector<81x1xf32>
        %slice3A_701 = vector.extract_strided_slice %select_n3A_483 {offsets = [0, 27], sizes = [81, 9], strides = [1, 1]} : vector<81x81xf32> to vector<81x9xf32>
        %mul3A_702 = arith.mulf %slice3A_701, %concatenate3A_685 : vector<81x9xf32>
        %reduce_max3A_703 = arith.constant dense<0xFF800000> : vector<81xf32>
        %reduce_max3A_704 = vector.multi_reduction <maximumf>, %mul3A_702, %reduce_max3A_703 [1] : vector<81x9xf32> to vector<81xf32>
        %broadcast_in_dim3A_705 = vector.shape_cast %reduce_max3A_704 : vector<81xf32> to vector<81x1xf32>
        %slice3A_706 = vector.extract_strided_slice %select_n3A_483 {offsets = [0, 36], sizes = [81, 9], strides = [1, 1]} : vector<81x81xf32> to vector<81x9xf32>
        %mul3A_707 = arith.mulf %slice3A_706, %concatenate3A_685 : vector<81x9xf32>
        %reduce_max3A_708 = arith.constant dense<0xFF800000> : vector<81xf32>
        %reduce_max3A_709 = vector.multi_reduction <maximumf>, %mul3A_707, %reduce_max3A_708 [1] : vector<81x9xf32> to vector<81xf32>
        %broadcast_in_dim3A_710 = vector.shape_cast %reduce_max3A_709 : vector<81xf32> to vector<81x1xf32>
        %slice3A_711 = vector.extract_strided_slice %select_n3A_483 {offsets = [0, 45], sizes = [81, 9], strides = [1, 1]} : vector<81x81xf32> to vector<81x9xf32>
        %mul3A_712 = arith.mulf %slice3A_711, %concatenate3A_685 : vector<81x9xf32>
        %reduce_max3A_713 = arith.constant dense<0xFF800000> : vector<81xf32>
        %reduce_max3A_714 = vector.multi_reduction <maximumf>, %mul3A_712, %reduce_max3A_713 [1] : vector<81x9xf32> to vector<81xf32>
        %broadcast_in_dim3A_715 = vector.shape_cast %reduce_max3A_714 : vector<81xf32> to vector<81x1xf32>
        %slice3A_716 = vector.extract_strided_slice %select_n3A_483 {offsets = [0, 54], sizes = [81, 9], strides = [1, 1]} : vector<81x81xf32> to vector<81x9xf32>
        %mul3A_717 = arith.mulf %slice3A_716, %concatenate3A_685 : vector<81x9xf32>
        %reduce_max3A_718 = arith.constant dense<0xFF800000> : vector<81xf32>
        %reduce_max3A_719 = vector.multi_reduction <maximumf>, %mul3A_717, %reduce_max3A_718 [1] : vector<81x9xf32> to vector<81xf32>
        %broadcast_in_dim3A_720 = vector.shape_cast %reduce_max3A_719 : vector<81xf32> to vector<81x1xf32>
        %slice3A_721 = vector.extract_strided_slice %select_n3A_483 {offsets = [0, 63], sizes = [81, 9], strides = [1, 1]} : vector<81x81xf32> to vector<81x9xf32>
        %mul3A_722 = arith.mulf %slice3A_721, %concatenate3A_685 : vector<81x9xf32>
        %reduce_max3A_723 = arith.constant dense<0xFF800000> : vector<81xf32>
        %reduce_max3A_724 = vector.multi_reduction <maximumf>, %mul3A_722, %reduce_max3A_723 [1] : vector<81x9xf32> to vector<81xf32>
        %broadcast_in_dim3A_725 = vector.shape_cast %reduce_max3A_724 : vector<81xf32> to vector<81x1xf32>
        %slice3A_726 = vector.extract_strided_slice %select_n3A_483 {offsets = [0, 72], sizes = [81, 9], strides = [1, 1]} : vector<81x81xf32> to vector<81x9xf32>
        %mul3A_727 = arith.mulf %slice3A_726, %concatenate3A_685 : vector<81x9xf32>
        %reduce_max3A_728 = arith.constant dense<0xFF800000> : vector<81xf32>
        %reduce_max3A_729 = vector.multi_reduction <maximumf>, %mul3A_727, %reduce_max3A_728 [1] : vector<81x9xf32> to vector<81xf32>
        %broadcast_in_dim3A_730 = vector.shape_cast %reduce_max3A_729 : vector<81xf32> to vector<81x1xf32>
        %concatenate3A_731 = tpu.concatenate %broadcast_in_dim3A_690, %broadcast_in_dim3A_695, %broadcast_in_dim3A_700, %broadcast_in_dim3A_705, %broadcast_in_dim3A_710, %broadcast_in_dim3A_715, %broadcast_in_dim3A_720, %broadcast_in_dim3A_725, %broadcast_in_dim3A_730 in 1 : vector<81x1xf32>, vector<81x1xf32>, vector<81x1xf32>, vector<81x1xf32>, vector<81x1xf32>, vector<81x1xf32>, vector<81x1xf32>, vector<81x1xf32>, vector<81x1xf32> -> vector<81x9xf32>
        %dot_general3A_732 = arith.constant dense<0.000000e+00> : vector<9x9xf32>
        %dot_general3A_733 = tpu.matmul %convert_element_type3A_543, %concatenate3A_731, %dot_general3A_732 {dimension_numbers = #tpu.dot_dimension_numbers<[1], [0], [0], [1], [0, 0, 1, 1], [], []>, transpose_lhs_hint = false} : vector<9x81xf32>, vector<81x9xf32>, vector<9x9xf32> -> vector<9x9xf32>
        %mul3A_734 = arith.mulf %scan3A_684, %mul3A_221 : vector<9x9xf32>
        %add3A_735 = arith.addf %mul3A_734, %dot_general3A_733 : vector<9x9xf32>
        scf.yield %add3A_735 : vector<9x9xf32>
      }
      %concatenate3A_623 = tpu.concatenate %scan3A_622, %scan3A_622, %scan3A_622, %scan3A_622, %scan3A_622, %scan3A_622, %scan3A_622, %scan3A_622, %scan3A_622 in 0 : vector<9x9xf32>, vector<9x9xf32>, vector<9x9xf32>, vector<9x9xf32>, vector<9x9xf32>, vector<9x9xf32>, vector<9x9xf32>, vector<9x9xf32>, vector<9x9xf32> -> vector<81x9xf32>
      %slice3A_624 = vector.extract_strided_slice %select_n3A_483 {offsets = [0, 0], sizes = [81, 9], strides = [1, 1]} : vector<81x81xf32> to vector<81x9xf32>
      %mul3A_625 = arith.mulf %slice3A_624, %concatenate3A_623 : vector<81x9xf32>
      %reduce_max3A_626 = arith.constant dense<0xFF800000> : vector<81xf32>
      %reduce_max3A_627 = vector.multi_reduction <maximumf>, %mul3A_625, %reduce_max3A_626 [1] : vector<81x9xf32> to vector<81xf32>
      %broadcast_in_dim3A_628 = vector.shape_cast %reduce_max3A_627 : vector<81xf32> to vector<81x1xf32>
      %slice3A_629 = vector.extract_strided_slice %select_n3A_483 {offsets = [0, 9], sizes = [81, 9], strides = [1, 1]} : vector<81x81xf32> to vector<81x9xf32>
      %mul3A_630 = arith.mulf %slice3A_629, %concatenate3A_623 : vector<81x9xf32>
      %reduce_max3A_631 = arith.constant dense<0xFF800000> : vector<81xf32>
      %reduce_max3A_632 = vector.multi_reduction <maximumf>, %mul3A_630, %reduce_max3A_631 [1] : vector<81x9xf32> to vector<81xf32>
      %broadcast_in_dim3A_633 = vector.shape_cast %reduce_max3A_632 : vector<81xf32> to vector<81x1xf32>
      %slice3A_634 = vector.extract_strided_slice %select_n3A_483 {offsets = [0, 18], sizes = [81, 9], strides = [1, 1]} : vector<81x81xf32> to vector<81x9xf32>
      %mul3A_635 = arith.mulf %slice3A_634, %concatenate3A_623 : vector<81x9xf32>
      %reduce_max3A_636 = arith.constant dense<0xFF800000> : vector<81xf32>
      %reduce_max3A_637 = vector.multi_reduction <maximumf>, %mul3A_635, %reduce_max3A_636 [1] : vector<81x9xf32> to vector<81xf32>
      %broadcast_in_dim3A_638 = vector.shape_cast %reduce_max3A_637 : vector<81xf32> to vector<81x1xf32>
      %slice3A_639 = vector.extract_strided_slice %select_n3A_483 {offsets = [0, 27], sizes = [81, 9], strides = [1, 1]} : vector<81x81xf32> to vector<81x9xf32>
      %mul3A_640 = arith.mulf %slice3A_639, %concatenate3A_623 : vector<81x9xf32>
      %reduce_max3A_641 = arith.constant dense<0xFF800000> : vector<81xf32>
      %reduce_max3A_642 = vector.multi_reduction <maximumf>, %mul3A_640, %reduce_max3A_641 [1] : vector<81x9xf32> to vector<81xf32>
      %broadcast_in_dim3A_643 = vector.shape_cast %reduce_max3A_642 : vector<81xf32> to vector<81x1xf32>
      %slice3A_644 = vector.extract_strided_slice %select_n3A_483 {offsets = [0, 36], sizes = [81, 9], strides = [1, 1]} : vector<81x81xf32> to vector<81x9xf32>
      %mul3A_645 = arith.mulf %slice3A_644, %concatenate3A_623 : vector<81x9xf32>
      %reduce_max3A_646 = arith.constant dense<0xFF800000> : vector<81xf32>
      %reduce_max3A_647 = vector.multi_reduction <maximumf>, %mul3A_645, %reduce_max3A_646 [1] : vector<81x9xf32> to vector<81xf32>
      %broadcast_in_dim3A_648 = vector.shape_cast %reduce_max3A_647 : vector<81xf32> to vector<81x1xf32>
      %slice3A_649 = vector.extract_strided_slice %select_n3A_483 {offsets = [0, 45], sizes = [81, 9], strides = [1, 1]} : vector<81x81xf32> to vector<81x9xf32>
      %mul3A_650 = arith.mulf %slice3A_649, %concatenate3A_623 : vector<81x9xf32>
      %reduce_max3A_651 = arith.constant dense<0xFF800000> : vector<81xf32>
      %reduce_max3A_652 = vector.multi_reduction <maximumf>, %mul3A_650, %reduce_max3A_651 [1] : vector<81x9xf32> to vector<81xf32>
      %broadcast_in_dim3A_653 = vector.shape_cast %reduce_max3A_652 : vector<81xf32> to vector<81x1xf32>
      %slice3A_654 = vector.extract_strided_slice %select_n3A_483 {offsets = [0, 54], sizes = [81, 9], strides = [1, 1]} : vector<81x81xf32> to vector<81x9xf32>
      %mul3A_655 = arith.mulf %slice3A_654, %concatenate3A_623 : vector<81x9xf32>
      %reduce_max3A_656 = arith.constant dense<0xFF800000> : vector<81xf32>
      %reduce_max3A_657 = vector.multi_reduction <maximumf>, %mul3A_655, %reduce_max3A_656 [1] : vector<81x9xf32> to vector<81xf32>
      %broadcast_in_dim3A_658 = vector.shape_cast %reduce_max3A_657 : vector<81xf32> to vector<81x1xf32>
      %slice3A_659 = vector.extract_strided_slice %select_n3A_483 {offsets = [0, 63], sizes = [81, 9], strides = [1, 1]} : vector<81x81xf32> to vector<81x9xf32>
      %mul3A_660 = arith.mulf %slice3A_659, %concatenate3A_623 : vector<81x9xf32>
      %reduce_max3A_661 = arith.constant dense<0xFF800000> : vector<81xf32>
      %reduce_max3A_662 = vector.multi_reduction <maximumf>, %mul3A_660, %reduce_max3A_661 [1] : vector<81x9xf32> to vector<81xf32>
      %broadcast_in_dim3A_663 = vector.shape_cast %reduce_max3A_662 : vector<81xf32> to vector<81x1xf32>
      %slice3A_664 = vector.extract_strided_slice %select_n3A_483 {offsets = [0, 72], sizes = [81, 9], strides = [1, 1]} : vector<81x81xf32> to vector<81x9xf32>
      %mul3A_665 = arith.mulf %slice3A_664, %concatenate3A_623 : vector<81x9xf32>
      %reduce_max3A_666 = arith.constant dense<0xFF800000> : vector<81xf32>
      %reduce_max3A_667 = vector.multi_reduction <maximumf>, %mul3A_665, %reduce_max3A_666 [1] : vector<81x9xf32> to vector<81xf32>
      %broadcast_in_dim3A_668 = vector.shape_cast %reduce_max3A_667 : vector<81xf32> to vector<81x1xf32>
      %concatenate3A_669 = tpu.concatenate %broadcast_in_dim3A_628, %broadcast_in_dim3A_633, %broadcast_in_dim3A_638, %broadcast_in_dim3A_643, %broadcast_in_dim3A_648, %broadcast_in_dim3A_653, %broadcast_in_dim3A_658, %broadcast_in_dim3A_663, %broadcast_in_dim3A_668 in 1 : vector<81x1xf32>, vector<81x1xf32>, vector<81x1xf32>, vector<81x1xf32>, vector<81x1xf32>, vector<81x1xf32>, vector<81x1xf32>, vector<81x1xf32>, vector<81x1xf32> -> vector<81x9xf32>
      %dot_general3A_670 = arith.constant dense<0.000000e+00> : vector<9x9xf32>
      %dot_general3A_671 = tpu.matmul %convert_element_type3A_543, %concatenate3A_669, %dot_general3A_670 {dimension_numbers = #tpu.dot_dimension_numbers<[1], [0], [0], [1], [0, 0, 1, 1], [], []>, transpose_lhs_hint = false} : vector<9x81xf32>, vector<81x9xf32>, vector<9x9xf32> -> vector<9x9xf32>
      %mul3A_672 = arith.mulf %scan3A_622, %mul3A_221 : vector<9x9xf32>
      %add3A_673 = arith.addf %mul3A_672, %dot_general3A_671 : vector<9x9xf32>
      %mul3A_674 = arith.mulf %add3A_673, %add3A_673 : vector<9x9xf32>
      %reduce_sum3A_675 = vector.shape_cast %mul3A_674 : vector<9x9xf32> to vector<1x9x9xf32>
      %reduce_sum3A_676 = arith.constant dense<0.000000e+00> : vector<1xf32>
      %reduce_sum3A_677 = vector.multi_reduction <add>, %reduce_sum3A_675, %reduce_sum3A_676 [1, 2] : vector<1x9x9xf32> to vector<1xf32>
      %reduce_sum3A_678 = vector.shape_cast %reduce_sum3A_677 : vector<1xf32> to vector<1x1x1xf32>
      %reduce_sum3A_679 = vector.extract %reduce_sum3A_678[0, 0, 0] : f32 from vector<1x1x1xf32>
      %sqrt3A_680 = math.sqrt %reduce_sum3A_679 : f32
      %div3A_681 = vector.broadcast %sqrt3A_680 : f32 to vector<9x9xf32>
      %div3A_682 = arith.divf %add3A_673, %div3A_681 : vector<9x9xf32>
      scf.yield %div3A_682 : vector<9x9xf32>
    }
    %add3A_550 = arith.constant 1.000000e+00 : f32
    %add3A_551 = vector.broadcast %add3A_550 : f32 to vector<1x128xf32>
    %add3A_552 = arith.addf %add3A_551, %add3A_26 : vector<1x128xf32>
    %mul3A_553 = arith.mulf %add3A, %add3A : vector<1x128xf32>
    %sub3A_554 = arith.subf %add3A_552, %mul3A_553 : vector<1x128xf32>
    %exp3A_555 = math.exp %add3A_26 : vector<1x128xf32>
    %sub3A_556 = arith.subf %sub3A_554, %exp3A_555 : vector<1x128xf32>
    %reduce_sum3A_557 = vector.shape_cast %sub3A_556 : vector<1x128xf32> to vector<1x1x128xf32>
    %reduce_sum3A_558 = arith.constant dense<0.000000e+00> : vector<1xf32>
    %reduce_sum3A_559 = vector.multi_reduction <add>, %reduce_sum3A_557, %reduce_sum3A_558 [1, 2] : vector<1x1x128xf32> to vector<1xf32>
    %reduce_sum3A_560 = vector.shape_cast %reduce_sum3A_559 : vector<1xf32> to vector<1x1x1xf32>
    %reduce_sum3A_561 = vector.extract %reduce_sum3A_560[0, 0, 0] : f32 from vector<1x1x1xf32>
    %mul3A_562 = arith.constant -5.000000e-01 : f32
    %mul3A_563 = arith.mulf %mul3A_562, %reduce_sum3A_561 : f32
    %div3A_564 = arith.constant 8.100000e+01 : f32
    %div3A_565 = arith.divf %mul3A_563, %div3A_564 : f32
    %sub3A_566 = arith.subf %mul3A_191, %get3A_4 : vector<36x4xf32>
    %mul3A_567 = arith.mulf %sub3A_566, %sub3A_566 : vector<36x4xf32>
    %reduce_sum3A_568 = vector.shape_cast %mul3A_567 : vector<36x4xf32> to vector<1x36x4xf32>
    %reduce_sum3A_569 = arith.constant dense<0.000000e+00> : vector<1xf32>
    %reduce_sum3A_570 = vector.multi_reduction <add>, %reduce_sum3A_568, %reduce_sum3A_569 [1, 2] : vector<1x36x4xf32> to vector<1xf32>
    %reduce_sum3A_571 = vector.shape_cast %reduce_sum3A_570 : vector<1xf32> to vector<1x1x1xf32>
    %reduce_sum3A_572 = vector.extract %reduce_sum3A_571[0, 0, 0] : f32 from vector<1x1x1xf32>
    %div3A_573 = arith.constant 1.440000e+02 : f32
    %div3A_574 = arith.divf %reduce_sum3A_572, %div3A_573 : f32
    %sub3A_575 = arith.subf %add3A_64, %get3A_7 : vector<1x99xf32>
    %mul3A_576 = arith.mulf %sub3A_575, %sub3A_575 : vector<1x99xf32>
    %reduce_sum3A_577 = vector.shape_cast %mul3A_576 : vector<1x99xf32> to vector<1x1x99xf32>
    %reduce_sum3A_578 = arith.constant dense<0.000000e+00> : vector<1xf32>
    %reduce_sum3A_579 = vector.multi_reduction <add>, %reduce_sum3A_577, %reduce_sum3A_578 [1, 2] : vector<1x1x99xf32> to vector<1xf32>
    %reduce_sum3A_580 = vector.shape_cast %reduce_sum3A_579 : vector<1xf32> to vector<1x1x1xf32>
    %reduce_sum3A_581 = vector.extract %reduce_sum3A_580[0, 0, 0] : f32 from vector<1x1x1xf32>
    %div3A_582 = arith.constant 9.900000e+01 : f32
    %div3A_583 = arith.divf %reduce_sum3A_581, %div3A_582 : f32
    %jit3A_584 = arith.constant 1.000000e-07 : f32
    %jit3A_585 = arith.constant 0.99999988 : f32
    %max3A_586 = vector.broadcast %jit3A_584 : f32 to vector<9x9xf32>
    %max3A_587 = arith.maximumf %max3A_586, %concatenate3A_168 : vector<9x9xf32>
    %min3A = vector.broadcast %jit3A_585 : f32 to vector<9x9xf32>
    %min3A_588 = arith.minimumf %min3A, %max3A_587 : vector<9x9xf32>
    %log3A = math.log %min3A_588 : vector<9x9xf32>
    %sub3A_589 = arith.constant 1.000000e+00 : f32
    %sub3A_590 = vector.broadcast %sub3A_589 : f32 to vector<9x9xf32>
    %sub3A_591 = arith.subf %sub3A_590, %min3A_588 : vector<9x9xf32>
    %log3A_592 = math.log %sub3A_591 : vector<9x9xf32>
    %broadcast_in_dim3A_593 = arith.constant 0.000000e+00 : f32
    %broadcast_in_dim3A_594 = vector.broadcast %broadcast_in_dim3A_593 : f32 to vector<9x7xf32>
    %concatenate3A_595 = tpu.concatenate %scan3A_549, %broadcast_in_dim3A_594 in 1 : vector<9x9xf32>, vector<9x7xf32> -> vector<9x16xf32>
    %swap3A = arith.constant 0 : index
    %swap3A_596 = arith.constant 0 : index
    %swap3A_597 = vector.load %arg16[%swap3A, %swap3A_596] : memref<9x16xf32, #tpu.memory_space<vmem>>, vector<9x16xf32>
    tpu.vector_store %arg16[%swap3A, %swap3A_596], %concatenate3A_595 {strides = array<i32>} : memref<9x16xf32, #tpu.memory_space<vmem>>, vector<9x16xf32>,
    %concatenate3A_598 = tpu.concatenate %get3A_1, %broadcast_in_dim3A_594 in 1 : vector<9x9xf32>, vector<9x7xf32> -> vector<9x16xf32>
    %swap3A_599 = arith.constant 0 : index
    %swap3A_600 = arith.constant 0 : index
    %swap3A_601 = vector.load %arg17[%swap3A_599, %swap3A_600] : memref<9x16xf32, #tpu.memory_space<vmem>>, vector<9x16xf32>
    tpu.vector_store %arg17[%swap3A_599, %swap3A_600], %concatenate3A_598 {strides = array<i32>} : memref<9x16xf32, #tpu.memory_space<vmem>>, vector<9x16xf32>,
    %concatenate3A_602 = tpu.concatenate %log3A, %broadcast_in_dim3A_594 in 1 : vector<9x9xf32>, vector<9x7xf32> -> vector<9x16xf32>
    %swap3A_603 = arith.constant 0 : index
    %swap3A_604 = arith.constant 0 : index
    %swap3A_605 = vector.load %arg18[%swap3A_603, %swap3A_604] : memref<9x16xf32, #tpu.memory_space<vmem>>, vector<9x16xf32>
    tpu.vector_store %arg18[%swap3A_603, %swap3A_604], %concatenate3A_602 {strides = array<i32>} : memref<9x16xf32, #tpu.memory_space<vmem>>, vector<9x16xf32>,
    %concatenate3A_606 = tpu.concatenate %log3A_592, %broadcast_in_dim3A_594 in 1 : vector<9x9xf32>, vector<9x7xf32> -> vector<9x16xf32>
    %swap3A_607 = arith.constant 0 : index
    %swap3A_608 = arith.constant 0 : index
    %swap3A_609 = vector.load %arg19[%swap3A_607, %swap3A_608] : memref<9x16xf32, #tpu.memory_space<vmem>>, vector<9x16xf32>
    tpu.vector_store %arg19[%swap3A_607, %swap3A_608], %concatenate3A_606 {strides = array<i32>} : memref<9x16xf32, #tpu.memory_space<vmem>>, vector<9x16xf32>,
    %add3A_610 = arith.addf %div3A_565, %div3A_574 : f32
    %add3A_611 = arith.addf %add3A_610, %div3A_583 : f32
    %broadcast_in_dim3A_612 = vector.broadcast %add3A_611 : f32 to vector<1x16xf32>
    %swap3A_613 = arith.constant 0 : index
    %swap3A_614 = arith.constant 0 : index
    %swap3A_615 = vector.load %arg20[%swap3A_613, %swap3A_614] : memref<1x16xf32, #tpu.memory_space<vmem>>, vector<1x16xf32>
    tpu.vector_store %arg20[%swap3A_613, %swap3A_614], %broadcast_in_dim3A_612 {strides = array<i32>} : memref<1x16xf32, #tpu.memory_space<vmem>>, vector<1x16xf32>,
    return
  }
}

</mosaic_0001>

<sc_bundles>
// kernel: kernel.4.cloned.1.call-start
scs
__scs_entry_jumppad:
0x0: {  	(pc) =	sbr.rel $0x88, $3  }
0x1: {  	(tag) =	ssettag $0x0;
	lr =	simm.s32 $0x1  }
0x2: {  	[smem:$0x3F91] =	sst lr;
	_ =	strace $0xD0000000  }
0x3: {  	_ = 	snop  }
0x4: {  	_ = 	snop  }
0x5: {  	_ = 	snop  }
0x6: {  	_ = 	snop  }
0x7: {  	_ = 	snop  }
__scs_overlays_trampoline_lowered:
0x8: {  	[smem:$0x3FA0] =	sst s0  }
0x9: {  	[smem:$0x3FA1] =	sst s1  }
0xa: {  	[smem:$0x3FA2] =	sst s2  }
0xb: {  	[smem:$0x3FA3] =	sst s3  }
0xc: {  	[smem:$0x3FA4] =	sst s4  }
0xd: {  	[smem:$0x3FA5] =	sst s5  }
0xe: {  	[smem:$0x3FA6] =	sst s6  }
0xf: {  	[smem:$0x3FA7] =	sst s7  }
0x10: {  	[smem:$0x3FA8] =	sst s8  }
0x11: {  	[smem:$0x3FA9] =	sst s9;
	s0 =	simm.s32 @!p0 $0x0  }
0x12: {  	s1 =	sld [smem:$0x3F8F];
	s0 =	simm.s32 @p0 $0x1  }
0x13: {  	[smem:$0x3FAA] =	sst s0;
	s0 =	simm.s32 @!p1 $0x0  }
0x14: {  	s2 =	sld [smem:$0x3F8E];
	s0 =	simm.s32 @p1 $0x1  }
0x15: {  	[smem:$0x3FAB] =	sst s0;
	s0 =	simm.s32 @!p2 $0x0  }
0x16: {  	s3 =	sld [smem:$0x3FDB];
	s0 =	simm.s32 @p2 $0x1  }
0x17: {  	s4 =	simm.s32 $0x1BF5;
	[smem:$0x3FAD] =	sst s0  }
0x18: {  	s0 =	sld [smem:$0x3F90];
	_ =	swait.ge [sflag:s4], $0x0  }
0x19: {  	s7 =	sld [smem:$0x3F91]  }
0x1a: {  	s8 =	sadd.s32 $0xFFFFE003, lr  }
0x1b: {  	s9 =	sadd.s32 $0xFFFFFEF7, lr;
	s5 =	simm.s32 $0xFFFFFFFF;
	p2 =	slt.u32 s8, $0xFFFFF086  }
0x1c: {  	p1 =	slt.u32 s9, $0xF7A;
	s5 =	simm.s32 @!p2 $0x0  }
0x1d: {  	s5 =	simm.s32 @p1 $0x1;
	p0 =	seq.s32 s7, s2  }
0x1e: {  	s7 =	smul.u32 @!p0 $0xF7A, s2;
	p2 =	seq.s32 @!p0 s5, $0x0  }
0x1f: {  	s9 =	smul.u32 $0xF7A, s1;
	s8 =	simm.s32 @!p0 $0x1BF5;
	p2 =	por !p2, p0  }
0x20: {  	[sflag:s8] =	ssyncset.s32 @!p0 $0xFFFFF086;
	s6 =	sadd.s32 @!p0 s3, s7;
	s7 =	simm.s32 @!p0 $0x108  }
0x21: {  	s3 =	sadd.s32 s3, s9;
	s6 =	sadd.s32 @!p0 $0x88, s6;
	s7 =	simm.s32 @p2 $0x1082  }
0x22: {  	[simem:s7], [sflag:s8] =	dma.local @!p0 [hbm:s6], $0xF7A  }
0x23: {  	s9 =	sor.u32 $0xD0000000, s2;
	s6 =	simm.s32 $0x108;
	_ =	swait.ge @!p0 [sflag:s8], $0x0  }
0x24: {  	s3 =	sadd.s32 $0x88, s3;
	s6 =	simm.s32 @!p1 $0x1082;
	[sflag:s4] =	ssyncset.s32 $0xFFFFF086  }
0x25: {  	[simem:s6], [sflag:s4] =	dma.local [hbm:s3], $0xF7A  }
0x26: {  	[smem:$0x3F91] =	sst s1;
	(tag) =	ssettag s2;
	_ =	strace s9  }
0x27: {  	s1 =	sld [smem:$0x3FA1]  }
0x28: {  	s2 =	sld [smem:$0x3FA2]  }
0x29: {  	s4 =	sld [smem:$0x3FA4]  }
0x2a: {  	p0 =	seq.s32 s5, $0x0;
	s5 =	sld [smem:$0x3FA5]  }
0x2b: {  	s6 =	sld [smem:$0x3FA6]  }
0x2c: {  	s7 =	sld [smem:$0x3FA7]  }
0x2d: {  	s3 =	simm.s32 $0x108;
	s8 =	sld [smem:$0x3FA8]  }
0x2e: {  	s3 =	simm.s32 @!p0 $0x1082;
	s9 =	sld [smem:$0x3FA9]  }
0x2f: {  	lr =	sadd.s32 s0, s3;
	s0 =	sld [smem:$0x3FA0]  }
0x30: {  	s3 =	sld [smem:$0x3FA3]  }
0x31: {  	[smem:$0x3FAC] =	sst s10  }
0x32: {  	s10 =	sld [smem:$0x3FAA];
	_ =	sdelay $0x3  }
0x33: {  	p0 =	seq.s32 s10, $0x1;
	s10 =	sld [smem:$0x3FAC];
	_ =	sdelay $0x3  }
0x34: {  	[smem:$0x3FAC] =	sst s10  }
0x35: {  	s10 =	sld [smem:$0x3FAB];
	_ =	sdelay $0x3  }
0x36: {  	p1 =	seq.s32 s10, $0x1;
	s10 =	sld [smem:$0x3FAC];
	_ =	sdelay $0x3  }
0x37: {  	[smem:$0x3FAC] =	sst s10  }
0x38: {  	s10 =	sld [smem:$0x3FAD]  }
0x39: {  	_ = 	snop;
	(pc) =	sbr.ind lr, $3  }
0x3a: {  	_ = 	snop  }
0x3b: {  	_ = 	snop  }
0x3c: {  	p2 =	seq.s32 s10, $0x1;
	s10 =	sld [smem:$0x3FAC]  }
0x3d: {  	_ =	shalt  }
0x3e: {  	_ =	shalt  }
0x3f: {  	_ =	shalt  }
0x40: {  	_ =	shalt  }
0x41: {  	_ =	shalt  }
0x42: {  	_ =	shalt  }
0x43: {  	_ =	shalt  }
0x44: {  	_ =	shalt  }
0x45: {  	_ =	shalt  }
0x46: {  	_ =	shalt  }
0x47: {  	_ =	shalt  }
0x48: {  	_ =	shalt  }
0x49: {  	_ =	shalt  }
0x4a: {  	_ =	shalt  }
0x4b: {  	_ =	shalt  }
0x4c: {  	_ =	shalt  }
0x4d: {  	_ =	shalt  }
0x4e: {  	_ =	shalt  }
0x4f: {  	_ =	shalt  }
0x50: {  	_ =	shalt  }
0x51: {  	_ =	shalt  }
0x52: {  	_ =	shalt  }
0x53: {  	_ =	shalt  }
0x54: {  	_ =	shalt  }
0x55: {  	_ =	shalt  }
0x56: {  	_ =	shalt  }
0x57: {  	_ =	shalt  }
0x58: {  	_ =	shalt  }
0x59: {  	_ =	shalt  }
0x5a: {  	_ =	shalt  }
0x5b: {  	_ =	shalt  }
0x5c: {  	_ =	shalt  }
0x5d: {  	_ =	shalt  }
0x5e: {  	_ =	shalt  }
0x5f: {  	_ =	shalt  }
0x60: {  	_ =	shalt  }
0x61: {  	_ =	shalt  }
0x62: {  	_ =	shalt  }
0x63: {  	_ =	shalt  }
0x64: {  	_ =	shalt  }
0x65: {  	_ =	shalt  }
0x66: {  	_ =	shalt  }
0x67: {  	_ =	shalt  }
0x68: {  	_ =	shalt  }
0x69: {  	_ =	shalt  }
0x6a: {  	_ =	shalt  }
0x6b: {  	_ =	shalt  }
0x6c: {  	_ =	shalt  }
0x6d: {  	_ =	shalt  }
0x6e: {  	_ =	shalt  }
0x6f: {  	_ =	shalt  }
0x70: {  	_ =	shalt  }
0x71: {  	_ =	shalt  }
0x72: {  	_ =	shalt  }
0x73: {  	_ =	shalt  }
0x74: {  	_ =	shalt  }
0x75: {  	_ =	shalt  }
0x76: {  	_ =	shalt  }
0x77: {  	_ =	shalt  }
0x78: {  	_ =	shalt  }
0x79: {  	_ =	shalt  }
0x7a: {  	_ =	shalt  }
0x7b: {  	_ =	shalt  }
0x7c: {  	_ =	shalt  }
0x7d: {  	_ =	shalt  }
0x7e: {  	_ =	shalt  }
0x7f: {  	_ =	shalt  }
0x80: {  	_ =	shalt  }
0x81: {  	_ =	shalt  }
0x82: {  	_ =	shalt  }
0x83: {  	_ =	shalt  }
0x84: {  	_ =	shalt  }
0x85: {  	_ =	shalt  }
0x86: {  	_ =	shalt  }
0x87: {  	_ =	shalt  }
.Lfunc_end0:
.L_simem_size_0:
called_computation_lowered:
.L_overlay_start_0:
0x88: {  	s2 =	sld [smem:$0x3FD9]  }
0x89: {  	s3 =	sld [smem:$0x3FFE];
	_ =	sdelay $0x1  }
0x8a: {  	s1 =	srdreg.scid  }
0x8b: {  	s0 =	sand.u32 $0x1, s1  }
0x8c: {  	s17 =	sshll.u32 s0, $0xA;
	s2 =	sadd.s32 s3, s2  }
0x8d: {  	s2 =	sadd.s32 s2, s17  }
0x8e: {  	[smem:$0x3FB8] =	sst s2  }
0x8f: {  	_ = 	snop  }
0x90: {  	s2 =	sld [smem:$0x3FD0];
	(tm) =	ssettm $0x1  }
0x91: {  	s18 =	sld [smem:$0x3FFB];
	_ =	sdelay $0x3  }
0x92: {  	_ =	strace s18  }
0x93: {  	s3 =	sld [smem:$0x3FFC];
	_ =	sdelay $0x3  }
0x94: {  	_ =	strace s3  }
0x95: {  	s3 =	sld [smem:$0x3FFD];
	_ =	sdelay $0x3  }
0x96: {  	_ =	strace s3  }
0x97: {  	_ =	strace $0x8FFFFFFF  }
0x98: {  	s19 =	sld [smem:$0x3FDB];
	_ =	sdelay $0x1  }
0x99: {  	s4 =	simm.s32 $_scs_section_size  }
0x9a: {  	s5 =	simm.s32 $_size__tile_overlayer_lowered;
	s6 =	simm.s32 $_tile_overlayer_lowered  }
0x9b: {  	s22 =	simm.s32 $0x1BFF;
	s21 =	sshll.u32 s6, $0x1;
	s3 =	sadd.s32 s4, s19  }
0x9c: {  	s7 =	simm.s32 $0x0;
	s20 =	sshll.u32 s5, $0x1;
	s5 =	sadd.s32 s21, s3  }
0x9d: {  	[timem:s7], [sflag:s22] =	dma.local [hbm:s5], s20  }
0x9e: {  	_ =	swait.ge [sflag:s22], s20  }
0x9f: {  	s4 =	ssub.s32 $0x0, s20;
	[sflag:s22] =	ssyncset.done $0x0  }
0xa0: {  	[sflag:s22] =	ssyncadd.s32 s4;
	_ =	sdelay $0x1  }
0xa1: {  	s23 =	simm.s32 $0x1B8B  }
0xa2: {  	_ =	swait.ge [sflag:s23], $0x1  }
0xa3: {  	[sflag:s23] =	ssyncset.done $0x0  }
0xa4: {  	s25 =	simm.s32 $0x1B8E;
	s24 =	sld [smem:$0x3FFE];
	[sflag:s23] =	ssyncadd.s32 $0xFFFFFFFF  }
0xa5: {  	s26 =	simm.s32 $execute0_lowered;
	[smem:$0x3FD2] =	sst s25  }
0xa6: {  	s5 =	sshll.u32 s26, $0x1;
	_ =	strace $0x80000046;
	[dreg:$0x1] =	wrdreg $0xFFFFFFFF  }
0xa7: {  	s28 =	simm.s32 $_size_execute0_lowered;
	s3 =	sadd.s32 s3, s5;
	[dreg:$0x0] =	wrdreg $0x0  }
0xa8: {  	s5 =	sshll.u32 s28, $0x1;
	[dreg:$0x2] =	wrdreg s3  }
0xa9: {  	[dreg:$0x3] =	wrdreg s5  }
0xaa: {  	[dreg:$0x4] =	wrdreg $0xC0  }
0xab: {  	_ =	task [dreg:s7], $0x5FFFF  }
0xac: {  	[dreg:$0x1] =	wrdreg $0xFFFFFFFF  }
0xad: {  	[dreg:$0x0] =	wrdreg $0x60  }
0xae: {  	[dreg:$0x2] =	wrdreg s24  }
0xaf: {  	[dreg:$0x3] =	wrdreg s2  }
0xb0: {  	[dreg:$0x4] =	wrdreg $0x9  }
0xb1: {  	_ =	task.clear_ibuf [dreg:s7], $0x5FFFF;
	_ =	strace $0x90000046  }
0xb2: {  	s29 =	simm.s32 $0x9;
	_ =	strace $0x80000048  }
0xb3: {  	_ =	swait.ge [sflag:s29], $0x1  }
0xb4: {  	[sflag:s29] =	ssyncadd.s32 $0xFFFFFFFF  }
0xb5: {  	_ =	strace $0x90000048  }
0xb6: {  	_ =	sfence  }
0xb7: {  	s30 =	sld [smem:$0x0];
	_ =	sdelay $0x2  }
0xb8: {  	s31 =	sshll.u32 s1, $0xD;
	s1 =	sshrl.u32 s1, $0x2  }
0xb9: {  	s3 =	sand.u32 $0x4000, s31;
	s1 =	sadd.s32 s1, s30  }
0xba: {  	s0 =	sor.u32 s3, s0;
	s1 =	sshll.u32 s1, $0x11  }
0xbb: {  	s0 =	sor.u32 s1, s0  }
0xbc: {  	s0 =	sadd.s32 $0x8F2B, s0  }
0xbd: {  	[sflag:s0] =	ssyncadd.remote.s32 $0x1  }
0xbe: {  	_ =	sfence.sel $0xFFFF  }
0xbf: {  	[dreg:$0x0] =	wrdreg $0xFFFFFFFF;
	(pc) =	sbr.abs _section_cstart, $3  }
0xc0: {  	[dreg:$0x1] =	wrdreg $0xFFFFFFFF  }
0xc1: {  	_ =	task.clear_ibuf [dreg:s7], $0x2FFFF;
	_ =	strace $0x9FFFFFFF  }
0xc2: {  	(tm) =	ssettm $0x7FFFFFFF  }
0xc3: {  	_ =	shalt  }
tec
execute0_lowered:
.L_overlay_start_1:
0x0: {  	(tag) =	ssettag $0x1  }
0x1: {  	s7 =	rddreg [dreg:$0x0]  }
0x2: {  	s1 =	rddreg [dreg:$0x1]  }
0x3: {  	s0 =	rddreg [dreg:$0x2];
	_ =	strace $0x80000047;
	v0 =	vimm.f32 $4.500000000e+01  }
0x4: {  	(erf) = vrcp.f32 v0  }
0x5: {  	s2 =	srdreg.scid  }
0x6: {  	s6 =	sand.u32 $0x1, s2;
	s2 =	stileid.u32  }
0x7: {  	s3 =	sor.u32 s2, s6  }
0x8: {  	p0 =	sne.s32 s3, $0x0  }
.Ltmp0:
0x9: {  	_ = 	snop;
	(pc) =	sbr.rel @p0 .LBB2_21-.Ltmp0, $2  }
0xa: {  	_ =	sdelay $0x2  }
0xb: {  	v0 =	vpop (erf)  }
0xc: {  	v1 =	vimm.f32 $0.0e+00  }
0xd: {  	vm0 =	vcmask $0xF0C;
	vm1 =	vcmask $0x704;
	v2 =	vimm.s32 $0x65432107  }
0xe: {  	vm2 =	vcmask $0xB08;
	vm3 =	vcmask $0x300;
	v5 =	vimm.s32 $0x54321076  }
0xf: {  	vm4 =	vcmask $0xF08;
	vm5 =	vcmask $0x700;
	v7 =	vimm.s32 $0x32107654  }
0x10: {  	vm6 =	vcmask $0x2F20;
	vm7 =	vcmask $0xF00;
	v17 =	vimm.s32 $0x1FF  }
0x11: {  	v18 =	vimm.s32 $0xFFFFFFFF;
	vm13 =	vcmask $0x1724;
	vm14 =	vcmask $0x1B24  }
0x12: {  	vm15 =	vcmask $0x1F24;
	vm0 =	vmor vm1, vm0;
	vm1 =	vcmask $0x1714  }
0x13: {  	v4 =	vunpack.c.l.s4.s8 v2;
	v2 =	vlaneseq.u32;
	v6 =	vunpack.c.l.s4.s8 v5  }
0x14: {  	v9 =	vunpack.c.l.s4.s8 v7;
	v7 =	vimm.s32 $0x0;
	vm0 =	vmor vm0, vm1  }
0x15: {  	vm1 =	vcmask $0x1F1C;
	v3 =	vadd.s32 $0xFFFFFFFF, v2;
	v5 =	vadd.s32 $0xFFFFFFFE, v2  }
0x16: {  	v8 =	vadd.s32 $0xFFFFFFFC, v2;
	v10 =	vadd.s32 $0xFFFFFFF8, v2;
	v11 =	vand.u32 $0x7, v2  }
0x17: {  	v12 =	vor.u32 $0xFFFFFFF0, v2;
	v13 =	vor.u32 $0xFFFFFFE0, v2;
	v14 =	vor.u32 $0xFFFFFFC0, v2  }
0x18: {  	v15 =	vor.u32 $0xFFFFFF80, v2;
	vm0 =	vmor vm0, vm1;
	vm1 =	vcmask $0x2724  }
0x19: {  	v16 =	vor.u32 $0xFFFFFF00, v2;
	vm0 =	vmor vm0, vm1;
	vm1 =	vcmask $0x2F2C  }
0x1a: {  	vm0 =	vmor vm0, vm1;
	vm1 =	vmor vm3, vm2;
	vm2 =	vcmask $0x1310  }
0x1b: {  	vm3 =	vcmask $0x3734;
	vm1 =	vmor vm1, vm2;
	vm2 =	vcmask $0x1B18  }
0x1c: {  	vm0 =	vmor vm0, vm3;
	vm1 =	vmor vm1, vm2;
	vm2 =	vcmask $0x2320  }
0x1d: {  	vm3 =	vcmask $0x3F3C;
	vm1 =	vmor vm1, vm2;
	vm2 =	vcmask $0x2B28  }
0x1e: {  	vm0 =	vmor vm0, vm3;
	vm1 =	vmor vm1, vm2;
	vm2 =	vcmask $0x3330  }
0x1f: {  	vm3 =	vcmask $0x1F18;
	vm1 =	vmor vm1, vm2;
	vm2 =	vcmask $0x3B38  }
0x20: {  	s3 =	sadd.s32 $0x2400, s7;
	vm1 =	vmor vm1, vm2;
	vm2 =	vmor vm4, vm3;
	vm3 =	vcmask $0x2F28  }
0x21: {  	s4 =	sadd.s32 $0x2600, s7;
	s5 =	sadd.s32 $0x2800, s7;
	s8 =	ssub.s32 $0x2, s6;
	v4 =	vunpack.c.0.s8.s32 v4;
	vm4 =	vcmask $0x1710;
	vm2 =	vmor vm2, vm3  }
0x22: {  	s6 =	sadd.s32 $0x2A00, s7;
	s7 =	sadd.s32 $0x2200, s7;
	s10 =	simm.s32 $0x1;
	vm3 =	vcmask $0x3F38;
	vm4 =	vmor vm5, vm4;
	vm5 =	vcmask $0x2720  }
0x23: {  	s11 =	simm.s32 $0x90;
	s12 =	simm.s32 $0x120;
	s13 =	simm.s32 $0x1B0;
	vm4 =	vmor vm4, vm5;
	vm5 =	vcmask $0x3730;
	vm2 =	vmor vm2, vm3  }
0x24: {  	s14 =	simm.s32 $0x240;
	s15 =	simm.s32 $0x250;
	s16 =	simm.s32 $0x450;
	vm3 =	vmor vm4, vm5;
	vm4 =	vcmask $0x3F30;
	vm5 =	vcmask $0x1F10  }
0x25: {  	s17 =	simm.s32 $0x650;
	s18 =	simm.s32 $0x1850;
	s9 =	sshrl.u32 s8, $0x1;
	v6 =	vunpack.c.0.s8.s32 v6;
	v9 =	vunpack.c.0.s8.s32 v9;
	vm4 =	vmor vm5, vm4  }
0x26: {  	s19 =	simm.s32 $0x0;
	s8 =	ssub.s32 s8, s9;
	s9 =	simm.s32 $0x0;
	vm5 =	vmor vm7, vm6;
	vm6 =	vcmask $0x3F20;
	vm7 =	vmmov $0xff  }
.LBB2_2:
0x27: {  	[tilespmem:s9], [sflag:$0x1] =	stream.linear.gather [hbm4b:s3+s9], $0x90, $0x38;
	[tilespmem:$0x1860] =	vst v63  }
0x28: {  	_ =	swait.ge [sflag:s10], $0x90  }
0x29: {  	[sflag:s10] =	ssyncset.done $0x0  }
0x2a: {  	[sflag:s10] =	ssyncadd.s32 $0xFFFFFF70  }
0x2b: {  	[tilespmem:s11], [sflag:$0x1] =	stream.linear.gather [hbm4b:s4+s9], $0x90, $0x38;
	[tilespmem:$0x1860] =	vst v63  }
0x2c: {  	_ =	swait.ge [sflag:s10], $0x90  }
0x2d: {  	[sflag:s10] =	ssyncset.done $0x0  }
0x2e: {  	[sflag:s10] =	ssyncadd.s32 $0xFFFFFF70  }
0x2f: {  	[tilespmem:s12], [sflag:$0x1] =	stream.linear.gather [hbm4b:s5+s9], $0x90, $0x38;
	[tilespmem:$0x1860] =	vst v63  }
0x30: {  	_ =	swait.ge [sflag:s10], $0x90  }
0x31: {  	[sflag:s10] =	ssyncset.done $0x0  }
0x32: {  	[sflag:s10] =	ssyncadd.s32 $0xFFFFFF70  }
0x33: {  	[tilespmem:s13], [sflag:$0x1] =	stream.linear.gather [hbm4b:s6+s9], $0x90, $0x38;
	[tilespmem:$0x1860] =	vst v63  }
0x34: {  	_ =	swait.ge [sflag:s10], $0x90  }
0x35: {  	[sflag:s10] =	ssyncset.done $0x0  }
0x36: {  	[sflag:s10] =	ssyncadd.s32 $0xFFFFFF70  }
0x37: {  	[tilespmem:s14], [sflag:$0x1] =	stream.linear.gather [hbm4b:s7+s9], $0x10, $0x38;
	[tilespmem:$0x1860] =	vst v63  }
0x38: {  	_ =	swait.ge [sflag:s10], $0x10  }
0x39: {  	[sflag:s10] =	ssyncset.done $0x0  }
0x3a: {  	[sflag:s10] =	ssyncadd.s32 $0xFFFFFFF0  }
0x3b: {  	[tilespmem:$0x250] =	vst v1  }
0x3c: {  	[tilespmem:$0x260] =	vst v1  }
0x3d: {  	[tilespmem:$0x270] =	vst v1  }
0x3e: {  	[tilespmem:$0x280] =	vst v1  }
0x3f: {  	[tilespmem:$0x290] =	vst v1  }
0x40: {  	[tilespmem:$0x2A0] =	vst v1  }
0x41: {  	[tilespmem:$0x2B0] =	vst v1  }
0x42: {  	[tilespmem:$0x2C0] =	vst v1  }
0x43: {  	[tilespmem:$0x2D0] =	vst v1  }
0x44: {  	[tilespmem:$0x2E0] =	vst v1  }
0x45: {  	[tilespmem:$0x2F0] =	vst v1  }
0x46: {  	[tilespmem:$0x300] =	vst v1  }
0x47: {  	[tilespmem:$0x310] =	vst v1  }
0x48: {  	[tilespmem:$0x320] =	vst v1  }
0x49: {  	[tilespmem:$0x330] =	vst v1  }
0x4a: {  	[tilespmem:$0x340] =	vst v1  }
0x4b: {  	[tilespmem:$0x350] =	vst v1  }
0x4c: {  	[tilespmem:$0x360] =	vst v1  }
0x4d: {  	[tilespmem:$0x370] =	vst v1  }
0x4e: {  	[tilespmem:$0x380] =	vst v1  }
0x4f: {  	[tilespmem:$0x390] =	vst v1  }
0x50: {  	[tilespmem:$0x3A0] =	vst v1  }
0x51: {  	[tilespmem:$0x3B0] =	vst v1;
	v27 =	vld [tilespmem:$0x80]  }
0x52: {  	[tilespmem:$0x3C0] =	vst v1  }
0x53: {  	[tilespmem:$0x3D0] =	vst v1  }
0x54: {  	[tilespmem:$0x3E0] =	vst v1  }
0x55: {  	[tilespmem:$0x3F0] =	vst v1  }
0x56: {  	[tilespmem:$0x400] =	vst v1;
	v19 =	vbroadcast v27, $0x0  }
0x57: {  	[tilespmem:$0x410] =	vst v1;
	v20 =	vbroadcast v27, $0x1;
	v21 =	vbroadcast v27, $0x2  }
0x58: {  	[tilespmem:$0x420] =	vst v1;
	v22 =	vbroadcast v27, $0x3;
	v23 =	vbroadcast v27, $0x4  }
0x59: {  	s20 =	simm.s32 $0xFFFFFFFC;
	[tilespmem:$0x430] =	vst v1;
	v24 =	vbroadcast v27, $0x5;
	v25 =	vbroadcast v27, $0x6  }
0x5a: {  	s21 =	simm.s32 $0x470;
	s22 =	simm.s32 $0x1680;
	s23 =	simm.s32 $0x0;
	[tilespmem:$0x440] =	vst v1;
	v26 =	vbroadcast v27, $0x7;
	v27 =	vbroadcast v27, $0x8  }
.LBB2_3:
0x5b: {  	v28 =	vadd.s32 s23, v3;
	v29 =	vadd.s32 s23, v5  }
0x5c: {  	v30 =	vadd.s32 s23, v8;
	v31 =	vadd.s32 s23, v10;
	v28 =	vand.u32 $0xFFFFFFF8, v28  }
0x5d: {  	v32 =	vmov s23;
	v29 =	vand.u32 $0xFFFFFFF8, v29;
	v28 =	vor.u32 v4, v28  }
0x5e: {  	v34 =	vadd.s32 s23, v14;
	v30 =	vand.u32 $0xFFFFFFF8, v30;
	v29 =	vor.u32 v6, v29  }
0x5f: {  	v31 =	vand.u32 $0xFFFFFFF8, v31;
	v33 =	vand.u32 $0x40, v32;
	v30 =	vor.u32 v9, v30  }
0x60: {  	v52 =	vand.u32 $0xFFFFFFC8, v34;
	v31 =	vor.u32 v11, v31;
	vm9 =	vne.s32 v33, $0x0  }
0x61: {  	v33 =	vor.u32 v11, v52  }
0x62: {  	v28 =	vld.idx.msk [tilespmem:v28+s15+$0x0], vm0  }
0x63: {  	v29 =	vld.idx.msk [tilespmem:v29+s15+$0x0], vm2  }
0x64: {  	v30 =	vld.idx.msk [tilespmem:v30+s15+$0x0], vm4  }
0x65: {  	v31 =	vld.idx.msk [tilespmem:v31+s15+$0x0], vm6  }
0x66: {  	v54 =	vadd.s32 s23, v16;
	s24 =	sadd.s32 $0x10, s23;
	v33 =	vld.idx.msk [tilespmem:v33+s15+$0x0], vm9  }
0x67: {  	v35 =	vadd.s32 s23, v15;
	v55 =	vand.u32 $0xFFFFFFC8, v54;
	v36 =	vadd.s32 s24, v5  }
0x68: {  	v56 =	vadd.s32 s24, v3;
	v60 =	vadd.s32 s24, v8;
	v36 =	vand.u32 $0xFFFFFFF8, v36  }
0x69: {  	v61 =	vadd.s32 s24, v10;
	v58 =	vor.u32 v6, v36;
	v28 =	vadd.f32 v28, v19  }
0x6a: {  	v36 =	vand.u32 $0xFFFFFFF8, v61;
	v29 =	vadd.f32 v29, v20;
	v30 =	vadd.f32 v30, v21  }
0x6b: {  	v62 =	vor.u32 v11, v36;
	v31 =	vadd.f32 v31, v22;
	v33 =	vadd.f32 v33, v25  }
0x6c: {  	v28 =	vsel vm1, $0xF149F2CA, v28;
	v29 =	vsel vm3, $0xF149F2CA, v29;
	v30 =	vsel vm5, $0xF149F2CA, v30  }
0x6d: {  	v57 =	vsel vm7, $0xF149F2CA, v31;
	v28 =	vmax.f32 v28, $-1.000000020e+30;
	v33 =	vnsel vm9, $0xF149F2CA, v33  }
0x6e: {  	vm8 =	vgt.f32 v29, v28;
	v28 =	vmax.f32 v28, v29;
	v29 =	vand.u32 $0x80, v32  }
0x6f: {  	v53 =	vsel vm8, $0x1, v7;
	vm10 =	vne.s32 v29, $0x0;
	v29 =	vand.u32 $0xFFFFFFC8, v35  }
0x70: {  	vm8 =	vgt.u32 v32, $0xFF;
	v32 =	vor.u32 v11, v55;
	v35 =	vand.u32 $0xFFFFFFF8, v56  }
0x71: {  	vm11 =	vgt.f32 v30, v28;
	v28 =	vmax.f32 v28, v30;
	v29 =	vor.u32 v11, v29  }
0x72: {  	s30 =	sadd.s32 $0x20, s23;
	v35 =	vor.u32 v4, v35;
	v34 =	vsel vm11, $0x2, v53;
	vm11 =	vgt.f32 v57, v28  }
0x73: {  	v28 =	vmax.f32 v28, v57;
	v53 =	vadd.s32 s30, v3;
	v59 =	vsel vm11, $0x3, v34  }
0x74: {  	vm11 =	vlt.f32 v28, $-1.000000020e+30;
	v28 =	vmax.f32 v28, $-1.000000020e+30;
	v34 =	vand.u32 $0xFFFFFFF8, v60  }
0x75: {  	v36 =	vand.u32 $0xFFFFFFF8, v53;
	v30 =	vsel vm11, $0x4, v59;
	vm11 =	vlt.f32 v28, $-1.000000020e+30  }
0x76: {  	v34 =	vor.u32 v9, v34;
	vm9 =	vgt.f32 v33, v28;
	v28 =	vmax.f32 v28, v33;
	v33 =	vld.idx.msk [tilespmem:v62+s15+$0x0], vm6  }
0x77: {  	v42 =	vadd.s32 s24, v12;
	v36 =	vor.u32 v4, v36;
	v29 =	vld.idx.msk [tilespmem:v29+s15+$0x0], vm10  }
0x78: {  	v43 =	vmov s24;
	v38 =	vadd.s32 s24, v14;
	v48 =	vadd.s32 s24, v15;
	v32 =	vld.idx.msk [tilespmem:v32+s15+$0x0], vm8  }
0x79: {  	v54 =	vadd.s32 s30, v5;
	v40 =	vadd.s32 s30, v14;
	v37 =	vand.u32 $0x40, v43;
	v35 =	vld.idx.msk [tilespmem:v35+s15+$0x0], vm0  }
0x7a: {  	v44 =	vand.u32 $0xFFFFFFD8, v38;
	v47 =	vand.u32 $0x80, v43;
	v49 =	vand.u32 $0xFFFFFFD8, v48;
	v31 =	vld.idx.msk [tilespmem:v58+s15+$0x0], vm2  }
0x7b: {  	v52 =	vadd.s32 s24, v16;
	v46 =	vor.u32 v11, v44;
	v58 =	vadd.s32 s30, v8;
	v34 =	vld.idx.msk [tilespmem:v34+s15+$0x0], vm4  }
0x7c: {  	v59 =	vadd.s32 s30, v10;
	v30 =	vsel vm11, $0x5, v30;
	v33 =	vadd.f32 v33, v22;
	v36 =	vld.idx.msk [tilespmem:v36+s15+$0x0], vm0  }
0x7d: {  	v30 =	vsel vm9, $0x6, v30;
	v29 =	vadd.f32 v29, v26;
	v32 =	vadd.f32 v32, v27  }
0x7e: {  	v51 =	vsel vm7, $0xF149F2CA, v33;
	v33 =	vand.u32 $0xFFFFFFD8, v52;
	v35 =	vadd.f32 v35, v19  }
0x7f: {  	v33 =	vor.u32 v11, v33;
	v29 =	vnsel vm10, $0xF149F2CA, v29;
	v63 =	vnsel vm8, $0xF149F2CA, v32  }
0x80: {  	v41 =	vsel vm1, $0xF149F2CA, v35;
	v35 =	vand.u32 $0x1C8, v42;
	v34 =	vadd.f32 v34, v21  }
0x81: {  	v61 =	vadd.f32 v36, v19;
	v42 =	vadd.s32 s30, v15;
	vm9 =	vgt.f32 v29, v28  }
0x82: {  	v29 =	vmax.f32 v28, v29;
	v28 =	vadd.f32 v31, v20;
	v32 =	vmax.f32 v41, $-1.000000020e+30  }
0x83: {  	v35 =	vor.u32 v11, v35;
	v30 =	vsel vm9, $0x7, v30;
	vm9 =	vne.s32 v37, $0x0  }
0x84: {  	v45 =	vsel vm5, $0xF149F2CA, v34;
	vm11 =	vgt.f32 v63, v29;
	v37 =	vor.u32 v11, v49  }
0x85: {  	v29 =	vmax.f32 v29, v63;
	v63 =	vmov s30;
	v28 =	vsel vm3, $0xF149F2CA, v28  }
0x86: {  	v31 =	vsel vm1, $0xF149F2CA, v61;
	vm8 =	vgt.f32 v28, v32;
	v28 =	vmax.f32 v32, v28  }
0x87: {  	v39 =	vsel vm8, $0x1, v7;
	vm10 =	vgt.f32 v45, v28;
	vm8 =	vne.s32 v47, $0x0  }
0x88: {  	s31 =	sadd.s32 $0x30, s23;
	v49 =	vand.u32 $0xFFFFFFE8, v42;
	v35 =	vld.idx.msk [tilespmem:v35+s15+$0x0], $0xffff;
	v50 =	vsel vm10, $0x2, v39;
	v39 =	vand.u32 $0xFFFFFFF8, v54  }
0x89: {  	v61 =	vadd.s32 s31, v10;
	vm10 =	vgt.u32 v43, $0xFF;
	v56 =	vor.u32 v6, v39  }
0x8a: {  	v31 =	vmax.f32 v31, $-1.000000020e+30;
	v41 =	vand.u32 $0x80, v63;
	v52 =	vor.u32 v11, v49;
	v34 =	vld.idx.msk [tilespmem:v46+s15+$0x0], vm9  }
0x8b: {  	v28 =	vmax.f32 v28, v45;
	v45 =	vadd.s32 s30, v13;
	v47 =	vand.u32 $0xFFFFFFE8, v40  }
0x8c: {  	vm12 =	vgt.f32 v51, v28;
	v28 =	vmax.f32 v28, v51;
	v39 =	vand.u32 $0xFFFFFFF8, v59  }
0x8d: {  	v38 =	vsel vm12, $0x3, v50;
	v60 =	vor.u32 v11, v39;
	v35 =	vadd.f32 v35, v23;
	v55 =	vld.idx.msk [tilespmem:v37+s15+$0x0], vm8  }
0x8e: {  	v46 =	vand.u32 $0x40, v63;
	v39 =	vor.u32 v11, v47;
	v37 =	vld.idx.msk [tilespmem:v56+s15+$0x0], vm2;
	v56 =	vadd.s32 s31, v3  }
0x8f: {  	v33 =	vld.idx.msk [tilespmem:v33+s15+$0x0], vm10;
	vm12 =	vgt.f32 v35, v28;
	v35 =	vmax.f32 v28, v35;
	v34 =	vadd.f32 v34, v25  }
0x90: {  	v28 =	vsel vm11, $0x8, v30;
	v38 =	vsel vm12, $0x4, v38;
	vm12 =	vlt.f32 v35, $-1.000000020e+30  }
0x91: {  	v36 =	vand.u32 $0xFFFFFFF8, v56;
	v57 =	vsel vm12, $0x5, v38;
	v38 =	vand.u32 $0xFFFFFFF8, v58  }
0x92: {  	v35 =	vmax.f32 v35, $-1.000000020e+30;
	v36 =	vor.u32 v4, v36;
	v38 =	vor.u32 v9, v38  }
0x93: {  	v34 =	vnsel vm9, $0xF149F2CA, v34;
	v58 =	vadd.s32 s31, v5;
	v32 =	vadd.f32 v55, v26  }
0x94: {  	vm9 =	vgt.f32 v34, v35;
	v34 =	vmax.f32 v35, v34;
	v33 =	vadd.f32 v33, v27  }
0x95: {  	v35 =	vld.idx.msk [tilespmem:v60+s15+$0x0], vm6;
	v55 =	vadd.s32 s30, v16;
	v60 =	vadd.s32 s31, v8;
	v62 =	vadd.f32 v37, v20  }
0x96: {  	v32 =	vnsel vm8, $0xF149F2CA, v32;
	v33 =	vnsel vm10, $0xF149F2CA, v33;
	vm10 =	vne.s32 v46, $0x0  }
0x97: {  	v30 =	vsel vm9, $0x6, v57;
	vm9 =	vne.s32 v41, $0x0;
	vm8 =	vgt.f32 v32, v34;
	v44 =	vld.idx.msk [tilespmem:v38+s15+$0x0], vm4  }
0x98: {  	v32 =	vmax.f32 v34, v32;
	v34 =	vsel vm3, $0xF149F2CA, v62;
	v38 =	vand.u32 $0x1C8, v45  }
0x99: {  	v62 =	vadd.s32 s31, v12;
	v30 =	vsel vm8, $0x7, v30;
	v38 =	vor.u32 v11, v38  }
0x9a: {  	vm8 =	vgt.f32 v34, v31;
	vm11 =	vgt.f32 v33, v32;
	v31 =	vmax.f32 v31, v34  }
0x9b: {  	v34 =	vand.u32 $0xFFFFFFE8, v55;
	v32 =	vmax.f32 v32, v33;
	v40 =	vand.u32 $0x1E8, v62  }
0x9c: {  	v48 =	vsel vm8, $0x1, v7;
	v35 =	vadd.f32 v35, v22;
	v39 =	vld.idx.msk [tilespmem:v39+s15+$0x0], vm10;
	v37 =	vadd.f32 v44, v21  }
0x9d: {  	v30 =	vsel vm11, $0x8, v30;
	v34 =	vor.u32 v11, v34;
	v40 =	vor.u32 v11, v40  }
0x9e: {  	v53 =	vsel vm7, $0xF149F2CA, v35;
	v44 =	vadd.s32 s31, v14;
	v51 =	vld.idx.msk [tilespmem:v38+s15+$0x0], $0xffff;
	v50 =	vsel vm5, $0xF149F2CA, v37  }
0x9f: {  	v38 =	vld.idx.msk [tilespmem:v52+s15+$0x0], vm9;
	v49 =	vand.u32 $0xFFFFFFF8, v44;
	vm8 =	vgt.f32 v50, v31;
	v31 =	vmax.f32 v31, v50  }
0xa0: {  	v54 =	vsel vm8, $0x2, v48;
	vm8 =	vgt.f32 v53, v31;
	v31 =	vmax.f32 v31, v53  }
0xa1: {  	v39 =	vadd.f32 v39, v25;
	v48 =	vadd.s32 s31, v13;
	v35 =	vsel vm8, $0x3, v54  }
0xa2: {  	vm8 =	vgt.u32 v63, $0xFF;
	vm11 =	vlt.f32 v31, $-1.000000020e+30;
	v31 =	vmax.f32 v31, $-1.000000020e+30  }
0xa3: {  	v63 =	vmov s31;
	v42 =	vand.u32 $0x1D8, v48;
	v37 =	vadd.f32 v51, v24  }
0xa4: {  	v35 =	vsel vm11, $0x4, v35;
	v59 =	vnsel vm10, $0xF149F2CA, v39;
	v38 =	vadd.f32 v38, v26  }
0xa5: {  	v39 =	vand.u32 $0xFFFFFFF8, v61;
	v43 =	vand.u32 $0x40, v63;
	v42 =	vor.u32 v11, v42  }
0xa6: {  	v50 =	vand.u32 $0x80, v63;
	v51 =	vadd.s32 s31, v15;
	v39 =	vor.u32 v11, v39  }
0xa7: {  	v44 =	vand.u32 $0xFFFFFFF8, v51;
	vm11 =	vgt.f32 v37, v31;
	v31 =	vmax.f32 v31, v37  }
0xa8: {  	v38 =	vnsel vm9, $0xF149F2CA, v38;
	v37 =	vand.u32 $0xFFFFFFF8, v60;
	v57 =	vsel vm11, $0x5, v35  }
0xa9: {  	v36 =	vld.idx.msk [tilespmem:v36+s15+$0x0], vm0;
	v35 =	vand.u32 $0xFFFFFFF8, v58;
	vm10 =	vgt.f32 v59, v31;
	v37 =	vor.u32 v9, v37  }
0xaa: {  	v40 =	vld.idx.msk [tilespmem:v40+s15+$0x0], $0xffff;
	v31 =	vmax.f32 v31, v59;
	vm11 =	vne.s32 v43, $0x0;
	v35 =	vor.u32 v6, v35  }
0xab: {  	v43 =	vor.u32 v11, v49;
	v33 =	vsel vm10, $0x6, v57;
	vm10 =	vne.s32 v50, $0x0;
	v34 =	vld.idx.msk [tilespmem:v34+s15+$0x0], vm8  }
0xac: {  	v52 =	vadd.s32 s31, v16;
	v44 =	vor.u32 v11, v44;
	vm9 =	vgt.f32 v38, v31;
	v42 =	vld.idx.msk [tilespmem:v42+s15+$0x0], $0xffff  }
0xad: {  	v41 =	vand.u32 $0xFFFFFFF8, v52;
	v33 =	vsel vm9, $0x7, v33;
	vm9 =	vgt.u32 v63, $0xFF;
	v39 =	vld.idx.msk [tilespmem:v39+s15+$0x0], vm6  }
0xae: {  	v41 =	vor.u32 v11, v41;
	v37 =	vld.idx.msk [tilespmem:v37+s15+$0x0], vm4  }
0xaf: {  	v36 =	vadd.f32 v36, v19;
	v35 =	vld.idx.msk [tilespmem:v35+s15+$0x0], vm2  }
0xb0: {  	v43 =	vld.idx.msk [tilespmem:v43+s15+$0x0], vm11  }
0xb1: {  	v36 =	vsel vm1, $0xF149F2CA, v36;
	v56 =	vld.idx.msk [tilespmem:v44+s15+$0x0], vm10  }
0xb2: {  	v36 =	vmax.f32 v36, $-1.000000020e+30;
	v34 =	vadd.f32 v34, v27  }
0xb3: {  	v55 =	vadd.f32 v40, v23;
	v31 =	vmax.f32 v31, v38;
	v39 =	vadd.f32 v39, v22;
	v41 =	vld.idx.msk [tilespmem:v41+s15+$0x0], vm9  }
0xb4: {  	v57 =	vadd.f32 v42, v24;
	v34 =	vnsel vm8, $0xF149F2CA, v34;
	v37 =	vadd.f32 v37, v21  }
0xb5: {  	v54 =	vsel vm7, $0xF149F2CA, v39;
	v35 =	vadd.f32 v35, v20;
	v58 =	vadd.f32 v43, v25  }
0xb6: {  	v62 =	vmax.f32 v31, v34;
	v37 =	vsel vm5, $0xF149F2CA, v37;
	v60 =	vadd.f32 v56, v26  }
0xb7: {  	v35 =	vsel vm3, $0xF149F2CA, v35;
	v59 =	vnsel vm11, $0xF149F2CA, v58;
	vm11 =	vgt.f32 v34, v31  }
0xb8: {  	v61 =	vadd.f32 v41, v27;
	vm8 =	vgt.f32 v35, v36;
	v35 =	vmax.f32 v36, v35  }
0xb9: {  	v53 =	vsel vm8, $0x1, v7;
	vm8 =	vgt.f32 v37, v35;
	v35 =	vmax.f32 v35, v37  }
0xba: {  	v36 =	vsel vm8, $0x2, v53;
	vm8 =	vgt.f32 v54, v35;
	v35 =	vmax.f32 v35, v54  }
0xbb: {  	[tilespmem:s21+$0xFFFFFFE0] =	vst v29;
	v36 =	vsel vm8, $0x3, v36;
	vm8 =	vgt.f32 v55, v35;
	v35 =	vmax.f32 v35, v55  }
0xbc: {  	s20 =	sadd.s32 $0x4, s20;
	[tilespmem:s22+$0xFFFFFFD0] =	vst v28;
	v33 =	vsel vm11, $0x8, v33;
	v36 =	vsel vm8, $0x4, v36;
	vm8 =	vgt.f32 v57, v35  }
0xbd: {  	p0 =	slt.u32 s20, $0x1C;
	[tilespmem:s21+$0xFFFFFFF0] =	vst v32;
	v63 =	vnsel vm9, $0xF149F2CA, v61;
	v29 =	vmax.f32 v35, v57;
	v28 =	vsel vm8, $0x5, v36  }
.Ltmp1:
0xbe: {  	[tilespmem:s22+$0xFFFFFFE0] =	vst v30;
	vm8 =	vgt.f32 v59, v29;
	v36 =	vnsel vm10, $0xF149F2CA, v60;
	v29 =	vmax.f32 v29, v59;
	(pc) =	sbr.rel @p0 .LBB2_3-.Ltmp1, $4  }
0xbf: {  	[tilespmem:s21+$0x0] =	vst v62;
	v28 =	vsel vm8, $0x6, v28;
	vm8 =	vgt.f32 v36, v29;
	v29 =	vmax.f32 v29, v36  }
0xc0: {  	[tilespmem:s22+$0xFFFFFFF0] =	vst v33;
	v28 =	vsel vm8, $0x7, v28;
	vm8 =	vgt.f32 v63, v29;
	v29 =	vmax.f32 v29, v63  }
0xc1: {  	v28 =	vsel vm8, $0x8, v28;
	[tilespmem:s21+$0x10] =	vst v29  }
0xc2: {  	s23 =	sadd.s32 $0x40, s23;
	s21 =	sadd.s32 $0x40, s21;
	[tilespmem:s22+$0x0] =	vst v28;
	s22 =	sadd.s32 $0x40, s22  }
0xc3: {  	v27 =	vld [tilespmem:$0x70];
	_ =	sdelay $0x4  }
0xc4: {  	v19 =	vbroadcast v27, $0x0  }
0xc5: {  	v20 =	vbroadcast v27, $0x1;
	v21 =	vbroadcast v27, $0x2  }
0xc6: {  	v22 =	vbroadcast v27, $0x3;
	v23 =	vbroadcast v27, $0x4  }
0xc7: {  	s20 =	simm.s32 $0xFFFFFFFC;
	v24 =	vbroadcast v27, $0x5;
	v25 =	vbroadcast v27, $0x6  }
0xc8: {  	s21 =	simm.s32 $0x0;
	s22 =	simm.s32 $0x270;
	s23 =	simm.s32 $0x1480;
	v26 =	vbroadcast v27, $0x7;
	v27 =	vbroadcast v27, $0x8  }
.LBB2_5:
0xc9: {  	v28 =	vadd.s32 s21, v3;
	v29 =	vadd.s32 s21, v5  }
0xca: {  	v30 =	vadd.s32 s21, v8;
	v31 =	vadd.s32 s21, v10;
	v28 =	vand.u32 $0xFFFFFFF8, v28  }
0xcb: {  	v32 =	vmov s21;
	v29 =	vand.u32 $0xFFFFFFF8, v29;
	v28 =	vor.u32 v4, v28  }
0xcc: {  	v34 =	vadd.s32 s21, v14;
	v30 =	vand.u32 $0xFFFFFFF8, v30;
	v29 =	vor.u32 v6, v29  }
0xcd: {  	v31 =	vand.u32 $0xFFFFFFF8, v31;
	v33 =	vand.u32 $0x40, v32;
	v30 =	vor.u32 v9, v30  }
0xce: {  	v52 =	vand.u32 $0xFFFFFFC8, v34;
	v31 =	vor.u32 v11, v31;
	vm9 =	vne.s32 v33, $0x0  }
0xcf: {  	v33 =	vor.u32 v11, v52  }
0xd0: {  	v28 =	vld.idx.msk [tilespmem:v28+s16+$0x0], vm0  }
0xd1: {  	v29 =	vld.idx.msk [tilespmem:v29+s16+$0x0], vm2  }
0xd2: {  	v30 =	vld.idx.msk [tilespmem:v30+s16+$0x0], vm4  }
0xd3: {  	v31 =	vld.idx.msk [tilespmem:v31+s16+$0x0], vm6  }
0xd4: {  	v54 =	vadd.s32 s21, v16;
	s24 =	sadd.s32 $0x10, s21;
	v33 =	vld.idx.msk [tilespmem:v33+s16+$0x0], vm9  }
0xd5: {  	v35 =	vadd.s32 s21, v15;
	v55 =	vand.u32 $0xFFFFFFC8, v54;
	v36 =	vadd.s32 s24, v5  }
0xd6: {  	v56 =	vadd.s32 s24, v3;
	v60 =	vadd.s32 s24, v8;
	v36 =	vand.u32 $0xFFFFFFF8, v36  }
0xd7: {  	v61 =	vadd.s32 s24, v10;
	v58 =	vor.u32 v6, v36;
	v28 =	vadd.f32 v28, v19  }
0xd8: {  	v36 =	vand.u32 $0xFFFFFFF8, v61;
	v29 =	vadd.f32 v29, v20;
	v30 =	vadd.f32 v30, v21  }
0xd9: {  	v62 =	vor.u32 v11, v36;
	v31 =	vadd.f32 v31, v22;
	v33 =	vadd.f32 v33, v25  }
0xda: {  	v28 =	vsel vm1, $0xF149F2CA, v28;
	v29 =	vsel vm3, $0xF149F2CA, v29;
	v30 =	vsel vm5, $0xF149F2CA, v30  }
0xdb: {  	v57 =	vsel vm7, $0xF149F2CA, v31;
	v28 =	vmax.f32 v28, $-1.000000020e+30;
	v33 =	vnsel vm9, $0xF149F2CA, v33  }
0xdc: {  	vm8 =	vgt.f32 v29, v28;
	v28 =	vmax.f32 v28, v29;
	v29 =	vand.u32 $0x80, v32  }
0xdd: {  	v53 =	vsel vm8, $0x1, v7;
	vm10 =	vne.s32 v29, $0x0;
	v29 =	vand.u32 $0xFFFFFFC8, v35  }
0xde: {  	vm8 =	vgt.u32 v32, $0xFF;
	v32 =	vor.u32 v11, v55;
	v35 =	vand.u32 $0xFFFFFFF8, v56  }
0xdf: {  	vm11 =	vgt.f32 v30, v28;
	v28 =	vmax.f32 v28, v30;
	v29 =	vor.u32 v11, v29  }
0xe0: {  	s30 =	sadd.s32 $0x20, s21;
	v35 =	vor.u32 v4, v35;
	v34 =	vsel vm11, $0x2, v53;
	vm11 =	vgt.f32 v57, v28  }
0xe1: {  	v28 =	vmax.f32 v28, v57;
	v53 =	vadd.s32 s30, v3;
	v59 =	vsel vm11, $0x3, v34  }
0xe2: {  	vm11 =	vlt.f32 v28, $-1.000000020e+30;
	v28 =	vmax.f32 v28, $-1.000000020e+30;
	v34 =	vand.u32 $0xFFFFFFF8, v60  }
0xe3: {  	v36 =	vand.u32 $0xFFFFFFF8, v53;
	v30 =	vsel vm11, $0x4, v59;
	vm11 =	vlt.f32 v28, $-1.000000020e+30  }
0xe4: {  	v34 =	vor.u32 v9, v34;
	vm9 =	vgt.f32 v33, v28;
	v28 =	vmax.f32 v28, v33;
	v33 =	vld.idx.msk [tilespmem:v62+s16+$0x0], vm6  }
0xe5: {  	v42 =	vadd.s32 s24, v12;
	v36 =	vor.u32 v4, v36;
	v29 =	vld.idx.msk [tilespmem:v29+s16+$0x0], vm10  }
0xe6: {  	v43 =	vmov s24;
	v38 =	vadd.s32 s24, v14;
	v48 =	vadd.s32 s24, v15;
	v32 =	vld.idx.msk [tilespmem:v32+s16+$0x0], vm8  }
0xe7: {  	v54 =	vadd.s32 s30, v5;
	v40 =	vadd.s32 s30, v14;
	v37 =	vand.u32 $0x40, v43;
	v35 =	vld.idx.msk [tilespmem:v35+s16+$0x0], vm0  }
0xe8: {  	v44 =	vand.u32 $0xFFFFFFD8, v38;
	v47 =	vand.u32 $0x80, v43;
	v49 =	vand.u32 $0xFFFFFFD8, v48;
	v31 =	vld.idx.msk [tilespmem:v58+s16+$0x0], vm2  }
0xe9: {  	v52 =	vadd.s32 s24, v16;
	v46 =	vor.u32 v11, v44;
	v58 =	vadd.s32 s30, v8;
	v34 =	vld.idx.msk [tilespmem:v34+s16+$0x0], vm4  }
0xea: {  	v59 =	vadd.s32 s30, v10;
	v30 =	vsel vm11, $0x5, v30;
	v33 =	vadd.f32 v33, v22;
	v36 =	vld.idx.msk [tilespmem:v36+s16+$0x0], vm0  }
0xeb: {  	v30 =	vsel vm9, $0x6, v30;
	v29 =	vadd.f32 v29, v26;
	v32 =	vadd.f32 v32, v27  }
0xec: {  	v51 =	vsel vm7, $0xF149F2CA, v33;
	v33 =	vand.u32 $0xFFFFFFD8, v52;
	v35 =	vadd.f32 v35, v19  }
0xed: {  	v33 =	vor.u32 v11, v33;
	v29 =	vnsel vm10, $0xF149F2CA, v29;
	v63 =	vnsel vm8, $0xF149F2CA, v32  }
0xee: {  	v41 =	vsel vm1, $0xF149F2CA, v35;
	v35 =	vand.u32 $0x1C8, v42;
	v34 =	vadd.f32 v34, v21  }
0xef: {  	v61 =	vadd.f32 v36, v19;
	v42 =	vadd.s32 s30, v15;
	vm9 =	vgt.f32 v29, v28  }
0xf0: {  	v29 =	vmax.f32 v28, v29;
	v28 =	vadd.f32 v31, v20;
	v32 =	vmax.f32 v41, $-1.000000020e+30  }
0xf1: {  	v35 =	vor.u32 v11, v35;
	v30 =	vsel vm9, $0x7, v30;
	vm9 =	vne.s32 v37, $0x0  }
0xf2: {  	v45 =	vsel vm5, $0xF149F2CA, v34;
	vm11 =	vgt.f32 v63, v29;
	v37 =	vor.u32 v11, v49  }
0xf3: {  	v29 =	vmax.f32 v29, v63;
	v63 =	vmov s30;
	v28 =	vsel vm3, $0xF149F2CA, v28  }
0xf4: {  	v31 =	vsel vm1, $0xF149F2CA, v61;
	vm8 =	vgt.f32 v28, v32;
	v28 =	vmax.f32 v32, v28  }
0xf5: {  	v39 =	vsel vm8, $0x1, v7;
	vm10 =	vgt.f32 v45, v28;
	vm8 =	vne.s32 v47, $0x0  }
0xf6: {  	s31 =	sadd.s32 $0x30, s21;
	v49 =	vand.u32 $0xFFFFFFE8, v42;
	v35 =	vld.idx.msk [tilespmem:v35+s16+$0x0], $0xffff;
	v50 =	vsel vm10, $0x2, v39;
	v39 =	vand.u32 $0xFFFFFFF8, v54  }
0xf7: {  	v61 =	vadd.s32 s31, v10;
	vm10 =	vgt.u32 v43, $0xFF;
	v56 =	vor.u32 v6, v39  }
0xf8: {  	v31 =	vmax.f32 v31, $-1.000000020e+30;
	v41 =	vand.u32 $0x80, v63;
	v52 =	vor.u32 v11, v49;
	v34 =	vld.idx.msk [tilespmem:v46+s16+$0x0], vm9  }
0xf9: {  	v28 =	vmax.f32 v28, v45;
	v45 =	vadd.s32 s30, v13;
	v47 =	vand.u32 $0xFFFFFFE8, v40  }
0xfa: {  	vm12 =	vgt.f32 v51, v28;
	v28 =	vmax.f32 v28, v51;
	v39 =	vand.u32 $0xFFFFFFF8, v59  }
0xfb: {  	v38 =	vsel vm12, $0x3, v50;
	v60 =	vor.u32 v11, v39;
	v35 =	vadd.f32 v35, v23;
	v55 =	vld.idx.msk [tilespmem:v37+s16+$0x0], vm8  }
0xfc: {  	v46 =	vand.u32 $0x40, v63;
	v39 =	vor.u32 v11, v47;
	v37 =	vld.idx.msk [tilespmem:v56+s16+$0x0], vm2;
	v56 =	vadd.s32 s31, v3  }
0xfd: {  	v33 =	vld.idx.msk [tilespmem:v33+s16+$0x0], vm10;
	vm12 =	vgt.f32 v35, v28;
	v35 =	vmax.f32 v28, v35;
	v34 =	vadd.f32 v34, v25  }
0xfe: {  	v28 =	vsel vm11, $0x8, v30;
	v38 =	vsel vm12, $0x4, v38;
	vm12 =	vlt.f32 v35, $-1.000000020e+30  }
0xff: {  	v36 =	vand.u32 $0xFFFFFFF8, v56;
	v57 =	vsel vm12, $0x5, v38;
	v38 =	vand.u32 $0xFFFFFFF8, v58  }
0x100: {  	v35 =	vmax.f32 v35, $-1.000000020e+30;
	v36 =	vor.u32 v4, v36;
	v38 =	vor.u32 v9, v38  }
0x101: {  	v34 =	vnsel vm9, $0xF149F2CA, v34;
	v58 =	vadd.s32 s31, v5;
	v32 =	vadd.f32 v55, v26  }
0x102: {  	vm9 =	vgt.f32 v34, v35;
	v34 =	vmax.f32 v35, v34;
	v33 =	vadd.f32 v33, v27  }
0x103: {  	v35 =	vld.idx.msk [tilespmem:v60+s16+$0x0], vm6;
	v55 =	vadd.s32 s30, v16;
	v60 =	vadd.s32 s31, v8;
	v62 =	vadd.f32 v37, v20  }
0x104: {  	v32 =	vnsel vm8, $0xF149F2CA, v32;
	v33 =	vnsel vm10, $0xF149F2CA, v33;
	vm10 =	vne.s32 v46, $0x0  }
0x105: {  	v30 =	vsel vm9, $0x6, v57;
	vm9 =	vne.s32 v41, $0x0;
	vm8 =	vgt.f32 v32, v34;
	v44 =	vld.idx.msk [tilespmem:v38+s16+$0x0], vm4  }
0x106: {  	v32 =	vmax.f32 v34, v32;
	v34 =	vsel vm3, $0xF149F2CA, v62;
	v38 =	vand.u32 $0x1C8, v45  }
0x107: {  	v62 =	vadd.s32 s31, v12;
	v30 =	vsel vm8, $0x7, v30;
	v38 =	vor.u32 v11, v38  }
0x108: {  	vm8 =	vgt.f32 v34, v31;
	vm11 =	vgt.f32 v33, v32;
	v31 =	vmax.f32 v31, v34  }
0x109: {  	v34 =	vand.u32 $0xFFFFFFE8, v55;
	v32 =	vmax.f32 v32, v33;
	v40 =	vand.u32 $0x1E8, v62  }
0x10a: {  	v48 =	vsel vm8, $0x1, v7;
	v35 =	vadd.f32 v35, v22;
	v39 =	vld.idx.msk [tilespmem:v39+s16+$0x0], vm10;
	v37 =	vadd.f32 v44, v21  }
0x10b: {  	v30 =	vsel vm11, $0x8, v30;
	v34 =	vor.u32 v11, v34;
	v40 =	vor.u32 v11, v40  }
0x10c: {  	v53 =	vsel vm7, $0xF149F2CA, v35;
	v44 =	vadd.s32 s31, v14;
	v51 =	vld.idx.msk [tilespmem:v38+s16+$0x0], $0xffff;
	v50 =	vsel vm5, $0xF149F2CA, v37  }
0x10d: {  	v38 =	vld.idx.msk [tilespmem:v52+s16+$0x0], vm9;
	v49 =	vand.u32 $0xFFFFFFF8, v44;
	vm8 =	vgt.f32 v50, v31;
	v31 =	vmax.f32 v31, v50  }
0x10e: {  	v54 =	vsel vm8, $0x2, v48;
	vm8 =	vgt.f32 v53, v31;
	v31 =	vmax.f32 v31, v53  }
0x10f: {  	v39 =	vadd.f32 v39, v25;
	v48 =	vadd.s32 s31, v13;
	v35 =	vsel vm8, $0x3, v54  }
0x110: {  	vm8 =	vgt.u32 v63, $0xFF;
	vm11 =	vlt.f32 v31, $-1.000000020e+30;
	v31 =	vmax.f32 v31, $-1.000000020e+30  }
0x111: {  	v63 =	vmov s31;
	v42 =	vand.u32 $0x1D8, v48;
	v37 =	vadd.f32 v51, v24  }
0x112: {  	v35 =	vsel vm11, $0x4, v35;
	v59 =	vnsel vm10, $0xF149F2CA, v39;
	v38 =	vadd.f32 v38, v26  }
0x113: {  	v39 =	vand.u32 $0xFFFFFFF8, v61;
	v43 =	vand.u32 $0x40, v63;
	v42 =	vor.u32 v11, v42  }
0x114: {  	v50 =	vand.u32 $0x80, v63;
	v51 =	vadd.s32 s31, v15;
	v39 =	vor.u32 v11, v39  }
0x115: {  	v44 =	vand.u32 $0xFFFFFFF8, v51;
	vm11 =	vgt.f32 v37, v31;
	v31 =	vmax.f32 v31, v37  }
0x116: {  	v38 =	vnsel vm9, $0xF149F2CA, v38;
	v37 =	vand.u32 $0xFFFFFFF8, v60;
	v57 =	vsel vm11, $0x5, v35  }
0x117: {  	v36 =	vld.idx.msk [tilespmem:v36+s16+$0x0], vm0;
	v35 =	vand.u32 $0xFFFFFFF8, v58;
	vm10 =	vgt.f32 v59, v31;
	v37 =	vor.u32 v9, v37  }
0x118: {  	v40 =	vld.idx.msk [tilespmem:v40+s16+$0x0], $0xffff;
	v31 =	vmax.f32 v31, v59;
	vm11 =	vne.s32 v43, $0x0;
	v35 =	vor.u32 v6, v35  }
0x119: {  	v43 =	vor.u32 v11, v49;
	v33 =	vsel vm10, $0x6, v57;
	vm10 =	vne.s32 v50, $0x0;
	v34 =	vld.idx.msk [tilespmem:v34+s16+$0x0], vm8  }
0x11a: {  	v52 =	vadd.s32 s31, v16;
	v44 =	vor.u32 v11, v44;
	vm9 =	vgt.f32 v38, v31;
	v42 =	vld.idx.msk [tilespmem:v42+s16+$0x0], $0xffff  }
0x11b: {  	v41 =	vand.u32 $0xFFFFFFF8, v52;
	v33 =	vsel vm9, $0x7, v33;
	vm9 =	vgt.u32 v63, $0xFF;
	v39 =	vld.idx.msk [tilespmem:v39+s16+$0x0], vm6  }
0x11c: {  	v41 =	vor.u32 v11, v41;
	v37 =	vld.idx.msk [tilespmem:v37+s16+$0x0], vm4  }
0x11d: {  	v36 =	vadd.f32 v36, v19;
	v35 =	vld.idx.msk [tilespmem:v35+s16+$0x0], vm2  }
0x11e: {  	v43 =	vld.idx.msk [tilespmem:v43+s16+$0x0], vm11  }
0x11f: {  	v36 =	vsel vm1, $0xF149F2CA, v36;
	v56 =	vld.idx.msk [tilespmem:v44+s16+$0x0], vm10  }
0x120: {  	v36 =	vmax.f32 v36, $-1.000000020e+30;
	v34 =	vadd.f32 v34, v27  }
0x121: {  	v55 =	vadd.f32 v40, v23;
	v31 =	vmax.f32 v31, v38;
	v39 =	vadd.f32 v39, v22;
	v41 =	vld.idx.msk [tilespmem:v41+s16+$0x0], vm9  }
0x122: {  	v57 =	vadd.f32 v42, v24;
	v34 =	vnsel vm8, $0xF149F2CA, v34;
	v37 =	vadd.f32 v37, v21  }
0x123: {  	v54 =	vsel vm7, $0xF149F2CA, v39;
	v35 =	vadd.f32 v35, v20;
	v58 =	vadd.f32 v43, v25  }
0x124: {  	v62 =	vmax.f32 v31, v34;
	v37 =	vsel vm5, $0xF149F2CA, v37;
	v60 =	vadd.f32 v56, v26  }
0x125: {  	v35 =	vsel vm3, $0xF149F2CA, v35;
	v59 =	vnsel vm11, $0xF149F2CA, v58;
	vm11 =	vgt.f32 v34, v31  }
0x126: {  	v61 =	vadd.f32 v41, v27;
	vm8 =	vgt.f32 v35, v36;
	v35 =	vmax.f32 v36, v35  }
0x127: {  	v53 =	vsel vm8, $0x1, v7;
	vm8 =	vgt.f32 v37, v35;
	v35 =	vmax.f32 v35, v37  }
0x128: {  	v36 =	vsel vm8, $0x2, v53;
	vm8 =	vgt.f32 v54, v35;
	v35 =	vmax.f32 v35, v54  }
0x129: {  	[tilespmem:s22+$0xFFFFFFE0] =	vst v29;
	v36 =	vsel vm8, $0x3, v36;
	vm8 =	vgt.f32 v55, v35;
	v35 =	vmax.f32 v35, v55  }
0x12a: {  	s20 =	sadd.s32 $0x4, s20;
	[tilespmem:s23+$0xFFFFFFD0] =	vst v28;
	v33 =	vsel vm11, $0x8, v33;
	v36 =	vsel vm8, $0x4, v36;
	vm8 =	vgt.f32 v57, v35  }
0x12b: {  	p0 =	slt.u32 s20, $0x1C;
	[tilespmem:s22+$0xFFFFFFF0] =	vst v32;
	v63 =	vnsel vm9, $0xF149F2CA, v61;
	v29 =	vmax.f32 v35, v57;
	v28 =	vsel vm8, $0x5, v36  }
.Ltmp2:
0x12c: {  	[tilespmem:s23+$0xFFFFFFE0] =	vst v30;
	vm8 =	vgt.f32 v59, v29;
	v36 =	vnsel vm10, $0xF149F2CA, v60;
	v29 =	vmax.f32 v29, v59;
	(pc) =	sbr.rel @p0 .LBB2_5-.Ltmp2, $4  }
0x12d: {  	[tilespmem:s22+$0x0] =	vst v62;
	v28 =	vsel vm8, $0x6, v28;
	vm8 =	vgt.f32 v36, v29;
	v29 =	vmax.f32 v29, v36  }
0x12e: {  	[tilespmem:s23+$0xFFFFFFF0] =	vst v33;
	v28 =	vsel vm8, $0x7, v28;
	vm8 =	vgt.f32 v63, v29;
	v29 =	vmax.f32 v29, v63  }
0x12f: {  	v28 =	vsel vm8, $0x8, v28;
	[tilespmem:s22+$0x10] =	vst v29  }
0x130: {  	s21 =	sadd.s32 $0x40, s21;
	s22 =	sadd.s32 $0x40, s22;
	[tilespmem:s23+$0x0] =	vst v28;
	s23 =	sadd.s32 $0x40, s23  }
0x131: {  	v27 =	vld [tilespmem:$0x60];
	_ =	sdelay $0x4  }
0x132: {  	v19 =	vbroadcast v27, $0x0  }
0x133: {  	v20 =	vbroadcast v27, $0x1;
	v21 =	vbroadcast v27, $0x2  }
0x134: {  	v22 =	vbroadcast v27, $0x3;
	v23 =	vbroadcast v27, $0x4  }
0x135: {  	s20 =	simm.s32 $0xFFFFFFFC;
	v24 =	vbroadcast v27, $0x5;
	v25 =	vbroadcast v27, $0x6  }
0x136: {  	s21 =	simm.s32 $0x0;
	s22 =	simm.s32 $0x470;
	s23 =	simm.s32 $0x1280;
	v26 =	vbroadcast v27, $0x7;
	v27 =	vbroadcast v27, $0x8  }
.LBB2_7:
0x137: {  	v28 =	vadd.s32 s21, v3;
	v29 =	vadd.s32 s21, v5  }
0x138: {  	v30 =	vadd.s32 s21, v8;
	v31 =	vadd.s32 s21, v10;
	v28 =	vand.u32 $0xFFFFFFF8, v28  }
0x139: {  	v32 =	vmov s21;
	v29 =	vand.u32 $0xFFFFFFF8, v29;
	v28 =	vor.u32 v4, v28  }
0x13a: {  	v34 =	vadd.s32 s21, v14;
	v30 =	vand.u32 $0xFFFFFFF8, v30;
	v29 =	vor.u32 v6, v29  }
0x13b: {  	v31 =	vand.u32 $0xFFFFFFF8, v31;
	v33 =	vand.u32 $0x40, v32;
	v30 =	vor.u32 v9, v30  }
0x13c: {  	v52 =	vand.u32 $0xFFFFFFC8, v34;
	v31 =	vor.u32 v11, v31;
	vm9 =	vne.s32 v33, $0x0  }
0x13d: {  	v33 =	vor.u32 v11, v52  }
0x13e: {  	v28 =	vld.idx.msk [tilespmem:v28+s15+$0x0], vm0  }
0x13f: {  	v29 =	vld.idx.msk [tilespmem:v29+s15+$0x0], vm2  }
0x140: {  	v30 =	vld.idx.msk [tilespmem:v30+s15+$0x0], vm4  }
0x141: {  	v31 =	vld.idx.msk [tilespmem:v31+s15+$0x0], vm6  }
0x142: {  	v54 =	vadd.s32 s21, v16;
	s24 =	sadd.s32 $0x10, s21;
	v33 =	vld.idx.msk [tilespmem:v33+s15+$0x0], vm9  }
0x143: {  	v35 =	vadd.s32 s21, v15;
	v55 =	vand.u32 $0xFFFFFFC8, v54;
	v36 =	vadd.s32 s24, v5  }
0x144: {  	v56 =	vadd.s32 s24, v3;
	v60 =	vadd.s32 s24, v8;
	v36 =	vand.u32 $0xFFFFFFF8, v36  }
0x145: {  	v61 =	vadd.s32 s24, v10;
	v58 =	vor.u32 v6, v36;
	v28 =	vadd.f32 v28, v19  }
0x146: {  	v36 =	vand.u32 $0xFFFFFFF8, v61;
	v29 =	vadd.f32 v29, v20;
	v30 =	vadd.f32 v30, v21  }
0x147: {  	v62 =	vor.u32 v11, v36;
	v31 =	vadd.f32 v31, v22;
	v33 =	vadd.f32 v33, v25  }
0x148: {  	v28 =	vsel vm1, $0xF149F2CA, v28;
	v29 =	vsel vm3, $0xF149F2CA, v29;
	v30 =	vsel vm5, $0xF149F2CA, v30  }
0x149: {  	v57 =	vsel vm7, $0xF149F2CA, v31;
	v28 =	vmax.f32 v28, $-1.000000020e+30;
	v33 =	vnsel vm9, $0xF149F2CA, v33  }
0x14a: {  	vm8 =	vgt.f32 v29, v28;
	v28 =	vmax.f32 v28, v29;
	v29 =	vand.u32 $0x80, v32  }
0x14b: {  	v53 =	vsel vm8, $0x1, v7;
	vm10 =	vne.s32 v29, $0x0;
	v29 =	vand.u32 $0xFFFFFFC8, v35  }
0x14c: {  	vm8 =	vgt.u32 v32, $0xFF;
	v32 =	vor.u32 v11, v55;
	v35 =	vand.u32 $0xFFFFFFF8, v56  }
0x14d: {  	vm11 =	vgt.f32 v30, v28;
	v28 =	vmax.f32 v28, v30;
	v29 =	vor.u32 v11, v29  }
0x14e: {  	s30 =	sadd.s32 $0x20, s21;
	v35 =	vor.u32 v4, v35;
	v34 =	vsel vm11, $0x2, v53;
	vm11 =	vgt.f32 v57, v28  }
0x14f: {  	v28 =	vmax.f32 v28, v57;
	v53 =	vadd.s32 s30, v3;
	v59 =	vsel vm11, $0x3, v34  }
0x150: {  	vm11 =	vlt.f32 v28, $-1.000000020e+30;
	v28 =	vmax.f32 v28, $-1.000000020e+30;
	v34 =	vand.u32 $0xFFFFFFF8, v60  }
0x151: {  	v36 =	vand.u32 $0xFFFFFFF8, v53;
	v30 =	vsel vm11, $0x4, v59;
	vm11 =	vlt.f32 v28, $-1.000000020e+30  }
0x152: {  	v34 =	vor.u32 v9, v34;
	vm9 =	vgt.f32 v33, v28;
	v28 =	vmax.f32 v28, v33;
	v33 =	vld.idx.msk [tilespmem:v62+s15+$0x0], vm6  }
0x153: {  	v42 =	vadd.s32 s24, v12;
	v36 =	vor.u32 v4, v36;
	v29 =	vld.idx.msk [tilespmem:v29+s15+$0x0], vm10  }
0x154: {  	v43 =	vmov s24;
	v38 =	vadd.s32 s24, v14;
	v48 =	vadd.s32 s24, v15;
	v32 =	vld.idx.msk [tilespmem:v32+s15+$0x0], vm8  }
0x155: {  	v54 =	vadd.s32 s30, v5;
	v40 =	vadd.s32 s30, v14;
	v37 =	vand.u32 $0x40, v43;
	v35 =	vld.idx.msk [tilespmem:v35+s15+$0x0], vm0  }
0x156: {  	v44 =	vand.u32 $0xFFFFFFD8, v38;
	v47 =	vand.u32 $0x80, v43;
	v49 =	vand.u32 $0xFFFFFFD8, v48;
	v31 =	vld.idx.msk [tilespmem:v58+s15+$0x0], vm2  }
0x157: {  	v52 =	vadd.s32 s24, v16;
	v46 =	vor.u32 v11, v44;
	v58 =	vadd.s32 s30, v8;
	v34 =	vld.idx.msk [tilespmem:v34+s15+$0x0], vm4  }
0x158: {  	v59 =	vadd.s32 s30, v10;
	v30 =	vsel vm11, $0x5, v30;
	v33 =	vadd.f32 v33, v22;
	v36 =	vld.idx.msk [tilespmem:v36+s15+$0x0], vm0  }
0x159: {  	v30 =	vsel vm9, $0x6, v30;
	v29 =	vadd.f32 v29, v26;
	v32 =	vadd.f32 v32, v27  }
0x15a: {  	v51 =	vsel vm7, $0xF149F2CA, v33;
	v33 =	vand.u32 $0xFFFFFFD8, v52;
	v35 =	vadd.f32 v35, v19  }
0x15b: {  	v33 =	vor.u32 v11, v33;
	v29 =	vnsel vm10, $0xF149F2CA, v29;
	v63 =	vnsel vm8, $0xF149F2CA, v32  }
0x15c: {  	v41 =	vsel vm1, $0xF149F2CA, v35;
	v35 =	vand.u32 $0x1C8, v42;
	v34 =	vadd.f32 v34, v21  }
0x15d: {  	v61 =	vadd.f32 v36, v19;
	v42 =	vadd.s32 s30, v15;
	vm9 =	vgt.f32 v29, v28  }
0x15e: {  	v29 =	vmax.f32 v28, v29;
	v28 =	vadd.f32 v31, v20;
	v32 =	vmax.f32 v41, $-1.000000020e+30  }
0x15f: {  	v35 =	vor.u32 v11, v35;
	v30 =	vsel vm9, $0x7, v30;
	vm9 =	vne.s32 v37, $0x0  }
0x160: {  	v45 =	vsel vm5, $0xF149F2CA, v34;
	vm11 =	vgt.f32 v63, v29;
	v37 =	vor.u32 v11, v49  }
0x161: {  	v29 =	vmax.f32 v29, v63;
	v63 =	vmov s30;
	v28 =	vsel vm3, $0xF149F2CA, v28  }
0x162: {  	v31 =	vsel vm1, $0xF149F2CA, v61;
	vm8 =	vgt.f32 v28, v32;
	v28 =	vmax.f32 v32, v28  }
0x163: {  	v39 =	vsel vm8, $0x1, v7;
	vm10 =	vgt.f32 v45, v28;
	vm8 =	vne.s32 v47, $0x0  }
0x164: {  	s31 =	sadd.s32 $0x30, s21;
	v49 =	vand.u32 $0xFFFFFFE8, v42;
	v35 =	vld.idx.msk [tilespmem:v35+s15+$0x0], $0xffff;
	v50 =	vsel vm10, $0x2, v39;
	v39 =	vand.u32 $0xFFFFFFF8, v54  }
0x165: {  	v61 =	vadd.s32 s31, v10;
	vm10 =	vgt.u32 v43, $0xFF;
	v56 =	vor.u32 v6, v39  }
0x166: {  	v31 =	vmax.f32 v31, $-1.000000020e+30;
	v41 =	vand.u32 $0x80, v63;
	v52 =	vor.u32 v11, v49;
	v34 =	vld.idx.msk [tilespmem:v46+s15+$0x0], vm9  }
0x167: {  	v28 =	vmax.f32 v28, v45;
	v45 =	vadd.s32 s30, v13;
	v47 =	vand.u32 $0xFFFFFFE8, v40  }
0x168: {  	vm12 =	vgt.f32 v51, v28;
	v28 =	vmax.f32 v28, v51;
	v39 =	vand.u32 $0xFFFFFFF8, v59  }
0x169: {  	v38 =	vsel vm12, $0x3, v50;
	v60 =	vor.u32 v11, v39;
	v35 =	vadd.f32 v35, v23;
	v55 =	vld.idx.msk [tilespmem:v37+s15+$0x0], vm8  }
0x16a: {  	v46 =	vand.u32 $0x40, v63;
	v39 =	vor.u32 v11, v47;
	v37 =	vld.idx.msk [tilespmem:v56+s15+$0x0], vm2;
	v56 =	vadd.s32 s31, v3  }
0x16b: {  	v33 =	vld.idx.msk [tilespmem:v33+s15+$0x0], vm10;
	vm12 =	vgt.f32 v35, v28;
	v35 =	vmax.f32 v28, v35;
	v34 =	vadd.f32 v34, v25  }
0x16c: {  	v28 =	vsel vm11, $0x8, v30;
	v38 =	vsel vm12, $0x4, v38;
	vm12 =	vlt.f32 v35, $-1.000000020e+30  }
0x16d: {  	v36 =	vand.u32 $0xFFFFFFF8, v56;
	v57 =	vsel vm12, $0x5, v38;
	v38 =	vand.u32 $0xFFFFFFF8, v58  }
0x16e: {  	v35 =	vmax.f32 v35, $-1.000000020e+30;
	v36 =	vor.u32 v4, v36;
	v38 =	vor.u32 v9, v38  }
0x16f: {  	v34 =	vnsel vm9, $0xF149F2CA, v34;
	v58 =	vadd.s32 s31, v5;
	v32 =	vadd.f32 v55, v26  }
0x170: {  	vm9 =	vgt.f32 v34, v35;
	v34 =	vmax.f32 v35, v34;
	v33 =	vadd.f32 v33, v27  }
0x171: {  	v35 =	vld.idx.msk [tilespmem:v60+s15+$0x0], vm6;
	v55 =	vadd.s32 s30, v16;
	v60 =	vadd.s32 s31, v8;
	v62 =	vadd.f32 v37, v20  }
0x172: {  	v32 =	vnsel vm8, $0xF149F2CA, v32;
	v33 =	vnsel vm10, $0xF149F2CA, v33;
	vm10 =	vne.s32 v46, $0x0  }
0x173: {  	v30 =	vsel vm9, $0x6, v57;
	vm9 =	vne.s32 v41, $0x0;
	vm8 =	vgt.f32 v32, v34;
	v44 =	vld.idx.msk [tilespmem:v38+s15+$0x0], vm4  }
0x174: {  	v32 =	vmax.f32 v34, v32;
	v34 =	vsel vm3, $0xF149F2CA, v62;
	v38 =	vand.u32 $0x1C8, v45  }
0x175: {  	v62 =	vadd.s32 s31, v12;
	v30 =	vsel vm8, $0x7, v30;
	v38 =	vor.u32 v11, v38  }
0x176: {  	vm8 =	vgt.f32 v34, v31;
	vm11 =	vgt.f32 v33, v32;
	v31 =	vmax.f32 v31, v34  }
0x177: {  	v34 =	vand.u32 $0xFFFFFFE8, v55;
	v32 =	vmax.f32 v32, v33;
	v40 =	vand.u32 $0x1E8, v62  }
0x178: {  	v48 =	vsel vm8, $0x1, v7;
	v35 =	vadd.f32 v35, v22;
	v39 =	vld.idx.msk [tilespmem:v39+s15+$0x0], vm10;
	v37 =	vadd.f32 v44, v21  }
0x179: {  	v30 =	vsel vm11, $0x8, v30;
	v34 =	vor.u32 v11, v34;
	v40 =	vor.u32 v11, v40  }
0x17a: {  	v53 =	vsel vm7, $0xF149F2CA, v35;
	v44 =	vadd.s32 s31, v14;
	v51 =	vld.idx.msk [tilespmem:v38+s15+$0x0], $0xffff;
	v50 =	vsel vm5, $0xF149F2CA, v37  }
0x17b: {  	v38 =	vld.idx.msk [tilespmem:v52+s15+$0x0], vm9;
	v49 =	vand.u32 $0xFFFFFFF8, v44;
	vm8 =	vgt.f32 v50, v31;
	v31 =	vmax.f32 v31, v50  }
0x17c: {  	v54 =	vsel vm8, $0x2, v48;
	vm8 =	vgt.f32 v53, v31;
	v31 =	vmax.f32 v31, v53  }
0x17d: {  	v39 =	vadd.f32 v39, v25;
	v48 =	vadd.s32 s31, v13;
	v35 =	vsel vm8, $0x3, v54  }
0x17e: {  	vm8 =	vgt.u32 v63, $0xFF;
	vm11 =	vlt.f32 v31, $-1.000000020e+30;
	v31 =	vmax.f32 v31, $-1.000000020e+30  }
0x17f: {  	v63 =	vmov s31;
	v42 =	vand.u32 $0x1D8, v48;
	v37 =	vadd.f32 v51, v24  }
0x180: {  	v35 =	vsel vm11, $0x4, v35;
	v59 =	vnsel vm10, $0xF149F2CA, v39;
	v38 =	vadd.f32 v38, v26  }
0x181: {  	v39 =	vand.u32 $0xFFFFFFF8, v61;
	v43 =	vand.u32 $0x40, v63;
	v42 =	vor.u32 v11, v42  }
0x182: {  	v50 =	vand.u32 $0x80, v63;
	v51 =	vadd.s32 s31, v15;
	v39 =	vor.u32 v11, v39  }
0x183: {  	v44 =	vand.u32 $0xFFFFFFF8, v51;
	vm11 =	vgt.f32 v37, v31;
	v31 =	vmax.f32 v31, v37  }
0x184: {  	v38 =	vnsel vm9, $0xF149F2CA, v38;
	v37 =	vand.u32 $0xFFFFFFF8, v60;
	v57 =	vsel vm11, $0x5, v35  }
0x185: {  	v36 =	vld.idx.msk [tilespmem:v36+s15+$0x0], vm0;
	v35 =	vand.u32 $0xFFFFFFF8, v58;
	vm10 =	vgt.f32 v59, v31;
	v37 =	vor.u32 v9, v37  }
0x186: {  	v40 =	vld.idx.msk [tilespmem:v40+s15+$0x0], $0xffff;
	v31 =	vmax.f32 v31, v59;
	vm11 =	vne.s32 v43, $0x0;
	v35 =	vor.u32 v6, v35  }
0x187: {  	v43 =	vor.u32 v11, v49;
	v33 =	vsel vm10, $0x6, v57;
	vm10 =	vne.s32 v50, $0x0;
	v34 =	vld.idx.msk [tilespmem:v34+s15+$0x0], vm8  }
0x188: {  	v52 =	vadd.s32 s31, v16;
	v44 =	vor.u32 v11, v44;
	vm9 =	vgt.f32 v38, v31;
	v42 =	vld.idx.msk [tilespmem:v42+s15+$0x0], $0xffff  }
0x189: {  	v41 =	vand.u32 $0xFFFFFFF8, v52;
	v33 =	vsel vm9, $0x7, v33;
	vm9 =	vgt.u32 v63, $0xFF;
	v39 =	vld.idx.msk [tilespmem:v39+s15+$0x0], vm6  }
0x18a: {  	v41 =	vor.u32 v11, v41;
	v37 =	vld.idx.msk [tilespmem:v37+s15+$0x0], vm4  }
0x18b: {  	v36 =	vadd.f32 v36, v19;
	v35 =	vld.idx.msk [tilespmem:v35+s15+$0x0], vm2  }
0x18c: {  	v43 =	vld.idx.msk [tilespmem:v43+s15+$0x0], vm11  }
0x18d: {  	v36 =	vsel vm1, $0xF149F2CA, v36;
	v56 =	vld.idx.msk [tilespmem:v44+s15+$0x0], vm10  }
0x18e: {  	v36 =	vmax.f32 v36, $-1.000000020e+30;
	v34 =	vadd.f32 v34, v27  }
0x18f: {  	v55 =	vadd.f32 v40, v23;
	v31 =	vmax.f32 v31, v38;
	v39 =	vadd.f32 v39, v22;
	v41 =	vld.idx.msk [tilespmem:v41+s15+$0x0], vm9  }
0x190: {  	v57 =	vadd.f32 v42, v24;
	v34 =	vnsel vm8, $0xF149F2CA, v34;
	v37 =	vadd.f32 v37, v21  }
0x191: {  	v54 =	vsel vm7, $0xF149F2CA, v39;
	v35 =	vadd.f32 v35, v20;
	v58 =	vadd.f32 v43, v25  }
0x192: {  	v62 =	vmax.f32 v31, v34;
	v37 =	vsel vm5, $0xF149F2CA, v37;
	v60 =	vadd.f32 v56, v26  }
0x193: {  	v35 =	vsel vm3, $0xF149F2CA, v35;
	v59 =	vnsel vm11, $0xF149F2CA, v58;
	vm11 =	vgt.f32 v34, v31  }
0x194: {  	v61 =	vadd.f32 v41, v27;
	vm8 =	vgt.f32 v35, v36;
	v35 =	vmax.f32 v36, v35  }
0x195: {  	v53 =	vsel vm8, $0x1, v7;
	vm8 =	vgt.f32 v37, v35;
	v35 =	vmax.f32 v35, v37  }
0x196: {  	v36 =	vsel vm8, $0x2, v53;
	vm8 =	vgt.f32 v54, v35;
	v35 =	vmax.f32 v35, v54  }
0x197: {  	[tilespmem:s22+$0xFFFFFFE0] =	vst v29;
	v36 =	vsel vm8, $0x3, v36;
	vm8 =	vgt.f32 v55, v35;
	v35 =	vmax.f32 v35, v55  }
0x198: {  	s20 =	sadd.s32 $0x4, s20;
	[tilespmem:s23+$0xFFFFFFD0] =	vst v28;
	v33 =	vsel vm11, $0x8, v33;
	v36 =	vsel vm8, $0x4, v36;
	vm8 =	vgt.f32 v57, v35  }
0x199: {  	p0 =	slt.u32 s20, $0x1C;
	[tilespmem:s22+$0xFFFFFFF0] =	vst v32;
	v63 =	vnsel vm9, $0xF149F2CA, v61;
	v29 =	vmax.f32 v35, v57;
	v28 =	vsel vm8, $0x5, v36  }
.Ltmp3:
0x19a: {  	[tilespmem:s23+$0xFFFFFFE0] =	vst v30;
	vm8 =	vgt.f32 v59, v29;
	v36 =	vnsel vm10, $0xF149F2CA, v60;
	v29 =	vmax.f32 v29, v59;
	(pc) =	sbr.rel @p0 .LBB2_7-.Ltmp3, $4  }
0x19b: {  	[tilespmem:s22+$0x0] =	vst v62;
	v28 =	vsel vm8, $0x6, v28;
	vm8 =	vgt.f32 v36, v29;
	v29 =	vmax.f32 v29, v36  }
0x19c: {  	[tilespmem:s23+$0xFFFFFFF0] =	vst v33;
	v28 =	vsel vm8, $0x7, v28;
	vm8 =	vgt.f32 v63, v29;
	v29 =	vmax.f32 v29, v63  }
0x19d: {  	v28 =	vsel vm8, $0x8, v28;
	[tilespmem:s22+$0x10] =	vst v29  }
0x19e: {  	s21 =	sadd.s32 $0x40, s21;
	s22 =	sadd.s32 $0x40, s22;
	[tilespmem:s23+$0x0] =	vst v28;
	s23 =	sadd.s32 $0x40, s23  }
0x19f: {  	v27 =	vld [tilespmem:$0x50];
	_ =	sdelay $0x4  }
0x1a0: {  	v19 =	vbroadcast v27, $0x0  }
0x1a1: {  	v20 =	vbroadcast v27, $0x1;
	v21 =	vbroadcast v27, $0x2  }
0x1a2: {  	v22 =	vbroadcast v27, $0x3;
	v23 =	vbroadcast v27, $0x4  }
0x1a3: {  	s20 =	simm.s32 $0xFFFFFFFC;
	v24 =	vbroadcast v27, $0x5;
	v25 =	vbroadcast v27, $0x6  }
0x1a4: {  	s21 =	simm.s32 $0x0;
	s22 =	simm.s32 $0x270;
	s23 =	simm.s32 $0x1080;
	v26 =	vbroadcast v27, $0x7;
	v27 =	vbroadcast v27, $0x8  }
.LBB2_9:
0x1a5: {  	v28 =	vadd.s32 s21, v3;
	v29 =	vadd.s32 s21, v5  }
0x1a6: {  	v30 =	vadd.s32 s21, v8;
	v31 =	vadd.s32 s21, v10;
	v28 =	vand.u32 $0xFFFFFFF8, v28  }
0x1a7: {  	v32 =	vmov s21;
	v29 =	vand.u32 $0xFFFFFFF8, v29;
	v28 =	vor.u32 v4, v28  }
0x1a8: {  	v34 =	vadd.s32 s21, v14;
	v30 =	vand.u32 $0xFFFFFFF8, v30;
	v29 =	vor.u32 v6, v29  }
0x1a9: {  	v31 =	vand.u32 $0xFFFFFFF8, v31;
	v33 =	vand.u32 $0x40, v32;
	v30 =	vor.u32 v9, v30  }
0x1aa: {  	v52 =	vand.u32 $0xFFFFFFC8, v34;
	v31 =	vor.u32 v11, v31;
	vm9 =	vne.s32 v33, $0x0  }
0x1ab: {  	v33 =	vor.u32 v11, v52  }
0x1ac: {  	v28 =	vld.idx.msk [tilespmem:v28+s16+$0x0], vm0  }
0x1ad: {  	v29 =	vld.idx.msk [tilespmem:v29+s16+$0x0], vm2  }
0x1ae: {  	v30 =	vld.idx.msk [tilespmem:v30+s16+$0x0], vm4  }
0x1af: {  	v31 =	vld.idx.msk [tilespmem:v31+s16+$0x0], vm6  }
0x1b0: {  	v54 =	vadd.s32 s21, v16;
	s24 =	sadd.s32 $0x10, s21;
	v33 =	vld.idx.msk [tilespmem:v33+s16+$0x0], vm9  }
0x1b1: {  	v35 =	vadd.s32 s21, v15;
	v55 =	vand.u32 $0xFFFFFFC8, v54;
	v36 =	vadd.s32 s24, v5  }
0x1b2: {  	v56 =	vadd.s32 s24, v3;
	v60 =	vadd.s32 s24, v8;
	v36 =	vand.u32 $0xFFFFFFF8, v36  }
0x1b3: {  	v61 =	vadd.s32 s24, v10;
	v58 =	vor.u32 v6, v36;
	v28 =	vadd.f32 v28, v19  }
0x1b4: {  	v36 =	vand.u32 $0xFFFFFFF8, v61;
	v29 =	vadd.f32 v29, v20;
	v30 =	vadd.f32 v30, v21  }
0x1b5: {  	v62 =	vor.u32 v11, v36;
	v31 =	vadd.f32 v31, v22;
	v33 =	vadd.f32 v33, v25  }
0x1b6: {  	v28 =	vsel vm1, $0xF149F2CA, v28;
	v29 =	vsel vm3, $0xF149F2CA, v29;
	v30 =	vsel vm5, $0xF149F2CA, v30  }
0x1b7: {  	v57 =	vsel vm7, $0xF149F2CA, v31;
	v28 =	vmax.f32 v28, $-1.000000020e+30;
	v33 =	vnsel vm9, $0xF149F2CA, v33  }
0x1b8: {  	vm8 =	vgt.f32 v29, v28;
	v28 =	vmax.f32 v28, v29;
	v29 =	vand.u32 $0x80, v32  }
0x1b9: {  	v53 =	vsel vm8, $0x1, v7;
	vm10 =	vne.s32 v29, $0x0;
	v29 =	vand.u32 $0xFFFFFFC8, v35  }
0x1ba: {  	vm8 =	vgt.u32 v32, $0xFF;
	v32 =	vor.u32 v11, v55;
	v35 =	vand.u32 $0xFFFFFFF8, v56  }
0x1bb: {  	vm11 =	vgt.f32 v30, v28;
	v28 =	vmax.f32 v28, v30;
	v29 =	vor.u32 v11, v29  }
0x1bc: {  	s30 =	sadd.s32 $0x20, s21;
	v35 =	vor.u32 v4, v35;
	v34 =	vsel vm11, $0x2, v53;
	vm11 =	vgt.f32 v57, v28  }
0x1bd: {  	v28 =	vmax.f32 v28, v57;
	v53 =	vadd.s32 s30, v3;
	v59 =	vsel vm11, $0x3, v34  }
0x1be: {  	vm11 =	vlt.f32 v28, $-1.000000020e+30;
	v28 =	vmax.f32 v28, $-1.000000020e+30;
	v34 =	vand.u32 $0xFFFFFFF8, v60  }
0x1bf: {  	v36 =	vand.u32 $0xFFFFFFF8, v53;
	v30 =	vsel vm11, $0x4, v59;
	vm11 =	vlt.f32 v28, $-1.000000020e+30  }
0x1c0: {  	v34 =	vor.u32 v9, v34;
	vm9 =	vgt.f32 v33, v28;
	v28 =	vmax.f32 v28, v33;
	v33 =	vld.idx.msk [tilespmem:v62+s16+$0x0], vm6  }
0x1c1: {  	v42 =	vadd.s32 s24, v12;
	v36 =	vor.u32 v4, v36;
	v29 =	vld.idx.msk [tilespmem:v29+s16+$0x0], vm10  }
0x1c2: {  	v43 =	vmov s24;
	v38 =	vadd.s32 s24, v14;
	v48 =	vadd.s32 s24, v15;
	v32 =	vld.idx.msk [tilespmem:v32+s16+$0x0], vm8  }
0x1c3: {  	v54 =	vadd.s32 s30, v5;
	v40 =	vadd.s32 s30, v14;
	v37 =	vand.u32 $0x40, v43;
	v35 =	vld.idx.msk [tilespmem:v35+s16+$0x0], vm0  }
0x1c4: {  	v44 =	vand.u32 $0xFFFFFFD8, v38;
	v47 =	vand.u32 $0x80, v43;
	v49 =	vand.u32 $0xFFFFFFD8, v48;
	v31 =	vld.idx.msk [tilespmem:v58+s16+$0x0], vm2  }
0x1c5: {  	v52 =	vadd.s32 s24, v16;
	v46 =	vor.u32 v11, v44;
	v58 =	vadd.s32 s30, v8;
	v34 =	vld.idx.msk [tilespmem:v34+s16+$0x0], vm4  }
0x1c6: {  	v59 =	vadd.s32 s30, v10;
	v30 =	vsel vm11, $0x5, v30;
	v33 =	vadd.f32 v33, v22;
	v36 =	vld.idx.msk [tilespmem:v36+s16+$0x0], vm0  }
0x1c7: {  	v30 =	vsel vm9, $0x6, v30;
	v29 =	vadd.f32 v29, v26;
	v32 =	vadd.f32 v32, v27  }
0x1c8: {  	v51 =	vsel vm7, $0xF149F2CA, v33;
	v33 =	vand.u32 $0xFFFFFFD8, v52;
	v35 =	vadd.f32 v35, v19  }
0x1c9: {  	v33 =	vor.u32 v11, v33;
	v29 =	vnsel vm10, $0xF149F2CA, v29;
	v63 =	vnsel vm8, $0xF149F2CA, v32  }
0x1ca: {  	v41 =	vsel vm1, $0xF149F2CA, v35;
	v35 =	vand.u32 $0x1C8, v42;
	v34 =	vadd.f32 v34, v21  }
0x1cb: {  	v61 =	vadd.f32 v36, v19;
	v42 =	vadd.s32 s30, v15;
	vm9 =	vgt.f32 v29, v28  }
0x1cc: {  	v29 =	vmax.f32 v28, v29;
	v28 =	vadd.f32 v31, v20;
	v32 =	vmax.f32 v41, $-1.000000020e+30  }
0x1cd: {  	v35 =	vor.u32 v11, v35;
	v30 =	vsel vm9, $0x7, v30;
	vm9 =	vne.s32 v37, $0x0  }
0x1ce: {  	v45 =	vsel vm5, $0xF149F2CA, v34;
	vm11 =	vgt.f32 v63, v29;
	v37 =	vor.u32 v11, v49  }
0x1cf: {  	v29 =	vmax.f32 v29, v63;
	v63 =	vmov s30;
	v28 =	vsel vm3, $0xF149F2CA, v28  }
0x1d0: {  	v31 =	vsel vm1, $0xF149F2CA, v61;
	vm8 =	vgt.f32 v28, v32;
	v28 =	vmax.f32 v32, v28  }
0x1d1: {  	v39 =	vsel vm8, $0x1, v7;
	vm10 =	vgt.f32 v45, v28;
	vm8 =	vne.s32 v47, $0x0  }
0x1d2: {  	s31 =	sadd.s32 $0x30, s21;
	v49 =	vand.u32 $0xFFFFFFE8, v42;
	v35 =	vld.idx.msk [tilespmem:v35+s16+$0x0], $0xffff;
	v50 =	vsel vm10, $0x2, v39;
	v39 =	vand.u32 $0xFFFFFFF8, v54  }
0x1d3: {  	v61 =	vadd.s32 s31, v10;
	vm10 =	vgt.u32 v43, $0xFF;
	v56 =	vor.u32 v6, v39  }
0x1d4: {  	v31 =	vmax.f32 v31, $-1.000000020e+30;
	v41 =	vand.u32 $0x80, v63;
	v52 =	vor.u32 v11, v49;
	v34 =	vld.idx.msk [tilespmem:v46+s16+$0x0], vm9  }
0x1d5: {  	v28 =	vmax.f32 v28, v45;
	v45 =	vadd.s32 s30, v13;
	v47 =	vand.u32 $0xFFFFFFE8, v40  }
0x1d6: {  	vm12 =	vgt.f32 v51, v28;
	v28 =	vmax.f32 v28, v51;
	v39 =	vand.u32 $0xFFFFFFF8, v59  }
0x1d7: {  	v38 =	vsel vm12, $0x3, v50;
	v60 =	vor.u32 v11, v39;
	v35 =	vadd.f32 v35, v23;
	v55 =	vld.idx.msk [tilespmem:v37+s16+$0x0], vm8  }
0x1d8: {  	v46 =	vand.u32 $0x40, v63;
	v39 =	vor.u32 v11, v47;
	v37 =	vld.idx.msk [tilespmem:v56+s16+$0x0], vm2;
	v56 =	vadd.s32 s31, v3  }
0x1d9: {  	v33 =	vld.idx.msk [tilespmem:v33+s16+$0x0], vm10;
	vm12 =	vgt.f32 v35, v28;
	v35 =	vmax.f32 v28, v35;
	v34 =	vadd.f32 v34, v25  }
0x1da: {  	v28 =	vsel vm11, $0x8, v30;
	v38 =	vsel vm12, $0x4, v38;
	vm12 =	vlt.f32 v35, $-1.000000020e+30  }
0x1db: {  	v36 =	vand.u32 $0xFFFFFFF8, v56;
	v57 =	vsel vm12, $0x5, v38;
	v38 =	vand.u32 $0xFFFFFFF8, v58  }
0x1dc: {  	v35 =	vmax.f32 v35, $-1.000000020e+30;
	v36 =	vor.u32 v4, v36;
	v38 =	vor.u32 v9, v38  }
0x1dd: {  	v34 =	vnsel vm9, $0xF149F2CA, v34;
	v58 =	vadd.s32 s31, v5;
	v32 =	vadd.f32 v55, v26  }
0x1de: {  	vm9 =	vgt.f32 v34, v35;
	v34 =	vmax.f32 v35, v34;
	v33 =	vadd.f32 v33, v27  }
0x1df: {  	v35 =	vld.idx.msk [tilespmem:v60+s16+$0x0], vm6;
	v55 =	vadd.s32 s30, v16;
	v60 =	vadd.s32 s31, v8;
	v62 =	vadd.f32 v37, v20  }
0x1e0: {  	v32 =	vnsel vm8, $0xF149F2CA, v32;
	v33 =	vnsel vm10, $0xF149F2CA, v33;
	vm10 =	vne.s32 v46, $0x0  }
0x1e1: {  	v30 =	vsel vm9, $0x6, v57;
	vm9 =	vne.s32 v41, $0x0;
	vm8 =	vgt.f32 v32, v34;
	v44 =	vld.idx.msk [tilespmem:v38+s16+$0x0], vm4  }
0x1e2: {  	v32 =	vmax.f32 v34, v32;
	v34 =	vsel vm3, $0xF149F2CA, v62;
	v38 =	vand.u32 $0x1C8, v45  }
0x1e3: {  	v62 =	vadd.s32 s31, v12;
	v30 =	vsel vm8, $0x7, v30;
	v38 =	vor.u32 v11, v38  }
0x1e4: {  	vm8 =	vgt.f32 v34, v31;
	vm11 =	vgt.f32 v33, v32;
	v31 =	vmax.f32 v31, v34  }
0x1e5: {  	v34 =	vand.u32 $0xFFFFFFE8, v55;
	v32 =	vmax.f32 v32, v33;
	v40 =	vand.u32 $0x1E8, v62  }
0x1e6: {  	v48 =	vsel vm8, $0x1, v7;
	v35 =	vadd.f32 v35, v22;
	v39 =	vld.idx.msk [tilespmem:v39+s16+$0x0], vm10;
	v37 =	vadd.f32 v44, v21  }
0x1e7: {  	v30 =	vsel vm11, $0x8, v30;
	v34 =	vor.u32 v11, v34;
	v40 =	vor.u32 v11, v40  }
0x1e8: {  	v53 =	vsel vm7, $0xF149F2CA, v35;
	v44 =	vadd.s32 s31, v14;
	v51 =	vld.idx.msk [tilespmem:v38+s16+$0x0], $0xffff;
	v50 =	vsel vm5, $0xF149F2CA, v37  }
0x1e9: {  	v38 =	vld.idx.msk [tilespmem:v52+s16+$0x0], vm9;
	v49 =	vand.u32 $0xFFFFFFF8, v44;
	vm8 =	vgt.f32 v50, v31;
	v31 =	vmax.f32 v31, v50  }
0x1ea: {  	v54 =	vsel vm8, $0x2, v48;
	vm8 =	vgt.f32 v53, v31;
	v31 =	vmax.f32 v31, v53  }
0x1eb: {  	v39 =	vadd.f32 v39, v25;
	v48 =	vadd.s32 s31, v13;
	v35 =	vsel vm8, $0x3, v54  }
0x1ec: {  	vm8 =	vgt.u32 v63, $0xFF;
	vm11 =	vlt.f32 v31, $-1.000000020e+30;
	v31 =	vmax.f32 v31, $-1.000000020e+30  }
0x1ed: {  	v63 =	vmov s31;
	v42 =	vand.u32 $0x1D8, v48;
	v37 =	vadd.f32 v51, v24  }
0x1ee: {  	v35 =	vsel vm11, $0x4, v35;
	v59 =	vnsel vm10, $0xF149F2CA, v39;
	v38 =	vadd.f32 v38, v26  }
0x1ef: {  	v39 =	vand.u32 $0xFFFFFFF8, v61;
	v43 =	vand.u32 $0x40, v63;
	v42 =	vor.u32 v11, v42  }
0x1f0: {  	v50 =	vand.u32 $0x80, v63;
	v51 =	vadd.s32 s31, v15;
	v39 =	vor.u32 v11, v39  }
0x1f1: {  	v44 =	vand.u32 $0xFFFFFFF8, v51;
	vm11 =	vgt.f32 v37, v31;
	v31 =	vmax.f32 v31, v37  }
0x1f2: {  	v38 =	vnsel vm9, $0xF149F2CA, v38;
	v37 =	vand.u32 $0xFFFFFFF8, v60;
	v57 =	vsel vm11, $0x5, v35  }
0x1f3: {  	v36 =	vld.idx.msk [tilespmem:v36+s16+$0x0], vm0;
	v35 =	vand.u32 $0xFFFFFFF8, v58;
	vm10 =	vgt.f32 v59, v31;
	v37 =	vor.u32 v9, v37  }
0x1f4: {  	v40 =	vld.idx.msk [tilespmem:v40+s16+$0x0], $0xffff;
	v31 =	vmax.f32 v31, v59;
	vm11 =	vne.s32 v43, $0x0;
	v35 =	vor.u32 v6, v35  }
0x1f5: {  	v43 =	vor.u32 v11, v49;
	v33 =	vsel vm10, $0x6, v57;
	vm10 =	vne.s32 v50, $0x0;
	v34 =	vld.idx.msk [tilespmem:v34+s16+$0x0], vm8  }
0x1f6: {  	v52 =	vadd.s32 s31, v16;
	v44 =	vor.u32 v11, v44;
	vm9 =	vgt.f32 v38, v31;
	v42 =	vld.idx.msk [tilespmem:v42+s16+$0x0], $0xffff  }
0x1f7: {  	v41 =	vand.u32 $0xFFFFFFF8, v52;
	v33 =	vsel vm9, $0x7, v33;
	vm9 =	vgt.u32 v63, $0xFF;
	v39 =	vld.idx.msk [tilespmem:v39+s16+$0x0], vm6  }
0x1f8: {  	v41 =	vor.u32 v11, v41;
	v37 =	vld.idx.msk [tilespmem:v37+s16+$0x0], vm4  }
0x1f9: {  	v36 =	vadd.f32 v36, v19;
	v35 =	vld.idx.msk [tilespmem:v35+s16+$0x0], vm2  }
0x1fa: {  	v43 =	vld.idx.msk [tilespmem:v43+s16+$0x0], vm11  }
0x1fb: {  	v36 =	vsel vm1, $0xF149F2CA, v36;
	v56 =	vld.idx.msk [tilespmem:v44+s16+$0x0], vm10  }
0x1fc: {  	v36 =	vmax.f32 v36, $-1.000000020e+30;
	v34 =	vadd.f32 v34, v27  }
0x1fd: {  	v55 =	vadd.f32 v40, v23;
	v31 =	vmax.f32 v31, v38;
	v39 =	vadd.f32 v39, v22;
	v41 =	vld.idx.msk [tilespmem:v41+s16+$0x0], vm9  }
0x1fe: {  	v57 =	vadd.f32 v42, v24;
	v34 =	vnsel vm8, $0xF149F2CA, v34;
	v37 =	vadd.f32 v37, v21  }
0x1ff: {  	v54 =	vsel vm7, $0xF149F2CA, v39;
	v35 =	vadd.f32 v35, v20;
	v58 =	vadd.f32 v43, v25  }
0x200: {  	v62 =	vmax.f32 v31, v34;
	v37 =	vsel vm5, $0xF149F2CA, v37;
	v60 =	vadd.f32 v56, v26  }
0x201: {  	v35 =	vsel vm3, $0xF149F2CA, v35;
	v59 =	vnsel vm11, $0xF149F2CA, v58;
	vm11 =	vgt.f32 v34, v31  }
0x202: {  	v61 =	vadd.f32 v41, v27;
	vm8 =	vgt.f32 v35, v36;
	v35 =	vmax.f32 v36, v35  }
0x203: {  	v53 =	vsel vm8, $0x1, v7;
	vm8 =	vgt.f32 v37, v35;
	v35 =	vmax.f32 v35, v37  }
0x204: {  	v36 =	vsel vm8, $0x2, v53;
	vm8 =	vgt.f32 v54, v35;
	v35 =	vmax.f32 v35, v54  }
0x205: {  	[tilespmem:s22+$0xFFFFFFE0] =	vst v29;
	v36 =	vsel vm8, $0x3, v36;
	vm8 =	vgt.f32 v55, v35;
	v35 =	vmax.f32 v35, v55  }
0x206: {  	s20 =	sadd.s32 $0x4, s20;
	[tilespmem:s23+$0xFFFFFFD0] =	vst v28;
	v33 =	vsel vm11, $0x8, v33;
	v36 =	vsel vm8, $0x4, v36;
	vm8 =	vgt.f32 v57, v35  }
0x207: {  	p0 =	slt.u32 s20, $0x1C;
	[tilespmem:s22+$0xFFFFFFF0] =	vst v32;
	v63 =	vnsel vm9, $0xF149F2CA, v61;
	v29 =	vmax.f32 v35, v57;
	v28 =	vsel vm8, $0x5, v36  }
.Ltmp4:
0x208: {  	[tilespmem:s23+$0xFFFFFFE0] =	vst v30;
	vm8 =	vgt.f32 v59, v29;
	v36 =	vnsel vm10, $0xF149F2CA, v60;
	v29 =	vmax.f32 v29, v59;
	(pc) =	sbr.rel @p0 .LBB2_9-.Ltmp4, $4  }
0x209: {  	[tilespmem:s22+$0x0] =	vst v62;
	v28 =	vsel vm8, $0x6, v28;
	vm8 =	vgt.f32 v36, v29;
	v29 =	vmax.f32 v29, v36  }
0x20a: {  	[tilespmem:s23+$0xFFFFFFF0] =	vst v33;
	v28 =	vsel vm8, $0x7, v28;
	vm8 =	vgt.f32 v63, v29;
	v29 =	vmax.f32 v29, v63  }
0x20b: {  	v28 =	vsel vm8, $0x8, v28;
	[tilespmem:s22+$0x10] =	vst v29  }
0x20c: {  	s21 =	sadd.s32 $0x40, s21;
	s22 =	sadd.s32 $0x40, s22;
	[tilespmem:s23+$0x0] =	vst v28;
	s23 =	sadd.s32 $0x40, s23  }
0x20d: {  	v27 =	vld [tilespmem:$0x40];
	_ =	sdelay $0x4  }
0x20e: {  	v19 =	vbroadcast v27, $0x0  }
0x20f: {  	v20 =	vbroadcast v27, $0x1;
	v21 =	vbroadcast v27, $0x2  }
0x210: {  	v22 =	vbroadcast v27, $0x3;
	v23 =	vbroadcast v27, $0x4  }
0x211: {  	s20 =	simm.s32 $0xFFFFFFFC;
	v24 =	vbroadcast v27, $0x5;
	v25 =	vbroadcast v27, $0x6  }
0x212: {  	s21 =	simm.s32 $0x0;
	s22 =	simm.s32 $0x470;
	s23 =	simm.s32 $0xE80;
	v26 =	vbroadcast v27, $0x7;
	v27 =	vbroadcast v27, $0x8  }
.LBB2_11:
0x213: {  	v28 =	vadd.s32 s21, v3;
	v29 =	vadd.s32 s21, v5  }
0x214: {  	v30 =	vadd.s32 s21, v8;
	v31 =	vadd.s32 s21, v10;
	v28 =	vand.u32 $0xFFFFFFF8, v28  }
0x215: {  	v32 =	vmov s21;
	v29 =	vand.u32 $0xFFFFFFF8, v29;
	v28 =	vor.u32 v4, v28  }
0x216: {  	v34 =	vadd.s32 s21, v14;
	v30 =	vand.u32 $0xFFFFFFF8, v30;
	v29 =	vor.u32 v6, v29  }
0x217: {  	v31 =	vand.u32 $0xFFFFFFF8, v31;
	v33 =	vand.u32 $0x40, v32;
	v30 =	vor.u32 v9, v30  }
0x218: {  	v52 =	vand.u32 $0xFFFFFFC8, v34;
	v31 =	vor.u32 v11, v31;
	vm9 =	vne.s32 v33, $0x0  }
0x219: {  	v33 =	vor.u32 v11, v52  }
0x21a: {  	v28 =	vld.idx.msk [tilespmem:v28+s15+$0x0], vm0  }
0x21b: {  	v29 =	vld.idx.msk [tilespmem:v29+s15+$0x0], vm2  }
0x21c: {  	v30 =	vld.idx.msk [tilespmem:v30+s15+$0x0], vm4  }
0x21d: {  	v31 =	vld.idx.msk [tilespmem:v31+s15+$0x0], vm6  }
0x21e: {  	v54 =	vadd.s32 s21, v16;
	s24 =	sadd.s32 $0x10, s21;
	v33 =	vld.idx.msk [tilespmem:v33+s15+$0x0], vm9  }
0x21f: {  	v35 =	vadd.s32 s21, v15;
	v55 =	vand.u32 $0xFFFFFFC8, v54;
	v36 =	vadd.s32 s24, v5  }
0x220: {  	v56 =	vadd.s32 s24, v3;
	v60 =	vadd.s32 s24, v8;
	v36 =	vand.u32 $0xFFFFFFF8, v36  }
0x221: {  	v61 =	vadd.s32 s24, v10;
	v58 =	vor.u32 v6, v36;
	v28 =	vadd.f32 v28, v19  }
0x222: {  	v36 =	vand.u32 $0xFFFFFFF8, v61;
	v29 =	vadd.f32 v29, v20;
	v30 =	vadd.f32 v30, v21  }
0x223: {  	v62 =	vor.u32 v11, v36;
	v31 =	vadd.f32 v31, v22;
	v33 =	vadd.f32 v33, v25  }
0x224: {  	v28 =	vsel vm1, $0xF149F2CA, v28;
	v29 =	vsel vm3, $0xF149F2CA, v29;
	v30 =	vsel vm5, $0xF149F2CA, v30  }
0x225: {  	v57 =	vsel vm7, $0xF149F2CA, v31;
	v28 =	vmax.f32 v28, $-1.000000020e+30;
	v33 =	vnsel vm9, $0xF149F2CA, v33  }
0x226: {  	vm8 =	vgt.f32 v29, v28;
	v28 =	vmax.f32 v28, v29;
	v29 =	vand.u32 $0x80, v32  }
0x227: {  	v53 =	vsel vm8, $0x1, v7;
	vm10 =	vne.s32 v29, $0x0;
	v29 =	vand.u32 $0xFFFFFFC8, v35  }
0x228: {  	vm8 =	vgt.u32 v32, $0xFF;
	v32 =	vor.u32 v11, v55;
	v35 =	vand.u32 $0xFFFFFFF8, v56  }
0x229: {  	vm11 =	vgt.f32 v30, v28;
	v28 =	vmax.f32 v28, v30;
	v29 =	vor.u32 v11, v29  }
0x22a: {  	s30 =	sadd.s32 $0x20, s21;
	v35 =	vor.u32 v4, v35;
	v34 =	vsel vm11, $0x2, v53;
	vm11 =	vgt.f32 v57, v28  }
0x22b: {  	v28 =	vmax.f32 v28, v57;
	v53 =	vadd.s32 s30, v3;
	v59 =	vsel vm11, $0x3, v34  }
0x22c: {  	vm11 =	vlt.f32 v28, $-1.000000020e+30;
	v28 =	vmax.f32 v28, $-1.000000020e+30;
	v34 =	vand.u32 $0xFFFFFFF8, v60  }
0x22d: {  	v36 =	vand.u32 $0xFFFFFFF8, v53;
	v30 =	vsel vm11, $0x4, v59;
	vm11 =	vlt.f32 v28, $-1.000000020e+30  }
0x22e: {  	v34 =	vor.u32 v9, v34;
	vm9 =	vgt.f32 v33, v28;
	v28 =	vmax.f32 v28, v33;
	v33 =	vld.idx.msk [tilespmem:v62+s15+$0x0], vm6  }
0x22f: {  	v42 =	vadd.s32 s24, v12;
	v36 =	vor.u32 v4, v36;
	v29 =	vld.idx.msk [tilespmem:v29+s15+$0x0], vm10  }
0x230: {  	v43 =	vmov s24;
	v38 =	vadd.s32 s24, v14;
	v48 =	vadd.s32 s24, v15;
	v32 =	vld.idx.msk [tilespmem:v32+s15+$0x0], vm8  }
0x231: {  	v54 =	vadd.s32 s30, v5;
	v40 =	vadd.s32 s30, v14;
	v37 =	vand.u32 $0x40, v43;
	v35 =	vld.idx.msk [tilespmem:v35+s15+$0x0], vm0  }
0x232: {  	v44 =	vand.u32 $0xFFFFFFD8, v38;
	v47 =	vand.u32 $0x80, v43;
	v49 =	vand.u32 $0xFFFFFFD8, v48;
	v31 =	vld.idx.msk [tilespmem:v58+s15+$0x0], vm2  }
0x233: {  	v52 =	vadd.s32 s24, v16;
	v46 =	vor.u32 v11, v44;
	v58 =	vadd.s32 s30, v8;
	v34 =	vld.idx.msk [tilespmem:v34+s15+$0x0], vm4  }
0x234: {  	v59 =	vadd.s32 s30, v10;
	v30 =	vsel vm11, $0x5, v30;
	v33 =	vadd.f32 v33, v22;
	v36 =	vld.idx.msk [tilespmem:v36+s15+$0x0], vm0  }
0x235: {  	v30 =	vsel vm9, $0x6, v30;
	v29 =	vadd.f32 v29, v26;
	v32 =	vadd.f32 v32, v27  }
0x236: {  	v51 =	vsel vm7, $0xF149F2CA, v33;
	v33 =	vand.u32 $0xFFFFFFD8, v52;
	v35 =	vadd.f32 v35, v19  }
0x237: {  	v33 =	vor.u32 v11, v33;
	v29 =	vnsel vm10, $0xF149F2CA, v29;
	v63 =	vnsel vm8, $0xF149F2CA, v32  }
0x238: {  	v41 =	vsel vm1, $0xF149F2CA, v35;
	v35 =	vand.u32 $0x1C8, v42;
	v34 =	vadd.f32 v34, v21  }
0x239: {  	v61 =	vadd.f32 v36, v19;
	v42 =	vadd.s32 s30, v15;
	vm9 =	vgt.f32 v29, v28  }
0x23a: {  	v29 =	vmax.f32 v28, v29;
	v28 =	vadd.f32 v31, v20;
	v32 =	vmax.f32 v41, $-1.000000020e+30  }
0x23b: {  	v35 =	vor.u32 v11, v35;
	v30 =	vsel vm9, $0x7, v30;
	vm9 =	vne.s32 v37, $0x0  }
0x23c: {  	v45 =	vsel vm5, $0xF149F2CA, v34;
	vm11 =	vgt.f32 v63, v29;
	v37 =	vor.u32 v11, v49  }
0x23d: {  	v29 =	vmax.f32 v29, v63;
	v63 =	vmov s30;
	v28 =	vsel vm3, $0xF149F2CA, v28  }
0x23e: {  	v31 =	vsel vm1, $0xF149F2CA, v61;
	vm8 =	vgt.f32 v28, v32;
	v28 =	vmax.f32 v32, v28  }
0x23f: {  	v39 =	vsel vm8, $0x1, v7;
	vm10 =	vgt.f32 v45, v28;
	vm8 =	vne.s32 v47, $0x0  }
0x240: {  	s31 =	sadd.s32 $0x30, s21;
	v49 =	vand.u32 $0xFFFFFFE8, v42;
	v35 =	vld.idx.msk [tilespmem:v35+s15+$0x0], $0xffff;
	v50 =	vsel vm10, $0x2, v39;
	v39 =	vand.u32 $0xFFFFFFF8, v54  }
0x241: {  	v61 =	vadd.s32 s31, v10;
	vm10 =	vgt.u32 v43, $0xFF;
	v56 =	vor.u32 v6, v39  }
0x242: {  	v31 =	vmax.f32 v31, $-1.000000020e+30;
	v41 =	vand.u32 $0x80, v63;
	v52 =	vor.u32 v11, v49;
	v34 =	vld.idx.msk [tilespmem:v46+s15+$0x0], vm9  }
0x243: {  	v28 =	vmax.f32 v28, v45;
	v45 =	vadd.s32 s30, v13;
	v47 =	vand.u32 $0xFFFFFFE8, v40  }
0x244: {  	vm12 =	vgt.f32 v51, v28;
	v28 =	vmax.f32 v28, v51;
	v39 =	vand.u32 $0xFFFFFFF8, v59  }
0x245: {  	v38 =	vsel vm12, $0x3, v50;
	v60 =	vor.u32 v11, v39;
	v35 =	vadd.f32 v35, v23;
	v55 =	vld.idx.msk [tilespmem:v37+s15+$0x0], vm8  }
0x246: {  	v46 =	vand.u32 $0x40, v63;
	v39 =	vor.u32 v11, v47;
	v37 =	vld.idx.msk [tilespmem:v56+s15+$0x0], vm2;
	v56 =	vadd.s32 s31, v3  }
0x247: {  	v33 =	vld.idx.msk [tilespmem:v33+s15+$0x0], vm10;
	vm12 =	vgt.f32 v35, v28;
	v35 =	vmax.f32 v28, v35;
	v34 =	vadd.f32 v34, v25  }
0x248: {  	v28 =	vsel vm11, $0x8, v30;
	v38 =	vsel vm12, $0x4, v38;
	vm12 =	vlt.f32 v35, $-1.000000020e+30  }
0x249: {  	v36 =	vand.u32 $0xFFFFFFF8, v56;
	v57 =	vsel vm12, $0x5, v38;
	v38 =	vand.u32 $0xFFFFFFF8, v58  }
0x24a: {  	v35 =	vmax.f32 v35, $-1.000000020e+30;
	v36 =	vor.u32 v4, v36;
	v38 =	vor.u32 v9, v38  }
0x24b: {  	v34 =	vnsel vm9, $0xF149F2CA, v34;
	v58 =	vadd.s32 s31, v5;
	v32 =	vadd.f32 v55, v26  }
0x24c: {  	vm9 =	vgt.f32 v34, v35;
	v34 =	vmax.f32 v35, v34;
	v33 =	vadd.f32 v33, v27  }
0x24d: {  	v35 =	vld.idx.msk [tilespmem:v60+s15+$0x0], vm6;
	v55 =	vadd.s32 s30, v16;
	v60 =	vadd.s32 s31, v8;
	v62 =	vadd.f32 v37, v20  }
0x24e: {  	v32 =	vnsel vm8, $0xF149F2CA, v32;
	v33 =	vnsel vm10, $0xF149F2CA, v33;
	vm10 =	vne.s32 v46, $0x0  }
0x24f: {  	v30 =	vsel vm9, $0x6, v57;
	vm9 =	vne.s32 v41, $0x0;
	vm8 =	vgt.f32 v32, v34;
	v44 =	vld.idx.msk [tilespmem:v38+s15+$0x0], vm4  }
0x250: {  	v32 =	vmax.f32 v34, v32;
	v34 =	vsel vm3, $0xF149F2CA, v62;
	v38 =	vand.u32 $0x1C8, v45  }
0x251: {  	v62 =	vadd.s32 s31, v12;
	v30 =	vsel vm8, $0x7, v30;
	v38 =	vor.u32 v11, v38  }
0x252: {  	vm8 =	vgt.f32 v34, v31;
	vm11 =	vgt.f32 v33, v32;
	v31 =	vmax.f32 v31, v34  }
0x253: {  	v34 =	vand.u32 $0xFFFFFFE8, v55;
	v32 =	vmax.f32 v32, v33;
	v40 =	vand.u32 $0x1E8, v62  }
0x254: {  	v48 =	vsel vm8, $0x1, v7;
	v35 =	vadd.f32 v35, v22;
	v39 =	vld.idx.msk [tilespmem:v39+s15+$0x0], vm10;
	v37 =	vadd.f32 v44, v21  }
0x255: {  	v30 =	vsel vm11, $0x8, v30;
	v34 =	vor.u32 v11, v34;
	v40 =	vor.u32 v11, v40  }
0x256: {  	v53 =	vsel vm7, $0xF149F2CA, v35;
	v44 =	vadd.s32 s31, v14;
	v51 =	vld.idx.msk [tilespmem:v38+s15+$0x0], $0xffff;
	v50 =	vsel vm5, $0xF149F2CA, v37  }
0x257: {  	v38 =	vld.idx.msk [tilespmem:v52+s15+$0x0], vm9;
	v49 =	vand.u32 $0xFFFFFFF8, v44;
	vm8 =	vgt.f32 v50, v31;
	v31 =	vmax.f32 v31, v50  }
0x258: {  	v54 =	vsel vm8, $0x2, v48;
	vm8 =	vgt.f32 v53, v31;
	v31 =	vmax.f32 v31, v53  }
0x259: {  	v39 =	vadd.f32 v39, v25;
	v48 =	vadd.s32 s31, v13;
	v35 =	vsel vm8, $0x3, v54  }
0x25a: {  	vm8 =	vgt.u32 v63, $0xFF;
	vm11 =	vlt.f32 v31, $-1.000000020e+30;
	v31 =	vmax.f32 v31, $-1.000000020e+30  }
0x25b: {  	v63 =	vmov s31;
	v42 =	vand.u32 $0x1D8, v48;
	v37 =	vadd.f32 v51, v24  }
0x25c: {  	v35 =	vsel vm11, $0x4, v35;
	v59 =	vnsel vm10, $0xF149F2CA, v39;
	v38 =	vadd.f32 v38, v26  }
0x25d: {  	v39 =	vand.u32 $0xFFFFFFF8, v61;
	v43 =	vand.u32 $0x40, v63;
	v42 =	vor.u32 v11, v42  }
0x25e: {  	v50 =	vand.u32 $0x80, v63;
	v51 =	vadd.s32 s31, v15;
	v39 =	vor.u32 v11, v39  }
0x25f: {  	v44 =	vand.u32 $0xFFFFFFF8, v51;
	vm11 =	vgt.f32 v37, v31;
	v31 =	vmax.f32 v31, v37  }
0x260: {  	v38 =	vnsel vm9, $0xF149F2CA, v38;
	v37 =	vand.u32 $0xFFFFFFF8, v60;
	v57 =	vsel vm11, $0x5, v35  }
0x261: {  	v36 =	vld.idx.msk [tilespmem:v36+s15+$0x0], vm0;
	v35 =	vand.u32 $0xFFFFFFF8, v58;
	vm10 =	vgt.f32 v59, v31;
	v37 =	vor.u32 v9, v37  }
0x262: {  	v40 =	vld.idx.msk [tilespmem:v40+s15+$0x0], $0xffff;
	v31 =	vmax.f32 v31, v59;
	vm11 =	vne.s32 v43, $0x0;
	v35 =	vor.u32 v6, v35  }
0x263: {  	v43 =	vor.u32 v11, v49;
	v33 =	vsel vm10, $0x6, v57;
	vm10 =	vne.s32 v50, $0x0;
	v34 =	vld.idx.msk [tilespmem:v34+s15+$0x0], vm8  }
0x264: {  	v52 =	vadd.s32 s31, v16;
	v44 =	vor.u32 v11, v44;
	vm9 =	vgt.f32 v38, v31;
	v42 =	vld.idx.msk [tilespmem:v42+s15+$0x0], $0xffff  }
0x265: {  	v41 =	vand.u32 $0xFFFFFFF8, v52;
	v33 =	vsel vm9, $0x7, v33;
	vm9 =	vgt.u32 v63, $0xFF;
	v39 =	vld.idx.msk [tilespmem:v39+s15+$0x0], vm6  }
0x266: {  	v41 =	vor.u32 v11, v41;
	v37 =	vld.idx.msk [tilespmem:v37+s15+$0x0], vm4  }
0x267: {  	v36 =	vadd.f32 v36, v19;
	v35 =	vld.idx.msk [tilespmem:v35+s15+$0x0], vm2  }
0x268: {  	v43 =	vld.idx.msk [tilespmem:v43+s15+$0x0], vm11  }
0x269: {  	v36 =	vsel vm1, $0xF149F2CA, v36;
	v56 =	vld.idx.msk [tilespmem:v44+s15+$0x0], vm10  }
0x26a: {  	v36 =	vmax.f32 v36, $-1.000000020e+30;
	v34 =	vadd.f32 v34, v27  }
0x26b: {  	v55 =	vadd.f32 v40, v23;
	v31 =	vmax.f32 v31, v38;
	v39 =	vadd.f32 v39, v22;
	v41 =	vld.idx.msk [tilespmem:v41+s15+$0x0], vm9  }
0x26c: {  	v57 =	vadd.f32 v42, v24;
	v34 =	vnsel vm8, $0xF149F2CA, v34;
	v37 =	vadd.f32 v37, v21  }
0x26d: {  	v54 =	vsel vm7, $0xF149F2CA, v39;
	v35 =	vadd.f32 v35, v20;
	v58 =	vadd.f32 v43, v25  }
0x26e: {  	v62 =	vmax.f32 v31, v34;
	v37 =	vsel vm5, $0xF149F2CA, v37;
	v60 =	vadd.f32 v56, v26  }
0x26f: {  	v35 =	vsel vm3, $0xF149F2CA, v35;
	v59 =	vnsel vm11, $0xF149F2CA, v58;
	vm11 =	vgt.f32 v34, v31  }
0x270: {  	v61 =	vadd.f32 v41, v27;
	vm8 =	vgt.f32 v35, v36;
	v35 =	vmax.f32 v36, v35  }
0x271: {  	v53 =	vsel vm8, $0x1, v7;
	vm8 =	vgt.f32 v37, v35;
	v35 =	vmax.f32 v35, v37  }
0x272: {  	v36 =	vsel vm8, $0x2, v53;
	vm8 =	vgt.f32 v54, v35;
	v35 =	vmax.f32 v35, v54  }
0x273: {  	[tilespmem:s22+$0xFFFFFFE0] =	vst v29;
	v36 =	vsel vm8, $0x3, v36;
	vm8 =	vgt.f32 v55, v35;
	v35 =	vmax.f32 v35, v55  }
0x274: {  	s20 =	sadd.s32 $0x4, s20;
	[tilespmem:s23+$0xFFFFFFD0] =	vst v28;
	v33 =	vsel vm11, $0x8, v33;
	v36 =	vsel vm8, $0x4, v36;
	vm8 =	vgt.f32 v57, v35  }
0x275: {  	p0 =	slt.u32 s20, $0x1C;
	[tilespmem:s22+$0xFFFFFFF0] =	vst v32;
	v63 =	vnsel vm9, $0xF149F2CA, v61;
	v29 =	vmax.f32 v35, v57;
	v28 =	vsel vm8, $0x5, v36  }
.Ltmp5:
0x276: {  	[tilespmem:s23+$0xFFFFFFE0] =	vst v30;
	vm8 =	vgt.f32 v59, v29;
	v36 =	vnsel vm10, $0xF149F2CA, v60;
	v29 =	vmax.f32 v29, v59;
	(pc) =	sbr.rel @p0 .LBB2_11-.Ltmp5, $4  }
0x277: {  	[tilespmem:s22+$0x0] =	vst v62;
	v28 =	vsel vm8, $0x6, v28;
	vm8 =	vgt.f32 v36, v29;
	v29 =	vmax.f32 v29, v36  }
0x278: {  	[tilespmem:s23+$0xFFFFFFF0] =	vst v33;
	v28 =	vsel vm8, $0x7, v28;
	vm8 =	vgt.f32 v63, v29;
	v29 =	vmax.f32 v29, v63  }
0x279: {  	v28 =	vsel vm8, $0x8, v28;
	[tilespmem:s22+$0x10] =	vst v29  }
0x27a: {  	s21 =	sadd.s32 $0x40, s21;
	s22 =	sadd.s32 $0x40, s22;
	[tilespmem:s23+$0x0] =	vst v28;
	s23 =	sadd.s32 $0x40, s23  }
0x27b: {  	v27 =	vld [tilespmem:$0x30];
	_ =	sdelay $0x4  }
0x27c: {  	v19 =	vbroadcast v27, $0x0  }
0x27d: {  	v20 =	vbroadcast v27, $0x1;
	v21 =	vbroadcast v27, $0x2  }
0x27e: {  	v22 =	vbroadcast v27, $0x3;
	v23 =	vbroadcast v27, $0x4  }
0x27f: {  	s20 =	simm.s32 $0xFFFFFFFC;
	v24 =	vbroadcast v27, $0x5;
	v25 =	vbroadcast v27, $0x6  }
0x280: {  	s21 =	simm.s32 $0x0;
	s22 =	simm.s32 $0x270;
	s23 =	simm.s32 $0xC80;
	v26 =	vbroadcast v27, $0x7;
	v27 =	vbroadcast v27, $0x8  }
.LBB2_13:
0x281: {  	v28 =	vadd.s32 s21, v3;
	v29 =	vadd.s32 s21, v5  }
0x282: {  	v30 =	vadd.s32 s21, v8;
	v31 =	vadd.s32 s21, v10;
	v28 =	vand.u32 $0xFFFFFFF8, v28  }
0x283: {  	v32 =	vmov s21;
	v29 =	vand.u32 $0xFFFFFFF8, v29;
	v28 =	vor.u32 v4, v28  }
0x284: {  	v34 =	vadd.s32 s21, v14;
	v30 =	vand.u32 $0xFFFFFFF8, v30;
	v29 =	vor.u32 v6, v29  }
0x285: {  	v31 =	vand.u32 $0xFFFFFFF8, v31;
	v33 =	vand.u32 $0x40, v32;
	v30 =	vor.u32 v9, v30  }
0x286: {  	v52 =	vand.u32 $0xFFFFFFC8, v34;
	v31 =	vor.u32 v11, v31;
	vm9 =	vne.s32 v33, $0x0  }
0x287: {  	v33 =	vor.u32 v11, v52  }
0x288: {  	v28 =	vld.idx.msk [tilespmem:v28+s16+$0x0], vm0  }
0x289: {  	v29 =	vld.idx.msk [tilespmem:v29+s16+$0x0], vm2  }
0x28a: {  	v30 =	vld.idx.msk [tilespmem:v30+s16+$0x0], vm4  }
0x28b: {  	v31 =	vld.idx.msk [tilespmem:v31+s16+$0x0], vm6  }
0x28c: {  	v54 =	vadd.s32 s21, v16;
	s24 =	sadd.s32 $0x10, s21;
	v33 =	vld.idx.msk [tilespmem:v33+s16+$0x0], vm9  }
0x28d: {  	v35 =	vadd.s32 s21, v15;
	v55 =	vand.u32 $0xFFFFFFC8, v54;
	v36 =	vadd.s32 s24, v5  }
0x28e: {  	v56 =	vadd.s32 s24, v3;
	v60 =	vadd.s32 s24, v8;
	v36 =	vand.u32 $0xFFFFFFF8, v36  }
0x28f: {  	v61 =	vadd.s32 s24, v10;
	v58 =	vor.u32 v6, v36;
	v28 =	vadd.f32 v28, v19  }
0x290: {  	v36 =	vand.u32 $0xFFFFFFF8, v61;
	v29 =	vadd.f32 v29, v20;
	v30 =	vadd.f32 v30, v21  }
0x291: {  	v62 =	vor.u32 v11, v36;
	v31 =	vadd.f32 v31, v22;
	v33 =	vadd.f32 v33, v25  }
0x292: {  	v28 =	vsel vm1, $0xF149F2CA, v28;
	v29 =	vsel vm3, $0xF149F2CA, v29;
	v30 =	vsel vm5, $0xF149F2CA, v30  }
0x293: {  	v57 =	vsel vm7, $0xF149F2CA, v31;
	v28 =	vmax.f32 v28, $-1.000000020e+30;
	v33 =	vnsel vm9, $0xF149F2CA, v33  }
0x294: {  	vm8 =	vgt.f32 v29, v28;
	v28 =	vmax.f32 v28, v29;
	v29 =	vand.u32 $0x80, v32  }
0x295: {  	v53 =	vsel vm8, $0x1, v7;
	vm10 =	vne.s32 v29, $0x0;
	v29 =	vand.u32 $0xFFFFFFC8, v35  }
0x296: {  	vm8 =	vgt.u32 v32, $0xFF;
	v32 =	vor.u32 v11, v55;
	v35 =	vand.u32 $0xFFFFFFF8, v56  }
0x297: {  	vm11 =	vgt.f32 v30, v28;
	v28 =	vmax.f32 v28, v30;
	v29 =	vor.u32 v11, v29  }
0x298: {  	s30 =	sadd.s32 $0x20, s21;
	v35 =	vor.u32 v4, v35;
	v34 =	vsel vm11, $0x2, v53;
	vm11 =	vgt.f32 v57, v28  }
0x299: {  	v28 =	vmax.f32 v28, v57;
	v53 =	vadd.s32 s30, v3;
	v59 =	vsel vm11, $0x3, v34  }
0x29a: {  	vm11 =	vlt.f32 v28, $-1.000000020e+30;
	v28 =	vmax.f32 v28, $-1.000000020e+30;
	v34 =	vand.u32 $0xFFFFFFF8, v60  }
0x29b: {  	v36 =	vand.u32 $0xFFFFFFF8, v53;
	v30 =	vsel vm11, $0x4, v59;
	vm11 =	vlt.f32 v28, $-1.000000020e+30  }
0x29c: {  	v34 =	vor.u32 v9, v34;
	vm9 =	vgt.f32 v33, v28;
	v28 =	vmax.f32 v28, v33;
	v33 =	vld.idx.msk [tilespmem:v62+s16+$0x0], vm6  }
0x29d: {  	v42 =	vadd.s32 s24, v12;
	v36 =	vor.u32 v4, v36;
	v29 =	vld.idx.msk [tilespmem:v29+s16+$0x0], vm10  }
0x29e: {  	v43 =	vmov s24;
	v38 =	vadd.s32 s24, v14;
	v48 =	vadd.s32 s24, v15;
	v32 =	vld.idx.msk [tilespmem:v32+s16+$0x0], vm8  }
0x29f: {  	v54 =	vadd.s32 s30, v5;
	v40 =	vadd.s32 s30, v14;
	v37 =	vand.u32 $0x40, v43;
	v35 =	vld.idx.msk [tilespmem:v35+s16+$0x0], vm0  }
0x2a0: {  	v44 =	vand.u32 $0xFFFFFFD8, v38;
	v47 =	vand.u32 $0x80, v43;
	v49 =	vand.u32 $0xFFFFFFD8, v48;
	v31 =	vld.idx.msk [tilespmem:v58+s16+$0x0], vm2  }
0x2a1: {  	v52 =	vadd.s32 s24, v16;
	v46 =	vor.u32 v11, v44;
	v58 =	vadd.s32 s30, v8;
	v34 =	vld.idx.msk [tilespmem:v34+s16+$0x0], vm4  }
0x2a2: {  	v59 =	vadd.s32 s30, v10;
	v30 =	vsel vm11, $0x5, v30;
	v33 =	vadd.f32 v33, v22;
	v36 =	vld.idx.msk [tilespmem:v36+s16+$0x0], vm0  }
0x2a3: {  	v30 =	vsel vm9, $0x6, v30;
	v29 =	vadd.f32 v29, v26;
	v32 =	vadd.f32 v32, v27  }
0x2a4: {  	v51 =	vsel vm7, $0xF149F2CA, v33;
	v33 =	vand.u32 $0xFFFFFFD8, v52;
	v35 =	vadd.f32 v35, v19  }
0x2a5: {  	v33 =	vor.u32 v11, v33;
	v29 =	vnsel vm10, $0xF149F2CA, v29;
	v63 =	vnsel vm8, $0xF149F2CA, v32  }
0x2a6: {  	v41 =	vsel vm1, $0xF149F2CA, v35;
	v35 =	vand.u32 $0x1C8, v42;
	v34 =	vadd.f32 v34, v21  }
0x2a7: {  	v61 =	vadd.f32 v36, v19;
	v42 =	vadd.s32 s30, v15;
	vm9 =	vgt.f32 v29, v28  }
0x2a8: {  	v29 =	vmax.f32 v28, v29;
	v28 =	vadd.f32 v31, v20;
	v32 =	vmax.f32 v41, $-1.000000020e+30  }
0x2a9: {  	v35 =	vor.u32 v11, v35;
	v30 =	vsel vm9, $0x7, v30;
	vm9 =	vne.s32 v37, $0x0  }
0x2aa: {  	v45 =	vsel vm5, $0xF149F2CA, v34;
	vm11 =	vgt.f32 v63, v29;
	v37 =	vor.u32 v11, v49  }
0x2ab: {  	v29 =	vmax.f32 v29, v63;
	v63 =	vmov s30;
	v28 =	vsel vm3, $0xF149F2CA, v28  }
0x2ac: {  	v31 =	vsel vm1, $0xF149F2CA, v61;
	vm8 =	vgt.f32 v28, v32;
	v28 =	vmax.f32 v32, v28  }
0x2ad: {  	v39 =	vsel vm8, $0x1, v7;
	vm10 =	vgt.f32 v45, v28;
	vm8 =	vne.s32 v47, $0x0  }
0x2ae: {  	s31 =	sadd.s32 $0x30, s21;
	v49 =	vand.u32 $0xFFFFFFE8, v42;
	v35 =	vld.idx.msk [tilespmem:v35+s16+$0x0], $0xffff;
	v50 =	vsel vm10, $0x2, v39;
	v39 =	vand.u32 $0xFFFFFFF8, v54  }
0x2af: {  	v61 =	vadd.s32 s31, v10;
	vm10 =	vgt.u32 v43, $0xFF;
	v56 =	vor.u32 v6, v39  }
0x2b0: {  	v31 =	vmax.f32 v31, $-1.000000020e+30;
	v41 =	vand.u32 $0x80, v63;
	v52 =	vor.u32 v11, v49;
	v34 =	vld.idx.msk [tilespmem:v46+s16+$0x0], vm9  }
0x2b1: {  	v28 =	vmax.f32 v28, v45;
	v45 =	vadd.s32 s30, v13;
	v47 =	vand.u32 $0xFFFFFFE8, v40  }
0x2b2: {  	vm12 =	vgt.f32 v51, v28;
	v28 =	vmax.f32 v28, v51;
	v39 =	vand.u32 $0xFFFFFFF8, v59  }
0x2b3: {  	v38 =	vsel vm12, $0x3, v50;
	v60 =	vor.u32 v11, v39;
	v35 =	vadd.f32 v35, v23;
	v55 =	vld.idx.msk [tilespmem:v37+s16+$0x0], vm8  }
0x2b4: {  	v46 =	vand.u32 $0x40, v63;
	v39 =	vor.u32 v11, v47;
	v37 =	vld.idx.msk [tilespmem:v56+s16+$0x0], vm2;
	v56 =	vadd.s32 s31, v3  }
0x2b5: {  	v33 =	vld.idx.msk [tilespmem:v33+s16+$0x0], vm10;
	vm12 =	vgt.f32 v35, v28;
	v35 =	vmax.f32 v28, v35;
	v34 =	vadd.f32 v34, v25  }
0x2b6: {  	v28 =	vsel vm11, $0x8, v30;
	v38 =	vsel vm12, $0x4, v38;
	vm12 =	vlt.f32 v35, $-1.000000020e+30  }
0x2b7: {  	v36 =	vand.u32 $0xFFFFFFF8, v56;
	v57 =	vsel vm12, $0x5, v38;
	v38 =	vand.u32 $0xFFFFFFF8, v58  }
0x2b8: {  	v35 =	vmax.f32 v35, $-1.000000020e+30;
	v36 =	vor.u32 v4, v36;
	v38 =	vor.u32 v9, v38  }
0x2b9: {  	v34 =	vnsel vm9, $0xF149F2CA, v34;
	v58 =	vadd.s32 s31, v5;
	v32 =	vadd.f32 v55, v26  }
0x2ba: {  	vm9 =	vgt.f32 v34, v35;
	v34 =	vmax.f32 v35, v34;
	v33 =	vadd.f32 v33, v27  }
0x2bb: {  	v35 =	vld.idx.msk [tilespmem:v60+s16+$0x0], vm6;
	v55 =	vadd.s32 s30, v16;
	v60 =	vadd.s32 s31, v8;
	v62 =	vadd.f32 v37, v20  }
0x2bc: {  	v32 =	vnsel vm8, $0xF149F2CA, v32;
	v33 =	vnsel vm10, $0xF149F2CA, v33;
	vm10 =	vne.s32 v46, $0x0  }
0x2bd: {  	v30 =	vsel vm9, $0x6, v57;
	vm9 =	vne.s32 v41, $0x0;
	vm8 =	vgt.f32 v32, v34;
	v44 =	vld.idx.msk [tilespmem:v38+s16+$0x0], vm4  }
0x2be: {  	v32 =	vmax.f32 v34, v32;
	v34 =	vsel vm3, $0xF149F2CA, v62;
	v38 =	vand.u32 $0x1C8, v45  }
0x2bf: {  	v62 =	vadd.s32 s31, v12;
	v30 =	vsel vm8, $0x7, v30;
	v38 =	vor.u32 v11, v38  }
0x2c0: {  	vm8 =	vgt.f32 v34, v31;
	vm11 =	vgt.f32 v33, v32;
	v31 =	vmax.f32 v31, v34  }
0x2c1: {  	v34 =	vand.u32 $0xFFFFFFE8, v55;
	v32 =	vmax.f32 v32, v33;
	v40 =	vand.u32 $0x1E8, v62  }
0x2c2: {  	v48 =	vsel vm8, $0x1, v7;
	v35 =	vadd.f32 v35, v22;
	v39 =	vld.idx.msk [tilespmem:v39+s16+$0x0], vm10;
	v37 =	vadd.f32 v44, v21  }
0x2c3: {  	v30 =	vsel vm11, $0x8, v30;
	v34 =	vor.u32 v11, v34;
	v40 =	vor.u32 v11, v40  }
0x2c4: {  	v53 =	vsel vm7, $0xF149F2CA, v35;
	v44 =	vadd.s32 s31, v14;
	v51 =	vld.idx.msk [tilespmem:v38+s16+$0x0], $0xffff;
	v50 =	vsel vm5, $0xF149F2CA, v37  }
0x2c5: {  	v38 =	vld.idx.msk [tilespmem:v52+s16+$0x0], vm9;
	v49 =	vand.u32 $0xFFFFFFF8, v44;
	vm8 =	vgt.f32 v50, v31;
	v31 =	vmax.f32 v31, v50  }
0x2c6: {  	v54 =	vsel vm8, $0x2, v48;
	vm8 =	vgt.f32 v53, v31;
	v31 =	vmax.f32 v31, v53  }
0x2c7: {  	v39 =	vadd.f32 v39, v25;
	v48 =	vadd.s32 s31, v13;
	v35 =	vsel vm8, $0x3, v54  }
0x2c8: {  	vm8 =	vgt.u32 v63, $0xFF;
	vm11 =	vlt.f32 v31, $-1.000000020e+30;
	v31 =	vmax.f32 v31, $-1.000000020e+30  }
0x2c9: {  	v63 =	vmov s31;
	v42 =	vand.u32 $0x1D8, v48;
	v37 =	vadd.f32 v51, v24  }
0x2ca: {  	v35 =	vsel vm11, $0x4, v35;
	v59 =	vnsel vm10, $0xF149F2CA, v39;
	v38 =	vadd.f32 v38, v26  }
0x2cb: {  	v39 =	vand.u32 $0xFFFFFFF8, v61;
	v43 =	vand.u32 $0x40, v63;
	v42 =	vor.u32 v11, v42  }
0x2cc: {  	v50 =	vand.u32 $0x80, v63;
	v51 =	vadd.s32 s31, v15;
	v39 =	vor.u32 v11, v39  }
0x2cd: {  	v44 =	vand.u32 $0xFFFFFFF8, v51;
	vm11 =	vgt.f32 v37, v31;
	v31 =	vmax.f32 v31, v37  }
0x2ce: {  	v38 =	vnsel vm9, $0xF149F2CA, v38;
	v37 =	vand.u32 $0xFFFFFFF8, v60;
	v57 =	vsel vm11, $0x5, v35  }
0x2cf: {  	v36 =	vld.idx.msk [tilespmem:v36+s16+$0x0], vm0;
	v35 =	vand.u32 $0xFFFFFFF8, v58;
	vm10 =	vgt.f32 v59, v31;
	v37 =	vor.u32 v9, v37  }
0x2d0: {  	v40 =	vld.idx.msk [tilespmem:v40+s16+$0x0], $0xffff;
	v31 =	vmax.f32 v31, v59;
	vm11 =	vne.s32 v43, $0x0;
	v35 =	vor.u32 v6, v35  }
0x2d1: {  	v43 =	vor.u32 v11, v49;
	v33 =	vsel vm10, $0x6, v57;
	vm10 =	vne.s32 v50, $0x0;
	v34 =	vld.idx.msk [tilespmem:v34+s16+$0x0], vm8  }
0x2d2: {  	v52 =	vadd.s32 s31, v16;
	v44 =	vor.u32 v11, v44;
	vm9 =	vgt.f32 v38, v31;
	v42 =	vld.idx.msk [tilespmem:v42+s16+$0x0], $0xffff  }
0x2d3: {  	v41 =	vand.u32 $0xFFFFFFF8, v52;
	v33 =	vsel vm9, $0x7, v33;
	vm9 =	vgt.u32 v63, $0xFF;
	v39 =	vld.idx.msk [tilespmem:v39+s16+$0x0], vm6  }
0x2d4: {  	v41 =	vor.u32 v11, v41;
	v37 =	vld.idx.msk [tilespmem:v37+s16+$0x0], vm4  }
0x2d5: {  	v36 =	vadd.f32 v36, v19;
	v35 =	vld.idx.msk [tilespmem:v35+s16+$0x0], vm2  }
0x2d6: {  	v43 =	vld.idx.msk [tilespmem:v43+s16+$0x0], vm11  }
0x2d7: {  	v36 =	vsel vm1, $0xF149F2CA, v36;
	v56 =	vld.idx.msk [tilespmem:v44+s16+$0x0], vm10  }
0x2d8: {  	v36 =	vmax.f32 v36, $-1.000000020e+30;
	v34 =	vadd.f32 v34, v27  }
0x2d9: {  	v55 =	vadd.f32 v40, v23;
	v31 =	vmax.f32 v31, v38;
	v39 =	vadd.f32 v39, v22;
	v41 =	vld.idx.msk [tilespmem:v41+s16+$0x0], vm9  }
0x2da: {  	v57 =	vadd.f32 v42, v24;
	v34 =	vnsel vm8, $0xF149F2CA, v34;
	v37 =	vadd.f32 v37, v21  }
0x2db: {  	v54 =	vsel vm7, $0xF149F2CA, v39;
	v35 =	vadd.f32 v35, v20;
	v58 =	vadd.f32 v43, v25  }
0x2dc: {  	v62 =	vmax.f32 v31, v34;
	v37 =	vsel vm5, $0xF149F2CA, v37;
	v60 =	vadd.f32 v56, v26  }
0x2dd: {  	v35 =	vsel vm3, $0xF149F2CA, v35;
	v59 =	vnsel vm11, $0xF149F2CA, v58;
	vm11 =	vgt.f32 v34, v31  }
0x2de: {  	v61 =	vadd.f32 v41, v27;
	vm8 =	vgt.f32 v35, v36;
	v35 =	vmax.f32 v36, v35  }
0x2df: {  	v53 =	vsel vm8, $0x1, v7;
	vm8 =	vgt.f32 v37, v35;
	v35 =	vmax.f32 v35, v37  }
0x2e0: {  	v36 =	vsel vm8, $0x2, v53;
	vm8 =	vgt.f32 v54, v35;
	v35 =	vmax.f32 v35, v54  }
0x2e1: {  	[tilespmem:s22+$0xFFFFFFE0] =	vst v29;
	v36 =	vsel vm8, $0x3, v36;
	vm8 =	vgt.f32 v55, v35;
	v35 =	vmax.f32 v35, v55  }
0x2e2: {  	s20 =	sadd.s32 $0x4, s20;
	[tilespmem:s23+$0xFFFFFFD0] =	vst v28;
	v33 =	vsel vm11, $0x8, v33;
	v36 =	vsel vm8, $0x4, v36;
	vm8 =	vgt.f32 v57, v35  }
0x2e3: {  	p0 =	slt.u32 s20, $0x1C;
	[tilespmem:s22+$0xFFFFFFF0] =	vst v32;
	v63 =	vnsel vm9, $0xF149F2CA, v61;
	v29 =	vmax.f32 v35, v57;
	v28 =	vsel vm8, $0x5, v36  }
.Ltmp6:
0x2e4: {  	[tilespmem:s23+$0xFFFFFFE0] =	vst v30;
	vm8 =	vgt.f32 v59, v29;
	v36 =	vnsel vm10, $0xF149F2CA, v60;
	v29 =	vmax.f32 v29, v59;
	(pc) =	sbr.rel @p0 .LBB2_13-.Ltmp6, $4  }
0x2e5: {  	[tilespmem:s22+$0x0] =	vst v62;
	v28 =	vsel vm8, $0x6, v28;
	vm8 =	vgt.f32 v36, v29;
	v29 =	vmax.f32 v29, v36  }
0x2e6: {  	[tilespmem:s23+$0xFFFFFFF0] =	vst v33;
	v28 =	vsel vm8, $0x7, v28;
	vm8 =	vgt.f32 v63, v29;
	v29 =	vmax.f32 v29, v63  }
0x2e7: {  	v28 =	vsel vm8, $0x8, v28;
	[tilespmem:s22+$0x10] =	vst v29  }
0x2e8: {  	s21 =	sadd.s32 $0x40, s21;
	s22 =	sadd.s32 $0x40, s22;
	[tilespmem:s23+$0x0] =	vst v28;
	s23 =	sadd.s32 $0x40, s23  }
0x2e9: {  	v27 =	vld [tilespmem:$0x20];
	_ =	sdelay $0x4  }
0x2ea: {  	v19 =	vbroadcast v27, $0x0  }
0x2eb: {  	v20 =	vbroadcast v27, $0x1;
	v21 =	vbroadcast v27, $0x2  }
0x2ec: {  	v22 =	vbroadcast v27, $0x3;
	v23 =	vbroadcast v27, $0x4  }
0x2ed: {  	s20 =	simm.s32 $0xFFFFFFFC;
	v24 =	vbroadcast v27, $0x5;
	v25 =	vbroadcast v27, $0x6  }
0x2ee: {  	s21 =	simm.s32 $0x0;
	s22 =	simm.s32 $0x470;
	s23 =	simm.s32 $0xA80;
	v26 =	vbroadcast v27, $0x7;
	v27 =	vbroadcast v27, $0x8  }
.LBB2_15:
0x2ef: {  	v28 =	vadd.s32 s21, v3;
	v29 =	vadd.s32 s21, v5  }
0x2f0: {  	v30 =	vadd.s32 s21, v8;
	v31 =	vadd.s32 s21, v10;
	v28 =	vand.u32 $0xFFFFFFF8, v28  }
0x2f1: {  	v32 =	vmov s21;
	v29 =	vand.u32 $0xFFFFFFF8, v29;
	v28 =	vor.u32 v4, v28  }
0x2f2: {  	v34 =	vadd.s32 s21, v14;
	v30 =	vand.u32 $0xFFFFFFF8, v30;
	v29 =	vor.u32 v6, v29  }
0x2f3: {  	v31 =	vand.u32 $0xFFFFFFF8, v31;
	v33 =	vand.u32 $0x40, v32;
	v30 =	vor.u32 v9, v30  }
0x2f4: {  	v52 =	vand.u32 $0xFFFFFFC8, v34;
	v31 =	vor.u32 v11, v31;
	vm9 =	vne.s32 v33, $0x0  }
0x2f5: {  	v33 =	vor.u32 v11, v52  }
0x2f6: {  	v28 =	vld.idx.msk [tilespmem:v28+s15+$0x0], vm0  }
0x2f7: {  	v29 =	vld.idx.msk [tilespmem:v29+s15+$0x0], vm2  }
0x2f8: {  	v30 =	vld.idx.msk [tilespmem:v30+s15+$0x0], vm4  }
0x2f9: {  	v31 =	vld.idx.msk [tilespmem:v31+s15+$0x0], vm6  }
0x2fa: {  	v54 =	vadd.s32 s21, v16;
	s24 =	sadd.s32 $0x10, s21;
	v33 =	vld.idx.msk [tilespmem:v33+s15+$0x0], vm9  }
0x2fb: {  	v35 =	vadd.s32 s21, v15;
	v55 =	vand.u32 $0xFFFFFFC8, v54;
	v36 =	vadd.s32 s24, v5  }
0x2fc: {  	v56 =	vadd.s32 s24, v3;
	v60 =	vadd.s32 s24, v8;
	v36 =	vand.u32 $0xFFFFFFF8, v36  }
0x2fd: {  	v61 =	vadd.s32 s24, v10;
	v58 =	vor.u32 v6, v36;
	v28 =	vadd.f32 v28, v19  }
0x2fe: {  	v36 =	vand.u32 $0xFFFFFFF8, v61;
	v29 =	vadd.f32 v29, v20;
	v30 =	vadd.f32 v30, v21  }
0x2ff: {  	v62 =	vor.u32 v11, v36;
	v31 =	vadd.f32 v31, v22;
	v33 =	vadd.f32 v33, v25  }
0x300: {  	v28 =	vsel vm1, $0xF149F2CA, v28;
	v29 =	vsel vm3, $0xF149F2CA, v29;
	v30 =	vsel vm5, $0xF149F2CA, v30  }
0x301: {  	v57 =	vsel vm7, $0xF149F2CA, v31;
	v28 =	vmax.f32 v28, $-1.000000020e+30;
	v33 =	vnsel vm9, $0xF149F2CA, v33  }
0x302: {  	vm8 =	vgt.f32 v29, v28;
	v28 =	vmax.f32 v28, v29;
	v29 =	vand.u32 $0x80, v32  }
0x303: {  	v53 =	vsel vm8, $0x1, v7;
	vm10 =	vne.s32 v29, $0x0;
	v29 =	vand.u32 $0xFFFFFFC8, v35  }
0x304: {  	vm8 =	vgt.u32 v32, $0xFF;
	v32 =	vor.u32 v11, v55;
	v35 =	vand.u32 $0xFFFFFFF8, v56  }
0x305: {  	vm11 =	vgt.f32 v30, v28;
	v28 =	vmax.f32 v28, v30;
	v29 =	vor.u32 v11, v29  }
0x306: {  	s30 =	sadd.s32 $0x20, s21;
	v35 =	vor.u32 v4, v35;
	v34 =	vsel vm11, $0x2, v53;
	vm11 =	vgt.f32 v57, v28  }
0x307: {  	v28 =	vmax.f32 v28, v57;
	v53 =	vadd.s32 s30, v3;
	v59 =	vsel vm11, $0x3, v34  }
0x308: {  	vm11 =	vlt.f32 v28, $-1.000000020e+30;
	v28 =	vmax.f32 v28, $-1.000000020e+30;
	v34 =	vand.u32 $0xFFFFFFF8, v60  }
0x309: {  	v36 =	vand.u32 $0xFFFFFFF8, v53;
	v30 =	vsel vm11, $0x4, v59;
	vm11 =	vlt.f32 v28, $-1.000000020e+30  }
0x30a: {  	v34 =	vor.u32 v9, v34;
	vm9 =	vgt.f32 v33, v28;
	v28 =	vmax.f32 v28, v33;
	v33 =	vld.idx.msk [tilespmem:v62+s15+$0x0], vm6  }
0x30b: {  	v42 =	vadd.s32 s24, v12;
	v36 =	vor.u32 v4, v36;
	v29 =	vld.idx.msk [tilespmem:v29+s15+$0x0], vm10  }
0x30c: {  	v43 =	vmov s24;
	v38 =	vadd.s32 s24, v14;
	v48 =	vadd.s32 s24, v15;
	v32 =	vld.idx.msk [tilespmem:v32+s15+$0x0], vm8  }
0x30d: {  	v54 =	vadd.s32 s30, v5;
	v40 =	vadd.s32 s30, v14;
	v37 =	vand.u32 $0x40, v43;
	v35 =	vld.idx.msk [tilespmem:v35+s15+$0x0], vm0  }
0x30e: {  	v44 =	vand.u32 $0xFFFFFFD8, v38;
	v47 =	vand.u32 $0x80, v43;
	v49 =	vand.u32 $0xFFFFFFD8, v48;
	v31 =	vld.idx.msk [tilespmem:v58+s15+$0x0], vm2  }
0x30f: {  	v52 =	vadd.s32 s24, v16;
	v46 =	vor.u32 v11, v44;
	v58 =	vadd.s32 s30, v8;
	v34 =	vld.idx.msk [tilespmem:v34+s15+$0x0], vm4  }
0x310: {  	v59 =	vadd.s32 s30, v10;
	v30 =	vsel vm11, $0x5, v30;
	v33 =	vadd.f32 v33, v22;
	v36 =	vld.idx.msk [tilespmem:v36+s15+$0x0], vm0  }
0x311: {  	v30 =	vsel vm9, $0x6, v30;
	v29 =	vadd.f32 v29, v26;
	v32 =	vadd.f32 v32, v27  }
0x312: {  	v51 =	vsel vm7, $0xF149F2CA, v33;
	v33 =	vand.u32 $0xFFFFFFD8, v52;
	v35 =	vadd.f32 v35, v19  }
0x313: {  	v33 =	vor.u32 v11, v33;
	v29 =	vnsel vm10, $0xF149F2CA, v29;
	v63 =	vnsel vm8, $0xF149F2CA, v32  }
0x314: {  	v41 =	vsel vm1, $0xF149F2CA, v35;
	v35 =	vand.u32 $0x1C8, v42;
	v34 =	vadd.f32 v34, v21  }
0x315: {  	v61 =	vadd.f32 v36, v19;
	v42 =	vadd.s32 s30, v15;
	vm9 =	vgt.f32 v29, v28  }
0x316: {  	v29 =	vmax.f32 v28, v29;
	v28 =	vadd.f32 v31, v20;
	v32 =	vmax.f32 v41, $-1.000000020e+30  }
0x317: {  	v35 =	vor.u32 v11, v35;
	v30 =	vsel vm9, $0x7, v30;
	vm9 =	vne.s32 v37, $0x0  }
0x318: {  	v45 =	vsel vm5, $0xF149F2CA, v34;
	vm11 =	vgt.f32 v63, v29;
	v37 =	vor.u32 v11, v49  }
0x319: {  	v29 =	vmax.f32 v29, v63;
	v63 =	vmov s30;
	v28 =	vsel vm3, $0xF149F2CA, v28  }
0x31a: {  	v31 =	vsel vm1, $0xF149F2CA, v61;
	vm8 =	vgt.f32 v28, v32;
	v28 =	vmax.f32 v32, v28  }
0x31b: {  	v39 =	vsel vm8, $0x1, v7;
	vm10 =	vgt.f32 v45, v28;
	vm8 =	vne.s32 v47, $0x0  }
0x31c: {  	s31 =	sadd.s32 $0x30, s21;
	v49 =	vand.u32 $0xFFFFFFE8, v42;
	v35 =	vld.idx.msk [tilespmem:v35+s15+$0x0], $0xffff;
	v50 =	vsel vm10, $0x2, v39;
	v39 =	vand.u32 $0xFFFFFFF8, v54  }
0x31d: {  	v61 =	vadd.s32 s31, v10;
	vm10 =	vgt.u32 v43, $0xFF;
	v56 =	vor.u32 v6, v39  }
0x31e: {  	v31 =	vmax.f32 v31, $-1.000000020e+30;
	v41 =	vand.u32 $0x80, v63;
	v52 =	vor.u32 v11, v49;
	v34 =	vld.idx.msk [tilespmem:v46+s15+$0x0], vm9  }
0x31f: {  	v28 =	vmax.f32 v28, v45;
	v45 =	vadd.s32 s30, v13;
	v47 =	vand.u32 $0xFFFFFFE8, v40  }
0x320: {  	vm12 =	vgt.f32 v51, v28;
	v28 =	vmax.f32 v28, v51;
	v39 =	vand.u32 $0xFFFFFFF8, v59  }
0x321: {  	v38 =	vsel vm12, $0x3, v50;
	v60 =	vor.u32 v11, v39;
	v35 =	vadd.f32 v35, v23;
	v55 =	vld.idx.msk [tilespmem:v37+s15+$0x0], vm8  }
0x322: {  	v46 =	vand.u32 $0x40, v63;
	v39 =	vor.u32 v11, v47;
	v37 =	vld.idx.msk [tilespmem:v56+s15+$0x0], vm2;
	v56 =	vadd.s32 s31, v3  }
0x323: {  	v33 =	vld.idx.msk [tilespmem:v33+s15+$0x0], vm10;
	vm12 =	vgt.f32 v35, v28;
	v35 =	vmax.f32 v28, v35;
	v34 =	vadd.f32 v34, v25  }
0x324: {  	v28 =	vsel vm11, $0x8, v30;
	v38 =	vsel vm12, $0x4, v38;
	vm12 =	vlt.f32 v35, $-1.000000020e+30  }
0x325: {  	v36 =	vand.u32 $0xFFFFFFF8, v56;
	v57 =	vsel vm12, $0x5, v38;
	v38 =	vand.u32 $0xFFFFFFF8, v58  }
0x326: {  	v35 =	vmax.f32 v35, $-1.000000020e+30;
	v36 =	vor.u32 v4, v36;
	v38 =	vor.u32 v9, v38  }
0x327: {  	v34 =	vnsel vm9, $0xF149F2CA, v34;
	v58 =	vadd.s32 s31, v5;
	v32 =	vadd.f32 v55, v26  }
0x328: {  	vm9 =	vgt.f32 v34, v35;
	v34 =	vmax.f32 v35, v34;
	v33 =	vadd.f32 v33, v27  }
0x329: {  	v35 =	vld.idx.msk [tilespmem:v60+s15+$0x0], vm6;
	v55 =	vadd.s32 s30, v16;
	v60 =	vadd.s32 s31, v8;
	v62 =	vadd.f32 v37, v20  }
0x32a: {  	v32 =	vnsel vm8, $0xF149F2CA, v32;
	v33 =	vnsel vm10, $0xF149F2CA, v33;
	vm10 =	vne.s32 v46, $0x0  }
0x32b: {  	v30 =	vsel vm9, $0x6, v57;
	vm9 =	vne.s32 v41, $0x0;
	vm8 =	vgt.f32 v32, v34;
	v44 =	vld.idx.msk [tilespmem:v38+s15+$0x0], vm4  }
0x32c: {  	v32 =	vmax.f32 v34, v32;
	v34 =	vsel vm3, $0xF149F2CA, v62;
	v38 =	vand.u32 $0x1C8, v45  }
0x32d: {  	v62 =	vadd.s32 s31, v12;
	v30 =	vsel vm8, $0x7, v30;
	v38 =	vor.u32 v11, v38  }
0x32e: {  	vm8 =	vgt.f32 v34, v31;
	vm11 =	vgt.f32 v33, v32;
	v31 =	vmax.f32 v31, v34  }
0x32f: {  	v34 =	vand.u32 $0xFFFFFFE8, v55;
	v32 =	vmax.f32 v32, v33;
	v40 =	vand.u32 $0x1E8, v62  }
0x330: {  	v48 =	vsel vm8, $0x1, v7;
	v35 =	vadd.f32 v35, v22;
	v39 =	vld.idx.msk [tilespmem:v39+s15+$0x0], vm10;
	v37 =	vadd.f32 v44, v21  }
0x331: {  	v30 =	vsel vm11, $0x8, v30;
	v34 =	vor.u32 v11, v34;
	v40 =	vor.u32 v11, v40  }
0x332: {  	v53 =	vsel vm7, $0xF149F2CA, v35;
	v44 =	vadd.s32 s31, v14;
	v51 =	vld.idx.msk [tilespmem:v38+s15+$0x0], $0xffff;
	v50 =	vsel vm5, $0xF149F2CA, v37  }
0x333: {  	v38 =	vld.idx.msk [tilespmem:v52+s15+$0x0], vm9;
	v49 =	vand.u32 $0xFFFFFFF8, v44;
	vm8 =	vgt.f32 v50, v31;
	v31 =	vmax.f32 v31, v50  }
0x334: {  	v54 =	vsel vm8, $0x2, v48;
	vm8 =	vgt.f32 v53, v31;
	v31 =	vmax.f32 v31, v53  }
0x335: {  	v39 =	vadd.f32 v39, v25;
	v48 =	vadd.s32 s31, v13;
	v35 =	vsel vm8, $0x3, v54  }
0x336: {  	vm8 =	vgt.u32 v63, $0xFF;
	vm11 =	vlt.f32 v31, $-1.000000020e+30;
	v31 =	vmax.f32 v31, $-1.000000020e+30  }
0x337: {  	v63 =	vmov s31;
	v42 =	vand.u32 $0x1D8, v48;
	v37 =	vadd.f32 v51, v24  }
0x338: {  	v35 =	vsel vm11, $0x4, v35;
	v59 =	vnsel vm10, $0xF149F2CA, v39;
	v38 =	vadd.f32 v38, v26  }
0x339: {  	v39 =	vand.u32 $0xFFFFFFF8, v61;
	v43 =	vand.u32 $0x40, v63;
	v42 =	vor.u32 v11, v42  }
0x33a: {  	v50 =	vand.u32 $0x80, v63;
	v51 =	vadd.s32 s31, v15;
	v39 =	vor.u32 v11, v39  }
0x33b: {  	v44 =	vand.u32 $0xFFFFFFF8, v51;
	vm11 =	vgt.f32 v37, v31;
	v31 =	vmax.f32 v31, v37  }
0x33c: {  	v38 =	vnsel vm9, $0xF149F2CA, v38;
	v37 =	vand.u32 $0xFFFFFFF8, v60;
	v57 =	vsel vm11, $0x5, v35  }
0x33d: {  	v36 =	vld.idx.msk [tilespmem:v36+s15+$0x0], vm0;
	v35 =	vand.u32 $0xFFFFFFF8, v58;
	vm10 =	vgt.f32 v59, v31;
	v37 =	vor.u32 v9, v37  }
0x33e: {  	v40 =	vld.idx.msk [tilespmem:v40+s15+$0x0], $0xffff;
	v31 =	vmax.f32 v31, v59;
	vm11 =	vne.s32 v43, $0x0;
	v35 =	vor.u32 v6, v35  }
0x33f: {  	v43 =	vor.u32 v11, v49;
	v33 =	vsel vm10, $0x6, v57;
	vm10 =	vne.s32 v50, $0x0;
	v34 =	vld.idx.msk [tilespmem:v34+s15+$0x0], vm8  }
0x340: {  	v52 =	vadd.s32 s31, v16;
	v44 =	vor.u32 v11, v44;
	vm9 =	vgt.f32 v38, v31;
	v42 =	vld.idx.msk [tilespmem:v42+s15+$0x0], $0xffff  }
0x341: {  	v41 =	vand.u32 $0xFFFFFFF8, v52;
	v33 =	vsel vm9, $0x7, v33;
	vm9 =	vgt.u32 v63, $0xFF;
	v39 =	vld.idx.msk [tilespmem:v39+s15+$0x0], vm6  }
0x342: {  	v41 =	vor.u32 v11, v41;
	v37 =	vld.idx.msk [tilespmem:v37+s15+$0x0], vm4  }
0x343: {  	v36 =	vadd.f32 v36, v19;
	v35 =	vld.idx.msk [tilespmem:v35+s15+$0x0], vm2  }
0x344: {  	v43 =	vld.idx.msk [tilespmem:v43+s15+$0x0], vm11  }
0x345: {  	v36 =	vsel vm1, $0xF149F2CA, v36;
	v56 =	vld.idx.msk [tilespmem:v44+s15+$0x0], vm10  }
0x346: {  	v36 =	vmax.f32 v36, $-1.000000020e+30;
	v34 =	vadd.f32 v34, v27  }
0x347: {  	v55 =	vadd.f32 v40, v23;
	v31 =	vmax.f32 v31, v38;
	v39 =	vadd.f32 v39, v22;
	v41 =	vld.idx.msk [tilespmem:v41+s15+$0x0], vm9  }
0x348: {  	v57 =	vadd.f32 v42, v24;
	v34 =	vnsel vm8, $0xF149F2CA, v34;
	v37 =	vadd.f32 v37, v21  }
0x349: {  	v54 =	vsel vm7, $0xF149F2CA, v39;
	v35 =	vadd.f32 v35, v20;
	v58 =	vadd.f32 v43, v25  }
0x34a: {  	v62 =	vmax.f32 v31, v34;
	v37 =	vsel vm5, $0xF149F2CA, v37;
	v60 =	vadd.f32 v56, v26  }
0x34b: {  	v35 =	vsel vm3, $0xF149F2CA, v35;
	v59 =	vnsel vm11, $0xF149F2CA, v58;
	vm11 =	vgt.f32 v34, v31  }
0x34c: {  	v61 =	vadd.f32 v41, v27;
	vm8 =	vgt.f32 v35, v36;
	v35 =	vmax.f32 v36, v35  }
0x34d: {  	v53 =	vsel vm8, $0x1, v7;
	vm8 =	vgt.f32 v37, v35;
	v35 =	vmax.f32 v35, v37  }
0x34e: {  	v36 =	vsel vm8, $0x2, v53;
	vm8 =	vgt.f32 v54, v35;
	v35 =	vmax.f32 v35, v54  }
0x34f: {  	[tilespmem:s22+$0xFFFFFFE0] =	vst v29;
	v36 =	vsel vm8, $0x3, v36;
	vm8 =	vgt.f32 v55, v35;
	v35 =	vmax.f32 v35, v55  }
0x350: {  	s20 =	sadd.s32 $0x4, s20;
	[tilespmem:s23+$0xFFFFFFD0] =	vst v28;
	v33 =	vsel vm11, $0x8, v33;
	v36 =	vsel vm8, $0x4, v36;
	vm8 =	vgt.f32 v57, v35  }
0x351: {  	p0 =	slt.u32 s20, $0x1C;
	[tilespmem:s22+$0xFFFFFFF0] =	vst v32;
	v63 =	vnsel vm9, $0xF149F2CA, v61;
	v29 =	vmax.f32 v35, v57;
	v28 =	vsel vm8, $0x5, v36  }
.Ltmp7:
0x352: {  	[tilespmem:s23+$0xFFFFFFE0] =	vst v30;
	vm8 =	vgt.f32 v59, v29;
	v36 =	vnsel vm10, $0xF149F2CA, v60;
	v29 =	vmax.f32 v29, v59;
	(pc) =	sbr.rel @p0 .LBB2_15-.Ltmp7, $4  }
0x353: {  	[tilespmem:s22+$0x0] =	vst v62;
	v28 =	vsel vm8, $0x6, v28;
	vm8 =	vgt.f32 v36, v29;
	v29 =	vmax.f32 v29, v36  }
0x354: {  	[tilespmem:s23+$0xFFFFFFF0] =	vst v33;
	v28 =	vsel vm8, $0x7, v28;
	vm8 =	vgt.f32 v63, v29;
	v29 =	vmax.f32 v29, v63  }
0x355: {  	v28 =	vsel vm8, $0x8, v28;
	[tilespmem:s22+$0x10] =	vst v29  }
0x356: {  	s21 =	sadd.s32 $0x40, s21;
	s22 =	sadd.s32 $0x40, s22;
	[tilespmem:s23+$0x0] =	vst v28;
	s23 =	sadd.s32 $0x40, s23  }
0x357: {  	v27 =	vld [tilespmem:$0x10];
	_ =	sdelay $0x4  }
0x358: {  	v19 =	vbroadcast v27, $0x0  }
0x359: {  	v20 =	vbroadcast v27, $0x1;
	v21 =	vbroadcast v27, $0x2  }
0x35a: {  	v22 =	vbroadcast v27, $0x3;
	v23 =	vbroadcast v27, $0x4  }
0x35b: {  	s20 =	simm.s32 $0xFFFFFFFC;
	v24 =	vbroadcast v27, $0x5;
	v25 =	vbroadcast v27, $0x6  }
0x35c: {  	s21 =	simm.s32 $0x0;
	s22 =	simm.s32 $0x270;
	s23 =	simm.s32 $0x880;
	v26 =	vbroadcast v27, $0x7;
	v27 =	vbroadcast v27, $0x8  }
.LBB2_17:
0x35d: {  	v28 =	vadd.s32 s21, v3;
	v29 =	vadd.s32 s21, v5  }
0x35e: {  	v30 =	vadd.s32 s21, v8;
	v31 =	vadd.s32 s21, v10;
	v28 =	vand.u32 $0xFFFFFFF8, v28  }
0x35f: {  	v32 =	vmov s21;
	v29 =	vand.u32 $0xFFFFFFF8, v29;
	v28 =	vor.u32 v4, v28  }
0x360: {  	v34 =	vadd.s32 s21, v14;
	v30 =	vand.u32 $0xFFFFFFF8, v30;
	v29 =	vor.u32 v6, v29  }
0x361: {  	v31 =	vand.u32 $0xFFFFFFF8, v31;
	v33 =	vand.u32 $0x40, v32;
	v30 =	vor.u32 v9, v30  }
0x362: {  	v52 =	vand.u32 $0xFFFFFFC8, v34;
	v31 =	vor.u32 v11, v31;
	vm9 =	vne.s32 v33, $0x0  }
0x363: {  	v33 =	vor.u32 v11, v52  }
0x364: {  	v28 =	vld.idx.msk [tilespmem:v28+s16+$0x0], vm0  }
0x365: {  	v29 =	vld.idx.msk [tilespmem:v29+s16+$0x0], vm2  }
0x366: {  	v30 =	vld.idx.msk [tilespmem:v30+s16+$0x0], vm4  }
0x367: {  	v31 =	vld.idx.msk [tilespmem:v31+s16+$0x0], vm6  }
0x368: {  	v54 =	vadd.s32 s21, v16;
	s24 =	sadd.s32 $0x10, s21;
	v33 =	vld.idx.msk [tilespmem:v33+s16+$0x0], vm9  }
0x369: {  	v35 =	vadd.s32 s21, v15;
	v55 =	vand.u32 $0xFFFFFFC8, v54;
	v36 =	vadd.s32 s24, v5  }
0x36a: {  	v56 =	vadd.s32 s24, v3;
	v60 =	vadd.s32 s24, v8;
	v36 =	vand.u32 $0xFFFFFFF8, v36  }
0x36b: {  	v61 =	vadd.s32 s24, v10;
	v58 =	vor.u32 v6, v36;
	v28 =	vadd.f32 v28, v19  }
0x36c: {  	v36 =	vand.u32 $0xFFFFFFF8, v61;
	v29 =	vadd.f32 v29, v20;
	v30 =	vadd.f32 v30, v21  }
0x36d: {  	v62 =	vor.u32 v11, v36;
	v31 =	vadd.f32 v31, v22;
	v33 =	vadd.f32 v33, v25  }
0x36e: {  	v28 =	vsel vm1, $0xF149F2CA, v28;
	v29 =	vsel vm3, $0xF149F2CA, v29;
	v30 =	vsel vm5, $0xF149F2CA, v30  }
0x36f: {  	v57 =	vsel vm7, $0xF149F2CA, v31;
	v28 =	vmax.f32 v28, $-1.000000020e+30;
	v33 =	vnsel vm9, $0xF149F2CA, v33  }
0x370: {  	vm8 =	vgt.f32 v29, v28;
	v28 =	vmax.f32 v28, v29;
	v29 =	vand.u32 $0x80, v32  }
0x371: {  	v53 =	vsel vm8, $0x1, v7;
	vm10 =	vne.s32 v29, $0x0;
	v29 =	vand.u32 $0xFFFFFFC8, v35  }
0x372: {  	vm8 =	vgt.u32 v32, $0xFF;
	v32 =	vor.u32 v11, v55;
	v35 =	vand.u32 $0xFFFFFFF8, v56  }
0x373: {  	vm11 =	vgt.f32 v30, v28;
	v28 =	vmax.f32 v28, v30;
	v29 =	vor.u32 v11, v29  }
0x374: {  	s30 =	sadd.s32 $0x20, s21;
	v35 =	vor.u32 v4, v35;
	v34 =	vsel vm11, $0x2, v53;
	vm11 =	vgt.f32 v57, v28  }
0x375: {  	v28 =	vmax.f32 v28, v57;
	v53 =	vadd.s32 s30, v3;
	v59 =	vsel vm11, $0x3, v34  }
0x376: {  	vm11 =	vlt.f32 v28, $-1.000000020e+30;
	v28 =	vmax.f32 v28, $-1.000000020e+30;
	v34 =	vand.u32 $0xFFFFFFF8, v60  }
0x377: {  	v36 =	vand.u32 $0xFFFFFFF8, v53;
	v30 =	vsel vm11, $0x4, v59;
	vm11 =	vlt.f32 v28, $-1.000000020e+30  }
0x378: {  	v34 =	vor.u32 v9, v34;
	vm9 =	vgt.f32 v33, v28;
	v28 =	vmax.f32 v28, v33;
	v33 =	vld.idx.msk [tilespmem:v62+s16+$0x0], vm6  }
0x379: {  	v42 =	vadd.s32 s24, v12;
	v36 =	vor.u32 v4, v36;
	v29 =	vld.idx.msk [tilespmem:v29+s16+$0x0], vm10  }
0x37a: {  	v43 =	vmov s24;
	v38 =	vadd.s32 s24, v14;
	v48 =	vadd.s32 s24, v15;
	v32 =	vld.idx.msk [tilespmem:v32+s16+$0x0], vm8  }
0x37b: {  	v54 =	vadd.s32 s30, v5;
	v40 =	vadd.s32 s30, v14;
	v37 =	vand.u32 $0x40, v43;
	v35 =	vld.idx.msk [tilespmem:v35+s16+$0x0], vm0  }
0x37c: {  	v44 =	vand.u32 $0xFFFFFFD8, v38;
	v47 =	vand.u32 $0x80, v43;
	v49 =	vand.u32 $0xFFFFFFD8, v48;
	v31 =	vld.idx.msk [tilespmem:v58+s16+$0x0], vm2  }
0x37d: {  	v52 =	vadd.s32 s24, v16;
	v46 =	vor.u32 v11, v44;
	v58 =	vadd.s32 s30, v8;
	v34 =	vld.idx.msk [tilespmem:v34+s16+$0x0], vm4  }
0x37e: {  	v59 =	vadd.s32 s30, v10;
	v30 =	vsel vm11, $0x5, v30;
	v33 =	vadd.f32 v33, v22;
	v36 =	vld.idx.msk [tilespmem:v36+s16+$0x0], vm0  }
0x37f: {  	v30 =	vsel vm9, $0x6, v30;
	v29 =	vadd.f32 v29, v26;
	v32 =	vadd.f32 v32, v27  }
0x380: {  	v51 =	vsel vm7, $0xF149F2CA, v33;
	v33 =	vand.u32 $0xFFFFFFD8, v52;
	v35 =	vadd.f32 v35, v19  }
0x381: {  	v33 =	vor.u32 v11, v33;
	v29 =	vnsel vm10, $0xF149F2CA, v29;
	v63 =	vnsel vm8, $0xF149F2CA, v32  }
0x382: {  	v41 =	vsel vm1, $0xF149F2CA, v35;
	v35 =	vand.u32 $0x1C8, v42;
	v34 =	vadd.f32 v34, v21  }
0x383: {  	v61 =	vadd.f32 v36, v19;
	v42 =	vadd.s32 s30, v15;
	vm9 =	vgt.f32 v29, v28  }
0x384: {  	v29 =	vmax.f32 v28, v29;
	v28 =	vadd.f32 v31, v20;
	v32 =	vmax.f32 v41, $-1.000000020e+30  }
0x385: {  	v35 =	vor.u32 v11, v35;
	v30 =	vsel vm9, $0x7, v30;
	vm9 =	vne.s32 v37, $0x0  }
0x386: {  	v45 =	vsel vm5, $0xF149F2CA, v34;
	vm11 =	vgt.f32 v63, v29;
	v37 =	vor.u32 v11, v49  }
0x387: {  	v29 =	vmax.f32 v29, v63;
	v63 =	vmov s30;
	v28 =	vsel vm3, $0xF149F2CA, v28  }
0x388: {  	v31 =	vsel vm1, $0xF149F2CA, v61;
	vm8 =	vgt.f32 v28, v32;
	v28 =	vmax.f32 v32, v28  }
0x389: {  	v39 =	vsel vm8, $0x1, v7;
	vm10 =	vgt.f32 v45, v28;
	vm8 =	vne.s32 v47, $0x0  }
0x38a: {  	s31 =	sadd.s32 $0x30, s21;
	v49 =	vand.u32 $0xFFFFFFE8, v42;
	v35 =	vld.idx.msk [tilespmem:v35+s16+$0x0], $0xffff;
	v50 =	vsel vm10, $0x2, v39;
	v39 =	vand.u32 $0xFFFFFFF8, v54  }
0x38b: {  	v61 =	vadd.s32 s31, v10;
	vm10 =	vgt.u32 v43, $0xFF;
	v56 =	vor.u32 v6, v39  }
0x38c: {  	v31 =	vmax.f32 v31, $-1.000000020e+30;
	v41 =	vand.u32 $0x80, v63;
	v52 =	vor.u32 v11, v49;
	v34 =	vld.idx.msk [tilespmem:v46+s16+$0x0], vm9  }
0x38d: {  	v28 =	vmax.f32 v28, v45;
	v45 =	vadd.s32 s30, v13;
	v47 =	vand.u32 $0xFFFFFFE8, v40  }
0x38e: {  	vm12 =	vgt.f32 v51, v28;
	v28 =	vmax.f32 v28, v51;
	v39 =	vand.u32 $0xFFFFFFF8, v59  }
0x38f: {  	v38 =	vsel vm12, $0x3, v50;
	v60 =	vor.u32 v11, v39;
	v35 =	vadd.f32 v35, v23;
	v55 =	vld.idx.msk [tilespmem:v37+s16+$0x0], vm8  }
0x390: {  	v46 =	vand.u32 $0x40, v63;
	v39 =	vor.u32 v11, v47;
	v37 =	vld.idx.msk [tilespmem:v56+s16+$0x0], vm2;
	v56 =	vadd.s32 s31, v3  }
0x391: {  	v33 =	vld.idx.msk [tilespmem:v33+s16+$0x0], vm10;
	vm12 =	vgt.f32 v35, v28;
	v35 =	vmax.f32 v28, v35;
	v34 =	vadd.f32 v34, v25  }
0x392: {  	v28 =	vsel vm11, $0x8, v30;
	v38 =	vsel vm12, $0x4, v38;
	vm12 =	vlt.f32 v35, $-1.000000020e+30  }
0x393: {  	v36 =	vand.u32 $0xFFFFFFF8, v56;
	v57 =	vsel vm12, $0x5, v38;
	v38 =	vand.u32 $0xFFFFFFF8, v58  }
0x394: {  	v35 =	vmax.f32 v35, $-1.000000020e+30;
	v36 =	vor.u32 v4, v36;
	v38 =	vor.u32 v9, v38  }
0x395: {  	v34 =	vnsel vm9, $0xF149F2CA, v34;
	v58 =	vadd.s32 s31, v5;
	v32 =	vadd.f32 v55, v26  }
0x396: {  	vm9 =	vgt.f32 v34, v35;
	v34 =	vmax.f32 v35, v34;
	v33 =	vadd.f32 v33, v27  }
0x397: {  	v35 =	vld.idx.msk [tilespmem:v60+s16+$0x0], vm6;
	v55 =	vadd.s32 s30, v16;
	v60 =	vadd.s32 s31, v8;
	v62 =	vadd.f32 v37, v20  }
0x398: {  	v32 =	vnsel vm8, $0xF149F2CA, v32;
	v33 =	vnsel vm10, $0xF149F2CA, v33;
	vm10 =	vne.s32 v46, $0x0  }
0x399: {  	v30 =	vsel vm9, $0x6, v57;
	vm9 =	vne.s32 v41, $0x0;
	vm8 =	vgt.f32 v32, v34;
	v44 =	vld.idx.msk [tilespmem:v38+s16+$0x0], vm4  }
0x39a: {  	v32 =	vmax.f32 v34, v32;
	v34 =	vsel vm3, $0xF149F2CA, v62;
	v38 =	vand.u32 $0x1C8, v45  }
0x39b: {  	v62 =	vadd.s32 s31, v12;
	v30 =	vsel vm8, $0x7, v30;
	v38 =	vor.u32 v11, v38  }
0x39c: {  	vm8 =	vgt.f32 v34, v31;
	vm11 =	vgt.f32 v33, v32;
	v31 =	vmax.f32 v31, v34  }
0x39d: {  	v34 =	vand.u32 $0xFFFFFFE8, v55;
	v32 =	vmax.f32 v32, v33;
	v40 =	vand.u32 $0x1E8, v62  }
0x39e: {  	v48 =	vsel vm8, $0x1, v7;
	v35 =	vadd.f32 v35, v22;
	v39 =	vld.idx.msk [tilespmem:v39+s16+$0x0], vm10;
	v37 =	vadd.f32 v44, v21  }
0x39f: {  	v30 =	vsel vm11, $0x8, v30;
	v34 =	vor.u32 v11, v34;
	v40 =	vor.u32 v11, v40  }
0x3a0: {  	v53 =	vsel vm7, $0xF149F2CA, v35;
	v44 =	vadd.s32 s31, v14;
	v51 =	vld.idx.msk [tilespmem:v38+s16+$0x0], $0xffff;
	v50 =	vsel vm5, $0xF149F2CA, v37  }
0x3a1: {  	v38 =	vld.idx.msk [tilespmem:v52+s16+$0x0], vm9;
	v49 =	vand.u32 $0xFFFFFFF8, v44;
	vm8 =	vgt.f32 v50, v31;
	v31 =	vmax.f32 v31, v50  }
0x3a2: {  	v54 =	vsel vm8, $0x2, v48;
	vm8 =	vgt.f32 v53, v31;
	v31 =	vmax.f32 v31, v53  }
0x3a3: {  	v39 =	vadd.f32 v39, v25;
	v48 =	vadd.s32 s31, v13;
	v35 =	vsel vm8, $0x3, v54  }
0x3a4: {  	vm8 =	vgt.u32 v63, $0xFF;
	vm11 =	vlt.f32 v31, $-1.000000020e+30;
	v31 =	vmax.f32 v31, $-1.000000020e+30  }
0x3a5: {  	v63 =	vmov s31;
	v42 =	vand.u32 $0x1D8, v48;
	v37 =	vadd.f32 v51, v24  }
0x3a6: {  	v35 =	vsel vm11, $0x4, v35;
	v59 =	vnsel vm10, $0xF149F2CA, v39;
	v38 =	vadd.f32 v38, v26  }
0x3a7: {  	v39 =	vand.u32 $0xFFFFFFF8, v61;
	v43 =	vand.u32 $0x40, v63;
	v42 =	vor.u32 v11, v42  }
0x3a8: {  	v50 =	vand.u32 $0x80, v63;
	v51 =	vadd.s32 s31, v15;
	v39 =	vor.u32 v11, v39  }
0x3a9: {  	v44 =	vand.u32 $0xFFFFFFF8, v51;
	vm11 =	vgt.f32 v37, v31;
	v31 =	vmax.f32 v31, v37  }
0x3aa: {  	v38 =	vnsel vm9, $0xF149F2CA, v38;
	v37 =	vand.u32 $0xFFFFFFF8, v60;
	v57 =	vsel vm11, $0x5, v35  }
0x3ab: {  	v36 =	vld.idx.msk [tilespmem:v36+s16+$0x0], vm0;
	v35 =	vand.u32 $0xFFFFFFF8, v58;
	vm10 =	vgt.f32 v59, v31;
	v37 =	vor.u32 v9, v37  }
0x3ac: {  	v40 =	vld.idx.msk [tilespmem:v40+s16+$0x0], $0xffff;
	v31 =	vmax.f32 v31, v59;
	vm11 =	vne.s32 v43, $0x0;
	v35 =	vor.u32 v6, v35  }
0x3ad: {  	v43 =	vor.u32 v11, v49;
	v33 =	vsel vm10, $0x6, v57;
	vm10 =	vne.s32 v50, $0x0;
	v34 =	vld.idx.msk [tilespmem:v34+s16+$0x0], vm8  }
0x3ae: {  	v52 =	vadd.s32 s31, v16;
	v44 =	vor.u32 v11, v44;
	vm9 =	vgt.f32 v38, v31;
	v42 =	vld.idx.msk [tilespmem:v42+s16+$0x0], $0xffff  }
0x3af: {  	v41 =	vand.u32 $0xFFFFFFF8, v52;
	v33 =	vsel vm9, $0x7, v33;
	vm9 =	vgt.u32 v63, $0xFF;
	v39 =	vld.idx.msk [tilespmem:v39+s16+$0x0], vm6  }
0x3b0: {  	v41 =	vor.u32 v11, v41;
	v37 =	vld.idx.msk [tilespmem:v37+s16+$0x0], vm4  }
0x3b1: {  	v36 =	vadd.f32 v36, v19;
	v35 =	vld.idx.msk [tilespmem:v35+s16+$0x0], vm2  }
0x3b2: {  	v43 =	vld.idx.msk [tilespmem:v43+s16+$0x0], vm11  }
0x3b3: {  	v36 =	vsel vm1, $0xF149F2CA, v36;
	v56 =	vld.idx.msk [tilespmem:v44+s16+$0x0], vm10  }
0x3b4: {  	v36 =	vmax.f32 v36, $-1.000000020e+30;
	v34 =	vadd.f32 v34, v27  }
0x3b5: {  	v55 =	vadd.f32 v40, v23;
	v31 =	vmax.f32 v31, v38;
	v39 =	vadd.f32 v39, v22;
	v41 =	vld.idx.msk [tilespmem:v41+s16+$0x0], vm9  }
0x3b6: {  	v57 =	vadd.f32 v42, v24;
	v34 =	vnsel vm8, $0xF149F2CA, v34;
	v37 =	vadd.f32 v37, v21  }
0x3b7: {  	v54 =	vsel vm7, $0xF149F2CA, v39;
	v35 =	vadd.f32 v35, v20;
	v58 =	vadd.f32 v43, v25  }
0x3b8: {  	v62 =	vmax.f32 v31, v34;
	v37 =	vsel vm5, $0xF149F2CA, v37;
	v60 =	vadd.f32 v56, v26  }
0x3b9: {  	v35 =	vsel vm3, $0xF149F2CA, v35;
	v59 =	vnsel vm11, $0xF149F2CA, v58;
	vm11 =	vgt.f32 v34, v31  }
0x3ba: {  	v61 =	vadd.f32 v41, v27;
	vm8 =	vgt.f32 v35, v36;
	v35 =	vmax.f32 v36, v35  }
0x3bb: {  	v53 =	vsel vm8, $0x1, v7;
	vm8 =	vgt.f32 v37, v35;
	v35 =	vmax.f32 v35, v37  }
0x3bc: {  	v36 =	vsel vm8, $0x2, v53;
	vm8 =	vgt.f32 v54, v35;
	v35 =	vmax.f32 v35, v54  }
0x3bd: {  	[tilespmem:s22+$0xFFFFFFE0] =	vst v29;
	v36 =	vsel vm8, $0x3, v36;
	vm8 =	vgt.f32 v55, v35;
	v35 =	vmax.f32 v35, v55  }
0x3be: {  	s20 =	sadd.s32 $0x4, s20;
	[tilespmem:s23+$0xFFFFFFD0] =	vst v28;
	v33 =	vsel vm11, $0x8, v33;
	v36 =	vsel vm8, $0x4, v36;
	vm8 =	vgt.f32 v57, v35  }
0x3bf: {  	p0 =	slt.u32 s20, $0x1C;
	[tilespmem:s22+$0xFFFFFFF0] =	vst v32;
	v63 =	vnsel vm9, $0xF149F2CA, v61;
	v29 =	vmax.f32 v35, v57;
	v28 =	vsel vm8, $0x5, v36  }
.Ltmp8:
0x3c0: {  	[tilespmem:s23+$0xFFFFFFE0] =	vst v30;
	vm8 =	vgt.f32 v59, v29;
	v36 =	vnsel vm10, $0xF149F2CA, v60;
	v29 =	vmax.f32 v29, v59;
	(pc) =	sbr.rel @p0 .LBB2_17-.Ltmp8, $4  }
0x3c1: {  	[tilespmem:s22+$0x0] =	vst v62;
	v28 =	vsel vm8, $0x6, v28;
	vm8 =	vgt.f32 v36, v29;
	v29 =	vmax.f32 v29, v36  }
0x3c2: {  	[tilespmem:s23+$0xFFFFFFF0] =	vst v33;
	v28 =	vsel vm8, $0x7, v28;
	vm8 =	vgt.f32 v63, v29;
	v29 =	vmax.f32 v29, v63  }
0x3c3: {  	v28 =	vsel vm8, $0x8, v28;
	[tilespmem:s22+$0x10] =	vst v29  }
0x3c4: {  	s21 =	sadd.s32 $0x40, s21;
	s22 =	sadd.s32 $0x40, s22;
	[tilespmem:s23+$0x0] =	vst v28;
	s23 =	sadd.s32 $0x40, s23  }
0x3c5: {  	v27 =	vld [tilespmem:$0x0];
	_ =	sdelay $0x4  }
0x3c6: {  	v19 =	vbroadcast v27, $0x0  }
0x3c7: {  	v20 =	vbroadcast v27, $0x1;
	v21 =	vbroadcast v27, $0x2  }
0x3c8: {  	v22 =	vbroadcast v27, $0x3;
	v23 =	vbroadcast v27, $0x4  }
0x3c9: {  	s20 =	simm.s32 $0xFFFFFFFC;
	v24 =	vbroadcast v27, $0x5;
	v25 =	vbroadcast v27, $0x6  }
0x3ca: {  	s21 =	simm.s32 $0x0;
	s22 =	simm.s32 $0x470;
	s23 =	simm.s32 $0x670;
	v26 =	vbroadcast v27, $0x7;
	v27 =	vbroadcast v27, $0x8  }
.LBB2_19:
0x3cb: {  	v28 =	vadd.s32 s21, v3;
	v29 =	vadd.s32 s21, v5  }
0x3cc: {  	v30 =	vadd.s32 s21, v8;
	v31 =	vadd.s32 s21, v10;
	v28 =	vand.u32 $0xFFFFFFF8, v28  }
0x3cd: {  	v32 =	vmov s21;
	v29 =	vand.u32 $0xFFFFFFF8, v29;
	v28 =	vor.u32 v4, v28  }
0x3ce: {  	v34 =	vadd.s32 s21, v14;
	v30 =	vand.u32 $0xFFFFFFF8, v30;
	v29 =	vor.u32 v6, v29  }
0x3cf: {  	v31 =	vand.u32 $0xFFFFFFF8, v31;
	v33 =	vand.u32 $0x40, v32;
	v30 =	vor.u32 v9, v30  }
0x3d0: {  	v52 =	vand.u32 $0xFFFFFFC8, v34;
	v31 =	vor.u32 v11, v31;
	vm9 =	vne.s32 v33, $0x0  }
0x3d1: {  	v33 =	vor.u32 v11, v52  }
0x3d2: {  	v28 =	vld.idx.msk [tilespmem:v28+s15+$0x0], vm0  }
0x3d3: {  	v29 =	vld.idx.msk [tilespmem:v29+s15+$0x0], vm2  }
0x3d4: {  	v30 =	vld.idx.msk [tilespmem:v30+s15+$0x0], vm4  }
0x3d5: {  	v31 =	vld.idx.msk [tilespmem:v31+s15+$0x0], vm6  }
0x3d6: {  	v54 =	vadd.s32 s21, v16;
	s24 =	sadd.s32 $0x10, s21;
	v33 =	vld.idx.msk [tilespmem:v33+s15+$0x0], vm9  }
0x3d7: {  	v35 =	vadd.s32 s21, v15;
	v55 =	vand.u32 $0xFFFFFFC8, v54;
	v36 =	vadd.s32 s24, v5  }
0x3d8: {  	v56 =	vadd.s32 s24, v3;
	v60 =	vadd.s32 s24, v8;
	v36 =	vand.u32 $0xFFFFFFF8, v36  }
0x3d9: {  	v61 =	vadd.s32 s24, v10;
	v58 =	vor.u32 v6, v36;
	v28 =	vadd.f32 v28, v19  }
0x3da: {  	v36 =	vand.u32 $0xFFFFFFF8, v61;
	v29 =	vadd.f32 v29, v20;
	v30 =	vadd.f32 v30, v21  }
0x3db: {  	v62 =	vor.u32 v11, v36;
	v31 =	vadd.f32 v31, v22;
	v33 =	vadd.f32 v33, v25  }
0x3dc: {  	v28 =	vsel vm1, $0xF149F2CA, v28;
	v29 =	vsel vm3, $0xF149F2CA, v29;
	v30 =	vsel vm5, $0xF149F2CA, v30  }
0x3dd: {  	v57 =	vsel vm7, $0xF149F2CA, v31;
	v28 =	vmax.f32 v28, $-1.000000020e+30;
	v33 =	vnsel vm9, $0xF149F2CA, v33  }
0x3de: {  	vm8 =	vgt.f32 v29, v28;
	v28 =	vmax.f32 v28, v29;
	v29 =	vand.u32 $0x80, v32  }
0x3df: {  	v53 =	vsel vm8, $0x1, v7;
	vm10 =	vne.s32 v29, $0x0;
	v29 =	vand.u32 $0xFFFFFFC8, v35  }
0x3e0: {  	vm8 =	vgt.u32 v32, $0xFF;
	v32 =	vor.u32 v11, v55;
	v35 =	vand.u32 $0xFFFFFFF8, v56  }
0x3e1: {  	vm11 =	vgt.f32 v30, v28;
	v28 =	vmax.f32 v28, v30;
	v29 =	vor.u32 v11, v29  }
0x3e2: {  	s30 =	sadd.s32 $0x20, s21;
	v35 =	vor.u32 v4, v35;
	v34 =	vsel vm11, $0x2, v53;
	vm11 =	vgt.f32 v57, v28  }
0x3e3: {  	v28 =	vmax.f32 v28, v57;
	v53 =	vadd.s32 s30, v3;
	v59 =	vsel vm11, $0x3, v34  }
0x3e4: {  	vm11 =	vlt.f32 v28, $-1.000000020e+30;
	v28 =	vmax.f32 v28, $-1.000000020e+30;
	v34 =	vand.u32 $0xFFFFFFF8, v60  }
0x3e5: {  	v36 =	vand.u32 $0xFFFFFFF8, v53;
	v30 =	vsel vm11, $0x4, v59;
	vm11 =	vlt.f32 v28, $-1.000000020e+30  }
0x3e6: {  	v34 =	vor.u32 v9, v34;
	vm9 =	vgt.f32 v33, v28;
	v28 =	vmax.f32 v28, v33;
	v33 =	vld.idx.msk [tilespmem:v62+s15+$0x0], vm6  }
0x3e7: {  	v42 =	vadd.s32 s24, v12;
	v36 =	vor.u32 v4, v36;
	v29 =	vld.idx.msk [tilespmem:v29+s15+$0x0], vm10  }
0x3e8: {  	v43 =	vmov s24;
	v38 =	vadd.s32 s24, v14;
	v48 =	vadd.s32 s24, v15;
	v32 =	vld.idx.msk [tilespmem:v32+s15+$0x0], vm8  }
0x3e9: {  	v54 =	vadd.s32 s30, v5;
	v40 =	vadd.s32 s30, v14;
	v37 =	vand.u32 $0x40, v43;
	v35 =	vld.idx.msk [tilespmem:v35+s15+$0x0], vm0  }
0x3ea: {  	v44 =	vand.u32 $0xFFFFFFD8, v38;
	v47 =	vand.u32 $0x80, v43;
	v49 =	vand.u32 $0xFFFFFFD8, v48;
	v31 =	vld.idx.msk [tilespmem:v58+s15+$0x0], vm2  }
0x3eb: {  	v52 =	vadd.s32 s24, v16;
	v46 =	vor.u32 v11, v44;
	v58 =	vadd.s32 s30, v8;
	v34 =	vld.idx.msk [tilespmem:v34+s15+$0x0], vm4  }
0x3ec: {  	v59 =	vadd.s32 s30, v10;
	v30 =	vsel vm11, $0x5, v30;
	v33 =	vadd.f32 v33, v22;
	v36 =	vld.idx.msk [tilespmem:v36+s15+$0x0], vm0  }
0x3ed: {  	v30 =	vsel vm9, $0x6, v30;
	v29 =	vadd.f32 v29, v26;
	v32 =	vadd.f32 v32, v27  }
0x3ee: {  	v51 =	vsel vm7, $0xF149F2CA, v33;
	v33 =	vand.u32 $0xFFFFFFD8, v52;
	v35 =	vadd.f32 v35, v19  }
0x3ef: {  	v33 =	vor.u32 v11, v33;
	v29 =	vnsel vm10, $0xF149F2CA, v29;
	v63 =	vnsel vm8, $0xF149F2CA, v32  }
0x3f0: {  	v41 =	vsel vm1, $0xF149F2CA, v35;
	v35 =	vand.u32 $0x1C8, v42;
	v34 =	vadd.f32 v34, v21  }
0x3f1: {  	v61 =	vadd.f32 v36, v19;
	v42 =	vadd.s32 s30, v15;
	vm9 =	vgt.f32 v29, v28  }
0x3f2: {  	v29 =	vmax.f32 v28, v29;
	v28 =	vadd.f32 v31, v20;
	v32 =	vmax.f32 v41, $-1.000000020e+30  }
0x3f3: {  	v35 =	vor.u32 v11, v35;
	v30 =	vsel vm9, $0x7, v30;
	vm9 =	vne.s32 v37, $0x0  }
0x3f4: {  	v45 =	vsel vm5, $0xF149F2CA, v34;
	vm11 =	vgt.f32 v63, v29;
	v37 =	vor.u32 v11, v49  }
0x3f5: {  	v29 =	vmax.f32 v29, v63;
	v63 =	vmov s30;
	v28 =	vsel vm3, $0xF149F2CA, v28  }
0x3f6: {  	v31 =	vsel vm1, $0xF149F2CA, v61;
	vm8 =	vgt.f32 v28, v32;
	v28 =	vmax.f32 v32, v28  }
0x3f7: {  	v39 =	vsel vm8, $0x1, v7;
	vm10 =	vgt.f32 v45, v28;
	vm8 =	vne.s32 v47, $0x0  }
0x3f8: {  	s31 =	sadd.s32 $0x30, s21;
	v49 =	vand.u32 $0xFFFFFFE8, v42;
	v35 =	vld.idx.msk [tilespmem:v35+s15+$0x0], $0xffff;
	v50 =	vsel vm10, $0x2, v39;
	v39 =	vand.u32 $0xFFFFFFF8, v54  }
0x3f9: {  	v61 =	vadd.s32 s31, v10;
	vm10 =	vgt.u32 v43, $0xFF;
	v56 =	vor.u32 v6, v39  }
0x3fa: {  	v31 =	vmax.f32 v31, $-1.000000020e+30;
	v41 =	vand.u32 $0x80, v63;
	v52 =	vor.u32 v11, v49;
	v34 =	vld.idx.msk [tilespmem:v46+s15+$0x0], vm9  }
0x3fb: {  	v28 =	vmax.f32 v28, v45;
	v45 =	vadd.s32 s30, v13;
	v47 =	vand.u32 $0xFFFFFFE8, v40  }
0x3fc: {  	vm12 =	vgt.f32 v51, v28;
	v28 =	vmax.f32 v28, v51;
	v39 =	vand.u32 $0xFFFFFFF8, v59  }
0x3fd: {  	v38 =	vsel vm12, $0x3, v50;
	v60 =	vor.u32 v11, v39;
	v35 =	vadd.f32 v35, v23;
	v55 =	vld.idx.msk [tilespmem:v37+s15+$0x0], vm8  }
0x3fe: {  	v46 =	vand.u32 $0x40, v63;
	v39 =	vor.u32 v11, v47;
	v37 =	vld.idx.msk [tilespmem:v56+s15+$0x0], vm2;
	v56 =	vadd.s32 s31, v3  }
0x3ff: {  	v33 =	vld.idx.msk [tilespmem:v33+s15+$0x0], vm10;
	vm12 =	vgt.f32 v35, v28;
	v35 =	vmax.f32 v28, v35;
	v34 =	vadd.f32 v34, v25  }
0x400: {  	v28 =	vsel vm11, $0x8, v30;
	v38 =	vsel vm12, $0x4, v38;
	vm12 =	vlt.f32 v35, $-1.000000020e+30  }
0x401: {  	v36 =	vand.u32 $0xFFFFFFF8, v56;
	v57 =	vsel vm12, $0x5, v38;
	v38 =	vand.u32 $0xFFFFFFF8, v58  }
0x402: {  	v35 =	vmax.f32 v35, $-1.000000020e+30;
	v36 =	vor.u32 v4, v36;
	v38 =	vor.u32 v9, v38  }
0x403: {  	v34 =	vnsel vm9, $0xF149F2CA, v34;
	v58 =	vadd.s32 s31, v5;
	v32 =	vadd.f32 v55, v26  }
0x404: {  	vm9 =	vgt.f32 v34, v35;
	v34 =	vmax.f32 v35, v34;
	v33 =	vadd.f32 v33, v27  }
0x405: {  	v35 =	vld.idx.msk [tilespmem:v60+s15+$0x0], vm6;
	v55 =	vadd.s32 s30, v16;
	v60 =	vadd.s32 s31, v8;
	v62 =	vadd.f32 v37, v20  }
0x406: {  	v32 =	vnsel vm8, $0xF149F2CA, v32;
	v33 =	vnsel vm10, $0xF149F2CA, v33;
	vm10 =	vne.s32 v46, $0x0  }
0x407: {  	v30 =	vsel vm9, $0x6, v57;
	vm9 =	vne.s32 v41, $0x0;
	vm8 =	vgt.f32 v32, v34;
	v44 =	vld.idx.msk [tilespmem:v38+s15+$0x0], vm4  }
0x408: {  	v32 =	vmax.f32 v34, v32;
	v34 =	vsel vm3, $0xF149F2CA, v62;
	v38 =	vand.u32 $0x1C8, v45  }
0x409: {  	v62 =	vadd.s32 s31, v12;
	v30 =	vsel vm8, $0x7, v30;
	v38 =	vor.u32 v11, v38  }
0x40a: {  	vm8 =	vgt.f32 v34, v31;
	vm11 =	vgt.f32 v33, v32;
	v31 =	vmax.f32 v31, v34  }
0x40b: {  	v34 =	vand.u32 $0xFFFFFFE8, v55;
	v32 =	vmax.f32 v32, v33;
	v40 =	vand.u32 $0x1E8, v62  }
0x40c: {  	v48 =	vsel vm8, $0x1, v7;
	v35 =	vadd.f32 v35, v22;
	v39 =	vld.idx.msk [tilespmem:v39+s15+$0x0], vm10;
	v37 =	vadd.f32 v44, v21  }
0x40d: {  	v30 =	vsel vm11, $0x8, v30;
	v34 =	vor.u32 v11, v34;
	v40 =	vor.u32 v11, v40  }
0x40e: {  	v53 =	vsel vm7, $0xF149F2CA, v35;
	v44 =	vadd.s32 s31, v14;
	v51 =	vld.idx.msk [tilespmem:v38+s15+$0x0], $0xffff;
	v50 =	vsel vm5, $0xF149F2CA, v37  }
0x40f: {  	v38 =	vld.idx.msk [tilespmem:v52+s15+$0x0], vm9;
	v49 =	vand.u32 $0xFFFFFFF8, v44;
	vm8 =	vgt.f32 v50, v31;
	v31 =	vmax.f32 v31, v50  }
0x410: {  	v54 =	vsel vm8, $0x2, v48;
	vm8 =	vgt.f32 v53, v31;
	v31 =	vmax.f32 v31, v53  }
0x411: {  	v39 =	vadd.f32 v39, v25;
	v48 =	vadd.s32 s31, v13;
	v35 =	vsel vm8, $0x3, v54  }
0x412: {  	vm8 =	vgt.u32 v63, $0xFF;
	vm11 =	vlt.f32 v31, $-1.000000020e+30;
	v31 =	vmax.f32 v31, $-1.000000020e+30  }
0x413: {  	v63 =	vmov s31;
	v42 =	vand.u32 $0x1D8, v48;
	v37 =	vadd.f32 v51, v24  }
0x414: {  	v35 =	vsel vm11, $0x4, v35;
	v59 =	vnsel vm10, $0xF149F2CA, v39;
	v38 =	vadd.f32 v38, v26  }
0x415: {  	v39 =	vand.u32 $0xFFFFFFF8, v61;
	v43 =	vand.u32 $0x40, v63;
	v42 =	vor.u32 v11, v42  }
0x416: {  	v50 =	vand.u32 $0x80, v63;
	v51 =	vadd.s32 s31, v15;
	v39 =	vor.u32 v11, v39  }
0x417: {  	v44 =	vand.u32 $0xFFFFFFF8, v51;
	vm11 =	vgt.f32 v37, v31;
	v31 =	vmax.f32 v31, v37  }
0x418: {  	v38 =	vnsel vm9, $0xF149F2CA, v38;
	v37 =	vand.u32 $0xFFFFFFF8, v60;
	v57 =	vsel vm11, $0x5, v35  }
0x419: {  	v36 =	vld.idx.msk [tilespmem:v36+s15+$0x0], vm0;
	v35 =	vand.u32 $0xFFFFFFF8, v58;
	vm10 =	vgt.f32 v59, v31;
	v37 =	vor.u32 v9, v37  }
0x41a: {  	v40 =	vld.idx.msk [tilespmem:v40+s15+$0x0], $0xffff;
	v31 =	vmax.f32 v31, v59;
	vm11 =	vne.s32 v43, $0x0;
	v35 =	vor.u32 v6, v35  }
0x41b: {  	v43 =	vor.u32 v11, v49;
	v33 =	vsel vm10, $0x6, v57;
	vm10 =	vne.s32 v50, $0x0;
	v34 =	vld.idx.msk [tilespmem:v34+s15+$0x0], vm8  }
0x41c: {  	v52 =	vadd.s32 s31, v16;
	v44 =	vor.u32 v11, v44;
	vm9 =	vgt.f32 v38, v31;
	v42 =	vld.idx.msk [tilespmem:v42+s15+$0x0], $0xffff  }
0x41d: {  	v41 =	vand.u32 $0xFFFFFFF8, v52;
	v33 =	vsel vm9, $0x7, v33;
	vm9 =	vgt.u32 v63, $0xFF;
	v39 =	vld.idx.msk [tilespmem:v39+s15+$0x0], vm6  }
0x41e: {  	v41 =	vor.u32 v11, v41;
	v37 =	vld.idx.msk [tilespmem:v37+s15+$0x0], vm4  }
0x41f: {  	v36 =	vadd.f32 v36, v19;
	v35 =	vld.idx.msk [tilespmem:v35+s15+$0x0], vm2  }
0x420: {  	v43 =	vld.idx.msk [tilespmem:v43+s15+$0x0], vm11  }
0x421: {  	v36 =	vsel vm1, $0xF149F2CA, v36;
	v56 =	vld.idx.msk [tilespmem:v44+s15+$0x0], vm10  }
0x422: {  	v36 =	vmax.f32 v36, $-1.000000020e+30;
	v34 =	vadd.f32 v34, v27  }
0x423: {  	v55 =	vadd.f32 v40, v23;
	v31 =	vmax.f32 v31, v38;
	v39 =	vadd.f32 v39, v22;
	v41 =	vld.idx.msk [tilespmem:v41+s15+$0x0], vm9  }
0x424: {  	v57 =	vadd.f32 v42, v24;
	v34 =	vnsel vm8, $0xF149F2CA, v34;
	v37 =	vadd.f32 v37, v21  }
0x425: {  	v54 =	vsel vm7, $0xF149F2CA, v39;
	v35 =	vadd.f32 v35, v20;
	v58 =	vadd.f32 v43, v25  }
0x426: {  	v62 =	vmax.f32 v31, v34;
	v37 =	vsel vm5, $0xF149F2CA, v37;
	v60 =	vadd.f32 v56, v26  }
0x427: {  	v35 =	vsel vm3, $0xF149F2CA, v35;
	v59 =	vnsel vm11, $0xF149F2CA, v58;
	vm11 =	vgt.f32 v34, v31  }
0x428: {  	v61 =	vadd.f32 v41, v27;
	vm8 =	vgt.f32 v35, v36;
	v35 =	vmax.f32 v36, v35  }
0x429: {  	v53 =	vsel vm8, $0x1, v7;
	vm8 =	vgt.f32 v37, v35;
	v35 =	vmax.f32 v35, v37  }
0x42a: {  	v36 =	vsel vm8, $0x2, v53;
	vm8 =	vgt.f32 v54, v35;
	v35 =	vmax.f32 v35, v54  }
0x42b: {  	[tilespmem:s22+$0xFFFFFFE0] =	vst v29;
	v36 =	vsel vm8, $0x3, v36;
	vm8 =	vgt.f32 v55, v35;
	v35 =	vmax.f32 v35, v55  }
0x42c: {  	s20 =	sadd.s32 $0x4, s20;
	[tilespmem:s23+$0xFFFFFFE0] =	vst v28;
	v33 =	vsel vm11, $0x8, v33;
	v36 =	vsel vm8, $0x4, v36;
	vm8 =	vgt.f32 v57, v35  }
0x42d: {  	p0 =	slt.u32 s20, $0x1C;
	[tilespmem:s22+$0xFFFFFFF0] =	vst v32;
	v63 =	vnsel vm9, $0xF149F2CA, v61;
	v29 =	vmax.f32 v35, v57;
	v28 =	vsel vm8, $0x5, v36  }
.Ltmp9:
0x42e: {  	[tilespmem:s23+$0xFFFFFFF0] =	vst v30;
	vm8 =	vgt.f32 v59, v29;
	v36 =	vnsel vm10, $0xF149F2CA, v60;
	v29 =	vmax.f32 v29, v59;
	(pc) =	sbr.rel @p0 .LBB2_19-.Ltmp9, $4  }
0x42f: {  	[tilespmem:s22+$0x0] =	vst v62;
	v28 =	vsel vm8, $0x6, v28;
	vm8 =	vgt.f32 v36, v29;
	v29 =	vmax.f32 v29, v36  }
0x430: {  	[tilespmem:s23+$0x0] =	vst v33;
	v28 =	vsel vm8, $0x7, v28;
	vm8 =	vgt.f32 v63, v29;
	v29 =	vmax.f32 v29, v63  }
0x431: {  	v28 =	vsel vm8, $0x8, v28;
	[tilespmem:s22+$0x10] =	vst v29  }
0x432: {  	s21 =	sadd.s32 $0x40, s21;
	s22 =	sadd.s32 $0x40, s22;
	[tilespmem:s23+$0x10] =	vst v28;
	s23 =	sadd.s32 $0x40, s23  }
0x433: {  	_ =	sdelay $0x3  }
0x434: {  	v19 =	vld.idx.msk [tilespmem:v17+s17+$0x0], $0xffff;
	_ =	sdelay $0x4  }
0x435: {  	v19 =	vshll.u32 v18, v19  }
0x436: {  	v20 =	vadd.s32 $0x3FF, v19;
	_ =	sdelay $0x4  }
0x437: {  	v24 =	vld.idx.msk [tilespmem:v20+s17+$0x0], $0xffff;
	_ =	sdelay $0x4  }
0x438: {  	v20 =	vshll.u32 v18, v24  }
0x439: {  	v19 =	vadd.s32 v20, v19  }
0x43a: {  	v19 =	vadd.s32 $0x1FF, v19  }
0x43b: {  	v20 =	vadd.s32 $0x400, v19;
	_ =	sdelay $0x4  }
0x43c: {  	v25 =	vld.idx.msk [tilespmem:v20+s17+$0x0], $0xffff;
	_ =	sdelay $0x4  }
0x43d: {  	v20 =	vshll.u32 v18, v25  }
0x43e: {  	v19 =	vadd.s32 v19, v20  }
0x43f: {  	v20 =	vadd.s32 $0x600, v19;
	_ =	sdelay $0x4  }
0x440: {  	v23 =	vld.idx.msk [tilespmem:v20+s17+$0x0], $0xffff;
	_ =	sdelay $0x4  }
0x441: {  	v20 =	vshll.u32 v18, v23  }
0x442: {  	v19 =	vadd.s32 v19, v20  }
0x443: {  	v20 =	vadd.s32 $0x800, v19;
	_ =	sdelay $0x4  }
0x444: {  	v22 =	vld.idx.msk [tilespmem:v20+s17+$0x0], $0xffff;
	_ =	sdelay $0x4  }
0x445: {  	v20 =	vshll.u32 v18, v22  }
0x446: {  	v20 =	vadd.s32 v19, v20  }
0x447: {  	v19 =	vadd.s32 $0xA00, v20;
	_ =	sdelay $0x4  }
0x448: {  	v19 =	vld.idx.msk [tilespmem:v19+s17+$0x0], $0xffff;
	_ =	sdelay $0x4  }
0x449: {  	v21 =	vshll.u32 v18, v19  }
0x44a: {  	v21 =	vadd.s32 v20, v21  }
0x44b: {  	v20 =	vadd.s32 $0xC00, v21;
	_ =	sdelay $0x4  }
0x44c: {  	v20 =	vld.idx.msk [tilespmem:v20+s17+$0x0], $0xffff;
	_ =	sdelay $0x4  }
0x44d: {  	v26 =	vshll.u32 v18, v20  }
0x44e: {  	v26 =	vadd.s32 v21, v26  }
0x44f: {  	v21 =	vadd.s32 $0xE00, v26;
	_ =	sdelay $0x4  }
0x450: {  	v21 =	vld.idx.msk [tilespmem:v21+s17+$0x0], $0xffff;
	_ =	sdelay $0x2  }
0x451: {  	vm8 =	veq.s32 v24, v2;
	vm9 =	veq.s32 v25, v2  }
0x452: {  	v27 =	vsel vm8, $0x1, v7;
	v28 =	vsel vm9, $0x2, v7  }
0x453: {  	vm9 =	veq.s32 v25, $0x0;
	v27 =	vor.u32 v27, v28;
	v29 =	vshll.u32 v18, v21  }
0x454: {  	v30 =	vsel vm9, $0x2, v7;
	vm8 =	veq.s32 v23, v2;
	v26 =	vadd.s32 v26, v29  }
0x455: {  	v52 =	vsel vm8, $0x3, v7;
	vm8 =	veq.s32 v22, v2;
	v26 =	vadd.s32 $0x1000, v26  }
0x456: {  	v27 =	vadd.s32 v52, v27;
	v53 =	vsel vm8, $0x4, v7;
	vm8 =	veq.s32 v19, v2  }
0x457: {  	v27 =	vadd.s32 v53, v27;
	v54 =	vsel vm8, $0x5, v7;
	vm8 =	veq.s32 v20, v2  }
0x458: {  	v27 =	vadd.s32 v54, v27;
	v55 =	vsel vm8, $0x6, v7;
	vm8 =	veq.s32 v21, v2  }
0x459: {  	v27 =	vadd.s32 v55, v27;
	v56 =	vsel vm8, $0x7, v7;
	vm8 =	veq.s32 v24, $0x0  }
0x45a: {  	v57 =	vsel vm8, $0x1, v7;
	vm8 =	veq.s32 v23, $0x0;
	v27 =	vadd.s32 v56, v27;
	v26 =	vld.idx.msk [tilespmem:v26+s17+$0x0], $0xffff  }
0x45b: {  	v29 =	vor.u32 v57, v30;
	v58 =	vsel vm8, $0x3, v7;
	vm8 =	veq.s32 v22, $0x0  }
0x45c: {  	v29 =	vadd.s32 v58, v29;
	v59 =	vsel vm8, $0x4, v7;
	vm8 =	veq.s32 v19, $0x0  }
0x45d: {  	v29 =	vadd.s32 v59, v29;
	v60 =	vsel vm8, $0x5, v7;
	vm8 =	veq.s32 v20, $0x0  }
0x45e: {  	v29 =	vadd.s32 v60, v29;
	v61 =	vsel vm8, $0x6, v7;
	vm8 =	veq.s32 v21, $0x0  }
0x45f: {  	v29 =	vadd.s32 v61, v29;
	v62 =	vsel vm8, $0x7, v7;
	vm8 =	veq.s32 v26, $0x0  }
0x460: {  	v29 =	vadd.s32 v62, v29;
	vm9 =	veq.s32 v26, v2;
	v63 =	vsel vm8, $0x8, v7  }
0x461: {  	v32 =	vsel vm9, $0x8, v7;
	vm8 =	veq.s32 v24, $0x1;
	vm9 =	veq.s32 v25, $0x1  }
0x462: {  	v29 =	vadd.s32 v63, v29;
	v28 =	vadd.s32 v32, v27;
	v27 =	vand.u32 $0x7, v27  }
0x463: {  	v33 =	vsel vm8, $0x1, v7;
	v31 =	vsel vm9, $0x2, v7;
	vm8 =	veq.s32 v23, $0x1  }
0x464: {  	vm9 =	veq.s32 v23, $0x2;
	v29 =	vshll.u32 v29, $0x4;
	v30 =	vor.u32 v33, v31  }
0x465: {  	v34 =	vsel vm8, $0x3, v7;
	vm8 =	veq.s32 v22, $0x1;
	v29 =	vadd.s32 v28, v29  }
0x466: {  	v30 =	vadd.s32 v34, v30;
	v35 =	vsel vm8, $0x4, v7;
	vm8 =	veq.s32 v19, $0x1  }
0x467: {  	v29 =	vand.u32 $0xFFFFFFF8, v29;
	v30 =	vadd.s32 v35, v30;
	v36 =	vsel vm8, $0x5, v7  }
0x468: {  	vm8 =	veq.s32 v20, $0x1;
	v29 =	vor.u32 v27, v29;
	v30 =	vadd.s32 v36, v30  }
0x469: {  	v37 =	vsel vm8, $0x6, v7;
	vm8 =	veq.s32 v21, $0x1;
	v36 =	vsel vm9, $0x3, v7  }
0x46a: {  	v30 =	vadd.s32 v37, v30;
	v38 =	vsel vm8, $0x7, v7;
	vm8 =	veq.s32 v26, $0x1  }
0x46b: {  	v30 =	vadd.s32 v38, v30;
	v39 =	vsel vm8, $0x8, v7;
	vm8 =	veq.s32 v24, $0x2  }
0x46c: {  	v30 =	vadd.s32 v39, v30;
	v34 =	vsel vm8, $0x1, v7;
	vm8 =	veq.s32 v25, $0x2  }
0x46d: {  	v30 =	vshll.u32 v30, $0x4;
	v35 =	vsel vm8, $0x2, v7;
	vm8 =	veq.s32 v22, $0x2  }
0x46e: {  	v30 =	vadd.s32 v28, v30;
	v29 =	vld.idx.msk [tilespmem:v29+s11+$0x0], $0xffff;
	v37 =	vsel vm8, $0x4, v7;
	vm8 =	veq.s32 v19, $0x2  }
0x46f: {  	v40 =	vld [tilespmem:$0x120];
	v34 =	vor.u32 v34, v35;
	v30 =	vand.u32 $0xFFFFFFF8, v30;
	v38 =	vsel vm8, $0x5, v7  }
0x470: {  	v32 =	vld [tilespmem:$0x1B0];
	vm8 =	veq.s32 v20, $0x2;
	v34 =	vadd.s32 v36, v34;
	v30 =	vor.u32 v27, v30  }
0x471: {  	v45 =	vsel vm8, $0x6, v7;
	vm8 =	veq.s32 v21, $0x2;
	v34 =	vadd.s32 v37, v34  }
0x472: {  	v46 =	vsel vm8, $0x7, v7;
	vm8 =	veq.s32 v26, $0x2;
	v34 =	vadd.s32 v38, v34  }
0x473: {  	v47 =	vsel vm8, $0x8, v7;
	vm8 =	veq.s32 v24, $0x3;
	v33 =	vsub.f32 $1.000000000e+00, v29  }
0x474: {  	v29 =	vmul.f32 v40, v29;
	v48 =	vsel vm8, $0x1, v7;
	vm8 =	veq.s32 v25, $0x3  }
0x475: {  	v49 =	vsel vm8, $0x2, v7;
	vm8 =	veq.s32 v23, $0x3;
	v41 =	vmul.f32 v32, v33  }
0x476: {  	v50 =	vsel vm8, $0x3, v7;
	vm8 =	veq.s32 v22, $0x3;
	v32 =	vadd.s32 v45, v34  }
0x477: {  	v42 =	vld [tilespmem:$0x130];
	v36 =	vor.u32 v48, v49;
	v51 =	vsel vm8, $0x4, v7;
	vm8 =	veq.s32 v19, $0x3  }
0x478: {  	v30 =	vld.idx.msk [tilespmem:v30+s11+$0x0], $0xffff;
	v32 =	vadd.s32 v46, v32;
	v36 =	vadd.s32 v50, v36;
	v29 =	vadd.f32 v41, v29  }
0x479: {  	v52 =	vsel vm8, $0x5, v7;
	vm8 =	veq.s32 v20, $0x3;
	v32 =	vadd.s32 v47, v32  }
0x47a: {  	v34 =	vadd.s32 v51, v36;
	v53 =	vsel vm8, $0x6, v7;
	vm8 =	veq.s32 v21, $0x3  }
0x47b: {  	v43 =	vld [tilespmem:$0x1C0];
	v33 =	vadd.s32 v52, v34;
	v32 =	vshll.u32 v32, $0x4;
	v54 =	vsel vm8, $0x7, v7  }
0x47c: {  	vm8 =	veq.s32 v26, $0x3;
	v33 =	vadd.s32 v53, v33;
	v32 =	vadd.s32 v28, v32  }
0x47d: {  	v44 =	vsub.f32 $1.000000000e+00, v30;
	v30 =	vmul.f32 v42, v30;
	v55 =	vsel vm8, $0x8, v7  }
0x47e: {  	vm8 =	veq.s32 v24, $0x4;
	v33 =	vadd.s32 v54, v33;
	v32 =	vand.u32 $0xFFFFFFF8, v32  }
0x47f: {  	v56 =	vsel vm8, $0x1, v7;
	vm8 =	veq.s32 v25, $0x4;
	v33 =	vadd.s32 v55, v33  }
0x480: {  	v31 =	vmul.f32 v43, v44;
	v57 =	vsel vm8, $0x2, v7;
	vm8 =	veq.s32 v23, $0x4  }
0x481: {  	v58 =	vsel vm8, $0x3, v7;
	vm8 =	veq.s32 v22, $0x4;
	v34 =	vor.u32 v56, v57  }
0x482: {  	v59 =	vsel vm8, $0x4, v7;
	vm8 =	veq.s32 v19, $0x4;
	v34 =	vadd.s32 v58, v34  }
0x483: {  	v30 =	vadd.f32 v31, v30;
	v60 =	vsel vm8, $0x5, v7;
	vm8 =	veq.s32 v20, $0x4  }
0x484: {  	v34 =	vadd.s32 v59, v34;
	v61 =	vsel vm8, $0x6, v7;
	vm8 =	veq.s32 v21, $0x4  }
0x485: {  	v34 =	vadd.s32 v60, v34;
	v62 =	vsel vm8, $0x7, v7;
	vm8 =	veq.s32 v26, $0x4  }
0x486: {  	v34 =	vadd.s32 v61, v34;
	v63 =	vsel vm8, $0x8, v7;
	vm8 =	veq.s32 v24, $0x5  }
0x487: {  	v34 =	vadd.s32 v62, v34;
	v40 =	vsel vm8, $0x1, v7;
	vm8 =	veq.s32 v25, $0x5  }
0x488: {  	v34 =	vadd.s32 v63, v34;
	v41 =	vsel vm8, $0x2, v7;
	vm8 =	veq.s32 v23, $0x5  }
0x489: {  	v42 =	vsel vm8, $0x3, v7;
	vm8 =	veq.s32 v22, $0x5;
	v36 =	vor.u32 v40, v41  }
0x48a: {  	v40 =	vor.u32 v27, v32;
	v43 =	vsel vm8, $0x4, v7;
	vm8 =	veq.s32 v19, $0x5  }
0x48b: {  	v41 =	vshll.u32 v33, $0x4;
	v35 =	vadd.s32 v42, v36;
	v44 =	vsel vm8, $0x5, v7  }
0x48c: {  	vm8 =	veq.s32 v20, $0x5;
	v35 =	vadd.s32 v43, v35;
	v43 =	vadd.s32 v28, v41  }
0x48d: {  	v45 =	vsel vm8, $0x6, v7;
	vm8 =	veq.s32 v21, $0x5;
	v35 =	vadd.s32 v44, v35  }
0x48e: {  	v44 =	vshll.u32 v34, $0x4;
	v46 =	vsel vm8, $0x7, v7;
	vm8 =	veq.s32 v26, $0x5  }
0x48f: {  	v35 =	vadd.s32 v45, v35;
	v32 =	vadd.s32 v28, v44;
	v47 =	vsel vm8, $0x8, v7  }
0x490: {  	vm8 =	veq.s32 v24, $0x6;
	v35 =	vadd.s32 v46, v35;
	v32 =	vand.u32 $0xFFFFFFF8, v32  }
0x491: {  	v48 =	vsel vm8, $0x1, v7;
	vm8 =	veq.s32 v25, $0x6;
	v35 =	vadd.s32 v47, v35  }
0x492: {  	v32 =	vor.u32 v27, v32;
	v49 =	vsel vm8, $0x2, v7;
	vm8 =	veq.s32 v23, $0x6  }
0x493: {  	v45 =	vshll.u32 v35, $0x4;
	v50 =	vsel vm8, $0x3, v7;
	vm8 =	veq.s32 v22, $0x6  }
0x494: {  	v36 =	vor.u32 v48, v49;
	v34 =	vadd.s32 v28, v45;
	v51 =	vsel vm8, $0x4, v7  }
0x495: {  	vm8 =	veq.s32 v19, $0x6;
	v36 =	vadd.s32 v50, v36;
	v34 =	vand.u32 $0xFFFFFFF8, v34  }
0x496: {  	v52 =	vsel vm8, $0x5, v7;
	vm8 =	veq.s32 v20, $0x6;
	v36 =	vadd.s32 v51, v36  }
0x497: {  	v34 =	vor.u32 v27, v34;
	v53 =	vsel vm8, $0x6, v7;
	vm8 =	veq.s32 v21, $0x6  }
0x498: {  	v36 =	vadd.s32 v52, v36;
	v54 =	vsel vm8, $0x7, v7;
	vm8 =	veq.s32 v26, $0x6  }
0x499: {  	v36 =	vadd.s32 v53, v36;
	v55 =	vsel vm8, $0x8, v7;
	vm8 =	veq.s32 v24, $0x7  }
0x49a: {  	v36 =	vadd.s32 v54, v36;
	v56 =	vsel vm8, $0x1, v7;
	vm8 =	veq.s32 v25, $0x7  }
0x49b: {  	v36 =	vadd.s32 v55, v36;
	v57 =	vsel vm8, $0x2, v7;
	vm8 =	veq.s32 v23, $0x7  }
0x49c: {  	v32 =	vld.idx.msk [tilespmem:v32+s11+$0x0], $0xffff;
	v46 =	vshll.u32 v36, $0x4;
	v37 =	vor.u32 v56, v57;
	v58 =	vsel vm8, $0x3, v7  }
0x49d: {  	v34 =	vld.idx.msk [tilespmem:v34+s11+$0x0], $0xffff;
	vm8 =	veq.s32 v22, $0x7;
	v35 =	vadd.s32 v28, v46;
	v37 =	vadd.s32 v58, v37  }
0x49e: {  	v56 =	vld [tilespmem:$0x160];
	v59 =	vsel vm8, $0x4, v7;
	vm8 =	veq.s32 v19, $0x7;
	v35 =	vand.u32 $0xFFFFFFF8, v35  }
0x49f: {  	v37 =	vadd.s32 v59, v37;
	v60 =	vsel vm8, $0x5, v7;
	vm8 =	veq.s32 v20, $0x7  }
0x4a0: {  	v37 =	vadd.s32 v60, v37;
	v61 =	vsel vm8, $0x6, v7;
	vm8 =	veq.s32 v21, $0x7  }
0x4a1: {  	v35 =	vor.u32 v27, v35;
	v37 =	vadd.s32 v61, v37;
	v62 =	vsel vm8, $0x7, v7  }
0x4a2: {  	vm8 =	veq.s32 v26, $0x7;
	v45 =	vsub.f32 $1.000000000e+00, v34;
	v37 =	vadd.s32 v62, v37  }
0x4a3: {  	v63 =	vsel vm8, $0x8, v7;
	vm8 =	veq.s32 v24, $0x8;
	v44 =	vmul.f32 v56, v32  }
0x4a4: {  	v42 =	vsel vm8, $0x1, v7;
	vm8 =	veq.s32 v25, $0x8;
	v25 =	vand.u32 $0xFFFFFFF8, v43  }
0x4a5: {  	v47 =	vadd.s32 v63, v37;
	v25 =	vor.u32 v27, v25;
	v48 =	vsel vm8, $0x2, v7  }
0x4a6: {  	vm8 =	veq.s32 v23, $0x8;
	v36 =	vshll.u32 v47, $0x4;
	v33 =	vor.u32 v42, v48  }
0x4a7: {  	v49 =	vld [tilespmem:$0x140];
	v50 =	vsel vm8, $0x3, v7;
	vm8 =	veq.s32 v22, $0x8;
	v36 =	vadd.s32 v28, v36  }
0x4a8: {  	v24 =	vld.idx.msk [tilespmem:v40+s11+$0x0], $0xffff;
	v33 =	vadd.s32 v50, v33;
	v52 =	vsel vm8, $0x4, v7;
	vm8 =	veq.s32 v19, $0x8  }
0x4a9: {  	v58 =	vld [tilespmem:$0x1F0];
	v33 =	vadd.s32 v52, v33;
	v53 =	vsel vm8, $0x5, v7;
	vm8 =	veq.s32 v20, $0x8  }
0x4aa: {  	v60 =	vld [tilespmem:$0x170];
	v20 =	vsel vm8, $0x6, v7;
	vm8 =	veq.s32 v21, $0x8;
	v33 =	vadd.s32 v53, v33  }
0x4ab: {  	v51 =	vld [tilespmem:$0x1D0];
	v55 =	vsel vm8, $0x7, v7;
	vm8 =	veq.s32 v26, $0x8;
	v20 =	vadd.s32 v20, v33  }
0x4ac: {  	v42 =	vsub.f32 $1.000000000e+00, v32;
	v25 =	vld.idx.msk [tilespmem:v25+s11+$0x0], $0xffff;
	v57 =	vsel vm8, $0x8, v7;
	v20 =	vadd.s32 v55, v20  }
0x4ad: {  	v54 =	vld [tilespmem:$0x1E0];
	v36 =	vand.u32 $0xFFFFFFF8, v36;
	v59 =	vsub.f32 $1.000000000e+00, v24;
	v20 =	vadd.s32 v57, v20  }
0x4ae: {  	v19 =	vld [tilespmem:$0x150];
	v23 =	vmul.f32 v49, v24;
	v36 =	vor.u32 v27, v36;
	v20 =	vshll.u32 v20, $0x4  }
0x4af: {  	v61 =	vld [tilespmem:$0x200];
	v47 =	vmul.f32 v58, v42;
	v24 =	vmul.f32 v60, v34;
	v20 =	vadd.s32 v28, v20  }
0x4b0: {  	v63 =	vld.idx.msk [tilespmem:v35+s11+$0x0], $0xffff;
	v22 =	vmul.f32 v51, v59;
	vm8 =	vmmov $0x1ff;
	v20 =	vand.u32 $0xFFFFFFF8, v20  }
0x4b1: {  	v39 =	vld [tilespmem:$0x180];
	v29 =	vnsel vm8, $0x0, v29;
	v62 =	vsub.f32 $1.000000000e+00, v25;
	v20 =	vor.u32 v27, v20  }
0x4b2: {  	v41 =	vld [tilespmem:$0x210];
	v22 =	vadd.f32 v22, v23;
	vm8 =	vcmask $0x324;
	v38 =	vadd.f32 $0.0e+00, v29  }
0x4b3: {  	v46 =	vld [tilespmem:$0x190];
	v40 =	vsel vm8, $0x0, v30;
	v19 =	vmul.f32 v19, v25;
	v21 =	vmul.f32 v54, v62  }
0x4b4: {  	v26 =	vmul.f32 v61, v45;
	vm8 =	vcmask $0x724;
	v43 =	vld.idx.msk [tilespmem:v36+s11+$0x0], $0xffff;
	v23 =	vadd.f32 v40, v38  }
0x4b5: {  	v48 =	vld [tilespmem:$0x220];
	v49 =	vsub.f32 $1.000000000e+00, v63;
	v22 =	vsel vm8, $0x0, v22;
	v19 =	vadd.f32 v21, v19  }
0x4b6: {  	v52 =	vmul.f32 v39, v63;
	vm8 =	vcmask $0xB24;
	v22 =	vadd.f32 v22, v23;
	v20 =	vld.idx.msk [tilespmem:v20+s11+$0x0], $0xffff  }
0x4b7: {  	v50 =	vld [tilespmem:$0x1A0];
	v53 =	vmul.f32 v41, v49;
	v21 =	vadd.f32 v47, v44;
	v19 =	vsel vm8, $0x0, v19  }
0x4b8: {  	v51 =	vadd.f32 v26, v24;
	v54 =	vld [tilespmem:$0x230];
	vm8 =	vcmask $0xF24;
	v19 =	vadd.f32 v19, v22  }
0x4b9: {  	v57 =	vadd.f32 v53, v52;
	v55 =	vsub.f32 $1.000000000e+00, v43;
	v21 =	vsel vm8, $0x0, v21  }
0x4ba: {  	v58 =	vmul.f32 v46, v43;
	vm8 =	vcmask $0x1324;
	v19 =	vadd.f32 v21, v19  }
0x4bb: {  	v25 =	vmul.f32 v48, v55;
	v56 =	vsel vm8, $0x0, v51;
	v59 =	vsub.f32 $1.000000000e+00, v20  }
0x4bc: {  	v60 =	vsel vm13, $0x0, v57;
	v19 =	vadd.f32 v56, v19  }
0x4bd: {  	v61 =	vadd.f32 v25, v58;
	v20 =	vmul.f32 v50, v20;
	v62 =	vmul.f32 v54, v59  }
0x4be: {  	v19 =	vadd.f32 v60, v19  }
0x4bf: {  	v63 =	vsel vm14, $0x0, v61;
	v20 =	vadd.f32 v62, v20  }
0x4c0: {  	v19 =	vadd.f32 v63, v19  }
0x4c1: {  	v20 =	vsel vm15, $0x0, v20  }
0x4c2: {  	v19 =	vadd.f32 v20, v19;
	_ =	sdelay $0x1  }
0x4c3: {  	(xrf2) =	vadd.scan.msk.f32 $0xffff, v19;
	_ =	sdelay $0x9  }
0x4c4: {  	v20 =	vld [tilespmem:$0x240];
	v19, _, _ =	vpop (xrf2)  }
0x4c5: {  	v19 =	vbroadcast v19, $0xF;
	_ =	sdelay $0x1  }
0x4c6: {  	v19 =	vmul.f32 v19, v0;
	_ =	sdelay $0x1  }
0x4c7: {  	s19 =	sadd.s32 $0x1, s19;
	v19 =	vsub.f32 v20, v19  }
0x4c8: {  	p0 =	sne.s32 s19, s8  }
.Ltmp10:
0x4c9: {  	[tilespmem:$0x1850] =	vst v19;
	(pc) =	sbr.rel @p0 .LBB2_2-.Ltmp10, $4  }
0x4ca: {  	[hbm4b:s1+s9] =	stream.linear.scatter [tilespmem:s18], [sflag:$0x1], $0x10, $0x38;
	[tilespmem:$0x1860] =	vst v63  }
0x4cb: {  	_ =	swait.ge [sflag:s10], $0x10  }
0x4cc: {  	[sflag:s10] =	ssyncset.done $0x0  }
0x4cd: {  	[sflag:s10] =	ssyncadd.s32 $0xFFFFFFF0  }
.LBB2_21:
0x4ce: {  	_ =	sfence.sel $0x180000  }
0x4cf: {  	[bflag:$0x0] =	sbarrier.arrive $0xFFFF  }
0x4d0: {  	p0 =	sne.s32 s2, $0x0;
	_ =	strace $0x90000047  }
0x4d1: {  	s0 =	sadd.s32 @!p0 $0x100000, s0;
	[bflag:$0x2] =	sbarrier.arrive $0xFFFF  }
0x4d2: {  	[sflag:s0] =	ssyncadd.tile.s32 @!p0 $0x1;
	_ =	shalt  }
.Lfunc_end2:
_tile_overlayer_lowered:
.L_overlay_start_2:
0x4d3: {  	(tag) =	ssettag $0x2  }
0x4d4: {  	s0 =	rddreg [dreg:$0x0];
	s2 =	stileid.u32  }
0x4d5: {  	s1 =	rddreg [dreg:$0x1];
	p0 =	sne.s32 s2, $0x0  }
0x4d6: {  	s3 =	rddreg [dreg:$0x2];
	[bflag:$0x3] =	sbarrier.arrive $0xFFFF;
	s2 =	simm.s32 @!p0 $0x1C01  }
0x4d7: {  	[timem:s3], [sflag:s2] =	dma.local @!p0 [hbm:s0], s1  }
0x4d8: {  	s0 =	simm.s32 @!p0 $0x1  }
0x4d9: {  	_ =	swait.ge @!p0 [sflag:s0], s1  }
0x4da: {  	s1 =	ssub.s32 @!p0 $0x0, s1;
	[sflag:s0] =	ssyncset.done @!p0 $0x0  }
0x4db: {  	[sflag:s0] =	ssyncadd.s32 @!p0 s1  }
0x4dc: {  	[bflag:$0x3] =	sbarrier.arrive $0xFFFF  }
0x4dd: {  	_ =	shalt  }

</sc_bundles>
